<compile_context>
chip_gen: v7x
topology: tpu7x:2x2x1
jax: 0.10.2.dev20260603
libtpu: 0.0.44.dev20260713+nightly
codegen_flags: <defaults>
</compile_context>

<pallas_src>
import functools

import jax
import jax.numpy as jnp
from jax import lax
from jax.experimental import pallas as pl
from jax.experimental.pallas import tpu as pltpu
from jax.experimental.pallas import tpu_sc as plsc

_N = 10000
_E = 320000
_D = 128
_H = 128
_OUT = 32
_G = 64

_NCORE = 2
_NSUB = 16
_NW = _NCORE * _NSUB
_NPAD = 10240
_RPS = _NPAD // _NSUB
_CHUNK = 128
_NCH = _E // _CHUNK
_CPW = 80
_HCP = 40
_LASTW = _NCH // _CPW
_LASTN = _NCH - _LASTW * _CPW

_mesh = plsc.VectorSubcoreMesh(core_axis_name="c", subcore_axis_name="s")



@functools.partial(
    pl.kernel,
    out_type=jax.ShapeDtypeStruct((_NCORE, _NPAD), jnp.float32),
    mesh=_mesh,
    scratch_types=[
        pltpu.VMEM((_CPW, _CHUNK), jnp.int32),
        pltpu.VMEM((_CHUNK,), jnp.float32),
        pltpu.VMEM_SHARED((_NPAD,), jnp.float32),
        pltpu.SemaphoreType.DMA,
        pltpu.SemaphoreType.DMA,
    ],
)
def _deg_pass(edge3d_hbm, zero1_hbm, out_hbm, cidx, ones_v, acc, dsa, dsb):
    c = lax.axis_index("c")
    s = lax.axis_index("s")
    w = s * _NCORE + c
    for i in range(_CHUNK // 16):
        ones_v[pl.ds(i * 16, 16)] = jnp.ones((16,), jnp.float32)
    pltpu.sync_copy(zero1_hbm, acc.at[pl.ds(s * _RPS, _RPS)])

    @pl.when(w < _LASTW)
    def _():
        pltpu.sync_copy(edge3d_hbm.at[1, pl.ds(w * _CPW, _CPW)], cidx)

    @pl.when(w == _LASTW)
    def _():
        pltpu.sync_copy(edge3d_hbm.at[1, pl.ds(_LASTW * _CPW, _LASTN)],
                        cidx.at[pl.ds(0, _LASTN)])

    plsc.subcore_barrier()

    def dpipe(n):
        pltpu.async_copy(ones_v, acc.at[cidx.at[0]], dsa, add=True)
        pltpu.async_copy(ones_v, acc.at[cidx.at[1]], dsb, add=True)

        def body(k2, carry):
            kk = k2 * 2
            pltpu.make_async_copy(ones_v, acc.at[cidx.at[kk - 2]],
                                  dsa).wait()
            pltpu.async_copy(ones_v, acc.at[cidx.at[kk]], dsa, add=True)
            pltpu.make_async_copy(ones_v, acc.at[cidx.at[kk - 1]],
                                  dsb).wait()
            pltpu.async_copy(ones_v, acc.at[cidx.at[kk + 1]], dsb,
                             add=True)
            return carry

        lax.fori_loop(1, n // 2, body, 0)
        pltpu.make_async_copy(ones_v, acc.at[cidx.at[n - 2]], dsa).wait()
        pltpu.make_async_copy(ones_v, acc.at[cidx.at[n - 1]], dsb).wait()

    @pl.when(w < _LASTW)
    def _():
        dpipe(_CPW)

    @pl.when(w == _LASTW)
    def _():
        dpipe(_LASTN)

    plsc.subcore_barrier()
    pltpu.sync_copy(acc.at[pl.ds(s * _RPS, _RPS)],
                    out_hbm.at[c, pl.ds(s * _RPS, _RPS)])


@functools.partial(
    pl.kernel,
    out_type=jax.ShapeDtypeStruct((_NCORE, _NPAD, _H), jnp.float32),
    mesh=_mesh,
    scratch_types=[
        pltpu.VMEM((_HCP, _CHUNK), jnp.int32),
        pltpu.VMEM((_HCP, _CHUNK), jnp.int32),
        pltpu.VMEM((_CHUNK, _H), jnp.float32),
        pltpu.VMEM((_CHUNK, _H), jnp.float32),
        pltpu.VMEM_SHARED((_NPAD, _H), jnp.float32),
        pltpu.SemaphoreType.DMA,
        pltpu.SemaphoreType.DMA,
    ],
)
def _edge_pass(edge3d_hbm, y_hbm, out_hbm,
               ridx, cidx, rows_a, rows_b, acc, sem_a, sem_b):
    c = lax.axis_index("c")
    s = lax.axis_index("s")
    w = s * _NCORE + c

    def zbody(i, carry):
        for j in range(_H // 16):
            rows_a[i, pl.ds(j * 16, 16)] = jnp.zeros((16,), jnp.float32)
        return carry

    lax.fori_loop(0, _CHUNK, zbody, 0)
    for r in range(_RPS // _CHUNK):
        pltpu.sync_copy(rows_a,
                        acc.at[pl.ds(s * _RPS + r * _CHUNK, _CHUNK)])
    plsc.subcore_barrier()

    def pipeline(n):
        pltpu.async_copy(y_hbm.at[ridx.at[0]], rows_a, sem_a)

        def body(k2, carry):
            kk = k2 * 2
            pltpu.async_copy(y_hbm.at[ridx.at[kk + 1]], rows_b, sem_b)
            pltpu.make_async_copy(y_hbm.at[ridx.at[kk]], rows_a,
                                  sem_a).wait()
            pltpu.sync_copy(rows_a, acc.at[cidx.at[kk]], add=True)
            pltpu.async_copy(y_hbm.at[ridx.at[kk + 2]], rows_a, sem_a)
            pltpu.make_async_copy(y_hbm.at[ridx.at[kk + 1]], rows_b,
                                  sem_b).wait()
            pltpu.sync_copy(rows_b, acc.at[cidx.at[kk + 1]], add=True)
            return carry

        lax.fori_loop(0, n // 2 - 1, body, 0)
        pltpu.async_copy(y_hbm.at[ridx.at[n - 1]], rows_b, sem_b)
        pltpu.make_async_copy(y_hbm.at[ridx.at[n - 2]], rows_a,
                              sem_a).wait()
        pltpu.sync_copy(rows_a, acc.at[cidx.at[n - 2]], add=True)
        pltpu.make_async_copy(y_hbm.at[ridx.at[n - 1]], rows_b,
                              sem_b).wait()
        pltpu.sync_copy(rows_b, acc.at[cidx.at[n - 1]], add=True)

    for h in range(_CPW // _HCP):
        @pl.when(w < _LASTW)
        def _():
            base = w * _CPW + h * _HCP
            pltpu.sync_copy(edge3d_hbm.at[0, pl.ds(base, _HCP)], ridx)
            pltpu.sync_copy(edge3d_hbm.at[1, pl.ds(base, _HCP)], cidx)
            pipeline(_HCP)

        if h == 0:
            @pl.when(w == _LASTW)
            def _():
                base = _LASTW * _CPW
                pltpu.sync_copy(edge3d_hbm.at[0, pl.ds(base, _LASTN)],
                                ridx.at[pl.ds(0, _LASTN)])
                pltpu.sync_copy(edge3d_hbm.at[1, pl.ds(base, _LASTN)],
                                cidx.at[pl.ds(0, _LASTN)])
                pipeline(_LASTN)

    plsc.subcore_barrier()
    pltpu.sync_copy(acc.at[pl.ds(s * _RPS, _RPS)],
                    out_hbm.at[c, pl.ds(s * _RPS, _RPS)])



_R = 1000
_GRID = _N // _R


def _pre_a_body(nf, w0, b0, wc0, xo, h0o):
    x = lax.dot_general(nf[...], w0[...], (((1,), (1,)), ((), ())),
                        preferred_element_type=jnp.float32) + b0[...]
    xo[...] = x
    h0o[...] = lax.dot_general(x, wc0[...], (((1,), (1,)), ((), ())),
                               preferred_element_type=jnp.float32)


def _pre_b_body(degp, h0, y0o):
    d = degp[...]
    dinv = lax.rsqrt(d[0] + d[1] + 1.0)
    y0o[...] = dinv * h0[...]


def _mid_a_body(x, wc1a, t1o):
    t1o[...] = lax.dot_general(x[...], wc1a[...], (((1,), (1,)), ((), ())),
                               preferred_element_type=jnp.float32)


def _mid_b_body(degp, t1, y0, s0p, bc0, wc1b, h0ro, y1o):
    d = degp[...]
    dinv = lax.rsqrt(d[0] + d[1] + 1.0)
    sp = s0p[...]
    t = dinv * (sp[0] + sp[1] + y0[...]) + bc0[...]
    h0r = jnp.maximum(t, 0.0)
    h0ro[...] = h0r
    h1 = t1[...] + lax.dot_general(h0r, wc1b[...], (((1,), (1,)), ((), ())),
                                   preferred_element_type=jnp.float32)
    y1o[...] = dinv * h1


def _fin_a_body(x, h0r, bt, pao, pacc):
    i = pl.program_id(0)
    emb = jnp.concatenate([x[...], h0r[...]], axis=1)
    seg = lax.broadcasted_iota(jnp.int32, (_R, _G), 1)
    onehot = jnp.where(bt[...] == seg, 1.0, 0.0).astype(jnp.float32)
    part = lax.dot_general(onehot, emb, (((0,), (0,)), ((), ())),
                           preferred_element_type=jnp.float32)

    @pl.when(i == 0)
    def _():
        pacc[...] = part

    @pl.when(i > 0)
    def _():
        pacc[...] = pacc[...] + part

    @pl.when(i == _GRID - 1)
    def _():
        pao[...] = pacc[...]


def _fin_b_body(degp, y1, s1p, bc1, bt, pa, wp1, bp1, wp2, bp2,
                out, pacc):
    i = pl.program_id(0)
    d = degp[...]
    dinv = lax.rsqrt(d[0] + d[1] + 1.0)
    sp = s1p[...]
    t = dinv * (sp[0] + sp[1] + y1[...]) + bc1[...]
    h1r = jnp.maximum(t, 0.0)
    seg = lax.broadcasted_iota(jnp.int32, (_R, _G), 1)
    onehot = jnp.where(bt[...] == seg, 1.0, 0.0).astype(jnp.float32)
    part = lax.dot_general(onehot, h1r, (((0,), (0,)), ((), ())),
                           preferred_element_type=jnp.float32)

    @pl.when(i == 0)
    def _():
        pacc[...] = part

    @pl.when(i > 0)
    def _():
        pacc[...] = pacc[...] + part

    @pl.when(i == _GRID - 1)
    def _():
        p = jnp.concatenate([pa[...], pacc[...]], axis=1)
        h = lax.dot_general(p, wp1[...], (((1,), (1,)), ((), ())),
                            preferred_element_type=jnp.float32) + bp1[...]
        h = jnp.where(h > 0, h, 0.1 * h)
        o = lax.dot_general(h, wp2[...], (((1,), (1,)), ((), ())),
                            preferred_element_type=jnp.float32) + bp2[...]
        m = jnp.max(o, axis=1, keepdims=True)
        lse = jnp.log(jnp.sum(jnp.exp(o - m), axis=1, keepdims=True)) + m
        out[...] = o - lse


def kernel(node_feature, edge_index, batch, W0, b0, Wc0, bc0, Wc1, bc1,
           Wp1, bp1, Wp2, bp2):
    f32 = jnp.float32
    edge3d = edge_index.reshape(2, _NCH, _CHUNK)
    zero1 = jnp.zeros((_RPS,), f32)
    bt2 = batch.reshape(_N, 1)

    dspec = pl.BlockSpec((_NCORE, _R, 1), lambda i: (0, i, 0))
    rspec = pl.BlockSpec((_R, _H), lambda i: (i, 0))
    sspec = pl.BlockSpec((_NCORE, _R, _H), lambda i: (0, i, 0))
    btspec = pl.BlockSpec((_R, 1), lambda i: (i, 0))

    deg_p = _deg_pass(edge3d, zero1)
    degp3 = deg_p.reshape(_NCORE, _NPAD, 1)

    x, h0 = pl.pallas_call(
        _pre_a_body,
        grid=(_GRID,),
        in_specs=[
            pl.BlockSpec((_R, _D), lambda i: (i, 0)),
            pl.BlockSpec((_H, _D), lambda i: (0, 0)),
            pl.BlockSpec((1, _H), lambda i: (0, 0)),
            pl.BlockSpec((_H, _H), lambda i: (0, 0)),
        ],
        out_specs=[rspec, rspec],
        out_shape=[jax.ShapeDtypeStruct((_N, _H), f32)] * 2,
    )(node_feature, W0, b0.reshape(1, _H), Wc0)

    y0 = pl.pallas_call(
        _pre_b_body,
        grid=(_GRID,),
        in_specs=[dspec, rspec],
        out_specs=rspec,
        out_shape=jax.ShapeDtypeStruct((_N, _H), f32),
    )(degp3, h0)

    s0_p = _edge_pass(edge3d, y0)

    t1 = pl.pallas_call(
        _mid_a_body,
        grid=(_GRID,),
        in_specs=[rspec, pl.BlockSpec((_H, _H), lambda i: (0, 0))],
        out_specs=rspec,
        out_shape=jax.ShapeDtypeStruct((_N, _H), f32),
    )(x, Wc1[:, :_H])

    h0r, y1 = pl.pallas_call(
        _mid_b_body,
        grid=(_GRID,),
        in_specs=[
            dspec, rspec, rspec, sspec,
            pl.BlockSpec((1, _H), lambda i: (0, 0)),
            pl.BlockSpec((_H, _H), lambda i: (0, 0)),
        ],
        out_specs=[rspec, rspec],
        out_shape=[jax.ShapeDtypeStruct((_N, _H), f32)] * 2,
    )(degp3, t1, y0, s0_p, bc0.reshape(1, _H), Wc1[:, _H:])

    s1_p = _edge_pass(edge3d, y1)

    pooled_a = pl.pallas_call(
        _fin_a_body,
        grid=(_GRID,),
        in_specs=[rspec, rspec, btspec],
        out_specs=pl.BlockSpec((_G, 2 * _H), lambda i: (0, 0)),
        out_shape=jax.ShapeDtypeStruct((_G, 2 * _H), f32),
        scratch_shapes=[pltpu.VMEM((_G, 2 * _H), f32)],
    )(x, h0r, bt2)

    out = pl.pallas_call(
        _fin_b_body,
        grid=(_GRID,),
        in_specs=[
            dspec, rspec, sspec,
            pl.BlockSpec((1, _H), lambda i: (0, 0)),
            btspec,
            pl.BlockSpec((_G, 2 * _H), lambda i: (0, 0)),
            pl.BlockSpec((_H, 3 * _H), lambda i: (0, 0)),
            pl.BlockSpec((1, _H), lambda i: (0, 0)),
            pl.BlockSpec((_OUT, _H), lambda i: (0, 0)),
            pl.BlockSpec((1, _OUT), lambda i: (0, 0)),
        ],
        out_specs=pl.BlockSpec((_G, _OUT), lambda i: (0, 0)),
        out_shape=jax.ShapeDtypeStruct((_G, _OUT), f32),
        scratch_shapes=[pltpu.VMEM((_G, _H), f32)],
    )(degp3, y1, s1_p, bc1.reshape(1, _H), bt2, pooled_a,
      Wp1, bp1.reshape(1, _H), Wp2, bp2.reshape(1, _OUT))
    return out

# --- scband reference (transcript-rebuilt; emitter-appended) ---
"""Pipeline reference for scband-skip-last-gnn-11003706212417 (READ-ONLY COPY).

The authoritative reference and input builder live on the scoring server;
editing this copy changes nothing except your own understanding.
"""

import jax, jax.numpy as jnp
import numpy as np

N = 10000
E = 320000
D = 128
H = 128
OUT = 32
G = 64


def setup_inputs(seed: int = 0) -> dict:
    key = jax.random.key(seed)
    ks = jax.random.split(key, 16)
    node_feature = jax.random.normal(ks[0], (N, D), dtype=jnp.float32)
    edge_index = jax.random.randint(ks[1], (2, E), 0, N, dtype=jnp.int32)
    batch = jnp.sort(jax.random.randint(ks[2], (N,), 0, G, dtype=jnp.int32))
    s = 0.05
    # pre_mp Linear(D, H)
    W0 = jax.random.normal(ks[3], (H, D), dtype=jnp.float32) * s
    b0 = jnp.zeros((H,), dtype=jnp.float32)
    # conv 0: GCNConv(H*1, H)
    Wc0 = jax.random.normal(ks[4], (H, H), dtype=jnp.float32) * s
    bc0 = jnp.zeros((H,), dtype=jnp.float32)
    # conv 1: GCNConv(H*2, H)
    Wc1 = jax.random.normal(ks[5], (H, 2 * H), dtype=jnp.float32) * s
    bc1 = jnp.zeros((H,), dtype=jnp.float32)
    # post_mp: Linear(H*3, H), Linear(H, OUT)
    Wp1 = jax.random.normal(ks[6], (H, 3 * H), dtype=jnp.float32) * s
    bp1 = jnp.zeros((H,), dtype=jnp.float32)
    Wp2 = jax.random.normal(ks[7], (OUT, H), dtype=jnp.float32) * s
    bp2 = jnp.zeros((OUT,), dtype=jnp.float32)
    return {"node_feature": node_feature, "edge_index": edge_index, "batch": batch,
            "W0": W0, "b0": b0, "Wc0": Wc0, "bc0": bc0, "Wc1": Wc1, "bc1": bc1,
            "Wp1": Wp1, "bp1": bp1, "Wp2": Wp2, "bp2": bp2}


def _gcn_conv(x, W, b, row, col, n_nodes):
    # PyG GCNConv: add self-loops, symmetric deg^{-1/2} normalization, linear, scatter-add, bias
    loop = jnp.arange(n_nodes, dtype=row.dtype)
    row2 = jnp.concatenate([row, loop])
    col2 = jnp.concatenate([col, loop])
    deg = jnp.zeros((n_nodes,), dtype=x.dtype).at[col2].add(1.0)
    dinv = jnp.where(deg > 0, deg ** -0.5, 0.0)
    norm = dinv[row2] * dinv[col2]
    h = x @ W.T
    out = jnp.zeros((n_nodes, W.shape[0]), dtype=x.dtype).at[col2].add(norm[:, None] * h[row2])
    return out + b


def reference(node_feature, edge_index, batch, W0, b0, Wc0, bc0, Wc1, bc1, Wp1, bp1, Wp2, bp2):
    row, col = edge_index[0], edge_index[1]
    x = node_feature @ W0.T + b0  # pre_mp
    emb = x
    # skip == 'all': each conv consumes the full concatenated emb
    for (W, b) in ((Wc0, bc0), (Wc1, bc1)):
        h = _gcn_conv(emb, W, b, row, col, N)
        h = jax.nn.relu(h)  # dropout p=0.0 -> identity
        emb = jnp.concatenate([emb, h], axis=1)
    pooled = jax.ops.segment_sum(emb, batch, num_segments=G)  # global_add_pool
    h = pooled @ Wp1.T + bp1
    h = jnp.where(h > 0, h, 0.1 * h)  # LeakyReLU(0.1); dropout p=0 identity
    out = h @ Wp2.T + bp2
    return jax.nn.log_softmax(out, axis=1)

if __name__ == "__main__":
    import jax
    _d = setup_inputs()
    print(jax.jit(kernel)(*tuple(_d.values())))

</pallas_src>

<mosaic_0001>
#map = affine_map<(d0, d1) -> (0, 0, 0)>
#map1 = affine_map<(d0, d1) -> (0)>
#map2 = affine_map<(d0, d1) -> (0, 0)>
module attributes {stable_mosaic.version = 14 : i64} {
  func.func @_deg_pass(%arg0: i32, %arg1: i32, %arg2: memref<2x2500x128xi32, #tpu.memory_space<hbm>>, %arg3: memref<640xf32, #tpu.memory_space<hbm>>, %arg4: memref<2x10240xf32, #tpu.memory_space<hbm>>, %arg5: memref<80x128xi32, #tpu.memory_space<vmem>>, %arg6: memref<128xf32, #tpu.memory_space<vmem>>, %arg7: memref<10240xf32, #tpu.memory_space<vmem_shared>>, %arg8: memref<!tpu.dma_semaphore, #tpu.memory_space<semaphore_mem>>, %arg9: memref<!tpu.dma_semaphore, #tpu.memory_space<semaphore_mem>>) attributes {dimension_semantics = [#tpu.dimension_semantics<core_parallel>, #tpu.dimension_semantics<subcore_parallel>], iteration_bounds = array<i64: 2, 16>, scalar_prefetch = 0 : i64, scratch_operands = 5 : i64, tpu.core_type = #tpu.core_type<sc_vector_subcore>, window_params = [{transform_indices = #map}, {transform_indices = #map1}, {transform_indices = #map2}]} {
    %mul3A = arith.constant 2 : i32
    %mul3A_0 = arith.muli %arg1, %mul3A : i32
    %add3A = arith.addi %mul3A_0, %arg0 : i32
    %broadcast_in_dim3A = arith.constant 1.000000e+00 : f32
    %broadcast_in_dim3A_1 = vector.broadcast %broadcast_in_dim3A : f32 to vector<16xf32>
    %swap3A = arith.constant 0 : index
    %swap3A_2 = tpu.vector_load %arg6[%swap3A] {strides = array<i32>} : memref<128xf32, #tpu.memory_space<vmem>>, vector<16xf32>,
    %swap3A_3 = vector.shape_cast %swap3A_2 : vector<16xf32> to vector<16xf32>
    %swap3A_4 = vector.shape_cast %broadcast_in_dim3A_1 : vector<16xf32> to vector<16xf32>
    tpu.vector_store %arg6[%swap3A], %swap3A_4 {strides = array<i32>} : memref<128xf32, #tpu.memory_space<vmem>>, vector<16xf32>,
    %broadcast_in_dim3A_5 = arith.constant 1.000000e+00 : f32
    %broadcast_in_dim3A_6 = vector.broadcast %broadcast_in_dim3A_5 : f32 to vector<16xf32>
    %swap3A_7 = arith.constant 16 : index
    %swap3A_8 = tpu.vector_load %arg6[%swap3A_7] {strides = array<i32>} : memref<128xf32, #tpu.memory_space<vmem>>, vector<16xf32>,
    %swap3A_9 = vector.shape_cast %swap3A_8 : vector<16xf32> to vector<16xf32>
    %swap3A_10 = vector.shape_cast %broadcast_in_dim3A_6 : vector<16xf32> to vector<16xf32>
    tpu.vector_store %arg6[%swap3A_7], %swap3A_10 {strides = array<i32>} : memref<128xf32, #tpu.memory_space<vmem>>, vector<16xf32>,
    %broadcast_in_dim3A_11 = arith.constant 1.000000e+00 : f32
    %broadcast_in_dim3A_12 = vector.broadcast %broadcast_in_dim3A_11 : f32 to vector<16xf32>
    %swap3A_13 = arith.constant 32 : index
    %swap3A_14 = tpu.vector_load %arg6[%swap3A_13] {strides = array<i32>} : memref<128xf32, #tpu.memory_space<vmem>>, vector<16xf32>,
    %swap3A_15 = vector.shape_cast %swap3A_14 : vector<16xf32> to vector<16xf32>
    %swap3A_16 = vector.shape_cast %broadcast_in_dim3A_12 : vector<16xf32> to vector<16xf32>
    tpu.vector_store %arg6[%swap3A_13], %swap3A_16 {strides = array<i32>} : memref<128xf32, #tpu.memory_space<vmem>>, vector<16xf32>,
    %broadcast_in_dim3A_17 = arith.constant 1.000000e+00 : f32
    %broadcast_in_dim3A_18 = vector.broadcast %broadcast_in_dim3A_17 : f32 to vector<16xf32>
    %swap3A_19 = arith.constant 48 : index
    %swap3A_20 = tpu.vector_load %arg6[%swap3A_19] {strides = array<i32>} : memref<128xf32, #tpu.memory_space<vmem>>, vector<16xf32>,
    %swap3A_21 = vector.shape_cast %swap3A_20 : vector<16xf32> to vector<16xf32>
    %swap3A_22 = vector.shape_cast %broadcast_in_dim3A_18 : vector<16xf32> to vector<16xf32>
    tpu.vector_store %arg6[%swap3A_19], %swap3A_22 {strides = array<i32>} : memref<128xf32, #tpu.memory_space<vmem>>, vector<16xf32>,
    %broadcast_in_dim3A_23 = arith.constant 1.000000e+00 : f32
    %broadcast_in_dim3A_24 = vector.broadcast %broadcast_in_dim3A_23 : f32 to vector<16xf32>
    %swap3A_25 = arith.constant 64 : index
    %swap3A_26 = tpu.vector_load %arg6[%swap3A_25] {strides = array<i32>} : memref<128xf32, #tpu.memory_space<vmem>>, vector<16xf32>,
    %swap3A_27 = vector.shape_cast %swap3A_26 : vector<16xf32> to vector<16xf32>
    %swap3A_28 = vector.shape_cast %broadcast_in_dim3A_24 : vector<16xf32> to vector<16xf32>
    tpu.vector_store %arg6[%swap3A_25], %swap3A_28 {strides = array<i32>} : memref<128xf32, #tpu.memory_space<vmem>>, vector<16xf32>,
    %broadcast_in_dim3A_29 = arith.constant 1.000000e+00 : f32
    %broadcast_in_dim3A_30 = vector.broadcast %broadcast_in_dim3A_29 : f32 to vector<16xf32>
    %swap3A_31 = arith.constant 80 : index
    %swap3A_32 = tpu.vector_load %arg6[%swap3A_31] {strides = array<i32>} : memref<128xf32, #tpu.memory_space<vmem>>, vector<16xf32>,
    %swap3A_33 = vector.shape_cast %swap3A_32 : vector<16xf32> to vector<16xf32>
    %swap3A_34 = vector.shape_cast %broadcast_in_dim3A_30 : vector<16xf32> to vector<16xf32>
    tpu.vector_store %arg6[%swap3A_31], %swap3A_34 {strides = array<i32>} : memref<128xf32, #tpu.memory_space<vmem>>, vector<16xf32>,
    %broadcast_in_dim3A_35 = arith.constant 1.000000e+00 : f32
    %broadcast_in_dim3A_36 = vector.broadcast %broadcast_in_dim3A_35 : f32 to vector<16xf32>
    %swap3A_37 = arith.constant 96 : index
    %swap3A_38 = tpu.vector_load %arg6[%swap3A_37] {strides = array<i32>} : memref<128xf32, #tpu.memory_space<vmem>>, vector<16xf32>,
    %swap3A_39 = vector.shape_cast %swap3A_38 : vector<16xf32> to vector<16xf32>
    %swap3A_40 = vector.shape_cast %broadcast_in_dim3A_36 : vector<16xf32> to vector<16xf32>
    tpu.vector_store %arg6[%swap3A_37], %swap3A_40 {strides = array<i32>} : memref<128xf32, #tpu.memory_space<vmem>>, vector<16xf32>,
    %broadcast_in_dim3A_41 = arith.constant 1.000000e+00 : f32
    %broadcast_in_dim3A_42 = vector.broadcast %broadcast_in_dim3A_41 : f32 to vector<16xf32>
    %swap3A_43 = arith.constant 112 : index
    %swap3A_44 = tpu.vector_load %arg6[%swap3A_43] {strides = array<i32>} : memref<128xf32, #tpu.memory_space<vmem>>, vector<16xf32>,
    %swap3A_45 = vector.shape_cast %swap3A_44 : vector<16xf32> to vector<16xf32>
    %swap3A_46 = vector.shape_cast %broadcast_in_dim3A_42 : vector<16xf32> to vector<16xf32>
    tpu.vector_store %arg6[%swap3A_43], %swap3A_46 {strides = array<i32>} : memref<128xf32, #tpu.memory_space<vmem>>, vector<16xf32>,
    %mul3A_47 = arith.constant 640 : i32
    %mul3A_48 = arith.muli %arg1, %mul3A_47 : i32
    "tpu.region"() ({
      %run_scoped3A = tpu.sem_alloc : memref<!tpu.dma_semaphore, #tpu.memory_space<semaphore_mem>>
      %dma_start3A = tpu.memref_slice %arg7[%mul3A_48] : memref<10240xf32, #tpu.memory_space<vmem_shared>> -> memref<640xf32, #tpu.memory_space<vmem_shared>>
      tpu.enqueue_dma source(%arg3 : memref<640xf32, #tpu.memory_space<hbm>>) target(%dma_start3A : memref<640xf32, #tpu.memory_space<vmem_shared>>) target_semaphore(%run_scoped3A : memref<!tpu.dma_semaphore, #tpu.memory_space<semaphore_mem>>)
      %dma_wait3A = tpu.memref_slice %arg7[%mul3A_48] : memref<10240xf32, #tpu.memory_space<vmem_shared>> -> memref<640xf32, #tpu.memory_space<vmem_shared>>
      tpu.wait_dma2 semaphore(%run_scoped3A : memref<!tpu.dma_semaphore, #tpu.memory_space<semaphore_mem>>) src(%arg3 : memref<640xf32, #tpu.memory_space<hbm>>) dst(%dma_wait3A : memref<640xf32, #tpu.memory_space<vmem_shared>>)
      tpu.yield
    }) : () -> ()
    %lt3A = arith.constant 31 : i32
    %lt3A_49 = arith.cmpi slt, %add3A, %lt3A : i32
    %convert_element_type3A = arith.extui %lt3A_49 : i1 to i32
    %cond3A = arith.constant 0 : i32
    %cond3A_50 = arith.cmpi ne, %convert_element_type3A, %cond3A : i32
    scf.if %cond3A_50 {
      %mul3A_70 = arith.constant 80 : i32
      %mul3A_71 = arith.muli %add3A, %mul3A_70 : i32
      %run_scoped3A = arith.constant 1 : i32
      "tpu.region"() ({
        %run_scoped3A_72 = tpu.sem_alloc : memref<!tpu.dma_semaphore, #tpu.memory_space<semaphore_mem>>
        %dma_start3A = arith.constant 0 : i32
        %dma_start3A_73 = tpu.memref_slice %arg2[%run_scoped3A, %mul3A_71, %dma_start3A] : memref<2x2500x128xi32, #tpu.memory_space<hbm>> -> memref<1x80x128xi32, #tpu.memory_space<hbm>>
        %dma_start3A_74 = tpu.memref_squeeze %dma_start3A_73 : memref<1x80x128xi32, #tpu.memory_space<hbm>> -> memref<80x128xi32, #tpu.memory_space<hbm>>
        %dma_start3A_75 = arith.constant 0 : i32
        %dma_start3A_76 = tpu.memref_slice %arg2[%run_scoped3A, %mul3A_71, %dma_start3A_75] : memref<2x2500x128xi32, #tpu.memory_space<hbm>> -> memref<1x80x128xi32, #tpu.memory_space<hbm>>
        %dma_start3A_77 = tpu.memref_squeeze %dma_start3A_76 : memref<1x80x128xi32, #tpu.memory_space<hbm>> -> memref<80x128xi32, #tpu.memory_space<hbm>>
        tpu.enqueue_dma source(%dma_start3A_77 : memref<80x128xi32, #tpu.memory_space<hbm>>) target(%arg5 : memref<80x128xi32, #tpu.memory_space<vmem>>) target_semaphore(%run_scoped3A_72 : memref<!tpu.dma_semaphore, #tpu.memory_space<semaphore_mem>>)
        %dma_wait3A = arith.constant 0 : i32
        %dma_wait3A_78 = tpu.memref_slice %arg2[%run_scoped3A, %mul3A_71, %dma_wait3A] : memref<2x2500x128xi32, #tpu.memory_space<hbm>> -> memref<1x80x128xi32, #tpu.memory_space<hbm>>
        %dma_wait3A_79 = tpu.memref_squeeze %dma_wait3A_78 : memref<1x80x128xi32, #tpu.memory_space<hbm>> -> memref<80x128xi32, #tpu.memory_space<hbm>>
        %dma_wait3A_80 = arith.constant 0 : i32
        %dma_wait3A_81 = tpu.memref_slice %arg2[%run_scoped3A, %mul3A_71, %dma_wait3A_80] : memref<2x2500x128xi32, #tpu.memory_space<hbm>> -> memref<1x80x128xi32, #tpu.memory_space<hbm>>
        %dma_wait3A_82 = tpu.memref_squeeze %dma_wait3A_81 : memref<1x80x128xi32, #tpu.memory_space<hbm>> -> memref<80x128xi32, #tpu.memory_space<hbm>>
        tpu.wait_dma2 semaphore(%run_scoped3A_72 : memref<!tpu.dma_semaphore, #tpu.memory_space<semaphore_mem>>) src(%dma_wait3A_82 : memref<80x128xi32, #tpu.memory_space<hbm>>) dst(%arg5 : memref<80x128xi32, #tpu.memory_space<vmem>>)
        tpu.yield
      }) : () -> ()
    } else {
    }
    %eq3A = arith.constant 31 : i32
    %eq3A_51 = arith.cmpi eq, %add3A, %eq3A : i32
    %convert_element_type3A_52 = arith.extui %eq3A_51 : i1 to i32
    %cond3A_53 = arith.constant 0 : i32
    %cond3A_54 = arith.cmpi ne, %convert_element_type3A_52, %cond3A_53 : i32
    scf.if %cond3A_54 {
      %run_scoped3A = arith.constant 1 : i32
      "tpu.region"() ({
        %run_scoped3A_70 = tpu.sem_alloc : memref<!tpu.dma_semaphore, #tpu.memory_space<semaphore_mem>>
        %dma_start3A = arith.constant 0 : i32
        %dma_start3A_71 = arith.constant 0 : i32
        %dma_start3A_72 = tpu.memref_slice %arg5[%dma_start3A, %dma_start3A_71] : memref<80x128xi32, #tpu.memory_space<vmem>> -> memref<20x128xi32, #tpu.memory_space<vmem>>
        %dma_start3A_73 = arith.constant 2480 : i32
        %dma_start3A_74 = arith.constant 0 : i32
        %dma_start3A_75 = tpu.memref_slice %arg2[%run_scoped3A, %dma_start3A_73, %dma_start3A_74] : memref<2x2500x128xi32, #tpu.memory_space<hbm>> -> memref<1x20x128xi32, #tpu.memory_space<hbm>>
        %dma_start3A_76 = tpu.memref_squeeze %dma_start3A_75 : memref<1x20x128xi32, #tpu.memory_space<hbm>> -> memref<20x128xi32, #tpu.memory_space<hbm>>
        %dma_start3A_77 = arith.constant 0 : i32
        %dma_start3A_78 = arith.constant 0 : i32
        %dma_start3A_79 = tpu.memref_slice %arg5[%dma_start3A_77, %dma_start3A_78] : memref<80x128xi32, #tpu.memory_space<vmem>> -> memref<20x128xi32, #tpu.memory_space<vmem>>
        %dma_start3A_80 = arith.constant 2480 : i32
        %dma_start3A_81 = arith.constant 0 : i32
        %dma_start3A_82 = tpu.memref_slice %arg2[%run_scoped3A, %dma_start3A_80, %dma_start3A_81] : memref<2x2500x128xi32, #tpu.memory_space<hbm>> -> memref<1x20x128xi32, #tpu.memory_space<hbm>>
        %dma_start3A_83 = tpu.memref_squeeze %dma_start3A_82 : memref<1x20x128xi32, #tpu.memory_space<hbm>> -> memref<20x128xi32, #tpu.memory_space<hbm>>
        tpu.enqueue_dma source(%dma_start3A_83 : memref<20x128xi32, #tpu.memory_space<hbm>>) target(%dma_start3A_79 : memref<20x128xi32, #tpu.memory_space<vmem>>) target_semaphore(%run_scoped3A_70 : memref<!tpu.dma_semaphore, #tpu.memory_space<semaphore_mem>>)
        %dma_wait3A = arith.constant 0 : i32
        %dma_wait3A_84 = arith.constant 0 : i32
        %dma_wait3A_85 = tpu.memref_slice %arg5[%dma_wait3A, %dma_wait3A_84] : memref<80x128xi32, #tpu.memory_space<vmem>> -> memref<20x128xi32, #tpu.memory_space<vmem>>
        %dma_wait3A_86 = arith.constant 2480 : i32
        %dma_wait3A_87 = arith.constant 0 : i32
        %dma_wait3A_88 = tpu.memref_slice %arg2[%run_scoped3A, %dma_wait3A_86, %dma_wait3A_87] : memref<2x2500x128xi32, #tpu.memory_space<hbm>> -> memref<1x20x128xi32, #tpu.memory_space<hbm>>
        %dma_wait3A_89 = tpu.memref_squeeze %dma_wait3A_88 : memref<1x20x128xi32, #tpu.memory_space<hbm>> -> memref<20x128xi32, #tpu.memory_space<hbm>>
        %dma_wait3A_90 = arith.constant 0 : i32
        %dma_wait3A_91 = arith.constant 0 : i32
        %dma_wait3A_92 = tpu.memref_slice %arg5[%dma_wait3A_90, %dma_wait3A_91] : memref<80x128xi32, #tpu.memory_space<vmem>> -> memref<20x128xi32, #tpu.memory_space<vmem>>
        %dma_wait3A_93 = arith.constant 2480 : i32
        %dma_wait3A_94 = arith.constant 0 : i32
        %dma_wait3A_95 = tpu.memref_slice %arg2[%run_scoped3A, %dma_wait3A_93, %dma_wait3A_94] : memref<2x2500x128xi32, #tpu.memory_space<hbm>> -> memref<1x20x128xi32, #tpu.memory_space<hbm>>
        %dma_wait3A_96 = tpu.memref_squeeze %dma_wait3A_95 : memref<1x20x128xi32, #tpu.memory_space<hbm>> -> memref<20x128xi32, #tpu.memory_space<hbm>>
        tpu.wait_dma2 semaphore(%run_scoped3A_70 : memref<!tpu.dma_semaphore, #tpu.memory_space<semaphore_mem>>) src(%dma_wait3A_96 : memref<20x128xi32, #tpu.memory_space<hbm>>) dst(%dma_wait3A_92 : memref<20x128xi32, #tpu.memory_space<vmem>>)
        tpu.yield
      }) : () -> ()
    } else {
    }
    %barrier3A = arith.constant 0 : index
    tpu.barrier barrier_id(%barrier3A)
    %lt3A_55 = arith.constant 31 : i32
    %lt3A_56 = arith.cmpi slt, %add3A, %lt3A_55 : i32
    %convert_element_type3A_57 = arith.extui %lt3A_56 : i1 to i32
    %cond3A_58 = arith.constant 0 : i32
    %cond3A_59 = arith.cmpi ne, %convert_element_type3A_57, %cond3A_58 : i32
    scf.if %cond3A_59 {
      %dma_start3A = arith.constant 0 : i32
      %dma_start3A_70 = arith.constant 0 : i32
      %dma_start3A_71 = tpu.memref_slice %arg5[%dma_start3A, %dma_start3A_70] : memref<80x128xi32, #tpu.memory_space<vmem>> -> memref<1x128xi32, #tpu.memory_space<vmem>>
      %dma_start3A_72 = tpu.memref_squeeze %dma_start3A_71 : memref<1x128xi32, #tpu.memory_space<vmem>> -> memref<128xi32, #tpu.memory_space<vmem>>
      %dma_start3A_73 = arith.constant 0 : i32
      %dma_start3A_74 = tpu.memref_slice %arg7[%dma_start3A_73] : memref<10240xf32, #tpu.memory_space<vmem_shared>> -> memref<10240xf32, #tpu.memory_space<vmem_shared>>
      tpu.enqueue_indirect_dma source(%arg6 : memref<128xf32, #tpu.memory_space<vmem>>) target(%dma_start3A_74 : memref<10240xf32, #tpu.memory_space<vmem_shared>>) offsets(%dma_start3A_72 : memref<128xi32, #tpu.memory_space<vmem>>) semaphore(%arg8 : memref<!tpu.dma_semaphore, #tpu.memory_space<semaphore_mem>>) {add = true}
      %dma_start3A_75 = arith.constant 1 : i32
      %dma_start3A_76 = arith.constant 0 : i32
      %dma_start3A_77 = tpu.memref_slice %arg5[%dma_start3A_75, %dma_start3A_76] : memref<80x128xi32, #tpu.memory_space<vmem>> -> memref<1x128xi32, #tpu.memory_space<vmem>>
      %dma_start3A_78 = tpu.memref_squeeze %dma_start3A_77 : memref<1x128xi32, #tpu.memory_space<vmem>> -> memref<128xi32, #tpu.memory_space<vmem>>
      %dma_start3A_79 = arith.constant 0 : i32
      %dma_start3A_80 = tpu.memref_slice %arg7[%dma_start3A_79] : memref<10240xf32, #tpu.memory_space<vmem_shared>> -> memref<10240xf32, #tpu.memory_space<vmem_shared>>
      tpu.enqueue_indirect_dma source(%arg6 : memref<128xf32, #tpu.memory_space<vmem>>) target(%dma_start3A_80 : memref<10240xf32, #tpu.memory_space<vmem_shared>>) offsets(%dma_start3A_78 : memref<128xi32, #tpu.memory_space<vmem>>) semaphore(%arg9 : memref<!tpu.dma_semaphore, #tpu.memory_space<semaphore_mem>>) {add = true}
      %scan3A = arith.constant 0 : i32
      %scan3A_81 = arith.constant 1 : i32
      %scan3A_82 = arith.constant 39 : i32
      %scan3A_83 = arith.addi %scan3A_81, %scan3A_82 : i32
      %scan3A_84 = arith.constant 1 : i32
      scf.for %scan3A_97 = %scan3A_81 to %scan3A_83 step %scan3A_84  : i32 {
        %mul3A_98 = arith.constant 2 : i32
        %mul3A_99 = arith.muli %scan3A_97, %mul3A_98 : i32
        %sub3A = arith.constant 2 : i32
        %sub3A_100 = arith.subi %mul3A_99, %sub3A : i32
        %dma_wait3A_101 = arith.constant 0 : i32
        %dma_wait3A_102 = tpu.memref_slice %arg5[%sub3A_100, %dma_wait3A_101] : memref<80x128xi32, #tpu.memory_space<vmem>> -> memref<1x128xi32, #tpu.memory_space<vmem>>
        %dma_wait3A_103 = tpu.memref_squeeze %dma_wait3A_102 : memref<1x128xi32, #tpu.memory_space<vmem>> -> memref<128xi32, #tpu.memory_space<vmem>>
        %dma_wait3A_104 = arith.constant 0 : i32
        %dma_wait3A_105 = tpu.memref_slice %arg7[%dma_wait3A_104] : memref<10240xf32, #tpu.memory_space<vmem_shared>> -> memref<10240xf32, #tpu.memory_space<vmem_shared>>
        tpu.wait_indirect_dma semaphore(%arg8 : memref<!tpu.dma_semaphore, #tpu.memory_space<semaphore_mem>>) src(%arg6 : memref<128xf32, #tpu.memory_space<vmem>>) dst(%dma_wait3A_105 : memref<10240xf32, #tpu.memory_space<vmem_shared>>)
        %dma_start3A_106 = arith.constant 0 : i32
        %dma_start3A_107 = tpu.memref_slice %arg5[%mul3A_99, %dma_start3A_106] : memref<80x128xi32, #tpu.memory_space<vmem>> -> memref<1x128xi32, #tpu.memory_space<vmem>>
        %dma_start3A_108 = tpu.memref_squeeze %dma_start3A_107 : memref<1x128xi32, #tpu.memory_space<vmem>> -> memref<128xi32, #tpu.memory_space<vmem>>
        %dma_start3A_109 = arith.constant 0 : i32
        %dma_start3A_110 = tpu.memref_slice %arg7[%dma_start3A_109] : memref<10240xf32, #tpu.memory_space<vmem_shared>> -> memref<10240xf32, #tpu.memory_space<vmem_shared>>
        tpu.enqueue_indirect_dma source(%arg6 : memref<128xf32, #tpu.memory_space<vmem>>) target(%dma_start3A_110 : memref<10240xf32, #tpu.memory_space<vmem_shared>>) offsets(%dma_start3A_108 : memref<128xi32, #tpu.memory_space<vmem>>) semaphore(%arg8 : memref<!tpu.dma_semaphore, #tpu.memory_space<semaphore_mem>>) {add = true}
        %sub3A_111 = arith.constant 1 : i32
        %sub3A_112 = arith.subi %mul3A_99, %sub3A_111 : i32
        %dma_wait3A_113 = arith.constant 0 : i32
        %dma_wait3A_114 = tpu.memref_slice %arg5[%sub3A_112, %dma_wait3A_113] : memref<80x128xi32, #tpu.memory_space<vmem>> -> memref<1x128xi32, #tpu.memory_space<vmem>>
        %dma_wait3A_115 = tpu.memref_squeeze %dma_wait3A_114 : memref<1x128xi32, #tpu.memory_space<vmem>> -> memref<128xi32, #tpu.memory_space<vmem>>
        %dma_wait3A_116 = arith.constant 0 : i32
        %dma_wait3A_117 = tpu.memref_slice %arg7[%dma_wait3A_116] : memref<10240xf32, #tpu.memory_space<vmem_shared>> -> memref<10240xf32, #tpu.memory_space<vmem_shared>>
        tpu.wait_indirect_dma semaphore(%arg9 : memref<!tpu.dma_semaphore, #tpu.memory_space<semaphore_mem>>) src(%arg6 : memref<128xf32, #tpu.memory_space<vmem>>) dst(%dma_wait3A_117 : memref<10240xf32, #tpu.memory_space<vmem_shared>>)
        %add3A_118 = arith.constant 1 : i32
        %add3A_119 = arith.addi %mul3A_99, %add3A_118 : i32
        %dma_start3A_120 = arith.constant 0 : i32
        %dma_start3A_121 = tpu.memref_slice %arg5[%add3A_119, %dma_start3A_120] : memref<80x128xi32, #tpu.memory_space<vmem>> -> memref<1x128xi32, #tpu.memory_space<vmem>>
        %dma_start3A_122 = tpu.memref_squeeze %dma_start3A_121 : memref<1x128xi32, #tpu.memory_space<vmem>> -> memref<128xi32, #tpu.memory_space<vmem>>
        %dma_start3A_123 = arith.constant 0 : i32
        %dma_start3A_124 = tpu.memref_slice %arg7[%dma_start3A_123] : memref<10240xf32, #tpu.memory_space<vmem_shared>> -> memref<10240xf32, #tpu.memory_space<vmem_shared>>
        tpu.enqueue_indirect_dma source(%arg6 : memref<128xf32, #tpu.memory_space<vmem>>) target(%dma_start3A_124 : memref<10240xf32, #tpu.memory_space<vmem_shared>>) offsets(%dma_start3A_122 : memref<128xi32, #tpu.memory_space<vmem>>) semaphore(%arg9 : memref<!tpu.dma_semaphore, #tpu.memory_space<semaphore_mem>>) {add = true}
      }
      %scan3A_85 = arith.constant 39 : i32
      %dma_wait3A = arith.constant 78 : i32
      %dma_wait3A_86 = arith.constant 0 : i32
      %dma_wait3A_87 = tpu.memref_slice %arg5[%dma_wait3A, %dma_wait3A_86] : memref<80x128xi32, #tpu.memory_space<vmem>> -> memref<1x128xi32, #tpu.memory_space<vmem>>
      %dma_wait3A_88 = tpu.memref_squeeze %dma_wait3A_87 : memref<1x128xi32, #tpu.memory_space<vmem>> -> memref<128xi32, #tpu.memory_space<vmem>>
      %dma_wait3A_89 = arith.constant 0 : i32
      %dma_wait3A_90 = tpu.memref_slice %arg7[%dma_wait3A_89] : memref<10240xf32, #tpu.memory_space<vmem_shared>> -> memref<10240xf32, #tpu.memory_space<vmem_shared>>
      tpu.wait_indirect_dma semaphore(%arg8 : memref<!tpu.dma_semaphore, #tpu.memory_space<semaphore_mem>>) src(%arg6 : memref<128xf32, #tpu.memory_space<vmem>>) dst(%dma_wait3A_90 : memref<10240xf32, #tpu.memory_space<vmem_shared>>)
      %dma_wait3A_91 = arith.constant 79 : i32
      %dma_wait3A_92 = arith.constant 0 : i32
      %dma_wait3A_93 = tpu.memref_slice %arg5[%dma_wait3A_91, %dma_wait3A_92] : memref<80x128xi32, #tpu.memory_space<vmem>> -> memref<1x128xi32, #tpu.memory_space<vmem>>
      %dma_wait3A_94 = tpu.memref_squeeze %dma_wait3A_93 : memref<1x128xi32, #tpu.memory_space<vmem>> -> memref<128xi32, #tpu.memory_space<vmem>>
      %dma_wait3A_95 = arith.constant 0 : i32
      %dma_wait3A_96 = tpu.memref_slice %arg7[%dma_wait3A_95] : memref<10240xf32, #tpu.memory_space<vmem_shared>> -> memref<10240xf32, #tpu.memory_space<vmem_shared>>
      tpu.wait_indirect_dma semaphore(%arg9 : memref<!tpu.dma_semaphore, #tpu.memory_space<semaphore_mem>>) src(%arg6 : memref<128xf32, #tpu.memory_space<vmem>>) dst(%dma_wait3A_96 : memref<10240xf32, #tpu.memory_space<vmem_shared>>)
    } else {
    }
    %eq3A_60 = arith.constant 31 : i32
    %eq3A_61 = arith.cmpi eq, %add3A, %eq3A_60 : i32
    %convert_element_type3A_62 = arith.extui %eq3A_61 : i1 to i32
    %cond3A_63 = arith.constant 0 : i32
    %cond3A_64 = arith.cmpi ne, %convert_element_type3A_62, %cond3A_63 : i32
    scf.if %cond3A_64 {
      %dma_start3A = arith.constant 0 : i32
      %dma_start3A_70 = arith.constant 0 : i32
      %dma_start3A_71 = tpu.memref_slice %arg5[%dma_start3A, %dma_start3A_70] : memref<80x128xi32, #tpu.memory_space<vmem>> -> memref<1x128xi32, #tpu.memory_space<vmem>>
      %dma_start3A_72 = tpu.memref_squeeze %dma_start3A_71 : memref<1x128xi32, #tpu.memory_space<vmem>> -> memref<128xi32, #tpu.memory_space<vmem>>
      %dma_start3A_73 = arith.constant 0 : i32
      %dma_start3A_74 = tpu.memref_slice %arg7[%dma_start3A_73] : memref<10240xf32, #tpu.memory_space<vmem_shared>> -> memref<10240xf32, #tpu.memory_space<vmem_shared>>
      tpu.enqueue_indirect_dma source(%arg6 : memref<128xf32, #tpu.memory_space<vmem>>) target(%dma_start3A_74 : memref<10240xf32, #tpu.memory_space<vmem_shared>>) offsets(%dma_start3A_72 : memref<128xi32, #tpu.memory_space<vmem>>) semaphore(%arg8 : memref<!tpu.dma_semaphore, #tpu.memory_space<semaphore_mem>>) {add = true}
      %dma_start3A_75 = arith.constant 1 : i32
      %dma_start3A_76 = arith.constant 0 : i32
      %dma_start3A_77 = tpu.memref_slice %arg5[%dma_start3A_75, %dma_start3A_76] : memref<80x128xi32, #tpu.memory_space<vmem>> -> memref<1x128xi32, #tpu.memory_space<vmem>>
      %dma_start3A_78 = tpu.memref_squeeze %dma_start3A_77 : memref<1x128xi32, #tpu.memory_space<vmem>> -> memref<128xi32, #tpu.memory_space<vmem>>
      %dma_start3A_79 = arith.constant 0 : i32
      %dma_start3A_80 = tpu.memref_slice %arg7[%dma_start3A_79] : memref<10240xf32, #tpu.memory_space<vmem_shared>> -> memref<10240xf32, #tpu.memory_space<vmem_shared>>
      tpu.enqueue_indirect_dma source(%arg6 : memref<128xf32, #tpu.memory_space<vmem>>) target(%dma_start3A_80 : memref<10240xf32, #tpu.memory_space<vmem_shared>>) offsets(%dma_start3A_78 : memref<128xi32, #tpu.memory_space<vmem>>) semaphore(%arg9 : memref<!tpu.dma_semaphore, #tpu.memory_space<semaphore_mem>>) {add = true}
      %scan3A = arith.constant 0 : i32
      %scan3A_81 = arith.constant 1 : i32
      %scan3A_82 = arith.constant 9 : i32
      %scan3A_83 = arith.addi %scan3A_81, %scan3A_82 : i32
      %scan3A_84 = arith.constant 1 : i32
      scf.for %scan3A_97 = %scan3A_81 to %scan3A_83 step %scan3A_84  : i32 {
        %mul3A_98 = arith.constant 2 : i32
        %mul3A_99 = arith.muli %scan3A_97, %mul3A_98 : i32
        %sub3A = arith.constant 2 : i32
        %sub3A_100 = arith.subi %mul3A_99, %sub3A : i32
        %dma_wait3A_101 = arith.constant 0 : i32
        %dma_wait3A_102 = tpu.memref_slice %arg5[%sub3A_100, %dma_wait3A_101] : memref<80x128xi32, #tpu.memory_space<vmem>> -> memref<1x128xi32, #tpu.memory_space<vmem>>
        %dma_wait3A_103 = tpu.memref_squeeze %dma_wait3A_102 : memref<1x128xi32, #tpu.memory_space<vmem>> -> memref<128xi32, #tpu.memory_space<vmem>>
        %dma_wait3A_104 = arith.constant 0 : i32
        %dma_wait3A_105 = tpu.memref_slice %arg7[%dma_wait3A_104] : memref<10240xf32, #tpu.memory_space<vmem_shared>> -> memref<10240xf32, #tpu.memory_space<vmem_shared>>
        tpu.wait_indirect_dma semaphore(%arg8 : memref<!tpu.dma_semaphore, #tpu.memory_space<semaphore_mem>>) src(%arg6 : memref<128xf32, #tpu.memory_space<vmem>>) dst(%dma_wait3A_105 : memref<10240xf32, #tpu.memory_space<vmem_shared>>)
        %dma_start3A_106 = arith.constant 0 : i32
        %dma_start3A_107 = tpu.memref_slice %arg5[%mul3A_99, %dma_start3A_106] : memref<80x128xi32, #tpu.memory_space<vmem>> -> memref<1x128xi32, #tpu.memory_space<vmem>>
        %dma_start3A_108 = tpu.memref_squeeze %dma_start3A_107 : memref<1x128xi32, #tpu.memory_space<vmem>> -> memref<128xi32, #tpu.memory_space<vmem>>
        %dma_start3A_109 = arith.constant 0 : i32
        %dma_start3A_110 = tpu.memref_slice %arg7[%dma_start3A_109] : memref<10240xf32, #tpu.memory_space<vmem_shared>> -> memref<10240xf32, #tpu.memory_space<vmem_shared>>
        tpu.enqueue_indirect_dma source(%arg6 : memref<128xf32, #tpu.memory_space<vmem>>) target(%dma_start3A_110 : memref<10240xf32, #tpu.memory_space<vmem_shared>>) offsets(%dma_start3A_108 : memref<128xi32, #tpu.memory_space<vmem>>) semaphore(%arg8 : memref<!tpu.dma_semaphore, #tpu.memory_space<semaphore_mem>>) {add = true}
        %sub3A_111 = arith.constant 1 : i32
        %sub3A_112 = arith.subi %mul3A_99, %sub3A_111 : i32
        %dma_wait3A_113 = arith.constant 0 : i32
        %dma_wait3A_114 = tpu.memref_slice %arg5[%sub3A_112, %dma_wait3A_113] : memref<80x128xi32, #tpu.memory_space<vmem>> -> memref<1x128xi32, #tpu.memory_space<vmem>>
        %dma_wait3A_115 = tpu.memref_squeeze %dma_wait3A_114 : memref<1x128xi32, #tpu.memory_space<vmem>> -> memref<128xi32, #tpu.memory_space<vmem>>
        %dma_wait3A_116 = arith.constant 0 : i32
        %dma_wait3A_117 = tpu.memref_slice %arg7[%dma_wait3A_116] : memref<10240xf32, #tpu.memory_space<vmem_shared>> -> memref<10240xf32, #tpu.memory_space<vmem_shared>>
        tpu.wait_indirect_dma semaphore(%arg9 : memref<!tpu.dma_semaphore, #tpu.memory_space<semaphore_mem>>) src(%arg6 : memref<128xf32, #tpu.memory_space<vmem>>) dst(%dma_wait3A_117 : memref<10240xf32, #tpu.memory_space<vmem_shared>>)
        %add3A_118 = arith.constant 1 : i32
        %add3A_119 = arith.addi %mul3A_99, %add3A_118 : i32
        %dma_start3A_120 = arith.constant 0 : i32
        %dma_start3A_121 = tpu.memref_slice %arg5[%add3A_119, %dma_start3A_120] : memref<80x128xi32, #tpu.memory_space<vmem>> -> memref<1x128xi32, #tpu.memory_space<vmem>>
        %dma_start3A_122 = tpu.memref_squeeze %dma_start3A_121 : memref<1x128xi32, #tpu.memory_space<vmem>> -> memref<128xi32, #tpu.memory_space<vmem>>
        %dma_start3A_123 = arith.constant 0 : i32
        %dma_start3A_124 = tpu.memref_slice %arg7[%dma_start3A_123] : memref<10240xf32, #tpu.memory_space<vmem_shared>> -> memref<10240xf32, #tpu.memory_space<vmem_shared>>
        tpu.enqueue_indirect_dma source(%arg6 : memref<128xf32, #tpu.memory_space<vmem>>) target(%dma_start3A_124 : memref<10240xf32, #tpu.memory_space<vmem_shared>>) offsets(%dma_start3A_122 : memref<128xi32, #tpu.memory_space<vmem>>) semaphore(%arg9 : memref<!tpu.dma_semaphore, #tpu.memory_space<semaphore_mem>>) {add = true}
      }
      %scan3A_85 = arith.constant 9 : i32
      %dma_wait3A = arith.constant 18 : i32
      %dma_wait3A_86 = arith.constant 0 : i32
      %dma_wait3A_87 = tpu.memref_slice %arg5[%dma_wait3A, %dma_wait3A_86] : memref<80x128xi32, #tpu.memory_space<vmem>> -> memref<1x128xi32, #tpu.memory_space<vmem>>
      %dma_wait3A_88 = tpu.memref_squeeze %dma_wait3A_87 : memref<1x128xi32, #tpu.memory_space<vmem>> -> memref<128xi32, #tpu.memory_space<vmem>>
      %dma_wait3A_89 = arith.constant 0 : i32
      %dma_wait3A_90 = tpu.memref_slice %arg7[%dma_wait3A_89] : memref<10240xf32, #tpu.memory_space<vmem_shared>> -> memref<10240xf32, #tpu.memory_space<vmem_shared>>
      tpu.wait_indirect_dma semaphore(%arg8 : memref<!tpu.dma_semaphore, #tpu.memory_space<semaphore_mem>>) src(%arg6 : memref<128xf32, #tpu.memory_space<vmem>>) dst(%dma_wait3A_90 : memref<10240xf32, #tpu.memory_space<vmem_shared>>)
      %dma_wait3A_91 = arith.constant 19 : i32
      %dma_wait3A_92 = arith.constant 0 : i32
      %dma_wait3A_93 = tpu.memref_slice %arg5[%dma_wait3A_91, %dma_wait3A_92] : memref<80x128xi32, #tpu.memory_space<vmem>> -> memref<1x128xi32, #tpu.memory_space<vmem>>
      %dma_wait3A_94 = tpu.memref_squeeze %dma_wait3A_93 : memref<1x128xi32, #tpu.memory_space<vmem>> -> memref<128xi32, #tpu.memory_space<vmem>>
      %dma_wait3A_95 = arith.constant 0 : i32
      %dma_wait3A_96 = tpu.memref_slice %arg7[%dma_wait3A_95] : memref<10240xf32, #tpu.memory_space<vmem_shared>> -> memref<10240xf32, #tpu.memory_space<vmem_shared>>
      tpu.wait_indirect_dma semaphore(%arg9 : memref<!tpu.dma_semaphore, #tpu.memory_space<semaphore_mem>>) src(%arg6 : memref<128xf32, #tpu.memory_space<vmem>>) dst(%dma_wait3A_96 : memref<10240xf32, #tpu.memory_space<vmem_shared>>)
    } else {
    }
    %barrier3A_65 = arith.constant 0 : index
    tpu.barrier barrier_id(%barrier3A_65)
    %mul3A_66 = arith.constant 640 : i32
    %mul3A_67 = arith.muli %arg1, %mul3A_66 : i32
    %mul3A_68 = arith.constant 640 : i32
    %mul3A_69 = arith.muli %arg1, %mul3A_68 : i32
    "tpu.region"() ({
      %run_scoped3A = tpu.sem_alloc : memref<!tpu.dma_semaphore, #tpu.memory_space<semaphore_mem>>
      %dma_start3A = tpu.memref_slice %arg4[%arg0, %mul3A_69] : memref<2x10240xf32, #tpu.memory_space<hbm>> -> memref<1x640xf32, #tpu.memory_space<hbm>>
      %dma_start3A_70 = tpu.memref_squeeze %dma_start3A : memref<1x640xf32, #tpu.memory_space<hbm>> -> memref<640xf32, #tpu.memory_space<hbm>>
      %dma_start3A_71 = tpu.memref_slice %arg7[%mul3A_67] : memref<10240xf32, #tpu.memory_space<vmem_shared>> -> memref<640xf32, #tpu.memory_space<vmem_shared>>
      tpu.enqueue_dma source(%dma_start3A_71 : memref<640xf32, #tpu.memory_space<vmem_shared>>) target(%dma_start3A_70 : memref<640xf32, #tpu.memory_space<hbm>>) target_semaphore(%run_scoped3A : memref<!tpu.dma_semaphore, #tpu.memory_space<semaphore_mem>>)
      %dma_wait3A = tpu.memref_slice %arg4[%arg0, %mul3A_69] : memref<2x10240xf32, #tpu.memory_space<hbm>> -> memref<1x640xf32, #tpu.memory_space<hbm>>
      %dma_wait3A_72 = tpu.memref_squeeze %dma_wait3A : memref<1x640xf32, #tpu.memory_space<hbm>> -> memref<640xf32, #tpu.memory_space<hbm>>
      %dma_wait3A_73 = tpu.memref_slice %arg7[%mul3A_67] : memref<10240xf32, #tpu.memory_space<vmem_shared>> -> memref<640xf32, #tpu.memory_space<vmem_shared>>
      tpu.wait_dma2 semaphore(%run_scoped3A : memref<!tpu.dma_semaphore, #tpu.memory_space<semaphore_mem>>) src(%dma_wait3A_73 : memref<640xf32, #tpu.memory_space<vmem_shared>>) dst(%dma_wait3A_72 : memref<640xf32, #tpu.memory_space<hbm>>)
      tpu.yield
    }) : () -> ()
    return
  }
}

#map = affine_map<(d0, d1) -> (0, 0, 0)>
#map1 = affine_map<(d0, d1) -> (0, 0)>
module attributes {stable_mosaic.version = 14 : i64} {
  func.func @_edge_pass(%arg0: i32, %arg1: i32, %arg2: memref<2x2500x128xi32, #tpu.memory_space<hbm>>, %arg3: memref<10000x128xf32, #tpu.memory_space<hbm>>, %arg4: memref<2x10240x128xf32, #tpu.memory_space<hbm>>, %arg5: memref<40x128xi32, #tpu.memory_space<vmem>>, %arg6: memref<40x128xi32, #tpu.memory_space<vmem>>, %arg7: memref<128x128xf32, #tpu.memory_space<vmem>>, %arg8: memref<128x128xf32, #tpu.memory_space<vmem>>, %arg9: memref<10240x128xf32, #tpu.memory_space<vmem_shared>>, %arg10: memref<!tpu.dma_semaphore, #tpu.memory_space<semaphore_mem>>, %arg11: memref<!tpu.dma_semaphore, #tpu.memory_space<semaphore_mem>>) attributes {dimension_semantics = [#tpu.dimension_semantics<core_parallel>, #tpu.dimension_semantics<subcore_parallel>], iteration_bounds = array<i64: 2, 16>, scalar_prefetch = 0 : i64, scratch_operands = 7 : i64, tpu.core_type = #tpu.core_type<sc_vector_subcore>, window_params = [{transform_indices = #map}, {transform_indices = #map1}, {transform_indices = #map}]} {
    %mul3A = arith.constant 2 : i32
    %mul3A_0 = arith.muli %arg1, %mul3A : i32
    %add3A = arith.addi %mul3A_0, %arg0 : i32
    %scan3A = arith.constant 0 : i32
    %scan3A_1 = arith.constant 0 : i32
    %scan3A_2 = arith.constant 128 : i32
    %scan3A_3 = arith.addi %scan3A_1, %scan3A_2 : i32
    %scan3A_4 = arith.constant 1 : i32
    scf.for %scan3A_42 = %scan3A_1 to %scan3A_3 step %scan3A_4  : i32 {
      %broadcast_in_dim3A = arith.constant 0.000000e+00 : f32
      %broadcast_in_dim3A_43 = vector.broadcast %broadcast_in_dim3A : f32 to vector<16xf32>
      %swap3A = arith.index_cast %scan3A_42 : i32 to index
      %swap3A_44 = arith.constant 0 : index
      %swap3A_45 = tpu.vector_load %arg7[%swap3A, %swap3A_44] {strides = array<i32>} : memref<128x128xf32, #tpu.memory_space<vmem>>, vector<1x16xf32>,
      %swap3A_46 = vector.shape_cast %swap3A_45 : vector<1x16xf32> to vector<16xf32>
      %swap3A_47 = vector.shape_cast %broadcast_in_dim3A_43 : vector<16xf32> to vector<1x16xf32>
      tpu.vector_store %arg7[%swap3A, %swap3A_44], %swap3A_47 {strides = array<i32>} : memref<128x128xf32, #tpu.memory_space<vmem>>, vector<1x16xf32>,
      %broadcast_in_dim3A_48 = arith.constant 0.000000e+00 : f32
      %broadcast_in_dim3A_49 = vector.broadcast %broadcast_in_dim3A_48 : f32 to vector<16xf32>
      %swap3A_50 = arith.index_cast %scan3A_42 : i32 to index
      %swap3A_51 = arith.constant 16 : index
      %swap3A_52 = tpu.vector_load %arg7[%swap3A_50, %swap3A_51] {strides = array<i32>} : memref<128x128xf32, #tpu.memory_space<vmem>>, vector<1x16xf32>,
      %swap3A_53 = vector.shape_cast %swap3A_52 : vector<1x16xf32> to vector<16xf32>
      %swap3A_54 = vector.shape_cast %broadcast_in_dim3A_49 : vector<16xf32> to vector<1x16xf32>
      tpu.vector_store %arg7[%swap3A_50, %swap3A_51], %swap3A_54 {strides = array<i32>} : memref<128x128xf32, #tpu.memory_space<vmem>>, vector<1x16xf32>,
      %broadcast_in_dim3A_55 = arith.constant 0.000000e+00 : f32
      %broadcast_in_dim3A_56 = vector.broadcast %broadcast_in_dim3A_55 : f32 to vector<16xf32>
      %swap3A_57 = arith.index_cast %scan3A_42 : i32 to index
      %swap3A_58 = arith.constant 32 : index
      %swap3A_59 = tpu.vector_load %arg7[%swap3A_57, %swap3A_58] {strides = array<i32>} : memref<128x128xf32, #tpu.memory_space<vmem>>, vector<1x16xf32>,
      %swap3A_60 = vector.shape_cast %swap3A_59 : vector<1x16xf32> to vector<16xf32>
      %swap3A_61 = vector.shape_cast %broadcast_in_dim3A_56 : vector<16xf32> to vector<1x16xf32>
      tpu.vector_store %arg7[%swap3A_57, %swap3A_58], %swap3A_61 {strides = array<i32>} : memref<128x128xf32, #tpu.memory_space<vmem>>, vector<1x16xf32>,
      %broadcast_in_dim3A_62 = arith.constant 0.000000e+00 : f32
      %broadcast_in_dim3A_63 = vector.broadcast %broadcast_in_dim3A_62 : f32 to vector<16xf32>
      %swap3A_64 = arith.index_cast %scan3A_42 : i32 to index
      %swap3A_65 = arith.constant 48 : index
      %swap3A_66 = tpu.vector_load %arg7[%swap3A_64, %swap3A_65] {strides = array<i32>} : memref<128x128xf32, #tpu.memory_space<vmem>>, vector<1x16xf32>,
      %swap3A_67 = vector.shape_cast %swap3A_66 : vector<1x16xf32> to vector<16xf32>
      %swap3A_68 = vector.shape_cast %broadcast_in_dim3A_63 : vector<16xf32> to vector<1x16xf32>
      tpu.vector_store %arg7[%swap3A_64, %swap3A_65], %swap3A_68 {strides = array<i32>} : memref<128x128xf32, #tpu.memory_space<vmem>>, vector<1x16xf32>,
      %broadcast_in_dim3A_69 = arith.constant 0.000000e+00 : f32
      %broadcast_in_dim3A_70 = vector.broadcast %broadcast_in_dim3A_69 : f32 to vector<16xf32>
      %swap3A_71 = arith.index_cast %scan3A_42 : i32 to index
      %swap3A_72 = arith.constant 64 : index
      %swap3A_73 = tpu.vector_load %arg7[%swap3A_71, %swap3A_72] {strides = array<i32>} : memref<128x128xf32, #tpu.memory_space<vmem>>, vector<1x16xf32>,
      %swap3A_74 = vector.shape_cast %swap3A_73 : vector<1x16xf32> to vector<16xf32>
      %swap3A_75 = vector.shape_cast %broadcast_in_dim3A_70 : vector<16xf32> to vector<1x16xf32>
      tpu.vector_store %arg7[%swap3A_71, %swap3A_72], %swap3A_75 {strides = array<i32>} : memref<128x128xf32, #tpu.memory_space<vmem>>, vector<1x16xf32>,
      %broadcast_in_dim3A_76 = arith.constant 0.000000e+00 : f32
      %broadcast_in_dim3A_77 = vector.broadcast %broadcast_in_dim3A_76 : f32 to vector<16xf32>
      %swap3A_78 = arith.index_cast %scan3A_42 : i32 to index
      %swap3A_79 = arith.constant 80 : index
      %swap3A_80 = tpu.vector_load %arg7[%swap3A_78, %swap3A_79] {strides = array<i32>} : memref<128x128xf32, #tpu.memory_space<vmem>>, vector<1x16xf32>,
      %swap3A_81 = vector.shape_cast %swap3A_80 : vector<1x16xf32> to vector<16xf32>
      %swap3A_82 = vector.shape_cast %broadcast_in_dim3A_77 : vector<16xf32> to vector<1x16xf32>
      tpu.vector_store %arg7[%swap3A_78, %swap3A_79], %swap3A_82 {strides = array<i32>} : memref<128x128xf32, #tpu.memory_space<vmem>>, vector<1x16xf32>,
      %broadcast_in_dim3A_83 = arith.constant 0.000000e+00 : f32
      %broadcast_in_dim3A_84 = vector.broadcast %broadcast_in_dim3A_83 : f32 to vector<16xf32>
      %swap3A_85 = arith.index_cast %scan3A_42 : i32 to index
      %swap3A_86 = arith.constant 96 : index
      %swap3A_87 = tpu.vector_load %arg7[%swap3A_85, %swap3A_86] {strides = array<i32>} : memref<128x128xf32, #tpu.memory_space<vmem>>, vector<1x16xf32>,
      %swap3A_88 = vector.shape_cast %swap3A_87 : vector<1x16xf32> to vector<16xf32>
      %swap3A_89 = vector.shape_cast %broadcast_in_dim3A_84 : vector<16xf32> to vector<1x16xf32>
      tpu.vector_store %arg7[%swap3A_85, %swap3A_86], %swap3A_89 {strides = array<i32>} : memref<128x128xf32, #tpu.memory_space<vmem>>, vector<1x16xf32>,
      %broadcast_in_dim3A_90 = arith.constant 0.000000e+00 : f32
      %broadcast_in_dim3A_91 = vector.broadcast %broadcast_in_dim3A_90 : f32 to vector<16xf32>
      %swap3A_92 = arith.index_cast %scan3A_42 : i32 to index
      %swap3A_93 = arith.constant 112 : index
      %swap3A_94 = tpu.vector_load %arg7[%swap3A_92, %swap3A_93] {strides = array<i32>} : memref<128x128xf32, #tpu.memory_space<vmem>>, vector<1x16xf32>,
      %swap3A_95 = vector.shape_cast %swap3A_94 : vector<1x16xf32> to vector<16xf32>
      %swap3A_96 = vector.shape_cast %broadcast_in_dim3A_91 : vector<16xf32> to vector<1x16xf32>
      tpu.vector_store %arg7[%swap3A_92, %swap3A_93], %swap3A_96 {strides = array<i32>} : memref<128x128xf32, #tpu.memory_space<vmem>>, vector<1x16xf32>,
    }
    %scan3A_5 = arith.constant 128 : i32
    %mul3A_6 = arith.constant 640 : i32
    %mul3A_7 = arith.muli %arg1, %mul3A_6 : i32
    %add3A_8 = arith.constant 0 : i32
    %add3A_9 = arith.addi %mul3A_7, %add3A_8 : i32
    "tpu.region"() ({
      %run_scoped3A = tpu.sem_alloc : memref<!tpu.dma_semaphore, #tpu.memory_space<semaphore_mem>>
      %dma_start3A = arith.constant 0 : i32
      %dma_start3A_42 = tpu.memref_slice %arg9[%add3A_9, %dma_start3A] : memref<10240x128xf32, #tpu.memory_space<vmem_shared>> -> memref<128x128xf32, #tpu.memory_space<vmem_shared>>
      %dma_start3A_43 = arith.constant 0 : i32
      %dma_start3A_44 = tpu.memref_slice %arg9[%add3A_9, %dma_start3A_43] : memref<10240x128xf32, #tpu.memory_space<vmem_shared>> -> memref<128x128xf32, #tpu.memory_space<vmem_shared>>
      tpu.enqueue_dma source(%arg7 : memref<128x128xf32, #tpu.memory_space<vmem>>) target(%dma_start3A_44 : memref<128x128xf32, #tpu.memory_space<vmem_shared>>) target_semaphore(%run_scoped3A : memref<!tpu.dma_semaphore, #tpu.memory_space<semaphore_mem>>)
      %dma_wait3A = arith.constant 0 : i32
      %dma_wait3A_45 = tpu.memref_slice %arg9[%add3A_9, %dma_wait3A] : memref<10240x128xf32, #tpu.memory_space<vmem_shared>> -> memref<128x128xf32, #tpu.memory_space<vmem_shared>>
      %dma_wait3A_46 = arith.constant 0 : i32
      %dma_wait3A_47 = tpu.memref_slice %arg9[%add3A_9, %dma_wait3A_46] : memref<10240x128xf32, #tpu.memory_space<vmem_shared>> -> memref<128x128xf32, #tpu.memory_space<vmem_shared>>
      tpu.wait_dma2 semaphore(%run_scoped3A : memref<!tpu.dma_semaphore, #tpu.memory_space<semaphore_mem>>) src(%arg7 : memref<128x128xf32, #tpu.memory_space<vmem>>) dst(%dma_wait3A_47 : memref<128x128xf32, #tpu.memory_space<vmem_shared>>)
      tpu.yield
    }) : () -> ()
    %mul3A_10 = arith.constant 640 : i32
    %mul3A_11 = arith.muli %arg1, %mul3A_10 : i32
    %add3A_12 = arith.constant 128 : i32
    %add3A_13 = arith.addi %mul3A_11, %add3A_12 : i32
    "tpu.region"() ({
      %run_scoped3A = tpu.sem_alloc : memref<!tpu.dma_semaphore, #tpu.memory_space<semaphore_mem>>
      %dma_start3A = arith.constant 0 : i32
      %dma_start3A_42 = tpu.memref_slice %arg9[%add3A_13, %dma_start3A] : memref<10240x128xf32, #tpu.memory_space<vmem_shared>> -> memref<128x128xf32, #tpu.memory_space<vmem_shared>>
      %dma_start3A_43 = arith.constant 0 : i32
      %dma_start3A_44 = tpu.memref_slice %arg9[%add3A_13, %dma_start3A_43] : memref<10240x128xf32, #tpu.memory_space<vmem_shared>> -> memref<128x128xf32, #tpu.memory_space<vmem_shared>>
      tpu.enqueue_dma source(%arg7 : memref<128x128xf32, #tpu.memory_space<vmem>>) target(%dma_start3A_44 : memref<128x128xf32, #tpu.memory_space<vmem_shared>>) target_semaphore(%run_scoped3A : memref<!tpu.dma_semaphore, #tpu.memory_space<semaphore_mem>>)
      %dma_wait3A = arith.constant 0 : i32
      %dma_wait3A_45 = tpu.memref_slice %arg9[%add3A_13, %dma_wait3A] : memref<10240x128xf32, #tpu.memory_space<vmem_shared>> -> memref<128x128xf32, #tpu.memory_space<vmem_shared>>
      %dma_wait3A_46 = arith.constant 0 : i32
      %dma_wait3A_47 = tpu.memref_slice %arg9[%add3A_13, %dma_wait3A_46] : memref<10240x128xf32, #tpu.memory_space<vmem_shared>> -> memref<128x128xf32, #tpu.memory_space<vmem_shared>>
      tpu.wait_dma2 semaphore(%run_scoped3A : memref<!tpu.dma_semaphore, #tpu.memory_space<semaphore_mem>>) src(%arg7 : memref<128x128xf32, #tpu.memory_space<vmem>>) dst(%dma_wait3A_47 : memref<128x128xf32, #tpu.memory_space<vmem_shared>>)
      tpu.yield
    }) : () -> ()
    %mul3A_14 = arith.constant 640 : i32
    %mul3A_15 = arith.muli %arg1, %mul3A_14 : i32
    %add3A_16 = arith.constant 256 : i32
    %add3A_17 = arith.addi %mul3A_15, %add3A_16 : i32
    "tpu.region"() ({
      %run_scoped3A = tpu.sem_alloc : memref<!tpu.dma_semaphore, #tpu.memory_space<semaphore_mem>>
      %dma_start3A = arith.constant 0 : i32
      %dma_start3A_42 = tpu.memref_slice %arg9[%add3A_17, %dma_start3A] : memref<10240x128xf32, #tpu.memory_space<vmem_shared>> -> memref<128x128xf32, #tpu.memory_space<vmem_shared>>
      %dma_start3A_43 = arith.constant 0 : i32
      %dma_start3A_44 = tpu.memref_slice %arg9[%add3A_17, %dma_start3A_43] : memref<10240x128xf32, #tpu.memory_space<vmem_shared>> -> memref<128x128xf32, #tpu.memory_space<vmem_shared>>
      tpu.enqueue_dma source(%arg7 : memref<128x128xf32, #tpu.memory_space<vmem>>) target(%dma_start3A_44 : memref<128x128xf32, #tpu.memory_space<vmem_shared>>) target_semaphore(%run_scoped3A : memref<!tpu.dma_semaphore, #tpu.memory_space<semaphore_mem>>)
      %dma_wait3A = arith.constant 0 : i32
      %dma_wait3A_45 = tpu.memref_slice %arg9[%add3A_17, %dma_wait3A] : memref<10240x128xf32, #tpu.memory_space<vmem_shared>> -> memref<128x128xf32, #tpu.memory_space<vmem_shared>>
      %dma_wait3A_46 = arith.constant 0 : i32
      %dma_wait3A_47 = tpu.memref_slice %arg9[%add3A_17, %dma_wait3A_46] : memref<10240x128xf32, #tpu.memory_space<vmem_shared>> -> memref<128x128xf32, #tpu.memory_space<vmem_shared>>
      tpu.wait_dma2 semaphore(%run_scoped3A : memref<!tpu.dma_semaphore, #tpu.memory_space<semaphore_mem>>) src(%arg7 : memref<128x128xf32, #tpu.memory_space<vmem>>) dst(%dma_wait3A_47 : memref<128x128xf32, #tpu.memory_space<vmem_shared>>)
      tpu.yield
    }) : () -> ()
    %mul3A_18 = arith.constant 640 : i32
    %mul3A_19 = arith.muli %arg1, %mul3A_18 : i32
    %add3A_20 = arith.constant 384 : i32
    %add3A_21 = arith.addi %mul3A_19, %add3A_20 : i32
    "tpu.region"() ({
      %run_scoped3A = tpu.sem_alloc : memref<!tpu.dma_semaphore, #tpu.memory_space<semaphore_mem>>
      %dma_start3A = arith.constant 0 : i32
      %dma_start3A_42 = tpu.memref_slice %arg9[%add3A_21, %dma_start3A] : memref<10240x128xf32, #tpu.memory_space<vmem_shared>> -> memref<128x128xf32, #tpu.memory_space<vmem_shared>>
      %dma_start3A_43 = arith.constant 0 : i32
      %dma_start3A_44 = tpu.memref_slice %arg9[%add3A_21, %dma_start3A_43] : memref<10240x128xf32, #tpu.memory_space<vmem_shared>> -> memref<128x128xf32, #tpu.memory_space<vmem_shared>>
      tpu.enqueue_dma source(%arg7 : memref<128x128xf32, #tpu.memory_space<vmem>>) target(%dma_start3A_44 : memref<128x128xf32, #tpu.memory_space<vmem_shared>>) target_semaphore(%run_scoped3A : memref<!tpu.dma_semaphore, #tpu.memory_space<semaphore_mem>>)
      %dma_wait3A = arith.constant 0 : i32
      %dma_wait3A_45 = tpu.memref_slice %arg9[%add3A_21, %dma_wait3A] : memref<10240x128xf32, #tpu.memory_space<vmem_shared>> -> memref<128x128xf32, #tpu.memory_space<vmem_shared>>
      %dma_wait3A_46 = arith.constant 0 : i32
      %dma_wait3A_47 = tpu.memref_slice %arg9[%add3A_21, %dma_wait3A_46] : memref<10240x128xf32, #tpu.memory_space<vmem_shared>> -> memref<128x128xf32, #tpu.memory_space<vmem_shared>>
      tpu.wait_dma2 semaphore(%run_scoped3A : memref<!tpu.dma_semaphore, #tpu.memory_space<semaphore_mem>>) src(%arg7 : memref<128x128xf32, #tpu.memory_space<vmem>>) dst(%dma_wait3A_47 : memref<128x128xf32, #tpu.memory_space<vmem_shared>>)
      tpu.yield
    }) : () -> ()
    %mul3A_22 = arith.constant 640 : i32
    %mul3A_23 = arith.muli %arg1, %mul3A_22 : i32
    %add3A_24 = arith.constant 512 : i32
    %add3A_25 = arith.addi %mul3A_23, %add3A_24 : i32
    "tpu.region"() ({
      %run_scoped3A = tpu.sem_alloc : memref<!tpu.dma_semaphore, #tpu.memory_space<semaphore_mem>>
      %dma_start3A = arith.constant 0 : i32
      %dma_start3A_42 = tpu.memref_slice %arg9[%add3A_25, %dma_start3A] : memref<10240x128xf32, #tpu.memory_space<vmem_shared>> -> memref<128x128xf32, #tpu.memory_space<vmem_shared>>
      %dma_start3A_43 = arith.constant 0 : i32
      %dma_start3A_44 = tpu.memref_slice %arg9[%add3A_25, %dma_start3A_43] : memref<10240x128xf32, #tpu.memory_space<vmem_shared>> -> memref<128x128xf32, #tpu.memory_space<vmem_shared>>
      tpu.enqueue_dma source(%arg7 : memref<128x128xf32, #tpu.memory_space<vmem>>) target(%dma_start3A_44 : memref<128x128xf32, #tpu.memory_space<vmem_shared>>) target_semaphore(%run_scoped3A : memref<!tpu.dma_semaphore, #tpu.memory_space<semaphore_mem>>)
      %dma_wait3A = arith.constant 0 : i32
      %dma_wait3A_45 = tpu.memref_slice %arg9[%add3A_25, %dma_wait3A] : memref<10240x128xf32, #tpu.memory_space<vmem_shared>> -> memref<128x128xf32, #tpu.memory_space<vmem_shared>>
      %dma_wait3A_46 = arith.constant 0 : i32
      %dma_wait3A_47 = tpu.memref_slice %arg9[%add3A_25, %dma_wait3A_46] : memref<10240x128xf32, #tpu.memory_space<vmem_shared>> -> memref<128x128xf32, #tpu.memory_space<vmem_shared>>
      tpu.wait_dma2 semaphore(%run_scoped3A : memref<!tpu.dma_semaphore, #tpu.memory_space<semaphore_mem>>) src(%arg7 : memref<128x128xf32, #tpu.memory_space<vmem>>) dst(%dma_wait3A_47 : memref<128x128xf32, #tpu.memory_space<vmem_shared>>)
      tpu.yield
    }) : () -> ()
    %barrier3A = arith.constant 0 : index
    tpu.barrier barrier_id(%barrier3A)
    %lt3A = arith.constant 31 : i32
    %lt3A_26 = arith.cmpi slt, %add3A, %lt3A : i32
    %convert_element_type3A = arith.extui %lt3A_26 : i1 to i32
    %cond3A = arith.constant 0 : i32
    %cond3A_27 = arith.cmpi ne, %convert_element_type3A, %cond3A : i32
    scf.if %cond3A_27 {
      %mul3A_42 = arith.constant 80 : i32
      %mul3A_43 = arith.muli %add3A, %mul3A_42 : i32
      %add3A_44 = arith.constant 0 : i32
      %add3A_45 = arith.addi %mul3A_43, %add3A_44 : i32
      %run_scoped3A = arith.constant 0 : i32
      "tpu.region"() ({
        %run_scoped3A_81 = tpu.sem_alloc : memref<!tpu.dma_semaphore, #tpu.memory_space<semaphore_mem>>
        %dma_start3A_82 = arith.constant 0 : i32
        %dma_start3A_83 = tpu.memref_slice %arg2[%run_scoped3A, %add3A_45, %dma_start3A_82] : memref<2x2500x128xi32, #tpu.memory_space<hbm>> -> memref<1x40x128xi32, #tpu.memory_space<hbm>>
        %dma_start3A_84 = tpu.memref_squeeze %dma_start3A_83 : memref<1x40x128xi32, #tpu.memory_space<hbm>> -> memref<40x128xi32, #tpu.memory_space<hbm>>
        %dma_start3A_85 = arith.constant 0 : i32
        %dma_start3A_86 = tpu.memref_slice %arg2[%run_scoped3A, %add3A_45, %dma_start3A_85] : memref<2x2500x128xi32, #tpu.memory_space<hbm>> -> memref<1x40x128xi32, #tpu.memory_space<hbm>>
        %dma_start3A_87 = tpu.memref_squeeze %dma_start3A_86 : memref<1x40x128xi32, #tpu.memory_space<hbm>> -> memref<40x128xi32, #tpu.memory_space<hbm>>
        tpu.enqueue_dma source(%dma_start3A_87 : memref<40x128xi32, #tpu.memory_space<hbm>>) target(%arg5 : memref<40x128xi32, #tpu.memory_space<vmem>>) target_semaphore(%run_scoped3A_81 : memref<!tpu.dma_semaphore, #tpu.memory_space<semaphore_mem>>)
        %dma_wait3A_88 = arith.constant 0 : i32
        %dma_wait3A_89 = tpu.memref_slice %arg2[%run_scoped3A, %add3A_45, %dma_wait3A_88] : memref<2x2500x128xi32, #tpu.memory_space<hbm>> -> memref<1x40x128xi32, #tpu.memory_space<hbm>>
        %dma_wait3A_90 = tpu.memref_squeeze %dma_wait3A_89 : memref<1x40x128xi32, #tpu.memory_space<hbm>> -> memref<40x128xi32, #tpu.memory_space<hbm>>
        %dma_wait3A_91 = arith.constant 0 : i32
        %dma_wait3A_92 = tpu.memref_slice %arg2[%run_scoped3A, %add3A_45, %dma_wait3A_91] : memref<2x2500x128xi32, #tpu.memory_space<hbm>> -> memref<1x40x128xi32, #tpu.memory_space<hbm>>
        %dma_wait3A_93 = tpu.memref_squeeze %dma_wait3A_92 : memref<1x40x128xi32, #tpu.memory_space<hbm>> -> memref<40x128xi32, #tpu.memory_space<hbm>>
        tpu.wait_dma2 semaphore(%run_scoped3A_81 : memref<!tpu.dma_semaphore, #tpu.memory_space<semaphore_mem>>) src(%dma_wait3A_93 : memref<40x128xi32, #tpu.memory_space<hbm>>) dst(%arg5 : memref<40x128xi32, #tpu.memory_space<vmem>>)
        tpu.yield
      }) : () -> ()
      %run_scoped3A_46 = arith.constant 1 : i32
      "tpu.region"() ({
        %run_scoped3A_81 = tpu.sem_alloc : memref<!tpu.dma_semaphore, #tpu.memory_space<semaphore_mem>>
        %dma_start3A_82 = arith.constant 0 : i32
        %dma_start3A_83 = tpu.memref_slice %arg2[%run_scoped3A_46, %add3A_45, %dma_start3A_82] : memref<2x2500x128xi32, #tpu.memory_space<hbm>> -> memref<1x40x128xi32, #tpu.memory_space<hbm>>
        %dma_start3A_84 = tpu.memref_squeeze %dma_start3A_83 : memref<1x40x128xi32, #tpu.memory_space<hbm>> -> memref<40x128xi32, #tpu.memory_space<hbm>>
        %dma_start3A_85 = arith.constant 0 : i32
        %dma_start3A_86 = tpu.memref_slice %arg2[%run_scoped3A_46, %add3A_45, %dma_start3A_85] : memref<2x2500x128xi32, #tpu.memory_space<hbm>> -> memref<1x40x128xi32, #tpu.memory_space<hbm>>
        %dma_start3A_87 = tpu.memref_squeeze %dma_start3A_86 : memref<1x40x128xi32, #tpu.memory_space<hbm>> -> memref<40x128xi32, #tpu.memory_space<hbm>>
        tpu.enqueue_dma source(%dma_start3A_87 : memref<40x128xi32, #tpu.memory_space<hbm>>) target(%arg6 : memref<40x128xi32, #tpu.memory_space<vmem>>) target_semaphore(%run_scoped3A_81 : memref<!tpu.dma_semaphore, #tpu.memory_space<semaphore_mem>>)
        %dma_wait3A_88 = arith.constant 0 : i32
        %dma_wait3A_89 = tpu.memref_slice %arg2[%run_scoped3A_46, %add3A_45, %dma_wait3A_88] : memref<2x2500x128xi32, #tpu.memory_space<hbm>> -> memref<1x40x128xi32, #tpu.memory_space<hbm>>
        %dma_wait3A_90 = tpu.memref_squeeze %dma_wait3A_89 : memref<1x40x128xi32, #tpu.memory_space<hbm>> -> memref<40x128xi32, #tpu.memory_space<hbm>>
        %dma_wait3A_91 = arith.constant 0 : i32
        %dma_wait3A_92 = tpu.memref_slice %arg2[%run_scoped3A_46, %add3A_45, %dma_wait3A_91] : memref<2x2500x128xi32, #tpu.memory_space<hbm>> -> memref<1x40x128xi32, #tpu.memory_space<hbm>>
        %dma_wait3A_93 = tpu.memref_squeeze %dma_wait3A_92 : memref<1x40x128xi32, #tpu.memory_space<hbm>> -> memref<40x128xi32, #tpu.memory_space<hbm>>
        tpu.wait_dma2 semaphore(%run_scoped3A_81 : memref<!tpu.dma_semaphore, #tpu.memory_space<semaphore_mem>>) src(%dma_wait3A_93 : memref<40x128xi32, #tpu.memory_space<hbm>>) dst(%arg6 : memref<40x128xi32, #tpu.memory_space<vmem>>)
        tpu.yield
      }) : () -> ()
      %dma_start3A = arith.constant 0 : i32
      %dma_start3A_47 = arith.constant 0 : i32
      %dma_start3A_48 = tpu.memref_slice %arg5[%dma_start3A, %dma_start3A_47] : memref<40x128xi32, #tpu.memory_space<vmem>> -> memref<1x128xi32, #tpu.memory_space<vmem>>
      %dma_start3A_49 = tpu.memref_squeeze %dma_start3A_48 : memref<1x128xi32, #tpu.memory_space<vmem>> -> memref<128xi32, #tpu.memory_space<vmem>>
      %dma_start3A_50 = arith.constant 0 : i32
      %dma_start3A_51 = arith.constant 0 : i32
      %dma_start3A_52 = tpu.memref_slice %arg3[%dma_start3A_50, %dma_start3A_51] : memref<10000x128xf32, #tpu.memory_space<hbm>> -> memref<10000x128xf32, #tpu.memory_space<hbm>>
      tpu.enqueue_indirect_dma source(%dma_start3A_52 : memref<10000x128xf32, #tpu.memory_space<hbm>>) target(%arg7 : memref<128x128xf32, #tpu.memory_space<vmem>>) offsets(%dma_start3A_49 : memref<128xi32, #tpu.memory_space<vmem>>) semaphore(%arg10 : memref<!tpu.dma_semaphore, #tpu.memory_space<semaphore_mem>>)
      %scan3A_53 = arith.constant 0 : i32
      %scan3A_54 = arith.constant 0 : i32
      %scan3A_55 = arith.constant 19 : i32
      %scan3A_56 = arith.addi %scan3A_54, %scan3A_55 : i32
      %scan3A_57 = arith.constant 1 : i32
      scf.for %scan3A_81 = %scan3A_54 to %scan3A_56 step %scan3A_57  : i32 {
        %mul3A_82 = arith.constant 2 : i32
        %mul3A_83 = arith.muli %scan3A_81, %mul3A_82 : i32
        %add3A_84 = arith.constant 1 : i32
        %add3A_85 = arith.addi %mul3A_83, %add3A_84 : i32
        %dma_start3A_86 = arith.constant 0 : i32
        %dma_start3A_87 = tpu.memref_slice %arg5[%add3A_85, %dma_start3A_86] : memref<40x128xi32, #tpu.memory_space<vmem>> -> memref<1x128xi32, #tpu.memory_space<vmem>>
        %dma_start3A_88 = tpu.memref_squeeze %dma_start3A_87 : memref<1x128xi32, #tpu.memory_space<vmem>> -> memref<128xi32, #tpu.memory_space<vmem>>
        %dma_start3A_89 = arith.constant 0 : i32
        %dma_start3A_90 = arith.constant 0 : i32
        %dma_start3A_91 = tpu.memref_slice %arg3[%dma_start3A_89, %dma_start3A_90] : memref<10000x128xf32, #tpu.memory_space<hbm>> -> memref<10000x128xf32, #tpu.memory_space<hbm>>
        tpu.enqueue_indirect_dma source(%dma_start3A_91 : memref<10000x128xf32, #tpu.memory_space<hbm>>) target(%arg8 : memref<128x128xf32, #tpu.memory_space<vmem>>) offsets(%dma_start3A_88 : memref<128xi32, #tpu.memory_space<vmem>>) semaphore(%arg11 : memref<!tpu.dma_semaphore, #tpu.memory_space<semaphore_mem>>)
        %dma_wait3A_92 = arith.constant 0 : i32
        %dma_wait3A_93 = tpu.memref_slice %arg5[%mul3A_83, %dma_wait3A_92] : memref<40x128xi32, #tpu.memory_space<vmem>> -> memref<1x128xi32, #tpu.memory_space<vmem>>
        %dma_wait3A_94 = tpu.memref_squeeze %dma_wait3A_93 : memref<1x128xi32, #tpu.memory_space<vmem>> -> memref<128xi32, #tpu.memory_space<vmem>>
        %dma_wait3A_95 = arith.constant 0 : i32
        %dma_wait3A_96 = arith.constant 0 : i32
        %dma_wait3A_97 = tpu.memref_slice %arg3[%dma_wait3A_95, %dma_wait3A_96] : memref<10000x128xf32, #tpu.memory_space<hbm>> -> memref<10000x128xf32, #tpu.memory_space<hbm>>
        tpu.wait_indirect_dma semaphore(%arg10 : memref<!tpu.dma_semaphore, #tpu.memory_space<semaphore_mem>>) src(%dma_wait3A_97 : memref<10000x128xf32, #tpu.memory_space<hbm>>) dst(%arg7 : memref<128x128xf32, #tpu.memory_space<vmem>>)
        "tpu.region"() ({
          %run_scoped3A_116 = tpu.sem_alloc : memref<!tpu.dma_semaphore, #tpu.memory_space<semaphore_mem>>
          %dma_start3A_117 = arith.constant 0 : i32
          %dma_start3A_118 = tpu.memref_slice %arg6[%mul3A_83, %dma_start3A_117] : memref<40x128xi32, #tpu.memory_space<vmem>> -> memref<1x128xi32, #tpu.memory_space<vmem>>
          %dma_start3A_119 = tpu.memref_squeeze %dma_start3A_118 : memref<1x128xi32, #tpu.memory_space<vmem>> -> memref<128xi32, #tpu.memory_space<vmem>>
          %dma_start3A_120 = arith.constant 0 : i32
          %dma_start3A_121 = arith.constant 0 : i32
          %dma_start3A_122 = tpu.memref_slice %arg9[%dma_start3A_120, %dma_start3A_121] : memref<10240x128xf32, #tpu.memory_space<vmem_shared>> -> memref<10240x128xf32, #tpu.memory_space<vmem_shared>>
          tpu.enqueue_indirect_dma source(%arg7 : memref<128x128xf32, #tpu.memory_space<vmem>>) target(%dma_start3A_122 : memref<10240x128xf32, #tpu.memory_space<vmem_shared>>) offsets(%dma_start3A_119 : memref<128xi32, #tpu.memory_space<vmem>>) semaphore(%run_scoped3A_116 : memref<!tpu.dma_semaphore, #tpu.memory_space<semaphore_mem>>) {add = true}
          %dma_wait3A_123 = arith.constant 0 : i32
          %dma_wait3A_124 = tpu.memref_slice %arg6[%mul3A_83, %dma_wait3A_123] : memref<40x128xi32, #tpu.memory_space<vmem>> -> memref<1x128xi32, #tpu.memory_space<vmem>>
          %dma_wait3A_125 = tpu.memref_squeeze %dma_wait3A_124 : memref<1x128xi32, #tpu.memory_space<vmem>> -> memref<128xi32, #tpu.memory_space<vmem>>
          %dma_wait3A_126 = arith.constant 0 : i32
          %dma_wait3A_127 = arith.constant 0 : i32
          %dma_wait3A_128 = tpu.memref_slice %arg9[%dma_wait3A_126, %dma_wait3A_127] : memref<10240x128xf32, #tpu.memory_space<vmem_shared>> -> memref<10240x128xf32, #tpu.memory_space<vmem_shared>>
          tpu.wait_indirect_dma semaphore(%run_scoped3A_116 : memref<!tpu.dma_semaphore, #tpu.memory_space<semaphore_mem>>) src(%arg7 : memref<128x128xf32, #tpu.memory_space<vmem>>) dst(%dma_wait3A_128 : memref<10240x128xf32, #tpu.memory_space<vmem_shared>>)
          tpu.yield
        }) : () -> ()
        %add3A_98 = arith.constant 2 : i32
        %add3A_99 = arith.addi %mul3A_83, %add3A_98 : i32
        %dma_start3A_100 = arith.constant 0 : i32
        %dma_start3A_101 = tpu.memref_slice %arg5[%add3A_99, %dma_start3A_100] : memref<40x128xi32, #tpu.memory_space<vmem>> -> memref<1x128xi32, #tpu.memory_space<vmem>>
        %dma_start3A_102 = tpu.memref_squeeze %dma_start3A_101 : memref<1x128xi32, #tpu.memory_space<vmem>> -> memref<128xi32, #tpu.memory_space<vmem>>
        %dma_start3A_103 = arith.constant 0 : i32
        %dma_start3A_104 = arith.constant 0 : i32
        %dma_start3A_105 = tpu.memref_slice %arg3[%dma_start3A_103, %dma_start3A_104] : memref<10000x128xf32, #tpu.memory_space<hbm>> -> memref<10000x128xf32, #tpu.memory_space<hbm>>
        tpu.enqueue_indirect_dma source(%dma_start3A_105 : memref<10000x128xf32, #tpu.memory_space<hbm>>) target(%arg7 : memref<128x128xf32, #tpu.memory_space<vmem>>) offsets(%dma_start3A_102 : memref<128xi32, #tpu.memory_space<vmem>>) semaphore(%arg10 : memref<!tpu.dma_semaphore, #tpu.memory_space<semaphore_mem>>)
        %add3A_106 = arith.constant 1 : i32
        %add3A_107 = arith.addi %mul3A_83, %add3A_106 : i32
        %dma_wait3A_108 = arith.constant 0 : i32
        %dma_wait3A_109 = tpu.memref_slice %arg5[%add3A_107, %dma_wait3A_108] : memref<40x128xi32, #tpu.memory_space<vmem>> -> memref<1x128xi32, #tpu.memory_space<vmem>>
        %dma_wait3A_110 = tpu.memref_squeeze %dma_wait3A_109 : memref<1x128xi32, #tpu.memory_space<vmem>> -> memref<128xi32, #tpu.memory_space<vmem>>
        %dma_wait3A_111 = arith.constant 0 : i32
        %dma_wait3A_112 = arith.constant 0 : i32
        %dma_wait3A_113 = tpu.memref_slice %arg3[%dma_wait3A_111, %dma_wait3A_112] : memref<10000x128xf32, #tpu.memory_space<hbm>> -> memref<10000x128xf32, #tpu.memory_space<hbm>>
        tpu.wait_indirect_dma semaphore(%arg11 : memref<!tpu.dma_semaphore, #tpu.memory_space<semaphore_mem>>) src(%dma_wait3A_113 : memref<10000x128xf32, #tpu.memory_space<hbm>>) dst(%arg8 : memref<128x128xf32, #tpu.memory_space<vmem>>)
        %add3A_114 = arith.constant 1 : i32
        %add3A_115 = arith.addi %mul3A_83, %add3A_114 : i32
        "tpu.region"() ({
          %run_scoped3A_116 = tpu.sem_alloc : memref<!tpu.dma_semaphore, #tpu.memory_space<semaphore_mem>>
          %dma_start3A_117 = arith.constant 0 : i32
          %dma_start3A_118 = tpu.memref_slice %arg6[%add3A_115, %dma_start3A_117] : memref<40x128xi32, #tpu.memory_space<vmem>> -> memref<1x128xi32, #tpu.memory_space<vmem>>
          %dma_start3A_119 = tpu.memref_squeeze %dma_start3A_118 : memref<1x128xi32, #tpu.memory_space<vmem>> -> memref<128xi32, #tpu.memory_space<vmem>>
          %dma_start3A_120 = arith.constant 0 : i32
          %dma_start3A_121 = arith.constant 0 : i32
          %dma_start3A_122 = tpu.memref_slice %arg9[%dma_start3A_120, %dma_start3A_121] : memref<10240x128xf32, #tpu.memory_space<vmem_shared>> -> memref<10240x128xf32, #tpu.memory_space<vmem_shared>>
          tpu.enqueue_indirect_dma source(%arg8 : memref<128x128xf32, #tpu.memory_space<vmem>>) target(%dma_start3A_122 : memref<10240x128xf32, #tpu.memory_space<vmem_shared>>) offsets(%dma_start3A_119 : memref<128xi32, #tpu.memory_space<vmem>>) semaphore(%run_scoped3A_116 : memref<!tpu.dma_semaphore, #tpu.memory_space<semaphore_mem>>) {add = true}
          %dma_wait3A_123 = arith.constant 0 : i32
          %dma_wait3A_124 = tpu.memref_slice %arg6[%add3A_115, %dma_wait3A_123] : memref<40x128xi32, #tpu.memory_space<vmem>> -> memref<1x128xi32, #tpu.memory_space<vmem>>
          %dma_wait3A_125 = tpu.memref_squeeze %dma_wait3A_124 : memref<1x128xi32, #tpu.memory_space<vmem>> -> memref<128xi32, #tpu.memory_space<vmem>>
          %dma_wait3A_126 = arith.constant 0 : i32
          %dma_wait3A_127 = arith.constant 0 : i32
          %dma_wait3A_128 = tpu.memref_slice %arg9[%dma_wait3A_126, %dma_wait3A_127] : memref<10240x128xf32, #tpu.memory_space<vmem_shared>> -> memref<10240x128xf32, #tpu.memory_space<vmem_shared>>
          tpu.wait_indirect_dma semaphore(%run_scoped3A_116 : memref<!tpu.dma_semaphore, #tpu.memory_space<semaphore_mem>>) src(%arg8 : memref<128x128xf32, #tpu.memory_space<vmem>>) dst(%dma_wait3A_128 : memref<10240x128xf32, #tpu.memory_space<vmem_shared>>)
          tpu.yield
        }) : () -> ()
      }
      %scan3A_58 = arith.constant 19 : i32
      %dma_start3A_59 = arith.constant 39 : i32
      %dma_start3A_60 = arith.constant 0 : i32
      %dma_start3A_61 = tpu.memref_slice %arg5[%dma_start3A_59, %dma_start3A_60] : memref<40x128xi32, #tpu.memory_space<vmem>> -> memref<1x128xi32, #tpu.memory_space<vmem>>
      %dma_start3A_62 = tpu.memref_squeeze %dma_start3A_61 : memref<1x128xi32, #tpu.memory_space<vmem>> -> memref<128xi32, #tpu.memory_space<vmem>>
      %dma_start3A_63 = arith.constant 0 : i32
      %dma_start3A_64 = arith.constant 0 : i32
      %dma_start3A_65 = tpu.memref_slice %arg3[%dma_start3A_63, %dma_start3A_64] : memref<10000x128xf32, #tpu.memory_space<hbm>> -> memref<10000x128xf32, #tpu.memory_space<hbm>>
      tpu.enqueue_indirect_dma source(%dma_start3A_65 : memref<10000x128xf32, #tpu.memory_space<hbm>>) target(%arg8 : memref<128x128xf32, #tpu.memory_space<vmem>>) offsets(%dma_start3A_62 : memref<128xi32, #tpu.memory_space<vmem>>) semaphore(%arg11 : memref<!tpu.dma_semaphore, #tpu.memory_space<semaphore_mem>>)
      %dma_wait3A = arith.constant 38 : i32
      %dma_wait3A_66 = arith.constant 0 : i32
      %dma_wait3A_67 = tpu.memref_slice %arg5[%dma_wait3A, %dma_wait3A_66] : memref<40x128xi32, #tpu.memory_space<vmem>> -> memref<1x128xi32, #tpu.memory_space<vmem>>
      %dma_wait3A_68 = tpu.memref_squeeze %dma_wait3A_67 : memref<1x128xi32, #tpu.memory_space<vmem>> -> memref<128xi32, #tpu.memory_space<vmem>>
      %dma_wait3A_69 = arith.constant 0 : i32
      %dma_wait3A_70 = arith.constant 0 : i32
      %dma_wait3A_71 = tpu.memref_slice %arg3[%dma_wait3A_69, %dma_wait3A_70] : memref<10000x128xf32, #tpu.memory_space<hbm>> -> memref<10000x128xf32, #tpu.memory_space<hbm>>
      tpu.wait_indirect_dma semaphore(%arg10 : memref<!tpu.dma_semaphore, #tpu.memory_space<semaphore_mem>>) src(%dma_wait3A_71 : memref<10000x128xf32, #tpu.memory_space<hbm>>) dst(%arg7 : memref<128x128xf32, #tpu.memory_space<vmem>>)
      %run_scoped3A_72 = arith.constant 38 : i32
      "tpu.region"() ({
        %run_scoped3A_81 = tpu.sem_alloc : memref<!tpu.dma_semaphore, #tpu.memory_space<semaphore_mem>>
        %dma_start3A_82 = arith.constant 0 : i32
        %dma_start3A_83 = tpu.memref_slice %arg6[%run_scoped3A_72, %dma_start3A_82] : memref<40x128xi32, #tpu.memory_space<vmem>> -> memref<1x128xi32, #tpu.memory_space<vmem>>
        %dma_start3A_84 = tpu.memref_squeeze %dma_start3A_83 : memref<1x128xi32, #tpu.memory_space<vmem>> -> memref<128xi32, #tpu.memory_space<vmem>>
        %dma_start3A_85 = arith.constant 0 : i32
        %dma_start3A_86 = arith.constant 0 : i32
        %dma_start3A_87 = tpu.memref_slice %arg9[%dma_start3A_85, %dma_start3A_86] : memref<10240x128xf32, #tpu.memory_space<vmem_shared>> -> memref<10240x128xf32, #tpu.memory_space<vmem_shared>>
        tpu.enqueue_indirect_dma source(%arg7 : memref<128x128xf32, #tpu.memory_space<vmem>>) target(%dma_start3A_87 : memref<10240x128xf32, #tpu.memory_space<vmem_shared>>) offsets(%dma_start3A_84 : memref<128xi32, #tpu.memory_space<vmem>>) semaphore(%run_scoped3A_81 : memref<!tpu.dma_semaphore, #tpu.memory_space<semaphore_mem>>) {add = true}
        %dma_wait3A_88 = arith.constant 0 : i32
        %dma_wait3A_89 = tpu.memref_slice %arg6[%run_scoped3A_72, %dma_wait3A_88] : memref<40x128xi32, #tpu.memory_space<vmem>> -> memref<1x128xi32, #tpu.memory_space<vmem>>
        %dma_wait3A_90 = tpu.memref_squeeze %dma_wait3A_89 : memref<1x128xi32, #tpu.memory_space<vmem>> -> memref<128xi32, #tpu.memory_space<vmem>>
        %dma_wait3A_91 = arith.constant 0 : i32
        %dma_wait3A_92 = arith.constant 0 : i32
        %dma_wait3A_93 = tpu.memref_slice %arg9[%dma_wait3A_91, %dma_wait3A_92] : memref<10240x128xf32, #tpu.memory_space<vmem_shared>> -> memref<10240x128xf32, #tpu.memory_space<vmem_shared>>
        tpu.wait_indirect_dma semaphore(%run_scoped3A_81 : memref<!tpu.dma_semaphore, #tpu.memory_space<semaphore_mem>>) src(%arg7 : memref<128x128xf32, #tpu.memory_space<vmem>>) dst(%dma_wait3A_93 : memref<10240x128xf32, #tpu.memory_space<vmem_shared>>)
        tpu.yield
      }) : () -> ()
      %dma_wait3A_73 = arith.constant 39 : i32
      %dma_wait3A_74 = arith.constant 0 : i32
      %dma_wait3A_75 = tpu.memref_slice %arg5[%dma_wait3A_73, %dma_wait3A_74] : memref<40x128xi32, #tpu.memory_space<vmem>> -> memref<1x128xi32, #tpu.memory_space<vmem>>
      %dma_wait3A_76 = tpu.memref_squeeze %dma_wait3A_75 : memref<1x128xi32, #tpu.memory_space<vmem>> -> memref<128xi32, #tpu.memory_space<vmem>>
      %dma_wait3A_77 = arith.constant 0 : i32
      %dma_wait3A_78 = arith.constant 0 : i32
      %dma_wait3A_79 = tpu.memref_slice %arg3[%dma_wait3A_77, %dma_wait3A_78] : memref<10000x128xf32, #tpu.memory_space<hbm>> -> memref<10000x128xf32, #tpu.memory_space<hbm>>
      tpu.wait_indirect_dma semaphore(%arg11 : memref<!tpu.dma_semaphore, #tpu.memory_space<semaphore_mem>>) src(%dma_wait3A_79 : memref<10000x128xf32, #tpu.memory_space<hbm>>) dst(%arg8 : memref<128x128xf32, #tpu.memory_space<vmem>>)
      %run_scoped3A_80 = arith.constant 39 : i32
      "tpu.region"() ({
        %run_scoped3A_81 = tpu.sem_alloc : memref<!tpu.dma_semaphore, #tpu.memory_space<semaphore_mem>>
        %dma_start3A_82 = arith.constant 0 : i32
        %dma_start3A_83 = tpu.memref_slice %arg6[%run_scoped3A_80, %dma_start3A_82] : memref<40x128xi32, #tpu.memory_space<vmem>> -> memref<1x128xi32, #tpu.memory_space<vmem>>
        %dma_start3A_84 = tpu.memref_squeeze %dma_start3A_83 : memref<1x128xi32, #tpu.memory_space<vmem>> -> memref<128xi32, #tpu.memory_space<vmem>>
        %dma_start3A_85 = arith.constant 0 : i32
        %dma_start3A_86 = arith.constant 0 : i32
        %dma_start3A_87 = tpu.memref_slice %arg9[%dma_start3A_85, %dma_start3A_86] : memref<10240x128xf32, #tpu.memory_space<vmem_shared>> -> memref<10240x128xf32, #tpu.memory_space<vmem_shared>>
        tpu.enqueue_indirect_dma source(%arg8 : memref<128x128xf32, #tpu.memory_space<vmem>>) target(%dma_start3A_87 : memref<10240x128xf32, #tpu.memory_space<vmem_shared>>) offsets(%dma_start3A_84 : memref<128xi32, #tpu.memory_space<vmem>>) semaphore(%run_scoped3A_81 : memref<!tpu.dma_semaphore, #tpu.memory_space<semaphore_mem>>) {add = true}
        %dma_wait3A_88 = arith.constant 0 : i32
        %dma_wait3A_89 = tpu.memref_slice %arg6[%run_scoped3A_80, %dma_wait3A_88] : memref<40x128xi32, #tpu.memory_space<vmem>> -> memref<1x128xi32, #tpu.memory_space<vmem>>
        %dma_wait3A_90 = tpu.memref_squeeze %dma_wait3A_89 : memref<1x128xi32, #tpu.memory_space<vmem>> -> memref<128xi32, #tpu.memory_space<vmem>>
        %dma_wait3A_91 = arith.constant 0 : i32
        %dma_wait3A_92 = arith.constant 0 : i32
        %dma_wait3A_93 = tpu.memref_slice %arg9[%dma_wait3A_91, %dma_wait3A_92] : memref<10240x128xf32, #tpu.memory_space<vmem_shared>> -> memref<10240x128xf32, #tpu.memory_space<vmem_shared>>
        tpu.wait_indirect_dma semaphore(%run_scoped3A_81 : memref<!tpu.dma_semaphore, #tpu.memory_space<semaphore_mem>>) src(%arg8 : memref<128x128xf32, #tpu.memory_space<vmem>>) dst(%dma_wait3A_93 : memref<10240x128xf32, #tpu.memory_space<vmem_shared>>)
        tpu.yield
      }) : () -> ()
    } else {
    }
    %eq3A = arith.constant 31 : i32
    %eq3A_28 = arith.cmpi eq, %add3A, %eq3A : i32
    %convert_element_type3A_29 = arith.extui %eq3A_28 : i1 to i32
    %cond3A_30 = arith.constant 0 : i32
    %cond3A_31 = arith.cmpi ne, %convert_element_type3A_29, %cond3A_30 : i32
    scf.if %cond3A_31 {
      %run_scoped3A = arith.constant 0 : i32
      "tpu.region"() ({
        %run_scoped3A_77 = tpu.sem_alloc : memref<!tpu.dma_semaphore, #tpu.memory_space<semaphore_mem>>
        %dma_start3A_78 = arith.constant 0 : i32
        %dma_start3A_79 = arith.constant 0 : i32
        %dma_start3A_80 = tpu.memref_slice %arg5[%dma_start3A_78, %dma_start3A_79] : memref<40x128xi32, #tpu.memory_space<vmem>> -> memref<20x128xi32, #tpu.memory_space<vmem>>
        %dma_start3A_81 = arith.constant 2480 : i32
        %dma_start3A_82 = arith.constant 0 : i32
        %dma_start3A_83 = tpu.memref_slice %arg2[%run_scoped3A, %dma_start3A_81, %dma_start3A_82] : memref<2x2500x128xi32, #tpu.memory_space<hbm>> -> memref<1x20x128xi32, #tpu.memory_space<hbm>>
        %dma_start3A_84 = tpu.memref_squeeze %dma_start3A_83 : memref<1x20x128xi32, #tpu.memory_space<hbm>> -> memref<20x128xi32, #tpu.memory_space<hbm>>
        %dma_start3A_85 = arith.constant 0 : i32
        %dma_start3A_86 = arith.constant 0 : i32
        %dma_start3A_87 = tpu.memref_slice %arg5[%dma_start3A_85, %dma_start3A_86] : memref<40x128xi32, #tpu.memory_space<vmem>> -> memref<20x128xi32, #tpu.memory_space<vmem>>
        %dma_start3A_88 = arith.constant 2480 : i32
        %dma_start3A_89 = arith.constant 0 : i32
        %dma_start3A_90 = tpu.memref_slice %arg2[%run_scoped3A, %dma_start3A_88, %dma_start3A_89] : memref<2x2500x128xi32, #tpu.memory_space<hbm>> -> memref<1x20x128xi32, #tpu.memory_space<hbm>>
        %dma_start3A_91 = tpu.memref_squeeze %dma_start3A_90 : memref<1x20x128xi32, #tpu.memory_space<hbm>> -> memref<20x128xi32, #tpu.memory_space<hbm>>
        tpu.enqueue_dma source(%dma_start3A_91 : memref<20x128xi32, #tpu.memory_space<hbm>>) target(%dma_start3A_87 : memref<20x128xi32, #tpu.memory_space<vmem>>) target_semaphore(%run_scoped3A_77 : memref<!tpu.dma_semaphore, #tpu.memory_space<semaphore_mem>>)
        %dma_wait3A_92 = arith.constant 0 : i32
        %dma_wait3A_93 = arith.constant 0 : i32
        %dma_wait3A_94 = tpu.memref_slice %arg5[%dma_wait3A_92, %dma_wait3A_93] : memref<40x128xi32, #tpu.memory_space<vmem>> -> memref<20x128xi32, #tpu.memory_space<vmem>>
        %dma_wait3A_95 = arith.constant 2480 : i32
        %dma_wait3A_96 = arith.constant 0 : i32
        %dma_wait3A_97 = tpu.memref_slice %arg2[%run_scoped3A, %dma_wait3A_95, %dma_wait3A_96] : memref<2x2500x128xi32, #tpu.memory_space<hbm>> -> memref<1x20x128xi32, #tpu.memory_space<hbm>>
        %dma_wait3A_98 = tpu.memref_squeeze %dma_wait3A_97 : memref<1x20x128xi32, #tpu.memory_space<hbm>> -> memref<20x128xi32, #tpu.memory_space<hbm>>
        %dma_wait3A_99 = arith.constant 0 : i32
        %dma_wait3A_100 = arith.constant 0 : i32
        %dma_wait3A_101 = tpu.memref_slice %arg5[%dma_wait3A_99, %dma_wait3A_100] : memref<40x128xi32, #tpu.memory_space<vmem>> -> memref<20x128xi32, #tpu.memory_space<vmem>>
        %dma_wait3A_102 = arith.constant 2480 : i32
        %dma_wait3A_103 = arith.constant 0 : i32
        %dma_wait3A_104 = tpu.memref_slice %arg2[%run_scoped3A, %dma_wait3A_102, %dma_wait3A_103] : memref<2x2500x128xi32, #tpu.memory_space<hbm>> -> memref<1x20x128xi32, #tpu.memory_space<hbm>>
        %dma_wait3A_105 = tpu.memref_squeeze %dma_wait3A_104 : memref<1x20x128xi32, #tpu.memory_space<hbm>> -> memref<20x128xi32, #tpu.memory_space<hbm>>
        tpu.wait_dma2 semaphore(%run_scoped3A_77 : memref<!tpu.dma_semaphore, #tpu.memory_space<semaphore_mem>>) src(%dma_wait3A_105 : memref<20x128xi32, #tpu.memory_space<hbm>>) dst(%dma_wait3A_101 : memref<20x128xi32, #tpu.memory_space<vmem>>)
        tpu.yield
      }) : () -> ()
      %run_scoped3A_42 = arith.constant 1 : i32
      "tpu.region"() ({
        %run_scoped3A_77 = tpu.sem_alloc : memref<!tpu.dma_semaphore, #tpu.memory_space<semaphore_mem>>
        %dma_start3A_78 = arith.constant 0 : i32
        %dma_start3A_79 = arith.constant 0 : i32
        %dma_start3A_80 = tpu.memref_slice %arg6[%dma_start3A_78, %dma_start3A_79] : memref<40x128xi32, #tpu.memory_space<vmem>> -> memref<20x128xi32, #tpu.memory_space<vmem>>
        %dma_start3A_81 = arith.constant 2480 : i32
        %dma_start3A_82 = arith.constant 0 : i32
        %dma_start3A_83 = tpu.memref_slice %arg2[%run_scoped3A_42, %dma_start3A_81, %dma_start3A_82] : memref<2x2500x128xi32, #tpu.memory_space<hbm>> -> memref<1x20x128xi32, #tpu.memory_space<hbm>>
        %dma_start3A_84 = tpu.memref_squeeze %dma_start3A_83 : memref<1x20x128xi32, #tpu.memory_space<hbm>> -> memref<20x128xi32, #tpu.memory_space<hbm>>
        %dma_start3A_85 = arith.constant 0 : i32
        %dma_start3A_86 = arith.constant 0 : i32
        %dma_start3A_87 = tpu.memref_slice %arg6[%dma_start3A_85, %dma_start3A_86] : memref<40x128xi32, #tpu.memory_space<vmem>> -> memref<20x128xi32, #tpu.memory_space<vmem>>
        %dma_start3A_88 = arith.constant 2480 : i32
        %dma_start3A_89 = arith.constant 0 : i32
        %dma_start3A_90 = tpu.memref_slice %arg2[%run_scoped3A_42, %dma_start3A_88, %dma_start3A_89] : memref<2x2500x128xi32, #tpu.memory_space<hbm>> -> memref<1x20x128xi32, #tpu.memory_space<hbm>>
        %dma_start3A_91 = tpu.memref_squeeze %dma_start3A_90 : memref<1x20x128xi32, #tpu.memory_space<hbm>> -> memref<20x128xi32, #tpu.memory_space<hbm>>
        tpu.enqueue_dma source(%dma_start3A_91 : memref<20x128xi32, #tpu.memory_space<hbm>>) target(%dma_start3A_87 : memref<20x128xi32, #tpu.memory_space<vmem>>) target_semaphore(%run_scoped3A_77 : memref<!tpu.dma_semaphore, #tpu.memory_space<semaphore_mem>>)
        %dma_wait3A_92 = arith.constant 0 : i32
        %dma_wait3A_93 = arith.constant 0 : i32
        %dma_wait3A_94 = tpu.memref_slice %arg6[%dma_wait3A_92, %dma_wait3A_93] : memref<40x128xi32, #tpu.memory_space<vmem>> -> memref<20x128xi32, #tpu.memory_space<vmem>>
        %dma_wait3A_95 = arith.constant 2480 : i32
        %dma_wait3A_96 = arith.constant 0 : i32
        %dma_wait3A_97 = tpu.memref_slice %arg2[%run_scoped3A_42, %dma_wait3A_95, %dma_wait3A_96] : memref<2x2500x128xi32, #tpu.memory_space<hbm>> -> memref<1x20x128xi32, #tpu.memory_space<hbm>>
        %dma_wait3A_98 = tpu.memref_squeeze %dma_wait3A_97 : memref<1x20x128xi32, #tpu.memory_space<hbm>> -> memref<20x128xi32, #tpu.memory_space<hbm>>
        %dma_wait3A_99 = arith.constant 0 : i32
        %dma_wait3A_100 = arith.constant 0 : i32
        %dma_wait3A_101 = tpu.memref_slice %arg6[%dma_wait3A_99, %dma_wait3A_100] : memref<40x128xi32, #tpu.memory_space<vmem>> -> memref<20x128xi32, #tpu.memory_space<vmem>>
        %dma_wait3A_102 = arith.constant 2480 : i32
        %dma_wait3A_103 = arith.constant 0 : i32
        %dma_wait3A_104 = tpu.memref_slice %arg2[%run_scoped3A_42, %dma_wait3A_102, %dma_wait3A_103] : memref<2x2500x128xi32, #tpu.memory_space<hbm>> -> memref<1x20x128xi32, #tpu.memory_space<hbm>>
        %dma_wait3A_105 = tpu.memref_squeeze %dma_wait3A_104 : memref<1x20x128xi32, #tpu.memory_space<hbm>> -> memref<20x128xi32, #tpu.memory_space<hbm>>
        tpu.wait_dma2 semaphore(%run_scoped3A_77 : memref<!tpu.dma_semaphore, #tpu.memory_space<semaphore_mem>>) src(%dma_wait3A_105 : memref<20x128xi32, #tpu.memory_space<hbm>>) dst(%dma_wait3A_101 : memref<20x128xi32, #tpu.memory_space<vmem>>)
        tpu.yield
      }) : () -> ()
      %dma_start3A = arith.constant 0 : i32
      %dma_start3A_43 = arith.constant 0 : i32
      %dma_start3A_44 = tpu.memref_slice %arg5[%dma_start3A, %dma_start3A_43] : memref<40x128xi32, #tpu.memory_space<vmem>> -> memref<1x128xi32, #tpu.memory_space<vmem>>
      %dma_start3A_45 = tpu.memref_squeeze %dma_start3A_44 : memref<1x128xi32, #tpu.memory_space<vmem>> -> memref<128xi32, #tpu.memory_space<vmem>>
      %dma_start3A_46 = arith.constant 0 : i32
      %dma_start3A_47 = arith.constant 0 : i32
      %dma_start3A_48 = tpu.memref_slice %arg3[%dma_start3A_46, %dma_start3A_47] : memref<10000x128xf32, #tpu.memory_space<hbm>> -> memref<10000x128xf32, #tpu.memory_space<hbm>>
      tpu.enqueue_indirect_dma source(%dma_start3A_48 : memref<10000x128xf32, #tpu.memory_space<hbm>>) target(%arg7 : memref<128x128xf32, #tpu.memory_space<vmem>>) offsets(%dma_start3A_45 : memref<128xi32, #tpu.memory_space<vmem>>) semaphore(%arg10 : memref<!tpu.dma_semaphore, #tpu.memory_space<semaphore_mem>>)
      %scan3A_49 = arith.constant 0 : i32
      %scan3A_50 = arith.constant 0 : i32
      %scan3A_51 = arith.constant 9 : i32
      %scan3A_52 = arith.addi %scan3A_50, %scan3A_51 : i32
      %scan3A_53 = arith.constant 1 : i32
      scf.for %scan3A_77 = %scan3A_50 to %scan3A_52 step %scan3A_53  : i32 {
        %mul3A_78 = arith.constant 2 : i32
        %mul3A_79 = arith.muli %scan3A_77, %mul3A_78 : i32
        %add3A_80 = arith.constant 1 : i32
        %add3A_81 = arith.addi %mul3A_79, %add3A_80 : i32
        %dma_start3A_82 = arith.constant 0 : i32
        %dma_start3A_83 = tpu.memref_slice %arg5[%add3A_81, %dma_start3A_82] : memref<40x128xi32, #tpu.memory_space<vmem>> -> memref<1x128xi32, #tpu.memory_space<vmem>>
        %dma_start3A_84 = tpu.memref_squeeze %dma_start3A_83 : memref<1x128xi32, #tpu.memory_space<vmem>> -> memref<128xi32, #tpu.memory_space<vmem>>
        %dma_start3A_85 = arith.constant 0 : i32
        %dma_start3A_86 = arith.constant 0 : i32
        %dma_start3A_87 = tpu.memref_slice %arg3[%dma_start3A_85, %dma_start3A_86] : memref<10000x128xf32, #tpu.memory_space<hbm>> -> memref<10000x128xf32, #tpu.memory_space<hbm>>
        tpu.enqueue_indirect_dma source(%dma_start3A_87 : memref<10000x128xf32, #tpu.memory_space<hbm>>) target(%arg8 : memref<128x128xf32, #tpu.memory_space<vmem>>) offsets(%dma_start3A_84 : memref<128xi32, #tpu.memory_space<vmem>>) semaphore(%arg11 : memref<!tpu.dma_semaphore, #tpu.memory_space<semaphore_mem>>)
        %dma_wait3A_88 = arith.constant 0 : i32
        %dma_wait3A_89 = tpu.memref_slice %arg5[%mul3A_79, %dma_wait3A_88] : memref<40x128xi32, #tpu.memory_space<vmem>> -> memref<1x128xi32, #tpu.memory_space<vmem>>
        %dma_wait3A_90 = tpu.memref_squeeze %dma_wait3A_89 : memref<1x128xi32, #tpu.memory_space<vmem>> -> memref<128xi32, #tpu.memory_space<vmem>>
        %dma_wait3A_91 = arith.constant 0 : i32
        %dma_wait3A_92 = arith.constant 0 : i32
        %dma_wait3A_93 = tpu.memref_slice %arg3[%dma_wait3A_91, %dma_wait3A_92] : memref<10000x128xf32, #tpu.memory_space<hbm>> -> memref<10000x128xf32, #tpu.memory_space<hbm>>
        tpu.wait_indirect_dma semaphore(%arg10 : memref<!tpu.dma_semaphore, #tpu.memory_space<semaphore_mem>>) src(%dma_wait3A_93 : memref<10000x128xf32, #tpu.memory_space<hbm>>) dst(%arg7 : memref<128x128xf32, #tpu.memory_space<vmem>>)
        "tpu.region"() ({
          %run_scoped3A_112 = tpu.sem_alloc : memref<!tpu.dma_semaphore, #tpu.memory_space<semaphore_mem>>
          %dma_start3A_113 = arith.constant 0 : i32
          %dma_start3A_114 = tpu.memref_slice %arg6[%mul3A_79, %dma_start3A_113] : memref<40x128xi32, #tpu.memory_space<vmem>> -> memref<1x128xi32, #tpu.memory_space<vmem>>
          %dma_start3A_115 = tpu.memref_squeeze %dma_start3A_114 : memref<1x128xi32, #tpu.memory_space<vmem>> -> memref<128xi32, #tpu.memory_space<vmem>>
          %dma_start3A_116 = arith.constant 0 : i32
          %dma_start3A_117 = arith.constant 0 : i32
          %dma_start3A_118 = tpu.memref_slice %arg9[%dma_start3A_116, %dma_start3A_117] : memref<10240x128xf32, #tpu.memory_space<vmem_shared>> -> memref<10240x128xf32, #tpu.memory_space<vmem_shared>>
          tpu.enqueue_indirect_dma source(%arg7 : memref<128x128xf32, #tpu.memory_space<vmem>>) target(%dma_start3A_118 : memref<10240x128xf32, #tpu.memory_space<vmem_shared>>) offsets(%dma_start3A_115 : memref<128xi32, #tpu.memory_space<vmem>>) semaphore(%run_scoped3A_112 : memref<!tpu.dma_semaphore, #tpu.memory_space<semaphore_mem>>) {add = true}
          %dma_wait3A_119 = arith.constant 0 : i32
          %dma_wait3A_120 = tpu.memref_slice %arg6[%mul3A_79, %dma_wait3A_119] : memref<40x128xi32, #tpu.memory_space<vmem>> -> memref<1x128xi32, #tpu.memory_space<vmem>>
          %dma_wait3A_121 = tpu.memref_squeeze %dma_wait3A_120 : memref<1x128xi32, #tpu.memory_space<vmem>> -> memref<128xi32, #tpu.memory_space<vmem>>
          %dma_wait3A_122 = arith.constant 0 : i32
          %dma_wait3A_123 = arith.constant 0 : i32
          %dma_wait3A_124 = tpu.memref_slice %arg9[%dma_wait3A_122, %dma_wait3A_123] : memref<10240x128xf32, #tpu.memory_space<vmem_shared>> -> memref<10240x128xf32, #tpu.memory_space<vmem_shared>>
          tpu.wait_indirect_dma semaphore(%run_scoped3A_112 : memref<!tpu.dma_semaphore, #tpu.memory_space<semaphore_mem>>) src(%arg7 : memref<128x128xf32, #tpu.memory_space<vmem>>) dst(%dma_wait3A_124 : memref<10240x128xf32, #tpu.memory_space<vmem_shared>>)
          tpu.yield
        }) : () -> ()
        %add3A_94 = arith.constant 2 : i32
        %add3A_95 = arith.addi %mul3A_79, %add3A_94 : i32
        %dma_start3A_96 = arith.constant 0 : i32
        %dma_start3A_97 = tpu.memref_slice %arg5[%add3A_95, %dma_start3A_96] : memref<40x128xi32, #tpu.memory_space<vmem>> -> memref<1x128xi32, #tpu.memory_space<vmem>>
        %dma_start3A_98 = tpu.memref_squeeze %dma_start3A_97 : memref<1x128xi32, #tpu.memory_space<vmem>> -> memref<128xi32, #tpu.memory_space<vmem>>
        %dma_start3A_99 = arith.constant 0 : i32
        %dma_start3A_100 = arith.constant 0 : i32
        %dma_start3A_101 = tpu.memref_slice %arg3[%dma_start3A_99, %dma_start3A_100] : memref<10000x128xf32, #tpu.memory_space<hbm>> -> memref<10000x128xf32, #tpu.memory_space<hbm>>
        tpu.enqueue_indirect_dma source(%dma_start3A_101 : memref<10000x128xf32, #tpu.memory_space<hbm>>) target(%arg7 : memref<128x128xf32, #tpu.memory_space<vmem>>) offsets(%dma_start3A_98 : memref<128xi32, #tpu.memory_space<vmem>>) semaphore(%arg10 : memref<!tpu.dma_semaphore, #tpu.memory_space<semaphore_mem>>)
        %add3A_102 = arith.constant 1 : i32
        %add3A_103 = arith.addi %mul3A_79, %add3A_102 : i32
        %dma_wait3A_104 = arith.constant 0 : i32
        %dma_wait3A_105 = tpu.memref_slice %arg5[%add3A_103, %dma_wait3A_104] : memref<40x128xi32, #tpu.memory_space<vmem>> -> memref<1x128xi32, #tpu.memory_space<vmem>>
        %dma_wait3A_106 = tpu.memref_squeeze %dma_wait3A_105 : memref<1x128xi32, #tpu.memory_space<vmem>> -> memref<128xi32, #tpu.memory_space<vmem>>
        %dma_wait3A_107 = arith.constant 0 : i32
        %dma_wait3A_108 = arith.constant 0 : i32
        %dma_wait3A_109 = tpu.memref_slice %arg3[%dma_wait3A_107, %dma_wait3A_108] : memref<10000x128xf32, #tpu.memory_space<hbm>> -> memref<10000x128xf32, #tpu.memory_space<hbm>>
        tpu.wait_indirect_dma semaphore(%arg11 : memref<!tpu.dma_semaphore, #tpu.memory_space<semaphore_mem>>) src(%dma_wait3A_109 : memref<10000x128xf32, #tpu.memory_space<hbm>>) dst(%arg8 : memref<128x128xf32, #tpu.memory_space<vmem>>)
        %add3A_110 = arith.constant 1 : i32
        %add3A_111 = arith.addi %mul3A_79, %add3A_110 : i32
        "tpu.region"() ({
          %run_scoped3A_112 = tpu.sem_alloc : memref<!tpu.dma_semaphore, #tpu.memory_space<semaphore_mem>>
          %dma_start3A_113 = arith.constant 0 : i32
          %dma_start3A_114 = tpu.memref_slice %arg6[%add3A_111, %dma_start3A_113] : memref<40x128xi32, #tpu.memory_space<vmem>> -> memref<1x128xi32, #tpu.memory_space<vmem>>
          %dma_start3A_115 = tpu.memref_squeeze %dma_start3A_114 : memref<1x128xi32, #tpu.memory_space<vmem>> -> memref<128xi32, #tpu.memory_space<vmem>>
          %dma_start3A_116 = arith.constant 0 : i32
          %dma_start3A_117 = arith.constant 0 : i32
          %dma_start3A_118 = tpu.memref_slice %arg9[%dma_start3A_116, %dma_start3A_117] : memref<10240x128xf32, #tpu.memory_space<vmem_shared>> -> memref<10240x128xf32, #tpu.memory_space<vmem_shared>>
          tpu.enqueue_indirect_dma source(%arg8 : memref<128x128xf32, #tpu.memory_space<vmem>>) target(%dma_start3A_118 : memref<10240x128xf32, #tpu.memory_space<vmem_shared>>) offsets(%dma_start3A_115 : memref<128xi32, #tpu.memory_space<vmem>>) semaphore(%run_scoped3A_112 : memref<!tpu.dma_semaphore, #tpu.memory_space<semaphore_mem>>) {add = true}
          %dma_wait3A_119 = arith.constant 0 : i32
          %dma_wait3A_120 = tpu.memref_slice %arg6[%add3A_111, %dma_wait3A_119] : memref<40x128xi32, #tpu.memory_space<vmem>> -> memref<1x128xi32, #tpu.memory_space<vmem>>
          %dma_wait3A_121 = tpu.memref_squeeze %dma_wait3A_120 : memref<1x128xi32, #tpu.memory_space<vmem>> -> memref<128xi32, #tpu.memory_space<vmem>>
          %dma_wait3A_122 = arith.constant 0 : i32
          %dma_wait3A_123 = arith.constant 0 : i32
          %dma_wait3A_124 = tpu.memref_slice %arg9[%dma_wait3A_122, %dma_wait3A_123] : memref<10240x128xf32, #tpu.memory_space<vmem_shared>> -> memref<10240x128xf32, #tpu.memory_space<vmem_shared>>
          tpu.wait_indirect_dma semaphore(%run_scoped3A_112 : memref<!tpu.dma_semaphore, #tpu.memory_space<semaphore_mem>>) src(%arg8 : memref<128x128xf32, #tpu.memory_space<vmem>>) dst(%dma_wait3A_124 : memref<10240x128xf32, #tpu.memory_space<vmem_shared>>)
          tpu.yield
        }) : () -> ()
      }
      %scan3A_54 = arith.constant 9 : i32
      %dma_start3A_55 = arith.constant 19 : i32
      %dma_start3A_56 = arith.constant 0 : i32
      %dma_start3A_57 = tpu.memref_slice %arg5[%dma_start3A_55, %dma_start3A_56] : memref<40x128xi32, #tpu.memory_space<vmem>> -> memref<1x128xi32, #tpu.memory_space<vmem>>
      %dma_start3A_58 = tpu.memref_squeeze %dma_start3A_57 : memref<1x128xi32, #tpu.memory_space<vmem>> -> memref<128xi32, #tpu.memory_space<vmem>>
      %dma_start3A_59 = arith.constant 0 : i32
      %dma_start3A_60 = arith.constant 0 : i32
      %dma_start3A_61 = tpu.memref_slice %arg3[%dma_start3A_59, %dma_start3A_60] : memref<10000x128xf32, #tpu.memory_space<hbm>> -> memref<10000x128xf32, #tpu.memory_space<hbm>>
      tpu.enqueue_indirect_dma source(%dma_start3A_61 : memref<10000x128xf32, #tpu.memory_space<hbm>>) target(%arg8 : memref<128x128xf32, #tpu.memory_space<vmem>>) offsets(%dma_start3A_58 : memref<128xi32, #tpu.memory_space<vmem>>) semaphore(%arg11 : memref<!tpu.dma_semaphore, #tpu.memory_space<semaphore_mem>>)
      %dma_wait3A = arith.constant 18 : i32
      %dma_wait3A_62 = arith.constant 0 : i32
      %dma_wait3A_63 = tpu.memref_slice %arg5[%dma_wait3A, %dma_wait3A_62] : memref<40x128xi32, #tpu.memory_space<vmem>> -> memref<1x128xi32, #tpu.memory_space<vmem>>
      %dma_wait3A_64 = tpu.memref_squeeze %dma_wait3A_63 : memref<1x128xi32, #tpu.memory_space<vmem>> -> memref<128xi32, #tpu.memory_space<vmem>>
      %dma_wait3A_65 = arith.constant 0 : i32
      %dma_wait3A_66 = arith.constant 0 : i32
      %dma_wait3A_67 = tpu.memref_slice %arg3[%dma_wait3A_65, %dma_wait3A_66] : memref<10000x128xf32, #tpu.memory_space<hbm>> -> memref<10000x128xf32, #tpu.memory_space<hbm>>
      tpu.wait_indirect_dma semaphore(%arg10 : memref<!tpu.dma_semaphore, #tpu.memory_space<semaphore_mem>>) src(%dma_wait3A_67 : memref<10000x128xf32, #tpu.memory_space<hbm>>) dst(%arg7 : memref<128x128xf32, #tpu.memory_space<vmem>>)
      %run_scoped3A_68 = arith.constant 18 : i32
      "tpu.region"() ({
        %run_scoped3A_77 = tpu.sem_alloc : memref<!tpu.dma_semaphore, #tpu.memory_space<semaphore_mem>>
        %dma_start3A_78 = arith.constant 0 : i32
        %dma_start3A_79 = tpu.memref_slice %arg6[%run_scoped3A_68, %dma_start3A_78] : memref<40x128xi32, #tpu.memory_space<vmem>> -> memref<1x128xi32, #tpu.memory_space<vmem>>
        %dma_start3A_80 = tpu.memref_squeeze %dma_start3A_79 : memref<1x128xi32, #tpu.memory_space<vmem>> -> memref<128xi32, #tpu.memory_space<vmem>>
        %dma_start3A_81 = arith.constant 0 : i32
        %dma_start3A_82 = arith.constant 0 : i32
        %dma_start3A_83 = tpu.memref_slice %arg9[%dma_start3A_81, %dma_start3A_82] : memref<10240x128xf32, #tpu.memory_space<vmem_shared>> -> memref<10240x128xf32, #tpu.memory_space<vmem_shared>>
        tpu.enqueue_indirect_dma source(%arg7 : memref<128x128xf32, #tpu.memory_space<vmem>>) target(%dma_start3A_83 : memref<10240x128xf32, #tpu.memory_space<vmem_shared>>) offsets(%dma_start3A_80 : memref<128xi32, #tpu.memory_space<vmem>>) semaphore(%run_scoped3A_77 : memref<!tpu.dma_semaphore, #tpu.memory_space<semaphore_mem>>) {add = true}
        %dma_wait3A_84 = arith.constant 0 : i32
        %dma_wait3A_85 = tpu.memref_slice %arg6[%run_scoped3A_68, %dma_wait3A_84] : memref<40x128xi32, #tpu.memory_space<vmem>> -> memref<1x128xi32, #tpu.memory_space<vmem>>
        %dma_wait3A_86 = tpu.memref_squeeze %dma_wait3A_85 : memref<1x128xi32, #tpu.memory_space<vmem>> -> memref<128xi32, #tpu.memory_space<vmem>>
        %dma_wait3A_87 = arith.constant 0 : i32
        %dma_wait3A_88 = arith.constant 0 : i32
        %dma_wait3A_89 = tpu.memref_slice %arg9[%dma_wait3A_87, %dma_wait3A_88] : memref<10240x128xf32, #tpu.memory_space<vmem_shared>> -> memref<10240x128xf32, #tpu.memory_space<vmem_shared>>
        tpu.wait_indirect_dma semaphore(%run_scoped3A_77 : memref<!tpu.dma_semaphore, #tpu.memory_space<semaphore_mem>>) src(%arg7 : memref<128x128xf32, #tpu.memory_space<vmem>>) dst(%dma_wait3A_89 : memref<10240x128xf32, #tpu.memory_space<vmem_shared>>)
        tpu.yield
      }) : () -> ()
      %dma_wait3A_69 = arith.constant 19 : i32
      %dma_wait3A_70 = arith.constant 0 : i32
      %dma_wait3A_71 = tpu.memref_slice %arg5[%dma_wait3A_69, %dma_wait3A_70] : memref<40x128xi32, #tpu.memory_space<vmem>> -> memref<1x128xi32, #tpu.memory_space<vmem>>
      %dma_wait3A_72 = tpu.memref_squeeze %dma_wait3A_71 : memref<1x128xi32, #tpu.memory_space<vmem>> -> memref<128xi32, #tpu.memory_space<vmem>>
      %dma_wait3A_73 = arith.constant 0 : i32
      %dma_wait3A_74 = arith.constant 0 : i32
      %dma_wait3A_75 = tpu.memref_slice %arg3[%dma_wait3A_73, %dma_wait3A_74] : memref<10000x128xf32, #tpu.memory_space<hbm>> -> memref<10000x128xf32, #tpu.memory_space<hbm>>
      tpu.wait_indirect_dma semaphore(%arg11 : memref<!tpu.dma_semaphore, #tpu.memory_space<semaphore_mem>>) src(%dma_wait3A_75 : memref<10000x128xf32, #tpu.memory_space<hbm>>) dst(%arg8 : memref<128x128xf32, #tpu.memory_space<vmem>>)
      %run_scoped3A_76 = arith.constant 19 : i32
      "tpu.region"() ({
        %run_scoped3A_77 = tpu.sem_alloc : memref<!tpu.dma_semaphore, #tpu.memory_space<semaphore_mem>>
        %dma_start3A_78 = arith.constant 0 : i32
        %dma_start3A_79 = tpu.memref_slice %arg6[%run_scoped3A_76, %dma_start3A_78] : memref<40x128xi32, #tpu.memory_space<vmem>> -> memref<1x128xi32, #tpu.memory_space<vmem>>
        %dma_start3A_80 = tpu.memref_squeeze %dma_start3A_79 : memref<1x128xi32, #tpu.memory_space<vmem>> -> memref<128xi32, #tpu.memory_space<vmem>>
        %dma_start3A_81 = arith.constant 0 : i32
        %dma_start3A_82 = arith.constant 0 : i32
        %dma_start3A_83 = tpu.memref_slice %arg9[%dma_start3A_81, %dma_start3A_82] : memref<10240x128xf32, #tpu.memory_space<vmem_shared>> -> memref<10240x128xf32, #tpu.memory_space<vmem_shared>>
        tpu.enqueue_indirect_dma source(%arg8 : memref<128x128xf32, #tpu.memory_space<vmem>>) target(%dma_start3A_83 : memref<10240x128xf32, #tpu.memory_space<vmem_shared>>) offsets(%dma_start3A_80 : memref<128xi32, #tpu.memory_space<vmem>>) semaphore(%run_scoped3A_77 : memref<!tpu.dma_semaphore, #tpu.memory_space<semaphore_mem>>) {add = true}
        %dma_wait3A_84 = arith.constant 0 : i32
        %dma_wait3A_85 = tpu.memref_slice %arg6[%run_scoped3A_76, %dma_wait3A_84] : memref<40x128xi32, #tpu.memory_space<vmem>> -> memref<1x128xi32, #tpu.memory_space<vmem>>
        %dma_wait3A_86 = tpu.memref_squeeze %dma_wait3A_85 : memref<1x128xi32, #tpu.memory_space<vmem>> -> memref<128xi32, #tpu.memory_space<vmem>>
        %dma_wait3A_87 = arith.constant 0 : i32
        %dma_wait3A_88 = arith.constant 0 : i32
        %dma_wait3A_89 = tpu.memref_slice %arg9[%dma_wait3A_87, %dma_wait3A_88] : memref<10240x128xf32, #tpu.memory_space<vmem_shared>> -> memref<10240x128xf32, #tpu.memory_space<vmem_shared>>
        tpu.wait_indirect_dma semaphore(%run_scoped3A_77 : memref<!tpu.dma_semaphore, #tpu.memory_space<semaphore_mem>>) src(%arg8 : memref<128x128xf32, #tpu.memory_space<vmem>>) dst(%dma_wait3A_89 : memref<10240x128xf32, #tpu.memory_space<vmem_shared>>)
        tpu.yield
      }) : () -> ()
    } else {
    }
    %lt3A_32 = arith.constant 31 : i32
    %lt3A_33 = arith.cmpi slt, %add3A, %lt3A_32 : i32
    %convert_element_type3A_34 = arith.extui %lt3A_33 : i1 to i32
    %cond3A_35 = arith.constant 0 : i32
    %cond3A_36 = arith.cmpi ne, %convert_element_type3A_34, %cond3A_35 : i32
    scf.if %cond3A_36 {
      %mul3A_42 = arith.constant 80 : i32
      %mul3A_43 = arith.muli %add3A, %mul3A_42 : i32
      %add3A_44 = arith.constant 40 : i32
      %add3A_45 = arith.addi %mul3A_43, %add3A_44 : i32
      %run_scoped3A = arith.constant 0 : i32
      "tpu.region"() ({
        %run_scoped3A_81 = tpu.sem_alloc : memref<!tpu.dma_semaphore, #tpu.memory_space<semaphore_mem>>
        %dma_start3A_82 = arith.constant 0 : i32
        %dma_start3A_83 = tpu.memref_slice %arg2[%run_scoped3A, %add3A_45, %dma_start3A_82] : memref<2x2500x128xi32, #tpu.memory_space<hbm>> -> memref<1x40x128xi32, #tpu.memory_space<hbm>>
        %dma_start3A_84 = tpu.memref_squeeze %dma_start3A_83 : memref<1x40x128xi32, #tpu.memory_space<hbm>> -> memref<40x128xi32, #tpu.memory_space<hbm>>
        %dma_start3A_85 = arith.constant 0 : i32
        %dma_start3A_86 = tpu.memref_slice %arg2[%run_scoped3A, %add3A_45, %dma_start3A_85] : memref<2x2500x128xi32, #tpu.memory_space<hbm>> -> memref<1x40x128xi32, #tpu.memory_space<hbm>>
        %dma_start3A_87 = tpu.memref_squeeze %dma_start3A_86 : memref<1x40x128xi32, #tpu.memory_space<hbm>> -> memref<40x128xi32, #tpu.memory_space<hbm>>
        tpu.enqueue_dma source(%dma_start3A_87 : memref<40x128xi32, #tpu.memory_space<hbm>>) target(%arg5 : memref<40x128xi32, #tpu.memory_space<vmem>>) target_semaphore(%run_scoped3A_81 : memref<!tpu.dma_semaphore, #tpu.memory_space<semaphore_mem>>)
        %dma_wait3A_88 = arith.constant 0 : i32
        %dma_wait3A_89 = tpu.memref_slice %arg2[%run_scoped3A, %add3A_45, %dma_wait3A_88] : memref<2x2500x128xi32, #tpu.memory_space<hbm>> -> memref<1x40x128xi32, #tpu.memory_space<hbm>>
        %dma_wait3A_90 = tpu.memref_squeeze %dma_wait3A_89 : memref<1x40x128xi32, #tpu.memory_space<hbm>> -> memref<40x128xi32, #tpu.memory_space<hbm>>
        %dma_wait3A_91 = arith.constant 0 : i32
        %dma_wait3A_92 = tpu.memref_slice %arg2[%run_scoped3A, %add3A_45, %dma_wait3A_91] : memref<2x2500x128xi32, #tpu.memory_space<hbm>> -> memref<1x40x128xi32, #tpu.memory_space<hbm>>
        %dma_wait3A_93 = tpu.memref_squeeze %dma_wait3A_92 : memref<1x40x128xi32, #tpu.memory_space<hbm>> -> memref<40x128xi32, #tpu.memory_space<hbm>>
        tpu.wait_dma2 semaphore(%run_scoped3A_81 : memref<!tpu.dma_semaphore, #tpu.memory_space<semaphore_mem>>) src(%dma_wait3A_93 : memref<40x128xi32, #tpu.memory_space<hbm>>) dst(%arg5 : memref<40x128xi32, #tpu.memory_space<vmem>>)
        tpu.yield
      }) : () -> ()
      %run_scoped3A_46 = arith.constant 1 : i32
      "tpu.region"() ({
        %run_scoped3A_81 = tpu.sem_alloc : memref<!tpu.dma_semaphore, #tpu.memory_space<semaphore_mem>>
        %dma_start3A_82 = arith.constant 0 : i32
        %dma_start3A_83 = tpu.memref_slice %arg2[%run_scoped3A_46, %add3A_45, %dma_start3A_82] : memref<2x2500x128xi32, #tpu.memory_space<hbm>> -> memref<1x40x128xi32, #tpu.memory_space<hbm>>
        %dma_start3A_84 = tpu.memref_squeeze %dma_start3A_83 : memref<1x40x128xi32, #tpu.memory_space<hbm>> -> memref<40x128xi32, #tpu.memory_space<hbm>>
        %dma_start3A_85 = arith.constant 0 : i32
        %dma_start3A_86 = tpu.memref_slice %arg2[%run_scoped3A_46, %add3A_45, %dma_start3A_85] : memref<2x2500x128xi32, #tpu.memory_space<hbm>> -> memref<1x40x128xi32, #tpu.memory_space<hbm>>
        %dma_start3A_87 = tpu.memref_squeeze %dma_start3A_86 : memref<1x40x128xi32, #tpu.memory_space<hbm>> -> memref<40x128xi32, #tpu.memory_space<hbm>>
        tpu.enqueue_dma source(%dma_start3A_87 : memref<40x128xi32, #tpu.memory_space<hbm>>) target(%arg6 : memref<40x128xi32, #tpu.memory_space<vmem>>) target_semaphore(%run_scoped3A_81 : memref<!tpu.dma_semaphore, #tpu.memory_space<semaphore_mem>>)
        %dma_wait3A_88 = arith.constant 0 : i32
        %dma_wait3A_89 = tpu.memref_slice %arg2[%run_scoped3A_46, %add3A_45, %dma_wait3A_88] : memref<2x2500x128xi32, #tpu.memory_space<hbm>> -> memref<1x40x128xi32, #tpu.memory_space<hbm>>
        %dma_wait3A_90 = tpu.memref_squeeze %dma_wait3A_89 : memref<1x40x128xi32, #tpu.memory_space<hbm>> -> memref<40x128xi32, #tpu.memory_space<hbm>>
        %dma_wait3A_91 = arith.constant 0 : i32
        %dma_wait3A_92 = tpu.memref_slice %arg2[%run_scoped3A_46, %add3A_45, %dma_wait3A_91] : memref<2x2500x128xi32, #tpu.memory_space<hbm>> -> memref<1x40x128xi32, #tpu.memory_space<hbm>>
        %dma_wait3A_93 = tpu.memref_squeeze %dma_wait3A_92 : memref<1x40x128xi32, #tpu.memory_space<hbm>> -> memref<40x128xi32, #tpu.memory_space<hbm>>
        tpu.wait_dma2 semaphore(%run_scoped3A_81 : memref<!tpu.dma_semaphore, #tpu.memory_space<semaphore_mem>>) src(%dma_wait3A_93 : memref<40x128xi32, #tpu.memory_space<hbm>>) dst(%arg6 : memref<40x128xi32, #tpu.memory_space<vmem>>)
        tpu.yield
      }) : () -> ()
      %dma_start3A = arith.constant 0 : i32
      %dma_start3A_47 = arith.constant 0 : i32
      %dma_start3A_48 = tpu.memref_slice %arg5[%dma_start3A, %dma_start3A_47] : memref<40x128xi32, #tpu.memory_space<vmem>> -> memref<1x128xi32, #tpu.memory_space<vmem>>
      %dma_start3A_49 = tpu.memref_squeeze %dma_start3A_48 : memref<1x128xi32, #tpu.memory_space<vmem>> -> memref<128xi32, #tpu.memory_space<vmem>>
      %dma_start3A_50 = arith.constant 0 : i32
      %dma_start3A_51 = arith.constant 0 : i32
      %dma_start3A_52 = tpu.memref_slice %arg3[%dma_start3A_50, %dma_start3A_51] : memref<10000x128xf32, #tpu.memory_space<hbm>> -> memref<10000x128xf32, #tpu.memory_space<hbm>>
      tpu.enqueue_indirect_dma source(%dma_start3A_52 : memref<10000x128xf32, #tpu.memory_space<hbm>>) target(%arg7 : memref<128x128xf32, #tpu.memory_space<vmem>>) offsets(%dma_start3A_49 : memref<128xi32, #tpu.memory_space<vmem>>) semaphore(%arg10 : memref<!tpu.dma_semaphore, #tpu.memory_space<semaphore_mem>>)
      %scan3A_53 = arith.constant 0 : i32
      %scan3A_54 = arith.constant 0 : i32
      %scan3A_55 = arith.constant 19 : i32
      %scan3A_56 = arith.addi %scan3A_54, %scan3A_55 : i32
      %scan3A_57 = arith.constant 1 : i32
      scf.for %scan3A_81 = %scan3A_54 to %scan3A_56 step %scan3A_57  : i32 {
        %mul3A_82 = arith.constant 2 : i32
        %mul3A_83 = arith.muli %scan3A_81, %mul3A_82 : i32
        %add3A_84 = arith.constant 1 : i32
        %add3A_85 = arith.addi %mul3A_83, %add3A_84 : i32
        %dma_start3A_86 = arith.constant 0 : i32
        %dma_start3A_87 = tpu.memref_slice %arg5[%add3A_85, %dma_start3A_86] : memref<40x128xi32, #tpu.memory_space<vmem>> -> memref<1x128xi32, #tpu.memory_space<vmem>>
        %dma_start3A_88 = tpu.memref_squeeze %dma_start3A_87 : memref<1x128xi32, #tpu.memory_space<vmem>> -> memref<128xi32, #tpu.memory_space<vmem>>
        %dma_start3A_89 = arith.constant 0 : i32
        %dma_start3A_90 = arith.constant 0 : i32
        %dma_start3A_91 = tpu.memref_slice %arg3[%dma_start3A_89, %dma_start3A_90] : memref<10000x128xf32, #tpu.memory_space<hbm>> -> memref<10000x128xf32, #tpu.memory_space<hbm>>
        tpu.enqueue_indirect_dma source(%dma_start3A_91 : memref<10000x128xf32, #tpu.memory_space<hbm>>) target(%arg8 : memref<128x128xf32, #tpu.memory_space<vmem>>) offsets(%dma_start3A_88 : memref<128xi32, #tpu.memory_space<vmem>>) semaphore(%arg11 : memref<!tpu.dma_semaphore, #tpu.memory_space<semaphore_mem>>)
        %dma_wait3A_92 = arith.constant 0 : i32
        %dma_wait3A_93 = tpu.memref_slice %arg5[%mul3A_83, %dma_wait3A_92] : memref<40x128xi32, #tpu.memory_space<vmem>> -> memref<1x128xi32, #tpu.memory_space<vmem>>
        %dma_wait3A_94 = tpu.memref_squeeze %dma_wait3A_93 : memref<1x128xi32, #tpu.memory_space<vmem>> -> memref<128xi32, #tpu.memory_space<vmem>>
        %dma_wait3A_95 = arith.constant 0 : i32
        %dma_wait3A_96 = arith.constant 0 : i32
        %dma_wait3A_97 = tpu.memref_slice %arg3[%dma_wait3A_95, %dma_wait3A_96] : memref<10000x128xf32, #tpu.memory_space<hbm>> -> memref<10000x128xf32, #tpu.memory_space<hbm>>
        tpu.wait_indirect_dma semaphore(%arg10 : memref<!tpu.dma_semaphore, #tpu.memory_space<semaphore_mem>>) src(%dma_wait3A_97 : memref<10000x128xf32, #tpu.memory_space<hbm>>) dst(%arg7 : memref<128x128xf32, #tpu.memory_space<vmem>>)
        "tpu.region"() ({
          %run_scoped3A_116 = tpu.sem_alloc : memref<!tpu.dma_semaphore, #tpu.memory_space<semaphore_mem>>
          %dma_start3A_117 = arith.constant 0 : i32
          %dma_start3A_118 = tpu.memref_slice %arg6[%mul3A_83, %dma_start3A_117] : memref<40x128xi32, #tpu.memory_space<vmem>> -> memref<1x128xi32, #tpu.memory_space<vmem>>
          %dma_start3A_119 = tpu.memref_squeeze %dma_start3A_118 : memref<1x128xi32, #tpu.memory_space<vmem>> -> memref<128xi32, #tpu.memory_space<vmem>>
          %dma_start3A_120 = arith.constant 0 : i32
          %dma_start3A_121 = arith.constant 0 : i32
          %dma_start3A_122 = tpu.memref_slice %arg9[%dma_start3A_120, %dma_start3A_121] : memref<10240x128xf32, #tpu.memory_space<vmem_shared>> -> memref<10240x128xf32, #tpu.memory_space<vmem_shared>>
          tpu.enqueue_indirect_dma source(%arg7 : memref<128x128xf32, #tpu.memory_space<vmem>>) target(%dma_start3A_122 : memref<10240x128xf32, #tpu.memory_space<vmem_shared>>) offsets(%dma_start3A_119 : memref<128xi32, #tpu.memory_space<vmem>>) semaphore(%run_scoped3A_116 : memref<!tpu.dma_semaphore, #tpu.memory_space<semaphore_mem>>) {add = true}
          %dma_wait3A_123 = arith.constant 0 : i32
          %dma_wait3A_124 = tpu.memref_slice %arg6[%mul3A_83, %dma_wait3A_123] : memref<40x128xi32, #tpu.memory_space<vmem>> -> memref<1x128xi32, #tpu.memory_space<vmem>>
          %dma_wait3A_125 = tpu.memref_squeeze %dma_wait3A_124 : memref<1x128xi32, #tpu.memory_space<vmem>> -> memref<128xi32, #tpu.memory_space<vmem>>
          %dma_wait3A_126 = arith.constant 0 : i32
          %dma_wait3A_127 = arith.constant 0 : i32
          %dma_wait3A_128 = tpu.memref_slice %arg9[%dma_wait3A_126, %dma_wait3A_127] : memref<10240x128xf32, #tpu.memory_space<vmem_shared>> -> memref<10240x128xf32, #tpu.memory_space<vmem_shared>>
          tpu.wait_indirect_dma semaphore(%run_scoped3A_116 : memref<!tpu.dma_semaphore, #tpu.memory_space<semaphore_mem>>) src(%arg7 : memref<128x128xf32, #tpu.memory_space<vmem>>) dst(%dma_wait3A_128 : memref<10240x128xf32, #tpu.memory_space<vmem_shared>>)
          tpu.yield
        }) : () -> ()
        %add3A_98 = arith.constant 2 : i32
        %add3A_99 = arith.addi %mul3A_83, %add3A_98 : i32
        %dma_start3A_100 = arith.constant 0 : i32
        %dma_start3A_101 = tpu.memref_slice %arg5[%add3A_99, %dma_start3A_100] : memref<40x128xi32, #tpu.memory_space<vmem>> -> memref<1x128xi32, #tpu.memory_space<vmem>>
        %dma_start3A_102 = tpu.memref_squeeze %dma_start3A_101 : memref<1x128xi32, #tpu.memory_space<vmem>> -> memref<128xi32, #tpu.memory_space<vmem>>
        %dma_start3A_103 = arith.constant 0 : i32
        %dma_start3A_104 = arith.constant 0 : i32
        %dma_start3A_105 = tpu.memref_slice %arg3[%dma_start3A_103, %dma_start3A_104] : memref<10000x128xf32, #tpu.memory_space<hbm>> -> memref<10000x128xf32, #tpu.memory_space<hbm>>
        tpu.enqueue_indirect_dma source(%dma_start3A_105 : memref<10000x128xf32, #tpu.memory_space<hbm>>) target(%arg7 : memref<128x128xf32, #tpu.memory_space<vmem>>) offsets(%dma_start3A_102 : memref<128xi32, #tpu.memory_space<vmem>>) semaphore(%arg10 : memref<!tpu.dma_semaphore, #tpu.memory_space<semaphore_mem>>)
        %add3A_106 = arith.constant 1 : i32
        %add3A_107 = arith.addi %mul3A_83, %add3A_106 : i32
        %dma_wait3A_108 = arith.constant 0 : i32
        %dma_wait3A_109 = tpu.memref_slice %arg5[%add3A_107, %dma_wait3A_108] : memref<40x128xi32, #tpu.memory_space<vmem>> -> memref<1x128xi32, #tpu.memory_space<vmem>>
        %dma_wait3A_110 = tpu.memref_squeeze %dma_wait3A_109 : memref<1x128xi32, #tpu.memory_space<vmem>> -> memref<128xi32, #tpu.memory_space<vmem>>
        %dma_wait3A_111 = arith.constant 0 : i32
        %dma_wait3A_112 = arith.constant 0 : i32
        %dma_wait3A_113 = tpu.memref_slice %arg3[%dma_wait3A_111, %dma_wait3A_112] : memref<10000x128xf32, #tpu.memory_space<hbm>> -> memref<10000x128xf32, #tpu.memory_space<hbm>>
        tpu.wait_indirect_dma semaphore(%arg11 : memref<!tpu.dma_semaphore, #tpu.memory_space<semaphore_mem>>) src(%dma_wait3A_113 : memref<10000x128xf32, #tpu.memory_space<hbm>>) dst(%arg8 : memref<128x128xf32, #tpu.memory_space<vmem>>)
        %add3A_114 = arith.constant 1 : i32
        %add3A_115 = arith.addi %mul3A_83, %add3A_114 : i32
        "tpu.region"() ({
          %run_scoped3A_116 = tpu.sem_alloc : memref<!tpu.dma_semaphore, #tpu.memory_space<semaphore_mem>>
          %dma_start3A_117 = arith.constant 0 : i32
          %dma_start3A_118 = tpu.memref_slice %arg6[%add3A_115, %dma_start3A_117] : memref<40x128xi32, #tpu.memory_space<vmem>> -> memref<1x128xi32, #tpu.memory_space<vmem>>
          %dma_start3A_119 = tpu.memref_squeeze %dma_start3A_118 : memref<1x128xi32, #tpu.memory_space<vmem>> -> memref<128xi32, #tpu.memory_space<vmem>>
          %dma_start3A_120 = arith.constant 0 : i32
          %dma_start3A_121 = arith.constant 0 : i32
          %dma_start3A_122 = tpu.memref_slice %arg9[%dma_start3A_120, %dma_start3A_121] : memref<10240x128xf32, #tpu.memory_space<vmem_shared>> -> memref<10240x128xf32, #tpu.memory_space<vmem_shared>>
          tpu.enqueue_indirect_dma source(%arg8 : memref<128x128xf32, #tpu.memory_space<vmem>>) target(%dma_start3A_122 : memref<10240x128xf32, #tpu.memory_space<vmem_shared>>) offsets(%dma_start3A_119 : memref<128xi32, #tpu.memory_space<vmem>>) semaphore(%run_scoped3A_116 : memref<!tpu.dma_semaphore, #tpu.memory_space<semaphore_mem>>) {add = true}
          %dma_wait3A_123 = arith.constant 0 : i32
          %dma_wait3A_124 = tpu.memref_slice %arg6[%add3A_115, %dma_wait3A_123] : memref<40x128xi32, #tpu.memory_space<vmem>> -> memref<1x128xi32, #tpu.memory_space<vmem>>
          %dma_wait3A_125 = tpu.memref_squeeze %dma_wait3A_124 : memref<1x128xi32, #tpu.memory_space<vmem>> -> memref<128xi32, #tpu.memory_space<vmem>>
          %dma_wait3A_126 = arith.constant 0 : i32
          %dma_wait3A_127 = arith.constant 0 : i32
          %dma_wait3A_128 = tpu.memref_slice %arg9[%dma_wait3A_126, %dma_wait3A_127] : memref<10240x128xf32, #tpu.memory_space<vmem_shared>> -> memref<10240x128xf32, #tpu.memory_space<vmem_shared>>
          tpu.wait_indirect_dma semaphore(%run_scoped3A_116 : memref<!tpu.dma_semaphore, #tpu.memory_space<semaphore_mem>>) src(%arg8 : memref<128x128xf32, #tpu.memory_space<vmem>>) dst(%dma_wait3A_128 : memref<10240x128xf32, #tpu.memory_space<vmem_shared>>)
          tpu.yield
        }) : () -> ()
      }
      %scan3A_58 = arith.constant 19 : i32
      %dma_start3A_59 = arith.constant 39 : i32
      %dma_start3A_60 = arith.constant 0 : i32
      %dma_start3A_61 = tpu.memref_slice %arg5[%dma_start3A_59, %dma_start3A_60] : memref<40x128xi32, #tpu.memory_space<vmem>> -> memref<1x128xi32, #tpu.memory_space<vmem>>
      %dma_start3A_62 = tpu.memref_squeeze %dma_start3A_61 : memref<1x128xi32, #tpu.memory_space<vmem>> -> memref<128xi32, #tpu.memory_space<vmem>>
      %dma_start3A_63 = arith.constant 0 : i32
      %dma_start3A_64 = arith.constant 0 : i32
      %dma_start3A_65 = tpu.memref_slice %arg3[%dma_start3A_63, %dma_start3A_64] : memref<10000x128xf32, #tpu.memory_space<hbm>> -> memref<10000x128xf32, #tpu.memory_space<hbm>>
      tpu.enqueue_indirect_dma source(%dma_start3A_65 : memref<10000x128xf32, #tpu.memory_space<hbm>>) target(%arg8 : memref<128x128xf32, #tpu.memory_space<vmem>>) offsets(%dma_start3A_62 : memref<128xi32, #tpu.memory_space<vmem>>) semaphore(%arg11 : memref<!tpu.dma_semaphore, #tpu.memory_space<semaphore_mem>>)
      %dma_wait3A = arith.constant 38 : i32
      %dma_wait3A_66 = arith.constant 0 : i32
      %dma_wait3A_67 = tpu.memref_slice %arg5[%dma_wait3A, %dma_wait3A_66] : memref<40x128xi32, #tpu.memory_space<vmem>> -> memref<1x128xi32, #tpu.memory_space<vmem>>
      %dma_wait3A_68 = tpu.memref_squeeze %dma_wait3A_67 : memref<1x128xi32, #tpu.memory_space<vmem>> -> memref<128xi32, #tpu.memory_space<vmem>>
      %dma_wait3A_69 = arith.constant 0 : i32
      %dma_wait3A_70 = arith.constant 0 : i32
      %dma_wait3A_71 = tpu.memref_slice %arg3[%dma_wait3A_69, %dma_wait3A_70] : memref<10000x128xf32, #tpu.memory_space<hbm>> -> memref<10000x128xf32, #tpu.memory_space<hbm>>
      tpu.wait_indirect_dma semaphore(%arg10 : memref<!tpu.dma_semaphore, #tpu.memory_space<semaphore_mem>>) src(%dma_wait3A_71 : memref<10000x128xf32, #tpu.memory_space<hbm>>) dst(%arg7 : memref<128x128xf32, #tpu.memory_space<vmem>>)
      %run_scoped3A_72 = arith.constant 38 : i32
      "tpu.region"() ({
        %run_scoped3A_81 = tpu.sem_alloc : memref<!tpu.dma_semaphore, #tpu.memory_space<semaphore_mem>>
        %dma_start3A_82 = arith.constant 0 : i32
        %dma_start3A_83 = tpu.memref_slice %arg6[%run_scoped3A_72, %dma_start3A_82] : memref<40x128xi32, #tpu.memory_space<vmem>> -> memref<1x128xi32, #tpu.memory_space<vmem>>
        %dma_start3A_84 = tpu.memref_squeeze %dma_start3A_83 : memref<1x128xi32, #tpu.memory_space<vmem>> -> memref<128xi32, #tpu.memory_space<vmem>>
        %dma_start3A_85 = arith.constant 0 : i32
        %dma_start3A_86 = arith.constant 0 : i32
        %dma_start3A_87 = tpu.memref_slice %arg9[%dma_start3A_85, %dma_start3A_86] : memref<10240x128xf32, #tpu.memory_space<vmem_shared>> -> memref<10240x128xf32, #tpu.memory_space<vmem_shared>>
        tpu.enqueue_indirect_dma source(%arg7 : memref<128x128xf32, #tpu.memory_space<vmem>>) target(%dma_start3A_87 : memref<10240x128xf32, #tpu.memory_space<vmem_shared>>) offsets(%dma_start3A_84 : memref<128xi32, #tpu.memory_space<vmem>>) semaphore(%run_scoped3A_81 : memref<!tpu.dma_semaphore, #tpu.memory_space<semaphore_mem>>) {add = true}
        %dma_wait3A_88 = arith.constant 0 : i32
        %dma_wait3A_89 = tpu.memref_slice %arg6[%run_scoped3A_72, %dma_wait3A_88] : memref<40x128xi32, #tpu.memory_space<vmem>> -> memref<1x128xi32, #tpu.memory_space<vmem>>
        %dma_wait3A_90 = tpu.memref_squeeze %dma_wait3A_89 : memref<1x128xi32, #tpu.memory_space<vmem>> -> memref<128xi32, #tpu.memory_space<vmem>>
        %dma_wait3A_91 = arith.constant 0 : i32
        %dma_wait3A_92 = arith.constant 0 : i32
        %dma_wait3A_93 = tpu.memref_slice %arg9[%dma_wait3A_91, %dma_wait3A_92] : memref<10240x128xf32, #tpu.memory_space<vmem_shared>> -> memref<10240x128xf32, #tpu.memory_space<vmem_shared>>
        tpu.wait_indirect_dma semaphore(%run_scoped3A_81 : memref<!tpu.dma_semaphore, #tpu.memory_space<semaphore_mem>>) src(%arg7 : memref<128x128xf32, #tpu.memory_space<vmem>>) dst(%dma_wait3A_93 : memref<10240x128xf32, #tpu.memory_space<vmem_shared>>)
        tpu.yield
      }) : () -> ()
      %dma_wait3A_73 = arith.constant 39 : i32
      %dma_wait3A_74 = arith.constant 0 : i32
      %dma_wait3A_75 = tpu.memref_slice %arg5[%dma_wait3A_73, %dma_wait3A_74] : memref<40x128xi32, #tpu.memory_space<vmem>> -> memref<1x128xi32, #tpu.memory_space<vmem>>
      %dma_wait3A_76 = tpu.memref_squeeze %dma_wait3A_75 : memref<1x128xi32, #tpu.memory_space<vmem>> -> memref<128xi32, #tpu.memory_space<vmem>>
      %dma_wait3A_77 = arith.constant 0 : i32
      %dma_wait3A_78 = arith.constant 0 : i32
      %dma_wait3A_79 = tpu.memref_slice %arg3[%dma_wait3A_77, %dma_wait3A_78] : memref<10000x128xf32, #tpu.memory_space<hbm>> -> memref<10000x128xf32, #tpu.memory_space<hbm>>
      tpu.wait_indirect_dma semaphore(%arg11 : memref<!tpu.dma_semaphore, #tpu.memory_space<semaphore_mem>>) src(%dma_wait3A_79 : memref<10000x128xf32, #tpu.memory_space<hbm>>) dst(%arg8 : memref<128x128xf32, #tpu.memory_space<vmem>>)
      %run_scoped3A_80 = arith.constant 39 : i32
      "tpu.region"() ({
        %run_scoped3A_81 = tpu.sem_alloc : memref<!tpu.dma_semaphore, #tpu.memory_space<semaphore_mem>>
        %dma_start3A_82 = arith.constant 0 : i32
        %dma_start3A_83 = tpu.memref_slice %arg6[%run_scoped3A_80, %dma_start3A_82] : memref<40x128xi32, #tpu.memory_space<vmem>> -> memref<1x128xi32, #tpu.memory_space<vmem>>
        %dma_start3A_84 = tpu.memref_squeeze %dma_start3A_83 : memref<1x128xi32, #tpu.memory_space<vmem>> -> memref<128xi32, #tpu.memory_space<vmem>>
        %dma_start3A_85 = arith.constant 0 : i32
        %dma_start3A_86 = arith.constant 0 : i32
        %dma_start3A_87 = tpu.memref_slice %arg9[%dma_start3A_85, %dma_start3A_86] : memref<10240x128xf32, #tpu.memory_space<vmem_shared>> -> memref<10240x128xf32, #tpu.memory_space<vmem_shared>>
        tpu.enqueue_indirect_dma source(%arg8 : memref<128x128xf32, #tpu.memory_space<vmem>>) target(%dma_start3A_87 : memref<10240x128xf32, #tpu.memory_space<vmem_shared>>) offsets(%dma_start3A_84 : memref<128xi32, #tpu.memory_space<vmem>>) semaphore(%run_scoped3A_81 : memref<!tpu.dma_semaphore, #tpu.memory_space<semaphore_mem>>) {add = true}
        %dma_wait3A_88 = arith.constant 0 : i32
        %dma_wait3A_89 = tpu.memref_slice %arg6[%run_scoped3A_80, %dma_wait3A_88] : memref<40x128xi32, #tpu.memory_space<vmem>> -> memref<1x128xi32, #tpu.memory_space<vmem>>
        %dma_wait3A_90 = tpu.memref_squeeze %dma_wait3A_89 : memref<1x128xi32, #tpu.memory_space<vmem>> -> memref<128xi32, #tpu.memory_space<vmem>>
        %dma_wait3A_91 = arith.constant 0 : i32
        %dma_wait3A_92 = arith.constant 0 : i32
        %dma_wait3A_93 = tpu.memref_slice %arg9[%dma_wait3A_91, %dma_wait3A_92] : memref<10240x128xf32, #tpu.memory_space<vmem_shared>> -> memref<10240x128xf32, #tpu.memory_space<vmem_shared>>
        tpu.wait_indirect_dma semaphore(%run_scoped3A_81 : memref<!tpu.dma_semaphore, #tpu.memory_space<semaphore_mem>>) src(%arg8 : memref<128x128xf32, #tpu.memory_space<vmem>>) dst(%dma_wait3A_93 : memref<10240x128xf32, #tpu.memory_space<vmem_shared>>)
        tpu.yield
      }) : () -> ()
    } else {
    }
    %barrier3A_37 = arith.constant 0 : index
    tpu.barrier barrier_id(%barrier3A_37)
    %mul3A_38 = arith.constant 640 : i32
    %mul3A_39 = arith.muli %arg1, %mul3A_38 : i32
    %mul3A_40 = arith.constant 640 : i32
    %mul3A_41 = arith.muli %arg1, %mul3A_40 : i32
    "tpu.region"() ({
      %run_scoped3A = tpu.sem_alloc : memref<!tpu.dma_semaphore, #tpu.memory_space<semaphore_mem>>
      %dma_start3A = arith.constant 0 : i32
      %dma_start3A_42 = tpu.memref_slice %arg4[%arg0, %mul3A_41, %dma_start3A] : memref<2x10240x128xf32, #tpu.memory_space<hbm>> -> memref<1x640x128xf32, #tpu.memory_space<hbm>>
      %dma_start3A_43 = tpu.memref_squeeze %dma_start3A_42 : memref<1x640x128xf32, #tpu.memory_space<hbm>> -> memref<640x128xf32, #tpu.memory_space<hbm>>
      %dma_start3A_44 = arith.constant 0 : i32
      %dma_start3A_45 = tpu.memref_slice %arg9[%mul3A_39, %dma_start3A_44] : memref<10240x128xf32, #tpu.memory_space<vmem_shared>> -> memref<640x128xf32, #tpu.memory_space<vmem_shared>>
      tpu.enqueue_dma source(%dma_start3A_45 : memref<640x128xf32, #tpu.memory_space<vmem_shared>>) target(%dma_start3A_43 : memref<640x128xf32, #tpu.memory_space<hbm>>) target_semaphore(%run_scoped3A : memref<!tpu.dma_semaphore, #tpu.memory_space<semaphore_mem>>)
      %dma_wait3A = arith.constant 0 : i32
      %dma_wait3A_46 = tpu.memref_slice %arg4[%arg0, %mul3A_41, %dma_wait3A] : memref<2x10240x128xf32, #tpu.memory_space<hbm>> -> memref<1x640x128xf32, #tpu.memory_space<hbm>>
      %dma_wait3A_47 = tpu.memref_squeeze %dma_wait3A_46 : memref<1x640x128xf32, #tpu.memory_space<hbm>> -> memref<640x128xf32, #tpu.memory_space<hbm>>
      %dma_wait3A_48 = arith.constant 0 : i32
      %dma_wait3A_49 = tpu.memref_slice %arg9[%mul3A_39, %dma_wait3A_48] : memref<10240x128xf32, #tpu.memory_space<vmem_shared>> -> memref<640x128xf32, #tpu.memory_space<vmem_shared>>
      tpu.wait_dma2 semaphore(%run_scoped3A : memref<!tpu.dma_semaphore, #tpu.memory_space<semaphore_mem>>) src(%dma_wait3A_49 : memref<640x128xf32, #tpu.memory_space<vmem_shared>>) dst(%dma_wait3A_47 : memref<640x128xf32, #tpu.memory_space<hbm>>)
      tpu.yield
    }) : () -> ()
    return
  }
}

#map = affine_map<(d0, d1) -> (0, 0, 0)>
#map1 = affine_map<(d0, d1) -> (0, 0)>
module attributes {stable_mosaic.version = 14 : i64} {
  func.func @_edge_pass(%arg0: i32, %arg1: i32, %arg2: memref<2x2500x128xi32, #tpu.memory_space<hbm>>, %arg3: memref<10000x128xf32, #tpu.memory_space<hbm>>, %arg4: memref<2x10240x128xf32, #tpu.memory_space<hbm>>, %arg5: memref<40x128xi32, #tpu.memory_space<vmem>>, %arg6: memref<40x128xi32, #tpu.memory_space<vmem>>, %arg7: memref<128x128xf32, #tpu.memory_space<vmem>>, %arg8: memref<128x128xf32, #tpu.memory_space<vmem>>, %arg9: memref<10240x128xf32, #tpu.memory_space<vmem_shared>>, %arg10: memref<!tpu.dma_semaphore, #tpu.memory_space<semaphore_mem>>, %arg11: memref<!tpu.dma_semaphore, #tpu.memory_space<semaphore_mem>>) attributes {dimension_semantics = [#tpu.dimension_semantics<core_parallel>, #tpu.dimension_semantics<subcore_parallel>], iteration_bounds = array<i64: 2, 16>, scalar_prefetch = 0 : i64, scratch_operands = 7 : i64, tpu.core_type = #tpu.core_type<sc_vector_subcore>, window_params = [{transform_indices = #map}, {transform_indices = #map1}, {transform_indices = #map}]} {
    %mul3A = arith.constant 2 : i32
    %mul3A_0 = arith.muli %arg1, %mul3A : i32
    %add3A = arith.addi %mul3A_0, %arg0 : i32
    %scan3A = arith.constant 0 : i32
    %scan3A_1 = arith.constant 0 : i32
    %scan3A_2 = arith.constant 128 : i32
    %scan3A_3 = arith.addi %scan3A_1, %scan3A_2 : i32
    %scan3A_4 = arith.constant 1 : i32
    scf.for %scan3A_42 = %scan3A_1 to %scan3A_3 step %scan3A_4  : i32 {
      %broadcast_in_dim3A = arith.constant 0.000000e+00 : f32
      %broadcast_in_dim3A_43 = vector.broadcast %broadcast_in_dim3A : f32 to vector<16xf32>
      %swap3A = arith.index_cast %scan3A_42 : i32 to index
      %swap3A_44 = arith.constant 0 : index
      %swap3A_45 = tpu.vector_load %arg7[%swap3A, %swap3A_44] {strides = array<i32>} : memref<128x128xf32, #tpu.memory_space<vmem>>, vector<1x16xf32>,
      %swap3A_46 = vector.shape_cast %swap3A_45 : vector<1x16xf32> to vector<16xf32>
      %swap3A_47 = vector.shape_cast %broadcast_in_dim3A_43 : vector<16xf32> to vector<1x16xf32>
      tpu.vector_store %arg7[%swap3A, %swap3A_44], %swap3A_47 {strides = array<i32>} : memref<128x128xf32, #tpu.memory_space<vmem>>, vector<1x16xf32>,
      %broadcast_in_dim3A_48 = arith.constant 0.000000e+00 : f32
      %broadcast_in_dim3A_49 = vector.broadcast %broadcast_in_dim3A_48 : f32 to vector<16xf32>
      %swap3A_50 = arith.index_cast %scan3A_42 : i32 to index
      %swap3A_51 = arith.constant 16 : index
      %swap3A_52 = tpu.vector_load %arg7[%swap3A_50, %swap3A_51] {strides = array<i32>} : memref<128x128xf32, #tpu.memory_space<vmem>>, vector<1x16xf32>,
      %swap3A_53 = vector.shape_cast %swap3A_52 : vector<1x16xf32> to vector<16xf32>
      %swap3A_54 = vector.shape_cast %broadcast_in_dim3A_49 : vector<16xf32> to vector<1x16xf32>
      tpu.vector_store %arg7[%swap3A_50, %swap3A_51], %swap3A_54 {strides = array<i32>} : memref<128x128xf32, #tpu.memory_space<vmem>>, vector<1x16xf32>,
      %broadcast_in_dim3A_55 = arith.constant 0.000000e+00 : f32
      %broadcast_in_dim3A_56 = vector.broadcast %broadcast_in_dim3A_55 : f32 to vector<16xf32>
      %swap3A_57 = arith.index_cast %scan3A_42 : i32 to index
      %swap3A_58 = arith.constant 32 : index
      %swap3A_59 = tpu.vector_load %arg7[%swap3A_57, %swap3A_58] {strides = array<i32>} : memref<128x128xf32, #tpu.memory_space<vmem>>, vector<1x16xf32>,
      %swap3A_60 = vector.shape_cast %swap3A_59 : vector<1x16xf32> to vector<16xf32>
      %swap3A_61 = vector.shape_cast %broadcast_in_dim3A_56 : vector<16xf32> to vector<1x16xf32>
      tpu.vector_store %arg7[%swap3A_57, %swap3A_58], %swap3A_61 {strides = array<i32>} : memref<128x128xf32, #tpu.memory_space<vmem>>, vector<1x16xf32>,
      %broadcast_in_dim3A_62 = arith.constant 0.000000e+00 : f32
      %broadcast_in_dim3A_63 = vector.broadcast %broadcast_in_dim3A_62 : f32 to vector<16xf32>
      %swap3A_64 = arith.index_cast %scan3A_42 : i32 to index
      %swap3A_65 = arith.constant 48 : index
      %swap3A_66 = tpu.vector_load %arg7[%swap3A_64, %swap3A_65] {strides = array<i32>} : memref<128x128xf32, #tpu.memory_space<vmem>>, vector<1x16xf32>,
      %swap3A_67 = vector.shape_cast %swap3A_66 : vector<1x16xf32> to vector<16xf32>
      %swap3A_68 = vector.shape_cast %broadcast_in_dim3A_63 : vector<16xf32> to vector<1x16xf32>
      tpu.vector_store %arg7[%swap3A_64, %swap3A_65], %swap3A_68 {strides = array<i32>} : memref<128x128xf32, #tpu.memory_space<vmem>>, vector<1x16xf32>,
      %broadcast_in_dim3A_69 = arith.constant 0.000000e+00 : f32
      %broadcast_in_dim3A_70 = vector.broadcast %broadcast_in_dim3A_69 : f32 to vector<16xf32>
      %swap3A_71 = arith.index_cast %scan3A_42 : i32 to index
      %swap3A_72 = arith.constant 64 : index
      %swap3A_73 = tpu.vector_load %arg7[%swap3A_71, %swap3A_72] {strides = array<i32>} : memref<128x128xf32, #tpu.memory_space<vmem>>, vector<1x16xf32>,
      %swap3A_74 = vector.shape_cast %swap3A_73 : vector<1x16xf32> to vector<16xf32>
      %swap3A_75 = vector.shape_cast %broadcast_in_dim3A_70 : vector<16xf32> to vector<1x16xf32>
      tpu.vector_store %arg7[%swap3A_71, %swap3A_72], %swap3A_75 {strides = array<i32>} : memref<128x128xf32, #tpu.memory_space<vmem>>, vector<1x16xf32>,
      %broadcast_in_dim3A_76 = arith.constant 0.000000e+00 : f32
      %broadcast_in_dim3A_77 = vector.broadcast %broadcast_in_dim3A_76 : f32 to vector<16xf32>
      %swap3A_78 = arith.index_cast %scan3A_42 : i32 to index
      %swap3A_79 = arith.constant 80 : index
      %swap3A_80 = tpu.vector_load %arg7[%swap3A_78, %swap3A_79] {strides = array<i32>} : memref<128x128xf32, #tpu.memory_space<vmem>>, vector<1x16xf32>,
      %swap3A_81 = vector.shape_cast %swap3A_80 : vector<1x16xf32> to vector<16xf32>
      %swap3A_82 = vector.shape_cast %broadcast_in_dim3A_77 : vector<16xf32> to vector<1x16xf32>
      tpu.vector_store %arg7[%swap3A_78, %swap3A_79], %swap3A_82 {strides = array<i32>} : memref<128x128xf32, #tpu.memory_space<vmem>>, vector<1x16xf32>,
      %broadcast_in_dim3A_83 = arith.constant 0.000000e+00 : f32
      %broadcast_in_dim3A_84 = vector.broadcast %broadcast_in_dim3A_83 : f32 to vector<16xf32>
      %swap3A_85 = arith.index_cast %scan3A_42 : i32 to index
      %swap3A_86 = arith.constant 96 : index
      %swap3A_87 = tpu.vector_load %arg7[%swap3A_85, %swap3A_86] {strides = array<i32>} : memref<128x128xf32, #tpu.memory_space<vmem>>, vector<1x16xf32>,
      %swap3A_88 = vector.shape_cast %swap3A_87 : vector<1x16xf32> to vector<16xf32>
      %swap3A_89 = vector.shape_cast %broadcast_in_dim3A_84 : vector<16xf32> to vector<1x16xf32>
      tpu.vector_store %arg7[%swap3A_85, %swap3A_86], %swap3A_89 {strides = array<i32>} : memref<128x128xf32, #tpu.memory_space<vmem>>, vector<1x16xf32>,
      %broadcast_in_dim3A_90 = arith.constant 0.000000e+00 : f32
      %broadcast_in_dim3A_91 = vector.broadcast %broadcast_in_dim3A_90 : f32 to vector<16xf32>
      %swap3A_92 = arith.index_cast %scan3A_42 : i32 to index
      %swap3A_93 = arith.constant 112 : index
      %swap3A_94 = tpu.vector_load %arg7[%swap3A_92, %swap3A_93] {strides = array<i32>} : memref<128x128xf32, #tpu.memory_space<vmem>>, vector<1x16xf32>,
      %swap3A_95 = vector.shape_cast %swap3A_94 : vector<1x16xf32> to vector<16xf32>
      %swap3A_96 = vector.shape_cast %broadcast_in_dim3A_91 : vector<16xf32> to vector<1x16xf32>
      tpu.vector_store %arg7[%swap3A_92, %swap3A_93], %swap3A_96 {strides = array<i32>} : memref<128x128xf32, #tpu.memory_space<vmem>>, vector<1x16xf32>,
    }
    %scan3A_5 = arith.constant 128 : i32
    %mul3A_6 = arith.constant 640 : i32
    %mul3A_7 = arith.muli %arg1, %mul3A_6 : i32
    %add3A_8 = arith.constant 0 : i32
    %add3A_9 = arith.addi %mul3A_7, %add3A_8 : i32
    "tpu.region"() ({
      %run_scoped3A = tpu.sem_alloc : memref<!tpu.dma_semaphore, #tpu.memory_space<semaphore_mem>>
      %dma_start3A = arith.constant 0 : i32
      %dma_start3A_42 = tpu.memref_slice %arg9[%add3A_9, %dma_start3A] : memref<10240x128xf32, #tpu.memory_space<vmem_shared>> -> memref<128x128xf32, #tpu.memory_space<vmem_shared>>
      %dma_start3A_43 = arith.constant 0 : i32
      %dma_start3A_44 = tpu.memref_slice %arg9[%add3A_9, %dma_start3A_43] : memref<10240x128xf32, #tpu.memory_space<vmem_shared>> -> memref<128x128xf32, #tpu.memory_space<vmem_shared>>
      tpu.enqueue_dma source(%arg7 : memref<128x128xf32, #tpu.memory_space<vmem>>) target(%dma_start3A_44 : memref<128x128xf32, #tpu.memory_space<vmem_shared>>) target_semaphore(%run_scoped3A : memref<!tpu.dma_semaphore, #tpu.memory_space<semaphore_mem>>)
      %dma_wait3A = arith.constant 0 : i32
      %dma_wait3A_45 = tpu.memref_slice %arg9[%add3A_9, %dma_wait3A] : memref<10240x128xf32, #tpu.memory_space<vmem_shared>> -> memref<128x128xf32, #tpu.memory_space<vmem_shared>>
      %dma_wait3A_46 = arith.constant 0 : i32
      %dma_wait3A_47 = tpu.memref_slice %arg9[%add3A_9, %dma_wait3A_46] : memref<10240x128xf32, #tpu.memory_space<vmem_shared>> -> memref<128x128xf32, #tpu.memory_space<vmem_shared>>
      tpu.wait_dma2 semaphore(%run_scoped3A : memref<!tpu.dma_semaphore, #tpu.memory_space<semaphore_mem>>) src(%arg7 : memref<128x128xf32, #tpu.memory_space<vmem>>) dst(%dma_wait3A_47 : memref<128x128xf32, #tpu.memory_space<vmem_shared>>)
      tpu.yield
    }) : () -> ()
    %mul3A_10 = arith.constant 640 : i32
    %mul3A_11 = arith.muli %arg1, %mul3A_10 : i32
    %add3A_12 = arith.constant 128 : i32
    %add3A_13 = arith.addi %mul3A_11, %add3A_12 : i32
    "tpu.region"() ({
      %run_scoped3A = tpu.sem_alloc : memref<!tpu.dma_semaphore, #tpu.memory_space<semaphore_mem>>
      %dma_start3A = arith.constant 0 : i32
      %dma_start3A_42 = tpu.memref_slice %arg9[%add3A_13, %dma_start3A] : memref<10240x128xf32, #tpu.memory_space<vmem_shared>> -> memref<128x128xf32, #tpu.memory_space<vmem_shared>>
      %dma_start3A_43 = arith.constant 0 : i32
      %dma_start3A_44 = tpu.memref_slice %arg9[%add3A_13, %dma_start3A_43] : memref<10240x128xf32, #tpu.memory_space<vmem_shared>> -> memref<128x128xf32, #tpu.memory_space<vmem_shared>>
      tpu.enqueue_dma source(%arg7 : memref<128x128xf32, #tpu.memory_space<vmem>>) target(%dma_start3A_44 : memref<128x128xf32, #tpu.memory_space<vmem_shared>>) target_semaphore(%run_scoped3A : memref<!tpu.dma_semaphore, #tpu.memory_space<semaphore_mem>>)
      %dma_wait3A = arith.constant 0 : i32
      %dma_wait3A_45 = tpu.memref_slice %arg9[%add3A_13, %dma_wait3A] : memref<10240x128xf32, #tpu.memory_space<vmem_shared>> -> memref<128x128xf32, #tpu.memory_space<vmem_shared>>
      %dma_wait3A_46 = arith.constant 0 : i32
      %dma_wait3A_47 = tpu.memref_slice %arg9[%add3A_13, %dma_wait3A_46] : memref<10240x128xf32, #tpu.memory_space<vmem_shared>> -> memref<128x128xf32, #tpu.memory_space<vmem_shared>>
      tpu.wait_dma2 semaphore(%run_scoped3A : memref<!tpu.dma_semaphore, #tpu.memory_space<semaphore_mem>>) src(%arg7 : memref<128x128xf32, #tpu.memory_space<vmem>>) dst(%dma_wait3A_47 : memref<128x128xf32, #tpu.memory_space<vmem_shared>>)
      tpu.yield
    }) : () -> ()
    %mul3A_14 = arith.constant 640 : i32
    %mul3A_15 = arith.muli %arg1, %mul3A_14 : i32
    %add3A_16 = arith.constant 256 : i32
    %add3A_17 = arith.addi %mul3A_15, %add3A_16 : i32
    "tpu.region"() ({
      %run_scoped3A = tpu.sem_alloc : memref<!tpu.dma_semaphore, #tpu.memory_space<semaphore_mem>>
      %dma_start3A = arith.constant 0 : i32
      %dma_start3A_42 = tpu.memref_slice %arg9[%add3A_17, %dma_start3A] : memref<10240x128xf32, #tpu.memory_space<vmem_shared>> -> memref<128x128xf32, #tpu.memory_space<vmem_shared>>
      %dma_start3A_43 = arith.constant 0 : i32
      %dma_start3A_44 = tpu.memref_slice %arg9[%add3A_17, %dma_start3A_43] : memref<10240x128xf32, #tpu.memory_space<vmem_shared>> -> memref<128x128xf32, #tpu.memory_space<vmem_shared>>
      tpu.enqueue_dma source(%arg7 : memref<128x128xf32, #tpu.memory_space<vmem>>) target(%dma_start3A_44 : memref<128x128xf32, #tpu.memory_space<vmem_shared>>) target_semaphore(%run_scoped3A : memref<!tpu.dma_semaphore, #tpu.memory_space<semaphore_mem>>)
      %dma_wait3A = arith.constant 0 : i32
      %dma_wait3A_45 = tpu.memref_slice %arg9[%add3A_17, %dma_wait3A] : memref<10240x128xf32, #tpu.memory_space<vmem_shared>> -> memref<128x128xf32, #tpu.memory_space<vmem_shared>>
      %dma_wait3A_46 = arith.constant 0 : i32
      %dma_wait3A_47 = tpu.memref_slice %arg9[%add3A_17, %dma_wait3A_46] : memref<10240x128xf32, #tpu.memory_space<vmem_shared>> -> memref<128x128xf32, #tpu.memory_space<vmem_shared>>
      tpu.wait_dma2 semaphore(%run_scoped3A : memref<!tpu.dma_semaphore, #tpu.memory_space<semaphore_mem>>) src(%arg7 : memref<128x128xf32, #tpu.memory_space<vmem>>) dst(%dma_wait3A_47 : memref<128x128xf32, #tpu.memory_space<vmem_shared>>)
      tpu.yield
    }) : () -> ()
    %mul3A_18 = arith.constant 640 : i32
    %mul3A_19 = arith.muli %arg1, %mul3A_18 : i32
    %add3A_20 = arith.constant 384 : i32
    %add3A_21 = arith.addi %mul3A_19, %add3A_20 : i32
    "tpu.region"() ({
      %run_scoped3A = tpu.sem_alloc : memref<!tpu.dma_semaphore, #tpu.memory_space<semaphore_mem>>
      %dma_start3A = arith.constant 0 : i32
      %dma_start3A_42 = tpu.memref_slice %arg9[%add3A_21, %dma_start3A] : memref<10240x128xf32, #tpu.memory_space<vmem_shared>> -> memref<128x128xf32, #tpu.memory_space<vmem_shared>>
      %dma_start3A_43 = arith.constant 0 : i32
      %dma_start3A_44 = tpu.memref_slice %arg9[%add3A_21, %dma_start3A_43] : memref<10240x128xf32, #tpu.memory_space<vmem_shared>> -> memref<128x128xf32, #tpu.memory_space<vmem_shared>>
      tpu.enqueue_dma source(%arg7 : memref<128x128xf32, #tpu.memory_space<vmem>>) target(%dma_start3A_44 : memref<128x128xf32, #tpu.memory_space<vmem_shared>>) target_semaphore(%run_scoped3A : memref<!tpu.dma_semaphore, #tpu.memory_space<semaphore_mem>>)
      %dma_wait3A = arith.constant 0 : i32
      %dma_wait3A_45 = tpu.memref_slice %arg9[%add3A_21, %dma_wait3A] : memref<10240x128xf32, #tpu.memory_space<vmem_shared>> -> memref<128x128xf32, #tpu.memory_space<vmem_shared>>
      %dma_wait3A_46 = arith.constant 0 : i32
      %dma_wait3A_47 = tpu.memref_slice %arg9[%add3A_21, %dma_wait3A_46] : memref<10240x128xf32, #tpu.memory_space<vmem_shared>> -> memref<128x128xf32, #tpu.memory_space<vmem_shared>>
      tpu.wait_dma2 semaphore(%run_scoped3A : memref<!tpu.dma_semaphore, #tpu.memory_space<semaphore_mem>>) src(%arg7 : memref<128x128xf32, #tpu.memory_space<vmem>>) dst(%dma_wait3A_47 : memref<128x128xf32, #tpu.memory_space<vmem_shared>>)
      tpu.yield
    }) : () -> ()
    %mul3A_22 = arith.constant 640 : i32
    %mul3A_23 = arith.muli %arg1, %mul3A_22 : i32
    %add3A_24 = arith.constant 512 : i32
    %add3A_25 = arith.addi %mul3A_23, %add3A_24 : i32
    "tpu.region"() ({
      %run_scoped3A = tpu.sem_alloc : memref<!tpu.dma_semaphore, #tpu.memory_space<semaphore_mem>>
      %dma_start3A = arith.constant 0 : i32
      %dma_start3A_42 = tpu.memref_slice %arg9[%add3A_25, %dma_start3A] : memref<10240x128xf32, #tpu.memory_space<vmem_shared>> -> memref<128x128xf32, #tpu.memory_space<vmem_shared>>
      %dma_start3A_43 = arith.constant 0 : i32
      %dma_start3A_44 = tpu.memref_slice %arg9[%add3A_25, %dma_start3A_43] : memref<10240x128xf32, #tpu.memory_space<vmem_shared>> -> memref<128x128xf32, #tpu.memory_space<vmem_shared>>
      tpu.enqueue_dma source(%arg7 : memref<128x128xf32, #tpu.memory_space<vmem>>) target(%dma_start3A_44 : memref<128x128xf32, #tpu.memory_space<vmem_shared>>) target_semaphore(%run_scoped3A : memref<!tpu.dma_semaphore, #tpu.memory_space<semaphore_mem>>)
      %dma_wait3A = arith.constant 0 : i32
      %dma_wait3A_45 = tpu.memref_slice %arg9[%add3A_25, %dma_wait3A] : memref<10240x128xf32, #tpu.memory_space<vmem_shared>> -> memref<128x128xf32, #tpu.memory_space<vmem_shared>>
      %dma_wait3A_46 = arith.constant 0 : i32
      %dma_wait3A_47 = tpu.memref_slice %arg9[%add3A_25, %dma_wait3A_46] : memref<10240x128xf32, #tpu.memory_space<vmem_shared>> -> memref<128x128xf32, #tpu.memory_space<vmem_shared>>
      tpu.wait_dma2 semaphore(%run_scoped3A : memref<!tpu.dma_semaphore, #tpu.memory_space<semaphore_mem>>) src(%arg7 : memref<128x128xf32, #tpu.memory_space<vmem>>) dst(%dma_wait3A_47 : memref<128x128xf32, #tpu.memory_space<vmem_shared>>)
      tpu.yield
    }) : () -> ()
    %barrier3A = arith.constant 0 : index
    tpu.barrier barrier_id(%barrier3A)
    %lt3A = arith.constant 31 : i32
    %lt3A_26 = arith.cmpi slt, %add3A, %lt3A : i32
    %convert_element_type3A = arith.extui %lt3A_26 : i1 to i32
    %cond3A = arith.constant 0 : i32
    %cond3A_27 = arith.cmpi ne, %convert_element_type3A, %cond3A : i32
    scf.if %cond3A_27 {
      %mul3A_42 = arith.constant 80 : i32
      %mul3A_43 = arith.muli %add3A, %mul3A_42 : i32
      %add3A_44 = arith.constant 0 : i32
      %add3A_45 = arith.addi %mul3A_43, %add3A_44 : i32
      %run_scoped3A = arith.constant 0 : i32
      "tpu.region"() ({
        %run_scoped3A_81 = tpu.sem_alloc : memref<!tpu.dma_semaphore, #tpu.memory_space<semaphore_mem>>
        %dma_start3A_82 = arith.constant 0 : i32
        %dma_start3A_83 = tpu.memref_slice %arg2[%run_scoped3A, %add3A_45, %dma_start3A_82] : memref<2x2500x128xi32, #tpu.memory_space<hbm>> -> memref<1x40x128xi32, #tpu.memory_space<hbm>>
        %dma_start3A_84 = tpu.memref_squeeze %dma_start3A_83 : memref<1x40x128xi32, #tpu.memory_space<hbm>> -> memref<40x128xi32, #tpu.memory_space<hbm>>
        %dma_start3A_85 = arith.constant 0 : i32
        %dma_start3A_86 = tpu.memref_slice %arg2[%run_scoped3A, %add3A_45, %dma_start3A_85] : memref<2x2500x128xi32, #tpu.memory_space<hbm>> -> memref<1x40x128xi32, #tpu.memory_space<hbm>>
        %dma_start3A_87 = tpu.memref_squeeze %dma_start3A_86 : memref<1x40x128xi32, #tpu.memory_space<hbm>> -> memref<40x128xi32, #tpu.memory_space<hbm>>
        tpu.enqueue_dma source(%dma_start3A_87 : memref<40x128xi32, #tpu.memory_space<hbm>>) target(%arg5 : memref<40x128xi32, #tpu.memory_space<vmem>>) target_semaphore(%run_scoped3A_81 : memref<!tpu.dma_semaphore, #tpu.memory_space<semaphore_mem>>)
        %dma_wait3A_88 = arith.constant 0 : i32
        %dma_wait3A_89 = tpu.memref_slice %arg2[%run_scoped3A, %add3A_45, %dma_wait3A_88] : memref<2x2500x128xi32, #tpu.memory_space<hbm>> -> memref<1x40x128xi32, #tpu.memory_space<hbm>>
        %dma_wait3A_90 = tpu.memref_squeeze %dma_wait3A_89 : memref<1x40x128xi32, #tpu.memory_space<hbm>> -> memref<40x128xi32, #tpu.memory_space<hbm>>
        %dma_wait3A_91 = arith.constant 0 : i32
        %dma_wait3A_92 = tpu.memref_slice %arg2[%run_scoped3A, %add3A_45, %dma_wait3A_91] : memref<2x2500x128xi32, #tpu.memory_space<hbm>> -> memref<1x40x128xi32, #tpu.memory_space<hbm>>
        %dma_wait3A_93 = tpu.memref_squeeze %dma_wait3A_92 : memref<1x40x128xi32, #tpu.memory_space<hbm>> -> memref<40x128xi32, #tpu.memory_space<hbm>>
        tpu.wait_dma2 semaphore(%run_scoped3A_81 : memref<!tpu.dma_semaphore, #tpu.memory_space<semaphore_mem>>) src(%dma_wait3A_93 : memref<40x128xi32, #tpu.memory_space<hbm>>) dst(%arg5 : memref<40x128xi32, #tpu.memory_space<vmem>>)
        tpu.yield
      }) : () -> ()
      %run_scoped3A_46 = arith.constant 1 : i32
      "tpu.region"() ({
        %run_scoped3A_81 = tpu.sem_alloc : memref<!tpu.dma_semaphore, #tpu.memory_space<semaphore_mem>>
        %dma_start3A_82 = arith.constant 0 : i32
        %dma_start3A_83 = tpu.memref_slice %arg2[%run_scoped3A_46, %add3A_45, %dma_start3A_82] : memref<2x2500x128xi32, #tpu.memory_space<hbm>> -> memref<1x40x128xi32, #tpu.memory_space<hbm>>
        %dma_start3A_84 = tpu.memref_squeeze %dma_start3A_83 : memref<1x40x128xi32, #tpu.memory_space<hbm>> -> memref<40x128xi32, #tpu.memory_space<hbm>>
        %dma_start3A_85 = arith.constant 0 : i32
        %dma_start3A_86 = tpu.memref_slice %arg2[%run_scoped3A_46, %add3A_45, %dma_start3A_85] : memref<2x2500x128xi32, #tpu.memory_space<hbm>> -> memref<1x40x128xi32, #tpu.memory_space<hbm>>
        %dma_start3A_87 = tpu.memref_squeeze %dma_start3A_86 : memref<1x40x128xi32, #tpu.memory_space<hbm>> -> memref<40x128xi32, #tpu.memory_space<hbm>>
        tpu.enqueue_dma source(%dma_start3A_87 : memref<40x128xi32, #tpu.memory_space<hbm>>) target(%arg6 : memref<40x128xi32, #tpu.memory_space<vmem>>) target_semaphore(%run_scoped3A_81 : memref<!tpu.dma_semaphore, #tpu.memory_space<semaphore_mem>>)
        %dma_wait3A_88 = arith.constant 0 : i32
        %dma_wait3A_89 = tpu.memref_slice %arg2[%run_scoped3A_46, %add3A_45, %dma_wait3A_88] : memref<2x2500x128xi32, #tpu.memory_space<hbm>> -> memref<1x40x128xi32, #tpu.memory_space<hbm>>
        %dma_wait3A_90 = tpu.memref_squeeze %dma_wait3A_89 : memref<1x40x128xi32, #tpu.memory_space<hbm>> -> memref<40x128xi32, #tpu.memory_space<hbm>>
        %dma_wait3A_91 = arith.constant 0 : i32
        %dma_wait3A_92 = tpu.memref_slice %arg2[%run_scoped3A_46, %add3A_45, %dma_wait3A_91] : memref<2x2500x128xi32, #tpu.memory_space<hbm>> -> memref<1x40x128xi32, #tpu.memory_space<hbm>>
        %dma_wait3A_93 = tpu.memref_squeeze %dma_wait3A_92 : memref<1x40x128xi32, #tpu.memory_space<hbm>> -> memref<40x128xi32, #tpu.memory_space<hbm>>
        tpu.wait_dma2 semaphore(%run_scoped3A_81 : memref<!tpu.dma_semaphore, #tpu.memory_space<semaphore_mem>>) src(%dma_wait3A_93 : memref<40x128xi32, #tpu.memory_space<hbm>>) dst(%arg6 : memref<40x128xi32, #tpu.memory_space<vmem>>)
        tpu.yield
      }) : () -> ()
      %dma_start3A = arith.constant 0 : i32
      %dma_start3A_47 = arith.constant 0 : i32
      %dma_start3A_48 = tpu.memref_slice %arg5[%dma_start3A, %dma_start3A_47] : memref<40x128xi32, #tpu.memory_space<vmem>> -> memref<1x128xi32, #tpu.memory_space<vmem>>
      %dma_start3A_49 = tpu.memref_squeeze %dma_start3A_48 : memref<1x128xi32, #tpu.memory_space<vmem>> -> memref<128xi32, #tpu.memory_space<vmem>>
      %dma_start3A_50 = arith.constant 0 : i32
      %dma_start3A_51 = arith.constant 0 : i32
      %dma_start3A_52 = tpu.memref_slice %arg3[%dma_start3A_50, %dma_start3A_51] : memref<10000x128xf32, #tpu.memory_space<hbm>> -> memref<10000x128xf32, #tpu.memory_space<hbm>>
      tpu.enqueue_indirect_dma source(%dma_start3A_52 : memref<10000x128xf32, #tpu.memory_space<hbm>>) target(%arg7 : memref<128x128xf32, #tpu.memory_space<vmem>>) offsets(%dma_start3A_49 : memref<128xi32, #tpu.memory_space<vmem>>) semaphore(%arg10 : memref<!tpu.dma_semaphore, #tpu.memory_space<semaphore_mem>>)
      %scan3A_53 = arith.constant 0 : i32
      %scan3A_54 = arith.constant 0 : i32
      %scan3A_55 = arith.constant 19 : i32
      %scan3A_56 = arith.addi %scan3A_54, %scan3A_55 : i32
      %scan3A_57 = arith.constant 1 : i32
      scf.for %scan3A_81 = %scan3A_54 to %scan3A_56 step %scan3A_57  : i32 {
        %mul3A_82 = arith.constant 2 : i32
        %mul3A_83 = arith.muli %scan3A_81, %mul3A_82 : i32
        %add3A_84 = arith.constant 1 : i32
        %add3A_85 = arith.addi %mul3A_83, %add3A_84 : i32
        %dma_start3A_86 = arith.constant 0 : i32
        %dma_start3A_87 = tpu.memref_slice %arg5[%add3A_85, %dma_start3A_86] : memref<40x128xi32, #tpu.memory_space<vmem>> -> memref<1x128xi32, #tpu.memory_space<vmem>>
        %dma_start3A_88 = tpu.memref_squeeze %dma_start3A_87 : memref<1x128xi32, #tpu.memory_space<vmem>> -> memref<128xi32, #tpu.memory_space<vmem>>
        %dma_start3A_89 = arith.constant 0 : i32
        %dma_start3A_90 = arith.constant 0 : i32
        %dma_start3A_91 = tpu.memref_slice %arg3[%dma_start3A_89, %dma_start3A_90] : memref<10000x128xf32, #tpu.memory_space<hbm>> -> memref<10000x128xf32, #tpu.memory_space<hbm>>
        tpu.enqueue_indirect_dma source(%dma_start3A_91 : memref<10000x128xf32, #tpu.memory_space<hbm>>) target(%arg8 : memref<128x128xf32, #tpu.memory_space<vmem>>) offsets(%dma_start3A_88 : memref<128xi32, #tpu.memory_space<vmem>>) semaphore(%arg11 : memref<!tpu.dma_semaphore, #tpu.memory_space<semaphore_mem>>)
        %dma_wait3A_92 = arith.constant 0 : i32
        %dma_wait3A_93 = tpu.memref_slice %arg5[%mul3A_83, %dma_wait3A_92] : memref<40x128xi32, #tpu.memory_space<vmem>> -> memref<1x128xi32, #tpu.memory_space<vmem>>
        %dma_wait3A_94 = tpu.memref_squeeze %dma_wait3A_93 : memref<1x128xi32, #tpu.memory_space<vmem>> -> memref<128xi32, #tpu.memory_space<vmem>>
        %dma_wait3A_95 = arith.constant 0 : i32
        %dma_wait3A_96 = arith.constant 0 : i32
        %dma_wait3A_97 = tpu.memref_slice %arg3[%dma_wait3A_95, %dma_wait3A_96] : memref<10000x128xf32, #tpu.memory_space<hbm>> -> memref<10000x128xf32, #tpu.memory_space<hbm>>
        tpu.wait_indirect_dma semaphore(%arg10 : memref<!tpu.dma_semaphore, #tpu.memory_space<semaphore_mem>>) src(%dma_wait3A_97 : memref<10000x128xf32, #tpu.memory_space<hbm>>) dst(%arg7 : memref<128x128xf32, #tpu.memory_space<vmem>>)
        "tpu.region"() ({
          %run_scoped3A_116 = tpu.sem_alloc : memref<!tpu.dma_semaphore, #tpu.memory_space<semaphore_mem>>
          %dma_start3A_117 = arith.constant 0 : i32
          %dma_start3A_118 = tpu.memref_slice %arg6[%mul3A_83, %dma_start3A_117] : memref<40x128xi32, #tpu.memory_space<vmem>> -> memref<1x128xi32, #tpu.memory_space<vmem>>
          %dma_start3A_119 = tpu.memref_squeeze %dma_start3A_118 : memref<1x128xi32, #tpu.memory_space<vmem>> -> memref<128xi32, #tpu.memory_space<vmem>>
          %dma_start3A_120 = arith.constant 0 : i32
          %dma_start3A_121 = arith.constant 0 : i32
          %dma_start3A_122 = tpu.memref_slice %arg9[%dma_start3A_120, %dma_start3A_121] : memref<10240x128xf32, #tpu.memory_space<vmem_shared>> -> memref<10240x128xf32, #tpu.memory_space<vmem_shared>>
          tpu.enqueue_indirect_dma source(%arg7 : memref<128x128xf32, #tpu.memory_space<vmem>>) target(%dma_start3A_122 : memref<10240x128xf32, #tpu.memory_space<vmem_shared>>) offsets(%dma_start3A_119 : memref<128xi32, #tpu.memory_space<vmem>>) semaphore(%run_scoped3A_116 : memref<!tpu.dma_semaphore, #tpu.memory_space<semaphore_mem>>) {add = true}
          %dma_wait3A_123 = arith.constant 0 : i32
          %dma_wait3A_124 = tpu.memref_slice %arg6[%mul3A_83, %dma_wait3A_123] : memref<40x128xi32, #tpu.memory_space<vmem>> -> memref<1x128xi32, #tpu.memory_space<vmem>>
          %dma_wait3A_125 = tpu.memref_squeeze %dma_wait3A_124 : memref<1x128xi32, #tpu.memory_space<vmem>> -> memref<128xi32, #tpu.memory_space<vmem>>
          %dma_wait3A_126 = arith.constant 0 : i32
          %dma_wait3A_127 = arith.constant 0 : i32
          %dma_wait3A_128 = tpu.memref_slice %arg9[%dma_wait3A_126, %dma_wait3A_127] : memref<10240x128xf32, #tpu.memory_space<vmem_shared>> -> memref<10240x128xf32, #tpu.memory_space<vmem_shared>>
          tpu.wait_indirect_dma semaphore(%run_scoped3A_116 : memref<!tpu.dma_semaphore, #tpu.memory_space<semaphore_mem>>) src(%arg7 : memref<128x128xf32, #tpu.memory_space<vmem>>) dst(%dma_wait3A_128 : memref<10240x128xf32, #tpu.memory_space<vmem_shared>>)
          tpu.yield
        }) : () -> ()
        %add3A_98 = arith.constant 2 : i32
        %add3A_99 = arith.addi %mul3A_83, %add3A_98 : i32
        %dma_start3A_100 = arith.constant 0 : i32
        %dma_start3A_101 = tpu.memref_slice %arg5[%add3A_99, %dma_start3A_100] : memref<40x128xi32, #tpu.memory_space<vmem>> -> memref<1x128xi32, #tpu.memory_space<vmem>>
        %dma_start3A_102 = tpu.memref_squeeze %dma_start3A_101 : memref<1x128xi32, #tpu.memory_space<vmem>> -> memref<128xi32, #tpu.memory_space<vmem>>
        %dma_start3A_103 = arith.constant 0 : i32
        %dma_start3A_104 = arith.constant 0 : i32
        %dma_start3A_105 = tpu.memref_slice %arg3[%dma_start3A_103, %dma_start3A_104] : memref<10000x128xf32, #tpu.memory_space<hbm>> -> memref<10000x128xf32, #tpu.memory_space<hbm>>
        tpu.enqueue_indirect_dma source(%dma_start3A_105 : memref<10000x128xf32, #tpu.memory_space<hbm>>) target(%arg7 : memref<128x128xf32, #tpu.memory_space<vmem>>) offsets(%dma_start3A_102 : memref<128xi32, #tpu.memory_space<vmem>>) semaphore(%arg10 : memref<!tpu.dma_semaphore, #tpu.memory_space<semaphore_mem>>)
        %add3A_106 = arith.constant 1 : i32
        %add3A_107 = arith.addi %mul3A_83, %add3A_106 : i32
        %dma_wait3A_108 = arith.constant 0 : i32
        %dma_wait3A_109 = tpu.memref_slice %arg5[%add3A_107, %dma_wait3A_108] : memref<40x128xi32, #tpu.memory_space<vmem>> -> memref<1x128xi32, #tpu.memory_space<vmem>>
        %dma_wait3A_110 = tpu.memref_squeeze %dma_wait3A_109 : memref<1x128xi32, #tpu.memory_space<vmem>> -> memref<128xi32, #tpu.memory_space<vmem>>
        %dma_wait3A_111 = arith.constant 0 : i32
        %dma_wait3A_112 = arith.constant 0 : i32
        %dma_wait3A_113 = tpu.memref_slice %arg3[%dma_wait3A_111, %dma_wait3A_112] : memref<10000x128xf32, #tpu.memory_space<hbm>> -> memref<10000x128xf32, #tpu.memory_space<hbm>>
        tpu.wait_indirect_dma semaphore(%arg11 : memref<!tpu.dma_semaphore, #tpu.memory_space<semaphore_mem>>) src(%dma_wait3A_113 : memref<10000x128xf32, #tpu.memory_space<hbm>>) dst(%arg8 : memref<128x128xf32, #tpu.memory_space<vmem>>)
        %add3A_114 = arith.constant 1 : i32
        %add3A_115 = arith.addi %mul3A_83, %add3A_114 : i32
        "tpu.region"() ({
          %run_scoped3A_116 = tpu.sem_alloc : memref<!tpu.dma_semaphore, #tpu.memory_space<semaphore_mem>>
          %dma_start3A_117 = arith.constant 0 : i32
          %dma_start3A_118 = tpu.memref_slice %arg6[%add3A_115, %dma_start3A_117] : memref<40x128xi32, #tpu.memory_space<vmem>> -> memref<1x128xi32, #tpu.memory_space<vmem>>
          %dma_start3A_119 = tpu.memref_squeeze %dma_start3A_118 : memref<1x128xi32, #tpu.memory_space<vmem>> -> memref<128xi32, #tpu.memory_space<vmem>>
          %dma_start3A_120 = arith.constant 0 : i32
          %dma_start3A_121 = arith.constant 0 : i32
          %dma_start3A_122 = tpu.memref_slice %arg9[%dma_start3A_120, %dma_start3A_121] : memref<10240x128xf32, #tpu.memory_space<vmem_shared>> -> memref<10240x128xf32, #tpu.memory_space<vmem_shared>>
          tpu.enqueue_indirect_dma source(%arg8 : memref<128x128xf32, #tpu.memory_space<vmem>>) target(%dma_start3A_122 : memref<10240x128xf32, #tpu.memory_space<vmem_shared>>) offsets(%dma_start3A_119 : memref<128xi32, #tpu.memory_space<vmem>>) semaphore(%run_scoped3A_116 : memref<!tpu.dma_semaphore, #tpu.memory_space<semaphore_mem>>) {add = true}
          %dma_wait3A_123 = arith.constant 0 : i32
          %dma_wait3A_124 = tpu.memref_slice %arg6[%add3A_115, %dma_wait3A_123] : memref<40x128xi32, #tpu.memory_space<vmem>> -> memref<1x128xi32, #tpu.memory_space<vmem>>
          %dma_wait3A_125 = tpu.memref_squeeze %dma_wait3A_124 : memref<1x128xi32, #tpu.memory_space<vmem>> -> memref<128xi32, #tpu.memory_space<vmem>>
          %dma_wait3A_126 = arith.constant 0 : i32
          %dma_wait3A_127 = arith.constant 0 : i32
          %dma_wait3A_128 = tpu.memref_slice %arg9[%dma_wait3A_126, %dma_wait3A_127] : memref<10240x128xf32, #tpu.memory_space<vmem_shared>> -> memref<10240x128xf32, #tpu.memory_space<vmem_shared>>
          tpu.wait_indirect_dma semaphore(%run_scoped3A_116 : memref<!tpu.dma_semaphore, #tpu.memory_space<semaphore_mem>>) src(%arg8 : memref<128x128xf32, #tpu.memory_space<vmem>>) dst(%dma_wait3A_128 : memref<10240x128xf32, #tpu.memory_space<vmem_shared>>)
          tpu.yield
        }) : () -> ()
      }
      %scan3A_58 = arith.constant 19 : i32
      %dma_start3A_59 = arith.constant 39 : i32
      %dma_start3A_60 = arith.constant 0 : i32
      %dma_start3A_61 = tpu.memref_slice %arg5[%dma_start3A_59, %dma_start3A_60] : memref<40x128xi32, #tpu.memory_space<vmem>> -> memref<1x128xi32, #tpu.memory_space<vmem>>
      %dma_start3A_62 = tpu.memref_squeeze %dma_start3A_61 : memref<1x128xi32, #tpu.memory_space<vmem>> -> memref<128xi32, #tpu.memory_space<vmem>>
      %dma_start3A_63 = arith.constant 0 : i32
      %dma_start3A_64 = arith.constant 0 : i32
      %dma_start3A_65 = tpu.memref_slice %arg3[%dma_start3A_63, %dma_start3A_64] : memref<10000x128xf32, #tpu.memory_space<hbm>> -> memref<10000x128xf32, #tpu.memory_space<hbm>>
      tpu.enqueue_indirect_dma source(%dma_start3A_65 : memref<10000x128xf32, #tpu.memory_space<hbm>>) target(%arg8 : memref<128x128xf32, #tpu.memory_space<vmem>>) offsets(%dma_start3A_62 : memref<128xi32, #tpu.memory_space<vmem>>) semaphore(%arg11 : memref<!tpu.dma_semaphore, #tpu.memory_space<semaphore_mem>>)
      %dma_wait3A = arith.constant 38 : i32
      %dma_wait3A_66 = arith.constant 0 : i32
      %dma_wait3A_67 = tpu.memref_slice %arg5[%dma_wait3A, %dma_wait3A_66] : memref<40x128xi32, #tpu.memory_space<vmem>> -> memref<1x128xi32, #tpu.memory_space<vmem>>
      %dma_wait3A_68 = tpu.memref_squeeze %dma_wait3A_67 : memref<1x128xi32, #tpu.memory_space<vmem>> -> memref<128xi32, #tpu.memory_space<vmem>>
      %dma_wait3A_69 = arith.constant 0 : i32
      %dma_wait3A_70 = arith.constant 0 : i32
      %dma_wait3A_71 = tpu.memref_slice %arg3[%dma_wait3A_69, %dma_wait3A_70] : memref<10000x128xf32, #tpu.memory_space<hbm>> -> memref<10000x128xf32, #tpu.memory_space<hbm>>
      tpu.wait_indirect_dma semaphore(%arg10 : memref<!tpu.dma_semaphore, #tpu.memory_space<semaphore_mem>>) src(%dma_wait3A_71 : memref<10000x128xf32, #tpu.memory_space<hbm>>) dst(%arg7 : memref<128x128xf32, #tpu.memory_space<vmem>>)
      %run_scoped3A_72 = arith.constant 38 : i32
      "tpu.region"() ({
        %run_scoped3A_81 = tpu.sem_alloc : memref<!tpu.dma_semaphore, #tpu.memory_space<semaphore_mem>>
        %dma_start3A_82 = arith.constant 0 : i32
        %dma_start3A_83 = tpu.memref_slice %arg6[%run_scoped3A_72, %dma_start3A_82] : memref<40x128xi32, #tpu.memory_space<vmem>> -> memref<1x128xi32, #tpu.memory_space<vmem>>
        %dma_start3A_84 = tpu.memref_squeeze %dma_start3A_83 : memref<1x128xi32, #tpu.memory_space<vmem>> -> memref<128xi32, #tpu.memory_space<vmem>>
        %dma_start3A_85 = arith.constant 0 : i32
        %dma_start3A_86 = arith.constant 0 : i32
        %dma_start3A_87 = tpu.memref_slice %arg9[%dma_start3A_85, %dma_start3A_86] : memref<10240x128xf32, #tpu.memory_space<vmem_shared>> -> memref<10240x128xf32, #tpu.memory_space<vmem_shared>>
        tpu.enqueue_indirect_dma source(%arg7 : memref<128x128xf32, #tpu.memory_space<vmem>>) target(%dma_start3A_87 : memref<10240x128xf32, #tpu.memory_space<vmem_shared>>) offsets(%dma_start3A_84 : memref<128xi32, #tpu.memory_space<vmem>>) semaphore(%run_scoped3A_81 : memref<!tpu.dma_semaphore, #tpu.memory_space<semaphore_mem>>) {add = true}
        %dma_wait3A_88 = arith.constant 0 : i32
        %dma_wait3A_89 = tpu.memref_slice %arg6[%run_scoped3A_72, %dma_wait3A_88] : memref<40x128xi32, #tpu.memory_space<vmem>> -> memref<1x128xi32, #tpu.memory_space<vmem>>
        %dma_wait3A_90 = tpu.memref_squeeze %dma_wait3A_89 : memref<1x128xi32, #tpu.memory_space<vmem>> -> memref<128xi32, #tpu.memory_space<vmem>>
        %dma_wait3A_91 = arith.constant 0 : i32
        %dma_wait3A_92 = arith.constant 0 : i32
        %dma_wait3A_93 = tpu.memref_slice %arg9[%dma_wait3A_91, %dma_wait3A_92] : memref<10240x128xf32, #tpu.memory_space<vmem_shared>> -> memref<10240x128xf32, #tpu.memory_space<vmem_shared>>
        tpu.wait_indirect_dma semaphore(%run_scoped3A_81 : memref<!tpu.dma_semaphore, #tpu.memory_space<semaphore_mem>>) src(%arg7 : memref<128x128xf32, #tpu.memory_space<vmem>>) dst(%dma_wait3A_93 : memref<10240x128xf32, #tpu.memory_space<vmem_shared>>)
        tpu.yield
      }) : () -> ()
      %dma_wait3A_73 = arith.constant 39 : i32
      %dma_wait3A_74 = arith.constant 0 : i32
      %dma_wait3A_75 = tpu.memref_slice %arg5[%dma_wait3A_73, %dma_wait3A_74] : memref<40x128xi32, #tpu.memory_space<vmem>> -> memref<1x128xi32, #tpu.memory_space<vmem>>
      %dma_wait3A_76 = tpu.memref_squeeze %dma_wait3A_75 : memref<1x128xi32, #tpu.memory_space<vmem>> -> memref<128xi32, #tpu.memory_space<vmem>>
      %dma_wait3A_77 = arith.constant 0 : i32
      %dma_wait3A_78 = arith.constant 0 : i32
      %dma_wait3A_79 = tpu.memref_slice %arg3[%dma_wait3A_77, %dma_wait3A_78] : memref<10000x128xf32, #tpu.memory_space<hbm>> -> memref<10000x128xf32, #tpu.memory_space<hbm>>
      tpu.wait_indirect_dma semaphore(%arg11 : memref<!tpu.dma_semaphore, #tpu.memory_space<semaphore_mem>>) src(%dma_wait3A_79 : memref<10000x128xf32, #tpu.memory_space<hbm>>) dst(%arg8 : memref<128x128xf32, #tpu.memory_space<vmem>>)
      %run_scoped3A_80 = arith.constant 39 : i32
      "tpu.region"() ({
        %run_scoped3A_81 = tpu.sem_alloc : memref<!tpu.dma_semaphore, #tpu.memory_space<semaphore_mem>>
        %dma_start3A_82 = arith.constant 0 : i32
        %dma_start3A_83 = tpu.memref_slice %arg6[%run_scoped3A_80, %dma_start3A_82] : memref<40x128xi32, #tpu.memory_space<vmem>> -> memref<1x128xi32, #tpu.memory_space<vmem>>
        %dma_start3A_84 = tpu.memref_squeeze %dma_start3A_83 : memref<1x128xi32, #tpu.memory_space<vmem>> -> memref<128xi32, #tpu.memory_space<vmem>>
        %dma_start3A_85 = arith.constant 0 : i32
        %dma_start3A_86 = arith.constant 0 : i32
        %dma_start3A_87 = tpu.memref_slice %arg9[%dma_start3A_85, %dma_start3A_86] : memref<10240x128xf32, #tpu.memory_space<vmem_shared>> -> memref<10240x128xf32, #tpu.memory_space<vmem_shared>>
        tpu.enqueue_indirect_dma source(%arg8 : memref<128x128xf32, #tpu.memory_space<vmem>>) target(%dma_start3A_87 : memref<10240x128xf32, #tpu.memory_space<vmem_shared>>) offsets(%dma_start3A_84 : memref<128xi32, #tpu.memory_space<vmem>>) semaphore(%run_scoped3A_81 : memref<!tpu.dma_semaphore, #tpu.memory_space<semaphore_mem>>) {add = true}
        %dma_wait3A_88 = arith.constant 0 : i32
        %dma_wait3A_89 = tpu.memref_slice %arg6[%run_scoped3A_80, %dma_wait3A_88] : memref<40x128xi32, #tpu.memory_space<vmem>> -> memref<1x128xi32, #tpu.memory_space<vmem>>
        %dma_wait3A_90 = tpu.memref_squeeze %dma_wait3A_89 : memref<1x128xi32, #tpu.memory_space<vmem>> -> memref<128xi32, #tpu.memory_space<vmem>>
        %dma_wait3A_91 = arith.constant 0 : i32
        %dma_wait3A_92 = arith.constant 0 : i32
        %dma_wait3A_93 = tpu.memref_slice %arg9[%dma_wait3A_91, %dma_wait3A_92] : memref<10240x128xf32, #tpu.memory_space<vmem_shared>> -> memref<10240x128xf32, #tpu.memory_space<vmem_shared>>
        tpu.wait_indirect_dma semaphore(%run_scoped3A_81 : memref<!tpu.dma_semaphore, #tpu.memory_space<semaphore_mem>>) src(%arg8 : memref<128x128xf32, #tpu.memory_space<vmem>>) dst(%dma_wait3A_93 : memref<10240x128xf32, #tpu.memory_space<vmem_shared>>)
        tpu.yield
      }) : () -> ()
    } else {
    }
    %eq3A = arith.constant 31 : i32
    %eq3A_28 = arith.cmpi eq, %add3A, %eq3A : i32
    %convert_element_type3A_29 = arith.extui %eq3A_28 : i1 to i32
    %cond3A_30 = arith.constant 0 : i32
    %cond3A_31 = arith.cmpi ne, %convert_element_type3A_29, %cond3A_30 : i32
    scf.if %cond3A_31 {
      %run_scoped3A = arith.constant 0 : i32
      "tpu.region"() ({
        %run_scoped3A_77 = tpu.sem_alloc : memref<!tpu.dma_semaphore, #tpu.memory_space<semaphore_mem>>
        %dma_start3A_78 = arith.constant 0 : i32
        %dma_start3A_79 = arith.constant 0 : i32
        %dma_start3A_80 = tpu.memref_slice %arg5[%dma_start3A_78, %dma_start3A_79] : memref<40x128xi32, #tpu.memory_space<vmem>> -> memref<20x128xi32, #tpu.memory_space<vmem>>
        %dma_start3A_81 = arith.constant 2480 : i32
        %dma_start3A_82 = arith.constant 0 : i32
        %dma_start3A_83 = tpu.memref_slice %arg2[%run_scoped3A, %dma_start3A_81, %dma_start3A_82] : memref<2x2500x128xi32, #tpu.memory_space<hbm>> -> memref<1x20x128xi32, #tpu.memory_space<hbm>>
        %dma_start3A_84 = tpu.memref_squeeze %dma_start3A_83 : memref<1x20x128xi32, #tpu.memory_space<hbm>> -> memref<20x128xi32, #tpu.memory_space<hbm>>
        %dma_start3A_85 = arith.constant 0 : i32
        %dma_start3A_86 = arith.constant 0 : i32
        %dma_start3A_87 = tpu.memref_slice %arg5[%dma_start3A_85, %dma_start3A_86] : memref<40x128xi32, #tpu.memory_space<vmem>> -> memref<20x128xi32, #tpu.memory_space<vmem>>
        %dma_start3A_88 = arith.constant 2480 : i32
        %dma_start3A_89 = arith.constant 0 : i32
        %dma_start3A_90 = tpu.memref_slice %arg2[%run_scoped3A, %dma_start3A_88, %dma_start3A_89] : memref<2x2500x128xi32, #tpu.memory_space<hbm>> -> memref<1x20x128xi32, #tpu.memory_space<hbm>>
        %dma_start3A_91 = tpu.memref_squeeze %dma_start3A_90 : memref<1x20x128xi32, #tpu.memory_space<hbm>> -> memref<20x128xi32, #tpu.memory_space<hbm>>
        tpu.enqueue_dma source(%dma_start3A_91 : memref<20x128xi32, #tpu.memory_space<hbm>>) target(%dma_start3A_87 : memref<20x128xi32, #tpu.memory_space<vmem>>) target_semaphore(%run_scoped3A_77 : memref<!tpu.dma_semaphore, #tpu.memory_space<semaphore_mem>>)
        %dma_wait3A_92 = arith.constant 0 : i32
        %dma_wait3A_93 = arith.constant 0 : i32
        %dma_wait3A_94 = tpu.memref_slice %arg5[%dma_wait3A_92, %dma_wait3A_93] : memref<40x128xi32, #tpu.memory_space<vmem>> -> memref<20x128xi32, #tpu.memory_space<vmem>>
        %dma_wait3A_95 = arith.constant 2480 : i32
        %dma_wait3A_96 = arith.constant 0 : i32
        %dma_wait3A_97 = tpu.memref_slice %arg2[%run_scoped3A, %dma_wait3A_95, %dma_wait3A_96] : memref<2x2500x128xi32, #tpu.memory_space<hbm>> -> memref<1x20x128xi32, #tpu.memory_space<hbm>>
        %dma_wait3A_98 = tpu.memref_squeeze %dma_wait3A_97 : memref<1x20x128xi32, #tpu.memory_space<hbm>> -> memref<20x128xi32, #tpu.memory_space<hbm>>
        %dma_wait3A_99 = arith.constant 0 : i32
        %dma_wait3A_100 = arith.constant 0 : i32
        %dma_wait3A_101 = tpu.memref_slice %arg5[%dma_wait3A_99, %dma_wait3A_100] : memref<40x128xi32, #tpu.memory_space<vmem>> -> memref<20x128xi32, #tpu.memory_space<vmem>>
        %dma_wait3A_102 = arith.constant 2480 : i32
        %dma_wait3A_103 = arith.constant 0 : i32
        %dma_wait3A_104 = tpu.memref_slice %arg2[%run_scoped3A, %dma_wait3A_102, %dma_wait3A_103] : memref<2x2500x128xi32, #tpu.memory_space<hbm>> -> memref<1x20x128xi32, #tpu.memory_space<hbm>>
        %dma_wait3A_105 = tpu.memref_squeeze %dma_wait3A_104 : memref<1x20x128xi32, #tpu.memory_space<hbm>> -> memref<20x128xi32, #tpu.memory_space<hbm>>
        tpu.wait_dma2 semaphore(%run_scoped3A_77 : memref<!tpu.dma_semaphore, #tpu.memory_space<semaphore_mem>>) src(%dma_wait3A_105 : memref<20x128xi32, #tpu.memory_space<hbm>>) dst(%dma_wait3A_101 : memref<20x128xi32, #tpu.memory_space<vmem>>)
        tpu.yield
      }) : () -> ()
      %run_scoped3A_42 = arith.constant 1 : i32
      "tpu.region"() ({
        %run_scoped3A_77 = tpu.sem_alloc : memref<!tpu.dma_semaphore, #tpu.memory_space<semaphore_mem>>
        %dma_start3A_78 = arith.constant 0 : i32
        %dma_start3A_79 = arith.constant 0 : i32
        %dma_start3A_80 = tpu.memref_slice %arg6[%dma_start3A_78, %dma_start3A_79] : memref<40x128xi32, #tpu.memory_space<vmem>> -> memref<20x128xi32, #tpu.memory_space<vmem>>
        %dma_start3A_81 = arith.constant 2480 : i32
        %dma_start3A_82 = arith.constant 0 : i32
        %dma_start3A_83 = tpu.memref_slice %arg2[%run_scoped3A_42, %dma_start3A_81, %dma_start3A_82] : memref<2x2500x128xi32, #tpu.memory_space<hbm>> -> memref<1x20x128xi32, #tpu.memory_space<hbm>>
        %dma_start3A_84 = tpu.memref_squeeze %dma_start3A_83 : memref<1x20x128xi32, #tpu.memory_space<hbm>> -> memref<20x128xi32, #tpu.memory_space<hbm>>
        %dma_start3A_85 = arith.constant 0 : i32
        %dma_start3A_86 = arith.constant 0 : i32
        %dma_start3A_87 = tpu.memref_slice %arg6[%dma_start3A_85, %dma_start3A_86] : memref<40x128xi32, #tpu.memory_space<vmem>> -> memref<20x128xi32, #tpu.memory_space<vmem>>
        %dma_start3A_88 = arith.constant 2480 : i32
        %dma_start3A_89 = arith.constant 0 : i32
        %dma_start3A_90 = tpu.memref_slice %arg2[%run_scoped3A_42, %dma_start3A_88, %dma_start3A_89] : memref<2x2500x128xi32, #tpu.memory_space<hbm>> -> memref<1x20x128xi32, #tpu.memory_space<hbm>>
        %dma_start3A_91 = tpu.memref_squeeze %dma_start3A_90 : memref<1x20x128xi32, #tpu.memory_space<hbm>> -> memref<20x128xi32, #tpu.memory_space<hbm>>
        tpu.enqueue_dma source(%dma_start3A_91 : memref<20x128xi32, #tpu.memory_space<hbm>>) target(%dma_start3A_87 : memref<20x128xi32, #tpu.memory_space<vmem>>) target_semaphore(%run_scoped3A_77 : memref<!tpu.dma_semaphore, #tpu.memory_space<semaphore_mem>>)
        %dma_wait3A_92 = arith.constant 0 : i32
        %dma_wait3A_93 = arith.constant 0 : i32
        %dma_wait3A_94 = tpu.memref_slice %arg6[%dma_wait3A_92, %dma_wait3A_93] : memref<40x128xi32, #tpu.memory_space<vmem>> -> memref<20x128xi32, #tpu.memory_space<vmem>>
        %dma_wait3A_95 = arith.constant 2480 : i32
        %dma_wait3A_96 = arith.constant 0 : i32
        %dma_wait3A_97 = tpu.memref_slice %arg2[%run_scoped3A_42, %dma_wait3A_95, %dma_wait3A_96] : memref<2x2500x128xi32, #tpu.memory_space<hbm>> -> memref<1x20x128xi32, #tpu.memory_space<hbm>>
        %dma_wait3A_98 = tpu.memref_squeeze %dma_wait3A_97 : memref<1x20x128xi32, #tpu.memory_space<hbm>> -> memref<20x128xi32, #tpu.memory_space<hbm>>
        %dma_wait3A_99 = arith.constant 0 : i32
        %dma_wait3A_100 = arith.constant 0 : i32
        %dma_wait3A_101 = tpu.memref_slice %arg6[%dma_wait3A_99, %dma_wait3A_100] : memref<40x128xi32, #tpu.memory_space<vmem>> -> memref<20x128xi32, #tpu.memory_space<vmem>>
        %dma_wait3A_102 = arith.constant 2480 : i32
        %dma_wait3A_103 = arith.constant 0 : i32
        %dma_wait3A_104 = tpu.memref_slice %arg2[%run_scoped3A_42, %dma_wait3A_102, %dma_wait3A_103] : memref<2x2500x128xi32, #tpu.memory_space<hbm>> -> memref<1x20x128xi32, #tpu.memory_space<hbm>>
        %dma_wait3A_105 = tpu.memref_squeeze %dma_wait3A_104 : memref<1x20x128xi32, #tpu.memory_space<hbm>> -> memref<20x128xi32, #tpu.memory_space<hbm>>
        tpu.wait_dma2 semaphore(%run_scoped3A_77 : memref<!tpu.dma_semaphore, #tpu.memory_space<semaphore_mem>>) src(%dma_wait3A_105 : memref<20x128xi32, #tpu.memory_space<hbm>>) dst(%dma_wait3A_101 : memref<20x128xi32, #tpu.memory_space<vmem>>)
        tpu.yield
      }) : () -> ()
      %dma_start3A = arith.constant 0 : i32
      %dma_start3A_43 = arith.constant 0 : i32
      %dma_start3A_44 = tpu.memref_slice %arg5[%dma_start3A, %dma_start3A_43] : memref<40x128xi32, #tpu.memory_space<vmem>> -> memref<1x128xi32, #tpu.memory_space<vmem>>
      %dma_start3A_45 = tpu.memref_squeeze %dma_start3A_44 : memref<1x128xi32, #tpu.memory_space<vmem>> -> memref<128xi32, #tpu.memory_space<vmem>>
      %dma_start3A_46 = arith.constant 0 : i32
      %dma_start3A_47 = arith.constant 0 : i32
      %dma_start3A_48 = tpu.memref_slice %arg3[%dma_start3A_46, %dma_start3A_47] : memref<10000x128xf32, #tpu.memory_space<hbm>> -> memref<10000x128xf32, #tpu.memory_space<hbm>>
      tpu.enqueue_indirect_dma source(%dma_start3A_48 : memref<10000x128xf32, #tpu.memory_space<hbm>>) target(%arg7 : memref<128x128xf32, #tpu.memory_space<vmem>>) offsets(%dma_start3A_45 : memref<128xi32, #tpu.memory_space<vmem>>) semaphore(%arg10 : memref<!tpu.dma_semaphore, #tpu.memory_space<semaphore_mem>>)
      %scan3A_49 = arith.constant 0 : i32
      %scan3A_50 = arith.constant 0 : i32
      %scan3A_51 = arith.constant 9 : i32
      %scan3A_52 = arith.addi %scan3A_50, %scan3A_51 : i32
      %scan3A_53 = arith.constant 1 : i32
      scf.for %scan3A_77 = %scan3A_50 to %scan3A_52 step %scan3A_53  : i32 {
        %mul3A_78 = arith.constant 2 : i32
        %mul3A_79 = arith.muli %scan3A_77, %mul3A_78 : i32
        %add3A_80 = arith.constant 1 : i32
        %add3A_81 = arith.addi %mul3A_79, %add3A_80 : i32
        %dma_start3A_82 = arith.constant 0 : i32
        %dma_start3A_83 = tpu.memref_slice %arg5[%add3A_81, %dma_start3A_82] : memref<40x128xi32, #tpu.memory_space<vmem>> -> memref<1x128xi32, #tpu.memory_space<vmem>>
        %dma_start3A_84 = tpu.memref_squeeze %dma_start3A_83 : memref<1x128xi32, #tpu.memory_space<vmem>> -> memref<128xi32, #tpu.memory_space<vmem>>
        %dma_start3A_85 = arith.constant 0 : i32
        %dma_start3A_86 = arith.constant 0 : i32
        %dma_start3A_87 = tpu.memref_slice %arg3[%dma_start3A_85, %dma_start3A_86] : memref<10000x128xf32, #tpu.memory_space<hbm>> -> memref<10000x128xf32, #tpu.memory_space<hbm>>
        tpu.enqueue_indirect_dma source(%dma_start3A_87 : memref<10000x128xf32, #tpu.memory_space<hbm>>) target(%arg8 : memref<128x128xf32, #tpu.memory_space<vmem>>) offsets(%dma_start3A_84 : memref<128xi32, #tpu.memory_space<vmem>>) semaphore(%arg11 : memref<!tpu.dma_semaphore, #tpu.memory_space<semaphore_mem>>)
        %dma_wait3A_88 = arith.constant 0 : i32
        %dma_wait3A_89 = tpu.memref_slice %arg5[%mul3A_79, %dma_wait3A_88] : memref<40x128xi32, #tpu.memory_space<vmem>> -> memref<1x128xi32, #tpu.memory_space<vmem>>
        %dma_wait3A_90 = tpu.memref_squeeze %dma_wait3A_89 : memref<1x128xi32, #tpu.memory_space<vmem>> -> memref<128xi32, #tpu.memory_space<vmem>>
        %dma_wait3A_91 = arith.constant 0 : i32
        %dma_wait3A_92 = arith.constant 0 : i32
        %dma_wait3A_93 = tpu.memref_slice %arg3[%dma_wait3A_91, %dma_wait3A_92] : memref<10000x128xf32, #tpu.memory_space<hbm>> -> memref<10000x128xf32, #tpu.memory_space<hbm>>
        tpu.wait_indirect_dma semaphore(%arg10 : memref<!tpu.dma_semaphore, #tpu.memory_space<semaphore_mem>>) src(%dma_wait3A_93 : memref<10000x128xf32, #tpu.memory_space<hbm>>) dst(%arg7 : memref<128x128xf32, #tpu.memory_space<vmem>>)
        "tpu.region"() ({
          %run_scoped3A_112 = tpu.sem_alloc : memref<!tpu.dma_semaphore, #tpu.memory_space<semaphore_mem>>
          %dma_start3A_113 = arith.constant 0 : i32
          %dma_start3A_114 = tpu.memref_slice %arg6[%mul3A_79, %dma_start3A_113] : memref<40x128xi32, #tpu.memory_space<vmem>> -> memref<1x128xi32, #tpu.memory_space<vmem>>
          %dma_start3A_115 = tpu.memref_squeeze %dma_start3A_114 : memref<1x128xi32, #tpu.memory_space<vmem>> -> memref<128xi32, #tpu.memory_space<vmem>>
          %dma_start3A_116 = arith.constant 0 : i32
          %dma_start3A_117 = arith.constant 0 : i32
          %dma_start3A_118 = tpu.memref_slice %arg9[%dma_start3A_116, %dma_start3A_117] : memref<10240x128xf32, #tpu.memory_space<vmem_shared>> -> memref<10240x128xf32, #tpu.memory_space<vmem_shared>>
          tpu.enqueue_indirect_dma source(%arg7 : memref<128x128xf32, #tpu.memory_space<vmem>>) target(%dma_start3A_118 : memref<10240x128xf32, #tpu.memory_space<vmem_shared>>) offsets(%dma_start3A_115 : memref<128xi32, #tpu.memory_space<vmem>>) semaphore(%run_scoped3A_112 : memref<!tpu.dma_semaphore, #tpu.memory_space<semaphore_mem>>) {add = true}
          %dma_wait3A_119 = arith.constant 0 : i32
          %dma_wait3A_120 = tpu.memref_slice %arg6[%mul3A_79, %dma_wait3A_119] : memref<40x128xi32, #tpu.memory_space<vmem>> -> memref<1x128xi32, #tpu.memory_space<vmem>>
          %dma_wait3A_121 = tpu.memref_squeeze %dma_wait3A_120 : memref<1x128xi32, #tpu.memory_space<vmem>> -> memref<128xi32, #tpu.memory_space<vmem>>
          %dma_wait3A_122 = arith.constant 0 : i32
          %dma_wait3A_123 = arith.constant 0 : i32
          %dma_wait3A_124 = tpu.memref_slice %arg9[%dma_wait3A_122, %dma_wait3A_123] : memref<10240x128xf32, #tpu.memory_space<vmem_shared>> -> memref<10240x128xf32, #tpu.memory_space<vmem_shared>>
          tpu.wait_indirect_dma semaphore(%run_scoped3A_112 : memref<!tpu.dma_semaphore, #tpu.memory_space<semaphore_mem>>) src(%arg7 : memref<128x128xf32, #tpu.memory_space<vmem>>) dst(%dma_wait3A_124 : memref<10240x128xf32, #tpu.memory_space<vmem_shared>>)
          tpu.yield
        }) : () -> ()
        %add3A_94 = arith.constant 2 : i32
        %add3A_95 = arith.addi %mul3A_79, %add3A_94 : i32
        %dma_start3A_96 = arith.constant 0 : i32
        %dma_start3A_97 = tpu.memref_slice %arg5[%add3A_95, %dma_start3A_96] : memref<40x128xi32, #tpu.memory_space<vmem>> -> memref<1x128xi32, #tpu.memory_space<vmem>>
        %dma_start3A_98 = tpu.memref_squeeze %dma_start3A_97 : memref<1x128xi32, #tpu.memory_space<vmem>> -> memref<128xi32, #tpu.memory_space<vmem>>
        %dma_start3A_99 = arith.constant 0 : i32
        %dma_start3A_100 = arith.constant 0 : i32
        %dma_start3A_101 = tpu.memref_slice %arg3[%dma_start3A_99, %dma_start3A_100] : memref<10000x128xf32, #tpu.memory_space<hbm>> -> memref<10000x128xf32, #tpu.memory_space<hbm>>
        tpu.enqueue_indirect_dma source(%dma_start3A_101 : memref<10000x128xf32, #tpu.memory_space<hbm>>) target(%arg7 : memref<128x128xf32, #tpu.memory_space<vmem>>) offsets(%dma_start3A_98 : memref<128xi32, #tpu.memory_space<vmem>>) semaphore(%arg10 : memref<!tpu.dma_semaphore, #tpu.memory_space<semaphore_mem>>)
        %add3A_102 = arith.constant 1 : i32
        %add3A_103 = arith.addi %mul3A_79, %add3A_102 : i32
        %dma_wait3A_104 = arith.constant 0 : i32
        %dma_wait3A_105 = tpu.memref_slice %arg5[%add3A_103, %dma_wait3A_104] : memref<40x128xi32, #tpu.memory_space<vmem>> -> memref<1x128xi32, #tpu.memory_space<vmem>>
        %dma_wait3A_106 = tpu.memref_squeeze %dma_wait3A_105 : memref<1x128xi32, #tpu.memory_space<vmem>> -> memref<128xi32, #tpu.memory_space<vmem>>
        %dma_wait3A_107 = arith.constant 0 : i32
        %dma_wait3A_108 = arith.constant 0 : i32
        %dma_wait3A_109 = tpu.memref_slice %arg3[%dma_wait3A_107, %dma_wait3A_108] : memref<10000x128xf32, #tpu.memory_space<hbm>> -> memref<10000x128xf32, #tpu.memory_space<hbm>>
        tpu.wait_indirect_dma semaphore(%arg11 : memref<!tpu.dma_semaphore, #tpu.memory_space<semaphore_mem>>) src(%dma_wait3A_109 : memref<10000x128xf32, #tpu.memory_space<hbm>>) dst(%arg8 : memref<128x128xf32, #tpu.memory_space<vmem>>)
        %add3A_110 = arith.constant 1 : i32
        %add3A_111 = arith.addi %mul3A_79, %add3A_110 : i32
        "tpu.region"() ({
          %run_scoped3A_112 = tpu.sem_alloc : memref<!tpu.dma_semaphore, #tpu.memory_space<semaphore_mem>>
          %dma_start3A_113 = arith.constant 0 : i32
          %dma_start3A_114 = tpu.memref_slice %arg6[%add3A_111, %dma_start3A_113] : memref<40x128xi32, #tpu.memory_space<vmem>> -> memref<1x128xi32, #tpu.memory_space<vmem>>
          %dma_start3A_115 = tpu.memref_squeeze %dma_start3A_114 : memref<1x128xi32, #tpu.memory_space<vmem>> -> memref<128xi32, #tpu.memory_space<vmem>>
          %dma_start3A_116 = arith.constant 0 : i32
          %dma_start3A_117 = arith.constant 0 : i32
          %dma_start3A_118 = tpu.memref_slice %arg9[%dma_start3A_116, %dma_start3A_117] : memref<10240x128xf32, #tpu.memory_space<vmem_shared>> -> memref<10240x128xf32, #tpu.memory_space<vmem_shared>>
          tpu.enqueue_indirect_dma source(%arg8 : memref<128x128xf32, #tpu.memory_space<vmem>>) target(%dma_start3A_118 : memref<10240x128xf32, #tpu.memory_space<vmem_shared>>) offsets(%dma_start3A_115 : memref<128xi32, #tpu.memory_space<vmem>>) semaphore(%run_scoped3A_112 : memref<!tpu.dma_semaphore, #tpu.memory_space<semaphore_mem>>) {add = true}
          %dma_wait3A_119 = arith.constant 0 : i32
          %dma_wait3A_120 = tpu.memref_slice %arg6[%add3A_111, %dma_wait3A_119] : memref<40x128xi32, #tpu.memory_space<vmem>> -> memref<1x128xi32, #tpu.memory_space<vmem>>
          %dma_wait3A_121 = tpu.memref_squeeze %dma_wait3A_120 : memref<1x128xi32, #tpu.memory_space<vmem>> -> memref<128xi32, #tpu.memory_space<vmem>>
          %dma_wait3A_122 = arith.constant 0 : i32
          %dma_wait3A_123 = arith.constant 0 : i32
          %dma_wait3A_124 = tpu.memref_slice %arg9[%dma_wait3A_122, %dma_wait3A_123] : memref<10240x128xf32, #tpu.memory_space<vmem_shared>> -> memref<10240x128xf32, #tpu.memory_space<vmem_shared>>
          tpu.wait_indirect_dma semaphore(%run_scoped3A_112 : memref<!tpu.dma_semaphore, #tpu.memory_space<semaphore_mem>>) src(%arg8 : memref<128x128xf32, #tpu.memory_space<vmem>>) dst(%dma_wait3A_124 : memref<10240x128xf32, #tpu.memory_space<vmem_shared>>)
          tpu.yield
        }) : () -> ()
      }
      %scan3A_54 = arith.constant 9 : i32
      %dma_start3A_55 = arith.constant 19 : i32
      %dma_start3A_56 = arith.constant 0 : i32
      %dma_start3A_57 = tpu.memref_slice %arg5[%dma_start3A_55, %dma_start3A_56] : memref<40x128xi32, #tpu.memory_space<vmem>> -> memref<1x128xi32, #tpu.memory_space<vmem>>
      %dma_start3A_58 = tpu.memref_squeeze %dma_start3A_57 : memref<1x128xi32, #tpu.memory_space<vmem>> -> memref<128xi32, #tpu.memory_space<vmem>>
      %dma_start3A_59 = arith.constant 0 : i32
      %dma_start3A_60 = arith.constant 0 : i32
      %dma_start3A_61 = tpu.memref_slice %arg3[%dma_start3A_59, %dma_start3A_60] : memref<10000x128xf32, #tpu.memory_space<hbm>> -> memref<10000x128xf32, #tpu.memory_space<hbm>>
      tpu.enqueue_indirect_dma source(%dma_start3A_61 : memref<10000x128xf32, #tpu.memory_space<hbm>>) target(%arg8 : memref<128x128xf32, #tpu.memory_space<vmem>>) offsets(%dma_start3A_58 : memref<128xi32, #tpu.memory_space<vmem>>) semaphore(%arg11 : memref<!tpu.dma_semaphore, #tpu.memory_space<semaphore_mem>>)
      %dma_wait3A = arith.constant 18 : i32
      %dma_wait3A_62 = arith.constant 0 : i32
      %dma_wait3A_63 = tpu.memref_slice %arg5[%dma_wait3A, %dma_wait3A_62] : memref<40x128xi32, #tpu.memory_space<vmem>> -> memref<1x128xi32, #tpu.memory_space<vmem>>
      %dma_wait3A_64 = tpu.memref_squeeze %dma_wait3A_63 : memref<1x128xi32, #tpu.memory_space<vmem>> -> memref<128xi32, #tpu.memory_space<vmem>>
      %dma_wait3A_65 = arith.constant 0 : i32
      %dma_wait3A_66 = arith.constant 0 : i32
      %dma_wait3A_67 = tpu.memref_slice %arg3[%dma_wait3A_65, %dma_wait3A_66] : memref<10000x128xf32, #tpu.memory_space<hbm>> -> memref<10000x128xf32, #tpu.memory_space<hbm>>
      tpu.wait_indirect_dma semaphore(%arg10 : memref<!tpu.dma_semaphore, #tpu.memory_space<semaphore_mem>>) src(%dma_wait3A_67 : memref<10000x128xf32, #tpu.memory_space<hbm>>) dst(%arg7 : memref<128x128xf32, #tpu.memory_space<vmem>>)
      %run_scoped3A_68 = arith.constant 18 : i32
      "tpu.region"() ({
        %run_scoped3A_77 = tpu.sem_alloc : memref<!tpu.dma_semaphore, #tpu.memory_space<semaphore_mem>>
        %dma_start3A_78 = arith.constant 0 : i32
        %dma_start3A_79 = tpu.memref_slice %arg6[%run_scoped3A_68, %dma_start3A_78] : memref<40x128xi32, #tpu.memory_space<vmem>> -> memref<1x128xi32, #tpu.memory_space<vmem>>
        %dma_start3A_80 = tpu.memref_squeeze %dma_start3A_79 : memref<1x128xi32, #tpu.memory_space<vmem>> -> memref<128xi32, #tpu.memory_space<vmem>>
        %dma_start3A_81 = arith.constant 0 : i32
        %dma_start3A_82 = arith.constant 0 : i32
        %dma_start3A_83 = tpu.memref_slice %arg9[%dma_start3A_81, %dma_start3A_82] : memref<10240x128xf32, #tpu.memory_space<vmem_shared>> -> memref<10240x128xf32, #tpu.memory_space<vmem_shared>>
        tpu.enqueue_indirect_dma source(%arg7 : memref<128x128xf32, #tpu.memory_space<vmem>>) target(%dma_start3A_83 : memref<10240x128xf32, #tpu.memory_space<vmem_shared>>) offsets(%dma_start3A_80 : memref<128xi32, #tpu.memory_space<vmem>>) semaphore(%run_scoped3A_77 : memref<!tpu.dma_semaphore, #tpu.memory_space<semaphore_mem>>) {add = true}
        %dma_wait3A_84 = arith.constant 0 : i32
        %dma_wait3A_85 = tpu.memref_slice %arg6[%run_scoped3A_68, %dma_wait3A_84] : memref<40x128xi32, #tpu.memory_space<vmem>> -> memref<1x128xi32, #tpu.memory_space<vmem>>
        %dma_wait3A_86 = tpu.memref_squeeze %dma_wait3A_85 : memref<1x128xi32, #tpu.memory_space<vmem>> -> memref<128xi32, #tpu.memory_space<vmem>>
        %dma_wait3A_87 = arith.constant 0 : i32
        %dma_wait3A_88 = arith.constant 0 : i32
        %dma_wait3A_89 = tpu.memref_slice %arg9[%dma_wait3A_87, %dma_wait3A_88] : memref<10240x128xf32, #tpu.memory_space<vmem_shared>> -> memref<10240x128xf32, #tpu.memory_space<vmem_shared>>
        tpu.wait_indirect_dma semaphore(%run_scoped3A_77 : memref<!tpu.dma_semaphore, #tpu.memory_space<semaphore_mem>>) src(%arg7 : memref<128x128xf32, #tpu.memory_space<vmem>>) dst(%dma_wait3A_89 : memref<10240x128xf32, #tpu.memory_space<vmem_shared>>)
        tpu.yield
      }) : () -> ()
      %dma_wait3A_69 = arith.constant 19 : i32
      %dma_wait3A_70 = arith.constant 0 : i32
      %dma_wait3A_71 = tpu.memref_slice %arg5[%dma_wait3A_69, %dma_wait3A_70] : memref<40x128xi32, #tpu.memory_space<vmem>> -> memref<1x128xi32, #tpu.memory_space<vmem>>
      %dma_wait3A_72 = tpu.memref_squeeze %dma_wait3A_71 : memref<1x128xi32, #tpu.memory_space<vmem>> -> memref<128xi32, #tpu.memory_space<vmem>>
      %dma_wait3A_73 = arith.constant 0 : i32
      %dma_wait3A_74 = arith.constant 0 : i32
      %dma_wait3A_75 = tpu.memref_slice %arg3[%dma_wait3A_73, %dma_wait3A_74] : memref<10000x128xf32, #tpu.memory_space<hbm>> -> memref<10000x128xf32, #tpu.memory_space<hbm>>
      tpu.wait_indirect_dma semaphore(%arg11 : memref<!tpu.dma_semaphore, #tpu.memory_space<semaphore_mem>>) src(%dma_wait3A_75 : memref<10000x128xf32, #tpu.memory_space<hbm>>) dst(%arg8 : memref<128x128xf32, #tpu.memory_space<vmem>>)
      %run_scoped3A_76 = arith.constant 19 : i32
      "tpu.region"() ({
        %run_scoped3A_77 = tpu.sem_alloc : memref<!tpu.dma_semaphore, #tpu.memory_space<semaphore_mem>>
        %dma_start3A_78 = arith.constant 0 : i32
        %dma_start3A_79 = tpu.memref_slice %arg6[%run_scoped3A_76, %dma_start3A_78] : memref<40x128xi32, #tpu.memory_space<vmem>> -> memref<1x128xi32, #tpu.memory_space<vmem>>
        %dma_start3A_80 = tpu.memref_squeeze %dma_start3A_79 : memref<1x128xi32, #tpu.memory_space<vmem>> -> memref<128xi32, #tpu.memory_space<vmem>>
        %dma_start3A_81 = arith.constant 0 : i32
        %dma_start3A_82 = arith.constant 0 : i32
        %dma_start3A_83 = tpu.memref_slice %arg9[%dma_start3A_81, %dma_start3A_82] : memref<10240x128xf32, #tpu.memory_space<vmem_shared>> -> memref<10240x128xf32, #tpu.memory_space<vmem_shared>>
        tpu.enqueue_indirect_dma source(%arg8 : memref<128x128xf32, #tpu.memory_space<vmem>>) target(%dma_start3A_83 : memref<10240x128xf32, #tpu.memory_space<vmem_shared>>) offsets(%dma_start3A_80 : memref<128xi32, #tpu.memory_space<vmem>>) semaphore(%run_scoped3A_77 : memref<!tpu.dma_semaphore, #tpu.memory_space<semaphore_mem>>) {add = true}
        %dma_wait3A_84 = arith.constant 0 : i32
        %dma_wait3A_85 = tpu.memref_slice %arg6[%run_scoped3A_76, %dma_wait3A_84] : memref<40x128xi32, #tpu.memory_space<vmem>> -> memref<1x128xi32, #tpu.memory_space<vmem>>
        %dma_wait3A_86 = tpu.memref_squeeze %dma_wait3A_85 : memref<1x128xi32, #tpu.memory_space<vmem>> -> memref<128xi32, #tpu.memory_space<vmem>>
        %dma_wait3A_87 = arith.constant 0 : i32
        %dma_wait3A_88 = arith.constant 0 : i32
        %dma_wait3A_89 = tpu.memref_slice %arg9[%dma_wait3A_87, %dma_wait3A_88] : memref<10240x128xf32, #tpu.memory_space<vmem_shared>> -> memref<10240x128xf32, #tpu.memory_space<vmem_shared>>
        tpu.wait_indirect_dma semaphore(%run_scoped3A_77 : memref<!tpu.dma_semaphore, #tpu.memory_space<semaphore_mem>>) src(%arg8 : memref<128x128xf32, #tpu.memory_space<vmem>>) dst(%dma_wait3A_89 : memref<10240x128xf32, #tpu.memory_space<vmem_shared>>)
        tpu.yield
      }) : () -> ()
    } else {
    }
    %lt3A_32 = arith.constant 31 : i32
    %lt3A_33 = arith.cmpi slt, %add3A, %lt3A_32 : i32
    %convert_element_type3A_34 = arith.extui %lt3A_33 : i1 to i32
    %cond3A_35 = arith.constant 0 : i32
    %cond3A_36 = arith.cmpi ne, %convert_element_type3A_34, %cond3A_35 : i32
    scf.if %cond3A_36 {
      %mul3A_42 = arith.constant 80 : i32
      %mul3A_43 = arith.muli %add3A, %mul3A_42 : i32
      %add3A_44 = arith.constant 40 : i32
      %add3A_45 = arith.addi %mul3A_43, %add3A_44 : i32
      %run_scoped3A = arith.constant 0 : i32
      "tpu.region"() ({
        %run_scoped3A_81 = tpu.sem_alloc : memref<!tpu.dma_semaphore, #tpu.memory_space<semaphore_mem>>
        %dma_start3A_82 = arith.constant 0 : i32
        %dma_start3A_83 = tpu.memref_slice %arg2[%run_scoped3A, %add3A_45, %dma_start3A_82] : memref<2x2500x128xi32, #tpu.memory_space<hbm>> -> memref<1x40x128xi32, #tpu.memory_space<hbm>>
        %dma_start3A_84 = tpu.memref_squeeze %dma_start3A_83 : memref<1x40x128xi32, #tpu.memory_space<hbm>> -> memref<40x128xi32, #tpu.memory_space<hbm>>
        %dma_start3A_85 = arith.constant 0 : i32
        %dma_start3A_86 = tpu.memref_slice %arg2[%run_scoped3A, %add3A_45, %dma_start3A_85] : memref<2x2500x128xi32, #tpu.memory_space<hbm>> -> memref<1x40x128xi32, #tpu.memory_space<hbm>>
        %dma_start3A_87 = tpu.memref_squeeze %dma_start3A_86 : memref<1x40x128xi32, #tpu.memory_space<hbm>> -> memref<40x128xi32, #tpu.memory_space<hbm>>
        tpu.enqueue_dma source(%dma_start3A_87 : memref<40x128xi32, #tpu.memory_space<hbm>>) target(%arg5 : memref<40x128xi32, #tpu.memory_space<vmem>>) target_semaphore(%run_scoped3A_81 : memref<!tpu.dma_semaphore, #tpu.memory_space<semaphore_mem>>)
        %dma_wait3A_88 = arith.constant 0 : i32
        %dma_wait3A_89 = tpu.memref_slice %arg2[%run_scoped3A, %add3A_45, %dma_wait3A_88] : memref<2x2500x128xi32, #tpu.memory_space<hbm>> -> memref<1x40x128xi32, #tpu.memory_space<hbm>>
        %dma_wait3A_90 = tpu.memref_squeeze %dma_wait3A_89 : memref<1x40x128xi32, #tpu.memory_space<hbm>> -> memref<40x128xi32, #tpu.memory_space<hbm>>
        %dma_wait3A_91 = arith.constant 0 : i32
        %dma_wait3A_92 = tpu.memref_slice %arg2[%run_scoped3A, %add3A_45, %dma_wait3A_91] : memref<2x2500x128xi32, #tpu.memory_space<hbm>> -> memref<1x40x128xi32, #tpu.memory_space<hbm>>
        %dma_wait3A_93 = tpu.memref_squeeze %dma_wait3A_92 : memref<1x40x128xi32, #tpu.memory_space<hbm>> -> memref<40x128xi32, #tpu.memory_space<hbm>>
        tpu.wait_dma2 semaphore(%run_scoped3A_81 : memref<!tpu.dma_semaphore, #tpu.memory_space<semaphore_mem>>) src(%dma_wait3A_93 : memref<40x128xi32, #tpu.memory_space<hbm>>) dst(%arg5 : memref<40x128xi32, #tpu.memory_space<vmem>>)
        tpu.yield
      }) : () -> ()
      %run_scoped3A_46 = arith.constant 1 : i32
      "tpu.region"() ({
        %run_scoped3A_81 = tpu.sem_alloc : memref<!tpu.dma_semaphore, #tpu.memory_space<semaphore_mem>>
        %dma_start3A_82 = arith.constant 0 : i32
        %dma_start3A_83 = tpu.memref_slice %arg2[%run_scoped3A_46, %add3A_45, %dma_start3A_82] : memref<2x2500x128xi32, #tpu.memory_space<hbm>> -> memref<1x40x128xi32, #tpu.memory_space<hbm>>
        %dma_start3A_84 = tpu.memref_squeeze %dma_start3A_83 : memref<1x40x128xi32, #tpu.memory_space<hbm>> -> memref<40x128xi32, #tpu.memory_space<hbm>>
        %dma_start3A_85 = arith.constant 0 : i32
        %dma_start3A_86 = tpu.memref_slice %arg2[%run_scoped3A_46, %add3A_45, %dma_start3A_85] : memref<2x2500x128xi32, #tpu.memory_space<hbm>> -> memref<1x40x128xi32, #tpu.memory_space<hbm>>
        %dma_start3A_87 = tpu.memref_squeeze %dma_start3A_86 : memref<1x40x128xi32, #tpu.memory_space<hbm>> -> memref<40x128xi32, #tpu.memory_space<hbm>>
        tpu.enqueue_dma source(%dma_start3A_87 : memref<40x128xi32, #tpu.memory_space<hbm>>) target(%arg6 : memref<40x128xi32, #tpu.memory_space<vmem>>) target_semaphore(%run_scoped3A_81 : memref<!tpu.dma_semaphore, #tpu.memory_space<semaphore_mem>>)
        %dma_wait3A_88 = arith.constant 0 : i32
        %dma_wait3A_89 = tpu.memref_slice %arg2[%run_scoped3A_46, %add3A_45, %dma_wait3A_88] : memref<2x2500x128xi32, #tpu.memory_space<hbm>> -> memref<1x40x128xi32, #tpu.memory_space<hbm>>
        %dma_wait3A_90 = tpu.memref_squeeze %dma_wait3A_89 : memref<1x40x128xi32, #tpu.memory_space<hbm>> -> memref<40x128xi32, #tpu.memory_space<hbm>>
        %dma_wait3A_91 = arith.constant 0 : i32
        %dma_wait3A_92 = tpu.memref_slice %arg2[%run_scoped3A_46, %add3A_45, %dma_wait3A_91] : memref<2x2500x128xi32, #tpu.memory_space<hbm>> -> memref<1x40x128xi32, #tpu.memory_space<hbm>>
        %dma_wait3A_93 = tpu.memref_squeeze %dma_wait3A_92 : memref<1x40x128xi32, #tpu.memory_space<hbm>> -> memref<40x128xi32, #tpu.memory_space<hbm>>
        tpu.wait_dma2 semaphore(%run_scoped3A_81 : memref<!tpu.dma_semaphore, #tpu.memory_space<semaphore_mem>>) src(%dma_wait3A_93 : memref<40x128xi32, #tpu.memory_space<hbm>>) dst(%arg6 : memref<40x128xi32, #tpu.memory_space<vmem>>)
        tpu.yield
      }) : () -> ()
      %dma_start3A = arith.constant 0 : i32
      %dma_start3A_47 = arith.constant 0 : i32
      %dma_start3A_48 = tpu.memref_slice %arg5[%dma_start3A, %dma_start3A_47] : memref<40x128xi32, #tpu.memory_space<vmem>> -> memref<1x128xi32, #tpu.memory_space<vmem>>
      %dma_start3A_49 = tpu.memref_squeeze %dma_start3A_48 : memref<1x128xi32, #tpu.memory_space<vmem>> -> memref<128xi32, #tpu.memory_space<vmem>>
      %dma_start3A_50 = arith.constant 0 : i32
      %dma_start3A_51 = arith.constant 0 : i32
      %dma_start3A_52 = tpu.memref_slice %arg3[%dma_start3A_50, %dma_start3A_51] : memref<10000x128xf32, #tpu.memory_space<hbm>> -> memref<10000x128xf32, #tpu.memory_space<hbm>>
      tpu.enqueue_indirect_dma source(%dma_start3A_52 : memref<10000x128xf32, #tpu.memory_space<hbm>>) target(%arg7 : memref<128x128xf32, #tpu.memory_space<vmem>>) offsets(%dma_start3A_49 : memref<128xi32, #tpu.memory_space<vmem>>) semaphore(%arg10 : memref<!tpu.dma_semaphore, #tpu.memory_space<semaphore_mem>>)
      %scan3A_53 = arith.constant 0 : i32
      %scan3A_54 = arith.constant 0 : i32
      %scan3A_55 = arith.constant 19 : i32
      %scan3A_56 = arith.addi %scan3A_54, %scan3A_55 : i32
      %scan3A_57 = arith.constant 1 : i32
      scf.for %scan3A_81 = %scan3A_54 to %scan3A_56 step %scan3A_57  : i32 {
        %mul3A_82 = arith.constant 2 : i32
        %mul3A_83 = arith.muli %scan3A_81, %mul3A_82 : i32
        %add3A_84 = arith.constant 1 : i32
        %add3A_85 = arith.addi %mul3A_83, %add3A_84 : i32
        %dma_start3A_86 = arith.constant 0 : i32
        %dma_start3A_87 = tpu.memref_slice %arg5[%add3A_85, %dma_start3A_86] : memref<40x128xi32, #tpu.memory_space<vmem>> -> memref<1x128xi32, #tpu.memory_space<vmem>>
        %dma_start3A_88 = tpu.memref_squeeze %dma_start3A_87 : memref<1x128xi32, #tpu.memory_space<vmem>> -> memref<128xi32, #tpu.memory_space<vmem>>
        %dma_start3A_89 = arith.constant 0 : i32
        %dma_start3A_90 = arith.constant 0 : i32
        %dma_start3A_91 = tpu.memref_slice %arg3[%dma_start3A_89, %dma_start3A_90] : memref<10000x128xf32, #tpu.memory_space<hbm>> -> memref<10000x128xf32, #tpu.memory_space<hbm>>
        tpu.enqueue_indirect_dma source(%dma_start3A_91 : memref<10000x128xf32, #tpu.memory_space<hbm>>) target(%arg8 : memref<128x128xf32, #tpu.memory_space<vmem>>) offsets(%dma_start3A_88 : memref<128xi32, #tpu.memory_space<vmem>>) semaphore(%arg11 : memref<!tpu.dma_semaphore, #tpu.memory_space<semaphore_mem>>)
        %dma_wait3A_92 = arith.constant 0 : i32
        %dma_wait3A_93 = tpu.memref_slice %arg5[%mul3A_83, %dma_wait3A_92] : memref<40x128xi32, #tpu.memory_space<vmem>> -> memref<1x128xi32, #tpu.memory_space<vmem>>
        %dma_wait3A_94 = tpu.memref_squeeze %dma_wait3A_93 : memref<1x128xi32, #tpu.memory_space<vmem>> -> memref<128xi32, #tpu.memory_space<vmem>>
        %dma_wait3A_95 = arith.constant 0 : i32
        %dma_wait3A_96 = arith.constant 0 : i32
        %dma_wait3A_97 = tpu.memref_slice %arg3[%dma_wait3A_95, %dma_wait3A_96] : memref<10000x128xf32, #tpu.memory_space<hbm>> -> memref<10000x128xf32, #tpu.memory_space<hbm>>
        tpu.wait_indirect_dma semaphore(%arg10 : memref<!tpu.dma_semaphore, #tpu.memory_space<semaphore_mem>>) src(%dma_wait3A_97 : memref<10000x128xf32, #tpu.memory_space<hbm>>) dst(%arg7 : memref<128x128xf32, #tpu.memory_space<vmem>>)
        "tpu.region"() ({
          %run_scoped3A_116 = tpu.sem_alloc : memref<!tpu.dma_semaphore, #tpu.memory_space<semaphore_mem>>
          %dma_start3A_117 = arith.constant 0 : i32
          %dma_start3A_118 = tpu.memref_slice %arg6[%mul3A_83, %dma_start3A_117] : memref<40x128xi32, #tpu.memory_space<vmem>> -> memref<1x128xi32, #tpu.memory_space<vmem>>
          %dma_start3A_119 = tpu.memref_squeeze %dma_start3A_118 : memref<1x128xi32, #tpu.memory_space<vmem>> -> memref<128xi32, #tpu.memory_space<vmem>>
          %dma_start3A_120 = arith.constant 0 : i32
          %dma_start3A_121 = arith.constant 0 : i32
          %dma_start3A_122 = tpu.memref_slice %arg9[%dma_start3A_120, %dma_start3A_121] : memref<10240x128xf32, #tpu.memory_space<vmem_shared>> -> memref<10240x128xf32, #tpu.memory_space<vmem_shared>>
          tpu.enqueue_indirect_dma source(%arg7 : memref<128x128xf32, #tpu.memory_space<vmem>>) target(%dma_start3A_122 : memref<10240x128xf32, #tpu.memory_space<vmem_shared>>) offsets(%dma_start3A_119 : memref<128xi32, #tpu.memory_space<vmem>>) semaphore(%run_scoped3A_116 : memref<!tpu.dma_semaphore, #tpu.memory_space<semaphore_mem>>) {add = true}
          %dma_wait3A_123 = arith.constant 0 : i32
          %dma_wait3A_124 = tpu.memref_slice %arg6[%mul3A_83, %dma_wait3A_123] : memref<40x128xi32, #tpu.memory_space<vmem>> -> memref<1x128xi32, #tpu.memory_space<vmem>>
          %dma_wait3A_125 = tpu.memref_squeeze %dma_wait3A_124 : memref<1x128xi32, #tpu.memory_space<vmem>> -> memref<128xi32, #tpu.memory_space<vmem>>
          %dma_wait3A_126 = arith.constant 0 : i32
          %dma_wait3A_127 = arith.constant 0 : i32
          %dma_wait3A_128 = tpu.memref_slice %arg9[%dma_wait3A_126, %dma_wait3A_127] : memref<10240x128xf32, #tpu.memory_space<vmem_shared>> -> memref<10240x128xf32, #tpu.memory_space<vmem_shared>>
          tpu.wait_indirect_dma semaphore(%run_scoped3A_116 : memref<!tpu.dma_semaphore, #tpu.memory_space<semaphore_mem>>) src(%arg7 : memref<128x128xf32, #tpu.memory_space<vmem>>) dst(%dma_wait3A_128 : memref<10240x128xf32, #tpu.memory_space<vmem_shared>>)
          tpu.yield
        }) : () -> ()
        %add3A_98 = arith.constant 2 : i32
        %add3A_99 = arith.addi %mul3A_83, %add3A_98 : i32
        %dma_start3A_100 = arith.constant 0 : i32
        %dma_start3A_101 = tpu.memref_slice %arg5[%add3A_99, %dma_start3A_100] : memref<40x128xi32, #tpu.memory_space<vmem>> -> memref<1x128xi32, #tpu.memory_space<vmem>>
        %dma_start3A_102 = tpu.memref_squeeze %dma_start3A_101 : memref<1x128xi32, #tpu.memory_space<vmem>> -> memref<128xi32, #tpu.memory_space<vmem>>
        %dma_start3A_103 = arith.constant 0 : i32
        %dma_start3A_104 = arith.constant 0 : i32
        %dma_start3A_105 = tpu.memref_slice %arg3[%dma_start3A_103, %dma_start3A_104] : memref<10000x128xf32, #tpu.memory_space<hbm>> -> memref<10000x128xf32, #tpu.memory_space<hbm>>
        tpu.enqueue_indirect_dma source(%dma_start3A_105 : memref<10000x128xf32, #tpu.memory_space<hbm>>) target(%arg7 : memref<128x128xf32, #tpu.memory_space<vmem>>) offsets(%dma_start3A_102 : memref<128xi32, #tpu.memory_space<vmem>>) semaphore(%arg10 : memref<!tpu.dma_semaphore, #tpu.memory_space<semaphore_mem>>)
        %add3A_106 = arith.constant 1 : i32
        %add3A_107 = arith.addi %mul3A_83, %add3A_106 : i32
        %dma_wait3A_108 = arith.constant 0 : i32
        %dma_wait3A_109 = tpu.memref_slice %arg5[%add3A_107, %dma_wait3A_108] : memref<40x128xi32, #tpu.memory_space<vmem>> -> memref<1x128xi32, #tpu.memory_space<vmem>>
        %dma_wait3A_110 = tpu.memref_squeeze %dma_wait3A_109 : memref<1x128xi32, #tpu.memory_space<vmem>> -> memref<128xi32, #tpu.memory_space<vmem>>
        %dma_wait3A_111 = arith.constant 0 : i32
        %dma_wait3A_112 = arith.constant 0 : i32
        %dma_wait3A_113 = tpu.memref_slice %arg3[%dma_wait3A_111, %dma_wait3A_112] : memref<10000x128xf32, #tpu.memory_space<hbm>> -> memref<10000x128xf32, #tpu.memory_space<hbm>>
        tpu.wait_indirect_dma semaphore(%arg11 : memref<!tpu.dma_semaphore, #tpu.memory_space<semaphore_mem>>) src(%dma_wait3A_113 : memref<10000x128xf32, #tpu.memory_space<hbm>>) dst(%arg8 : memref<128x128xf32, #tpu.memory_space<vmem>>)
        %add3A_114 = arith.constant 1 : i32
        %add3A_115 = arith.addi %mul3A_83, %add3A_114 : i32
        "tpu.region"() ({
          %run_scoped3A_116 = tpu.sem_alloc : memref<!tpu.dma_semaphore, #tpu.memory_space<semaphore_mem>>
          %dma_start3A_117 = arith.constant 0 : i32
          %dma_start3A_118 = tpu.memref_slice %arg6[%add3A_115, %dma_start3A_117] : memref<40x128xi32, #tpu.memory_space<vmem>> -> memref<1x128xi32, #tpu.memory_space<vmem>>
          %dma_start3A_119 = tpu.memref_squeeze %dma_start3A_118 : memref<1x128xi32, #tpu.memory_space<vmem>> -> memref<128xi32, #tpu.memory_space<vmem>>
          %dma_start3A_120 = arith.constant 0 : i32
          %dma_start3A_121 = arith.constant 0 : i32
          %dma_start3A_122 = tpu.memref_slice %arg9[%dma_start3A_120, %dma_start3A_121] : memref<10240x128xf32, #tpu.memory_space<vmem_shared>> -> memref<10240x128xf32, #tpu.memory_space<vmem_shared>>
          tpu.enqueue_indirect_dma source(%arg8 : memref<128x128xf32, #tpu.memory_space<vmem>>) target(%dma_start3A_122 : memref<10240x128xf32, #tpu.memory_space<vmem_shared>>) offsets(%dma_start3A_119 : memref<128xi32, #tpu.memory_space<vmem>>) semaphore(%run_scoped3A_116 : memref<!tpu.dma_semaphore, #tpu.memory_space<semaphore_mem>>) {add = true}
          %dma_wait3A_123 = arith.constant 0 : i32
          %dma_wait3A_124 = tpu.memref_slice %arg6[%add3A_115, %dma_wait3A_123] : memref<40x128xi32, #tpu.memory_space<vmem>> -> memref<1x128xi32, #tpu.memory_space<vmem>>
          %dma_wait3A_125 = tpu.memref_squeeze %dma_wait3A_124 : memref<1x128xi32, #tpu.memory_space<vmem>> -> memref<128xi32, #tpu.memory_space<vmem>>
          %dma_wait3A_126 = arith.constant 0 : i32
          %dma_wait3A_127 = arith.constant 0 : i32
          %dma_wait3A_128 = tpu.memref_slice %arg9[%dma_wait3A_126, %dma_wait3A_127] : memref<10240x128xf32, #tpu.memory_space<vmem_shared>> -> memref<10240x128xf32, #tpu.memory_space<vmem_shared>>
          tpu.wait_indirect_dma semaphore(%run_scoped3A_116 : memref<!tpu.dma_semaphore, #tpu.memory_space<semaphore_mem>>) src(%arg8 : memref<128x128xf32, #tpu.memory_space<vmem>>) dst(%dma_wait3A_128 : memref<10240x128xf32, #tpu.memory_space<vmem_shared>>)
          tpu.yield
        }) : () -> ()
      }
      %scan3A_58 = arith.constant 19 : i32
      %dma_start3A_59 = arith.constant 39 : i32
      %dma_start3A_60 = arith.constant 0 : i32
      %dma_start3A_61 = tpu.memref_slice %arg5[%dma_start3A_59, %dma_start3A_60] : memref<40x128xi32, #tpu.memory_space<vmem>> -> memref<1x128xi32, #tpu.memory_space<vmem>>
      %dma_start3A_62 = tpu.memref_squeeze %dma_start3A_61 : memref<1x128xi32, #tpu.memory_space<vmem>> -> memref<128xi32, #tpu.memory_space<vmem>>
      %dma_start3A_63 = arith.constant 0 : i32
      %dma_start3A_64 = arith.constant 0 : i32
      %dma_start3A_65 = tpu.memref_slice %arg3[%dma_start3A_63, %dma_start3A_64] : memref<10000x128xf32, #tpu.memory_space<hbm>> -> memref<10000x128xf32, #tpu.memory_space<hbm>>
      tpu.enqueue_indirect_dma source(%dma_start3A_65 : memref<10000x128xf32, #tpu.memory_space<hbm>>) target(%arg8 : memref<128x128xf32, #tpu.memory_space<vmem>>) offsets(%dma_start3A_62 : memref<128xi32, #tpu.memory_space<vmem>>) semaphore(%arg11 : memref<!tpu.dma_semaphore, #tpu.memory_space<semaphore_mem>>)
      %dma_wait3A = arith.constant 38 : i32
      %dma_wait3A_66 = arith.constant 0 : i32
      %dma_wait3A_67 = tpu.memref_slice %arg5[%dma_wait3A, %dma_wait3A_66] : memref<40x128xi32, #tpu.memory_space<vmem>> -> memref<1x128xi32, #tpu.memory_space<vmem>>
      %dma_wait3A_68 = tpu.memref_squeeze %dma_wait3A_67 : memref<1x128xi32, #tpu.memory_space<vmem>> -> memref<128xi32, #tpu.memory_space<vmem>>
      %dma_wait3A_69 = arith.constant 0 : i32
      %dma_wait3A_70 = arith.constant 0 : i32
      %dma_wait3A_71 = tpu.memref_slice %arg3[%dma_wait3A_69, %dma_wait3A_70] : memref<10000x128xf32, #tpu.memory_space<hbm>> -> memref<10000x128xf32, #tpu.memory_space<hbm>>
      tpu.wait_indirect_dma semaphore(%arg10 : memref<!tpu.dma_semaphore, #tpu.memory_space<semaphore_mem>>) src(%dma_wait3A_71 : memref<10000x128xf32, #tpu.memory_space<hbm>>) dst(%arg7 : memref<128x128xf32, #tpu.memory_space<vmem>>)
      %run_scoped3A_72 = arith.constant 38 : i32
      "tpu.region"() ({
        %run_scoped3A_81 = tpu.sem_alloc : memref<!tpu.dma_semaphore, #tpu.memory_space<semaphore_mem>>
        %dma_start3A_82 = arith.constant 0 : i32
        %dma_start3A_83 = tpu.memref_slice %arg6[%run_scoped3A_72, %dma_start3A_82] : memref<40x128xi32, #tpu.memory_space<vmem>> -> memref<1x128xi32, #tpu.memory_space<vmem>>
        %dma_start3A_84 = tpu.memref_squeeze %dma_start3A_83 : memref<1x128xi32, #tpu.memory_space<vmem>> -> memref<128xi32, #tpu.memory_space<vmem>>
        %dma_start3A_85 = arith.constant 0 : i32
        %dma_start3A_86 = arith.constant 0 : i32
        %dma_start3A_87 = tpu.memref_slice %arg9[%dma_start3A_85, %dma_start3A_86] : memref<10240x128xf32, #tpu.memory_space<vmem_shared>> -> memref<10240x128xf32, #tpu.memory_space<vmem_shared>>
        tpu.enqueue_indirect_dma source(%arg7 : memref<128x128xf32, #tpu.memory_space<vmem>>) target(%dma_start3A_87 : memref<10240x128xf32, #tpu.memory_space<vmem_shared>>) offsets(%dma_start3A_84 : memref<128xi32, #tpu.memory_space<vmem>>) semaphore(%run_scoped3A_81 : memref<!tpu.dma_semaphore, #tpu.memory_space<semaphore_mem>>) {add = true}
        %dma_wait3A_88 = arith.constant 0 : i32
        %dma_wait3A_89 = tpu.memref_slice %arg6[%run_scoped3A_72, %dma_wait3A_88] : memref<40x128xi32, #tpu.memory_space<vmem>> -> memref<1x128xi32, #tpu.memory_space<vmem>>
        %dma_wait3A_90 = tpu.memref_squeeze %dma_wait3A_89 : memref<1x128xi32, #tpu.memory_space<vmem>> -> memref<128xi32, #tpu.memory_space<vmem>>
        %dma_wait3A_91 = arith.constant 0 : i32
        %dma_wait3A_92 = arith.constant 0 : i32
        %dma_wait3A_93 = tpu.memref_slice %arg9[%dma_wait3A_91, %dma_wait3A_92] : memref<10240x128xf32, #tpu.memory_space<vmem_shared>> -> memref<10240x128xf32, #tpu.memory_space<vmem_shared>>
        tpu.wait_indirect_dma semaphore(%run_scoped3A_81 : memref<!tpu.dma_semaphore, #tpu.memory_space<semaphore_mem>>) src(%arg7 : memref<128x128xf32, #tpu.memory_space<vmem>>) dst(%dma_wait3A_93 : memref<10240x128xf32, #tpu.memory_space<vmem_shared>>)
        tpu.yield
      }) : () -> ()
      %dma_wait3A_73 = arith.constant 39 : i32
      %dma_wait3A_74 = arith.constant 0 : i32
      %dma_wait3A_75 = tpu.memref_slice %arg5[%dma_wait3A_73, %dma_wait3A_74] : memref<40x128xi32, #tpu.memory_space<vmem>> -> memref<1x128xi32, #tpu.memory_space<vmem>>
      %dma_wait3A_76 = tpu.memref_squeeze %dma_wait3A_75 : memref<1x128xi32, #tpu.memory_space<vmem>> -> memref<128xi32, #tpu.memory_space<vmem>>
      %dma_wait3A_77 = arith.constant 0 : i32
      %dma_wait3A_78 = arith.constant 0 : i32
      %dma_wait3A_79 = tpu.memref_slice %arg3[%dma_wait3A_77, %dma_wait3A_78] : memref<10000x128xf32, #tpu.memory_space<hbm>> -> memref<10000x128xf32, #tpu.memory_space<hbm>>
      tpu.wait_indirect_dma semaphore(%arg11 : memref<!tpu.dma_semaphore, #tpu.memory_space<semaphore_mem>>) src(%dma_wait3A_79 : memref<10000x128xf32, #tpu.memory_space<hbm>>) dst(%arg8 : memref<128x128xf32, #tpu.memory_space<vmem>>)
      %run_scoped3A_80 = arith.constant 39 : i32
      "tpu.region"() ({
        %run_scoped3A_81 = tpu.sem_alloc : memref<!tpu.dma_semaphore, #tpu.memory_space<semaphore_mem>>
        %dma_start3A_82 = arith.constant 0 : i32
        %dma_start3A_83 = tpu.memref_slice %arg6[%run_scoped3A_80, %dma_start3A_82] : memref<40x128xi32, #tpu.memory_space<vmem>> -> memref<1x128xi32, #tpu.memory_space<vmem>>
        %dma_start3A_84 = tpu.memref_squeeze %dma_start3A_83 : memref<1x128xi32, #tpu.memory_space<vmem>> -> memref<128xi32, #tpu.memory_space<vmem>>
        %dma_start3A_85 = arith.constant 0 : i32
        %dma_start3A_86 = arith.constant 0 : i32
        %dma_start3A_87 = tpu.memref_slice %arg9[%dma_start3A_85, %dma_start3A_86] : memref<10240x128xf32, #tpu.memory_space<vmem_shared>> -> memref<10240x128xf32, #tpu.memory_space<vmem_shared>>
        tpu.enqueue_indirect_dma source(%arg8 : memref<128x128xf32, #tpu.memory_space<vmem>>) target(%dma_start3A_87 : memref<10240x128xf32, #tpu.memory_space<vmem_shared>>) offsets(%dma_start3A_84 : memref<128xi32, #tpu.memory_space<vmem>>) semaphore(%run_scoped3A_81 : memref<!tpu.dma_semaphore, #tpu.memory_space<semaphore_mem>>) {add = true}
        %dma_wait3A_88 = arith.constant 0 : i32
        %dma_wait3A_89 = tpu.memref_slice %arg6[%run_scoped3A_80, %dma_wait3A_88] : memref<40x128xi32, #tpu.memory_space<vmem>> -> memref<1x128xi32, #tpu.memory_space<vmem>>
        %dma_wait3A_90 = tpu.memref_squeeze %dma_wait3A_89 : memref<1x128xi32, #tpu.memory_space<vmem>> -> memref<128xi32, #tpu.memory_space<vmem>>
        %dma_wait3A_91 = arith.constant 0 : i32
        %dma_wait3A_92 = arith.constant 0 : i32
        %dma_wait3A_93 = tpu.memref_slice %arg9[%dma_wait3A_91, %dma_wait3A_92] : memref<10240x128xf32, #tpu.memory_space<vmem_shared>> -> memref<10240x128xf32, #tpu.memory_space<vmem_shared>>
        tpu.wait_indirect_dma semaphore(%run_scoped3A_81 : memref<!tpu.dma_semaphore, #tpu.memory_space<semaphore_mem>>) src(%arg8 : memref<128x128xf32, #tpu.memory_space<vmem>>) dst(%dma_wait3A_93 : memref<10240x128xf32, #tpu.memory_space<vmem_shared>>)
        tpu.yield
      }) : () -> ()
    } else {
    }
    %barrier3A_37 = arith.constant 0 : index
    tpu.barrier barrier_id(%barrier3A_37)
    %mul3A_38 = arith.constant 640 : i32
    %mul3A_39 = arith.muli %arg1, %mul3A_38 : i32
    %mul3A_40 = arith.constant 640 : i32
    %mul3A_41 = arith.muli %arg1, %mul3A_40 : i32
    "tpu.region"() ({
      %run_scoped3A = tpu.sem_alloc : memref<!tpu.dma_semaphore, #tpu.memory_space<semaphore_mem>>
      %dma_start3A = arith.constant 0 : i32
      %dma_start3A_42 = tpu.memref_slice %arg4[%arg0, %mul3A_41, %dma_start3A] : memref<2x10240x128xf32, #tpu.memory_space<hbm>> -> memref<1x640x128xf32, #tpu.memory_space<hbm>>
      %dma_start3A_43 = tpu.memref_squeeze %dma_start3A_42 : memref<1x640x128xf32, #tpu.memory_space<hbm>> -> memref<640x128xf32, #tpu.memory_space<hbm>>
      %dma_start3A_44 = arith.constant 0 : i32
      %dma_start3A_45 = tpu.memref_slice %arg9[%mul3A_39, %dma_start3A_44] : memref<10240x128xf32, #tpu.memory_space<vmem_shared>> -> memref<640x128xf32, #tpu.memory_space<vmem_shared>>
      tpu.enqueue_dma source(%dma_start3A_45 : memref<640x128xf32, #tpu.memory_space<vmem_shared>>) target(%dma_start3A_43 : memref<640x128xf32, #tpu.memory_space<hbm>>) target_semaphore(%run_scoped3A : memref<!tpu.dma_semaphore, #tpu.memory_space<semaphore_mem>>)
      %dma_wait3A = arith.constant 0 : i32
      %dma_wait3A_46 = tpu.memref_slice %arg4[%arg0, %mul3A_41, %dma_wait3A] : memref<2x10240x128xf32, #tpu.memory_space<hbm>> -> memref<1x640x128xf32, #tpu.memory_space<hbm>>
      %dma_wait3A_47 = tpu.memref_squeeze %dma_wait3A_46 : memref<1x640x128xf32, #tpu.memory_space<hbm>> -> memref<640x128xf32, #tpu.memory_space<hbm>>
      %dma_wait3A_48 = arith.constant 0 : i32
      %dma_wait3A_49 = tpu.memref_slice %arg9[%mul3A_39, %dma_wait3A_48] : memref<10240x128xf32, #tpu.memory_space<vmem_shared>> -> memref<640x128xf32, #tpu.memory_space<vmem_shared>>
      tpu.wait_dma2 semaphore(%run_scoped3A : memref<!tpu.dma_semaphore, #tpu.memory_space<semaphore_mem>>) src(%dma_wait3A_49 : memref<640x128xf32, #tpu.memory_space<vmem_shared>>) dst(%dma_wait3A_47 : memref<640x128xf32, #tpu.memory_space<hbm>>)
      tpu.yield
    }) : () -> ()
    return
  }
}

module attributes {stable_mosaic.version = 14 : i64} {
  func.func @_pre_b_body(%arg0: i32, %arg1: memref<2x1000x1xf32, #tpu.memory_space<vmem>>, %arg2: memref<1000x128xf32, #tpu.memory_space<vmem>>, %arg3: memref<1000x128xf32, #tpu.memory_space<vmem>>) attributes {dimension_semantics = [#tpu.dimension_semantics<arbitrary>], iteration_bounds = array<i64: 10>, scalar_prefetch = 0 : i64, scratch_operands = 0 : i64, tpu.core_type = #tpu.core_type<tc>, window_params = [{transform_indices = @transform_0, window_bounds = array<i64: 2, 1000, 1>}, {transform_indices = @transform_1, window_bounds = array<i64: 1000, 128>}, {transform_indices = @transform_2, window_bounds = array<i64: 1000, 128>}]} {
    %get3A = arith.constant 0 : index
    %get3A_0 = arith.constant 0 : index
    %get3A_1 = arith.constant 0 : index
    %get3A_2 = vector.load %arg1[%get3A, %get3A_0, %get3A_1] : memref<2x1000x1xf32, #tpu.memory_space<vmem>>, vector<2x1000x1xf32>
    %slice3A = vector.extract_strided_slice %get3A_2 {offsets = [0, 0, 0], sizes = [1, 1000, 1], strides = [1, 1, 1]} : vector<2x1000x1xf32> to vector<1x1000x1xf32>
    %squeeze3A = vector.shape_cast %slice3A : vector<1x1000x1xf32> to vector<1000x1xf32>
    %slice3A_3 = vector.extract_strided_slice %get3A_2 {offsets = [1, 0, 0], sizes = [1, 1000, 1], strides = [1, 1, 1]} : vector<2x1000x1xf32> to vector<1x1000x1xf32>
    %squeeze3A_4 = vector.shape_cast %slice3A_3 : vector<1x1000x1xf32> to vector<1000x1xf32>
    %add3A = arith.addf %squeeze3A, %squeeze3A_4 : vector<1000x1xf32>
    %add3A_5 = arith.constant 1.000000e+00 : f32
    %add3A_6 = vector.broadcast %add3A_5 : f32 to vector<1000x1xf32>
    %add3A_7 = arith.addf %add3A, %add3A_6 : vector<1000x1xf32>
    %rsqrt3A = math.rsqrt %add3A_7 : vector<1000x1xf32>
    %get3A_8 = arith.constant 0 : index
    %get3A_9 = arith.constant 0 : index
    %get3A_10 = vector.load %arg2[%get3A_8, %get3A_9] : memref<1000x128xf32, #tpu.memory_space<vmem>>, vector<1000x128xf32>
    %mul3A = vector.broadcast %rsqrt3A : vector<1000x1xf32> to vector<1000x128xf32>
    %mul3A_11 = arith.mulf %mul3A, %get3A_10 : vector<1000x128xf32>
    %swap3A = arith.constant 0 : index
    %swap3A_12 = arith.constant 0 : index
    %swap3A_13 = vector.load %arg3[%swap3A, %swap3A_12] : memref<1000x128xf32, #tpu.memory_space<vmem>>, vector<1000x128xf32>
    tpu.vector_store %arg3[%swap3A, %swap3A_12], %mul3A_11 {strides = array<i32>} : memref<1000x128xf32, #tpu.memory_space<vmem>>, vector<1000x128xf32>,
    return
  }
  func.func @transform_0(%arg0: i32) -> (i32, i32, i32) {
    %c0_i32 = arith.constant 0 : i32
    %c0_i32_0 = arith.constant 0 : i32
    %c0_i32_1 = arith.constant 0 : i32
    return %c0_i32, %arg0, %c0_i32_0 : i32, i32, i32
  }
  func.func @transform_1(%arg0: i32) -> (i32, i32) {
    %c0_i32 = arith.constant 0 : i32
    %c0_i32_0 = arith.constant 0 : i32
    return %arg0, %c0_i32 : i32, i32
  }
  func.func @transform_2(%arg0: i32) -> (i32, i32) {
    %c0_i32 = arith.constant 0 : i32
    %c0_i32_0 = arith.constant 0 : i32
    return %arg0, %c0_i32 : i32, i32
  }
}

module attributes {stable_mosaic.version = 14 : i64} {
  func.func @_pre_a_body(%arg0: i32, %arg1: memref<1000x128xf32, #tpu.memory_space<vmem>>, %arg2: memref<128x128xf32, #tpu.memory_space<vmem>>, %arg3: memref<1x128xf32, #tpu.memory_space<vmem>>, %arg4: memref<128x128xf32, #tpu.memory_space<vmem>>, %arg5: memref<1000x128xf32, #tpu.memory_space<vmem>>, %arg6: memref<1000x128xf32, #tpu.memory_space<vmem>>) attributes {dimension_semantics = [#tpu.dimension_semantics<arbitrary>], iteration_bounds = array<i64: 10>, scalar_prefetch = 0 : i64, scratch_operands = 0 : i64, tpu.core_type = #tpu.core_type<tc>, window_params = [{transform_indices = @transform_0, window_bounds = array<i64: 1000, 128>}, {pipeline_mode = #tpu.pipeline_mode<synchronous>, transform_indices = @transform_1, window_bounds = array<i64: 128, 128>}, {pipeline_mode = #tpu.pipeline_mode<synchronous>, transform_indices = @transform_2, window_bounds = array<i64: 1, 128>}, {pipeline_mode = #tpu.pipeline_mode<synchronous>, transform_indices = @transform_3, window_bounds = array<i64: 128, 128>}, {transform_indices = @transform_4, window_bounds = array<i64: 1000, 128>}, {transform_indices = @transform_5, window_bounds = array<i64: 1000, 128>}]} {
    %get3A = arith.constant 0 : index
    %get3A_0 = arith.constant 0 : index
    %get3A_1 = vector.load %arg1[%get3A, %get3A_0] : memref<1000x128xf32, #tpu.memory_space<vmem>>, vector<1000x128xf32>
    %get3A_2 = arith.constant 0 : index
    %get3A_3 = arith.constant 0 : index
    %get3A_4 = vector.load %arg2[%get3A_2, %get3A_3] : memref<128x128xf32, #tpu.memory_space<vmem>>, vector<128x128xf32>
    %dot_general3A = arith.constant dense<0.000000e+00> : vector<1000x128xf32>
    %dot_general3A_5 = tpu.matmul %get3A_1, %get3A_4, %dot_general3A {dimension_numbers = #tpu.dot_dimension_numbers<[1], [1], [0], [0], [0, 0, 1, 0], [], []>, transpose_lhs_hint = false} : vector<1000x128xf32>, vector<128x128xf32>, vector<1000x128xf32> -> vector<1000x128xf32>
    %get3A_6 = arith.constant 0 : index
    %get3A_7 = arith.constant 0 : index
    %get3A_8 = vector.load %arg3[%get3A_6, %get3A_7] : memref<1x128xf32, #tpu.memory_space<vmem>>, vector<1x128xf32>
    %add3A = vector.broadcast %get3A_8 : vector<1x128xf32> to vector<1000x128xf32>
    %add3A_9 = arith.addf %dot_general3A_5, %add3A : vector<1000x128xf32>
    %swap3A = arith.constant 0 : index
    %swap3A_10 = arith.constant 0 : index
    %swap3A_11 = vector.load %arg5[%swap3A, %swap3A_10] : memref<1000x128xf32, #tpu.memory_space<vmem>>, vector<1000x128xf32>
    tpu.vector_store %arg5[%swap3A, %swap3A_10], %add3A_9 {strides = array<i32>} : memref<1000x128xf32, #tpu.memory_space<vmem>>, vector<1000x128xf32>,
    %get3A_12 = arith.constant 0 : index
    %get3A_13 = arith.constant 0 : index
    %get3A_14 = vector.load %arg4[%get3A_12, %get3A_13] : memref<128x128xf32, #tpu.memory_space<vmem>>, vector<128x128xf32>
    %dot_general3A_15 = arith.constant dense<0.000000e+00> : vector<1000x128xf32>
    %dot_general3A_16 = tpu.matmul %add3A_9, %get3A_14, %dot_general3A_15 {dimension_numbers = #tpu.dot_dimension_numbers<[1], [1], [0], [0], [0, 0, 1, 0], [], []>, transpose_lhs_hint = false} : vector<1000x128xf32>, vector<128x128xf32>, vector<1000x128xf32> -> vector<1000x128xf32>
    %swap3A_17 = arith.constant 0 : index
    %swap3A_18 = arith.constant 0 : index
    %swap3A_19 = vector.load %arg6[%swap3A_17, %swap3A_18] : memref<1000x128xf32, #tpu.memory_space<vmem>>, vector<1000x128xf32>
    tpu.vector_store %arg6[%swap3A_17, %swap3A_18], %dot_general3A_16 {strides = array<i32>} : memref<1000x128xf32, #tpu.memory_space<vmem>>, vector<1000x128xf32>,
    return
  }
  func.func @transform_0(%arg0: i32) -> (i32, i32) {
    %c0_i32 = arith.constant 0 : i32
    %c0_i32_0 = arith.constant 0 : i32
    return %arg0, %c0_i32 : i32, i32
  }
  func.func @transform_1(%arg0: i32) -> (i32, i32) {
    %c0_i32 = arith.constant 0 : i32
    %c0_i32_0 = arith.constant 0 : i32
    %c0_i32_1 = arith.constant 0 : i32
    return %c0_i32, %c0_i32_0 : i32, i32
  }
  func.func @transform_2(%arg0: i32) -> (i32, i32) {
    %c0_i32 = arith.constant 0 : i32
    %c0_i32_0 = arith.constant 0 : i32
    %c0_i32_1 = arith.constant 0 : i32
    return %c0_i32, %c0_i32_0 : i32, i32
  }
  func.func @transform_3(%arg0: i32) -> (i32, i32) {
    %c0_i32 = arith.constant 0 : i32
    %c0_i32_0 = arith.constant 0 : i32
    %c0_i32_1 = arith.constant 0 : i32
    return %c0_i32, %c0_i32_0 : i32, i32
  }
  func.func @transform_4(%arg0: i32) -> (i32, i32) {
    %c0_i32 = arith.constant 0 : i32
    %c0_i32_0 = arith.constant 0 : i32
    return %arg0, %c0_i32 : i32, i32
  }
  func.func @transform_5(%arg0: i32) -> (i32, i32) {
    %c0_i32 = arith.constant 0 : i32
    %c0_i32_0 = arith.constant 0 : i32
    return %arg0, %c0_i32 : i32, i32
  }
}

module attributes {stable_mosaic.version = 14 : i64} {
  func.func @_mid_a_body(%arg0: i32, %arg1: memref<1000x128xf32, #tpu.memory_space<vmem>>, %arg2: memref<128x128xf32, #tpu.memory_space<vmem>>, %arg3: memref<1000x128xf32, #tpu.memory_space<vmem>>) attributes {dimension_semantics = [#tpu.dimension_semantics<arbitrary>], iteration_bounds = array<i64: 10>, scalar_prefetch = 0 : i64, scratch_operands = 0 : i64, tpu.core_type = #tpu.core_type<tc>, window_params = [{transform_indices = @transform_0, window_bounds = array<i64: 1000, 128>}, {pipeline_mode = #tpu.pipeline_mode<synchronous>, transform_indices = @transform_1, window_bounds = array<i64: 128, 128>}, {transform_indices = @transform_2, window_bounds = array<i64: 1000, 128>}]} {
    %get3A = arith.constant 0 : index
    %get3A_0 = arith.constant 0 : index
    %get3A_1 = vector.load %arg1[%get3A, %get3A_0] : memref<1000x128xf32, #tpu.memory_space<vmem>>, vector<1000x128xf32>
    %get3A_2 = arith.constant 0 : index
    %get3A_3 = arith.constant 0 : index
    %get3A_4 = vector.load %arg2[%get3A_2, %get3A_3] : memref<128x128xf32, #tpu.memory_space<vmem>>, vector<128x128xf32>
    %dot_general3A = arith.constant dense<0.000000e+00> : vector<1000x128xf32>
    %dot_general3A_5 = tpu.matmul %get3A_1, %get3A_4, %dot_general3A {dimension_numbers = #tpu.dot_dimension_numbers<[1], [1], [0], [0], [0, 0, 1, 0], [], []>, transpose_lhs_hint = false} : vector<1000x128xf32>, vector<128x128xf32>, vector<1000x128xf32> -> vector<1000x128xf32>
    %swap3A = arith.constant 0 : index
    %swap3A_6 = arith.constant 0 : index
    %swap3A_7 = vector.load %arg3[%swap3A, %swap3A_6] : memref<1000x128xf32, #tpu.memory_space<vmem>>, vector<1000x128xf32>
    tpu.vector_store %arg3[%swap3A, %swap3A_6], %dot_general3A_5 {strides = array<i32>} : memref<1000x128xf32, #tpu.memory_space<vmem>>, vector<1000x128xf32>,
    return
  }
  func.func @transform_0(%arg0: i32) -> (i32, i32) {
    %c0_i32 = arith.constant 0 : i32
    %c0_i32_0 = arith.constant 0 : i32
    return %arg0, %c0_i32 : i32, i32
  }
  func.func @transform_1(%arg0: i32) -> (i32, i32) {
    %c0_i32 = arith.constant 0 : i32
    %c0_i32_0 = arith.constant 0 : i32
    %c0_i32_1 = arith.constant 0 : i32
    return %c0_i32, %c0_i32_0 : i32, i32
  }
  func.func @transform_2(%arg0: i32) -> (i32, i32) {
    %c0_i32 = arith.constant 0 : i32
    %c0_i32_0 = arith.constant 0 : i32
    return %arg0, %c0_i32 : i32, i32
  }
}

module attributes {stable_mosaic.version = 14 : i64} {
  func.func @_mid_b_body(%arg0: i32, %arg1: memref<2x1000x1xf32, #tpu.memory_space<vmem>>, %arg2: memref<1000x128xf32, #tpu.memory_space<vmem>>, %arg3: memref<1000x128xf32, #tpu.memory_space<vmem>>, %arg4: memref<2x1000x128xf32, #tpu.memory_space<vmem>>, %arg5: memref<1x128xf32, #tpu.memory_space<vmem>>, %arg6: memref<128x128xf32, #tpu.memory_space<vmem>>, %arg7: memref<1000x128xf32, #tpu.memory_space<vmem>>, %arg8: memref<1000x128xf32, #tpu.memory_space<vmem>>) attributes {dimension_semantics = [#tpu.dimension_semantics<arbitrary>], iteration_bounds = array<i64: 10>, scalar_prefetch = 0 : i64, scratch_operands = 0 : i64, tpu.core_type = #tpu.core_type<tc>, window_params = [{transform_indices = @transform_0, window_bounds = array<i64: 2, 1000, 1>}, {transform_indices = @transform_1, window_bounds = array<i64: 1000, 128>}, {transform_indices = @transform_2, window_bounds = array<i64: 1000, 128>}, {transform_indices = @transform_3, window_bounds = array<i64: 2, 1000, 128>}, {pipeline_mode = #tpu.pipeline_mode<synchronous>, transform_indices = @transform_4, window_bounds = array<i64: 1, 128>}, {pipeline_mode = #tpu.pipeline_mode<synchronous>, transform_indices = @transform_5, window_bounds = array<i64: 128, 128>}, {transform_indices = @transform_6, window_bounds = array<i64: 1000, 128>}, {transform_indices = @transform_7, window_bounds = array<i64: 1000, 128>}]} {
    %get3A = arith.constant 0 : index
    %get3A_0 = arith.constant 0 : index
    %get3A_1 = arith.constant 0 : index
    %get3A_2 = vector.load %arg1[%get3A, %get3A_0, %get3A_1] : memref<2x1000x1xf32, #tpu.memory_space<vmem>>, vector<2x1000x1xf32>
    %slice3A = vector.extract_strided_slice %get3A_2 {offsets = [0, 0, 0], sizes = [1, 1000, 1], strides = [1, 1, 1]} : vector<2x1000x1xf32> to vector<1x1000x1xf32>
    %squeeze3A = vector.shape_cast %slice3A : vector<1x1000x1xf32> to vector<1000x1xf32>
    %slice3A_3 = vector.extract_strided_slice %get3A_2 {offsets = [1, 0, 0], sizes = [1, 1000, 1], strides = [1, 1, 1]} : vector<2x1000x1xf32> to vector<1x1000x1xf32>
    %squeeze3A_4 = vector.shape_cast %slice3A_3 : vector<1x1000x1xf32> to vector<1000x1xf32>
    %add3A = arith.addf %squeeze3A, %squeeze3A_4 : vector<1000x1xf32>
    %add3A_5 = arith.constant 1.000000e+00 : f32
    %add3A_6 = vector.broadcast %add3A_5 : f32 to vector<1000x1xf32>
    %add3A_7 = arith.addf %add3A, %add3A_6 : vector<1000x1xf32>
    %rsqrt3A = math.rsqrt %add3A_7 : vector<1000x1xf32>
    %get3A_8 = arith.constant 0 : index
    %get3A_9 = arith.constant 0 : index
    %get3A_10 = arith.constant 0 : index
    %get3A_11 = vector.load %arg4[%get3A_8, %get3A_9, %get3A_10] : memref<2x1000x128xf32, #tpu.memory_space<vmem>>, vector<2x1000x128xf32>
    %slice3A_12 = vector.extract_strided_slice %get3A_11 {offsets = [0, 0, 0], sizes = [1, 1000, 128], strides = [1, 1, 1]} : vector<2x1000x128xf32> to vector<1x1000x128xf32>
    %squeeze3A_13 = vector.shape_cast %slice3A_12 : vector<1x1000x128xf32> to vector<1000x128xf32>
    %slice3A_14 = vector.extract_strided_slice %get3A_11 {offsets = [1, 0, 0], sizes = [1, 1000, 128], strides = [1, 1, 1]} : vector<2x1000x128xf32> to vector<1x1000x128xf32>
    %squeeze3A_15 = vector.shape_cast %slice3A_14 : vector<1x1000x128xf32> to vector<1000x128xf32>
    %add3A_16 = arith.addf %squeeze3A_13, %squeeze3A_15 : vector<1000x128xf32>
    %get3A_17 = arith.constant 0 : index
    %get3A_18 = arith.constant 0 : index
    %get3A_19 = vector.load %arg3[%get3A_17, %get3A_18] : memref<1000x128xf32, #tpu.memory_space<vmem>>, vector<1000x128xf32>
    %add3A_20 = arith.addf %add3A_16, %get3A_19 : vector<1000x128xf32>
    %mul3A = vector.broadcast %rsqrt3A : vector<1000x1xf32> to vector<1000x128xf32>
    %mul3A_21 = arith.mulf %mul3A, %add3A_20 : vector<1000x128xf32>
    %get3A_22 = arith.constant 0 : index
    %get3A_23 = arith.constant 0 : index
    %get3A_24 = vector.load %arg5[%get3A_22, %get3A_23] : memref<1x128xf32, #tpu.memory_space<vmem>>, vector<1x128xf32>
    %add3A_25 = vector.broadcast %get3A_24 : vector<1x128xf32> to vector<1000x128xf32>
    %add3A_26 = arith.addf %mul3A_21, %add3A_25 : vector<1000x128xf32>
    %max3A = arith.constant 0.000000e+00 : f32
    %max3A_27 = vector.broadcast %max3A : f32 to vector<1000x128xf32>
    %max3A_28 = arith.maximumf %add3A_26, %max3A_27 : vector<1000x128xf32>
    %swap3A = arith.constant 0 : index
    %swap3A_29 = arith.constant 0 : index
    %swap3A_30 = vector.load %arg7[%swap3A, %swap3A_29] : memref<1000x128xf32, #tpu.memory_space<vmem>>, vector<1000x128xf32>
    tpu.vector_store %arg7[%swap3A, %swap3A_29], %max3A_28 {strides = array<i32>} : memref<1000x128xf32, #tpu.memory_space<vmem>>, vector<1000x128xf32>,
    %get3A_31 = arith.constant 0 : index
    %get3A_32 = arith.constant 0 : index
    %get3A_33 = vector.load %arg2[%get3A_31, %get3A_32] : memref<1000x128xf32, #tpu.memory_space<vmem>>, vector<1000x128xf32>
    %get3A_34 = arith.constant 0 : index
    %get3A_35 = arith.constant 0 : index
    %get3A_36 = vector.load %arg6[%get3A_34, %get3A_35] : memref<128x128xf32, #tpu.memory_space<vmem>>, vector<128x128xf32>
    %dot_general3A = arith.constant dense<0.000000e+00> : vector<1000x128xf32>
    %dot_general3A_37 = tpu.matmul %max3A_28, %get3A_36, %dot_general3A {dimension_numbers = #tpu.dot_dimension_numbers<[1], [1], [0], [0], [0, 0, 1, 0], [], []>, transpose_lhs_hint = false} : vector<1000x128xf32>, vector<128x128xf32>, vector<1000x128xf32> -> vector<1000x128xf32>
    %add3A_38 = arith.addf %get3A_33, %dot_general3A_37 : vector<1000x128xf32>
    %mul3A_39 = vector.broadcast %rsqrt3A : vector<1000x1xf32> to vector<1000x128xf32>
    %mul3A_40 = arith.mulf %mul3A_39, %add3A_38 : vector<1000x128xf32>
    %swap3A_41 = arith.constant 0 : index
    %swap3A_42 = arith.constant 0 : index
    %swap3A_43 = vector.load %arg8[%swap3A_41, %swap3A_42] : memref<1000x128xf32, #tpu.memory_space<vmem>>, vector<1000x128xf32>
    tpu.vector_store %arg8[%swap3A_41, %swap3A_42], %mul3A_40 {strides = array<i32>} : memref<1000x128xf32, #tpu.memory_space<vmem>>, vector<1000x128xf32>,
    return
  }
  func.func @transform_0(%arg0: i32) -> (i32, i32, i32) {
    %c0_i32 = arith.constant 0 : i32
    %c0_i32_0 = arith.constant 0 : i32
    %c0_i32_1 = arith.constant 0 : i32
    return %c0_i32, %arg0, %c0_i32_0 : i32, i32, i32
  }
  func.func @transform_1(%arg0: i32) -> (i32, i32) {
    %c0_i32 = arith.constant 0 : i32
    %c0_i32_0 = arith.constant 0 : i32
    return %arg0, %c0_i32 : i32, i32
  }
  func.func @transform_2(%arg0: i32) -> (i32, i32) {
    %c0_i32 = arith.constant 0 : i32
    %c0_i32_0 = arith.constant 0 : i32
    return %arg0, %c0_i32 : i32, i32
  }
  func.func @transform_3(%arg0: i32) -> (i32, i32, i32) {
    %c0_i32 = arith.constant 0 : i32
    %c0_i32_0 = arith.constant 0 : i32
    %c0_i32_1 = arith.constant 0 : i32
    return %c0_i32, %arg0, %c0_i32_0 : i32, i32, i32
  }
  func.func @transform_4(%arg0: i32) -> (i32, i32) {
    %c0_i32 = arith.constant 0 : i32
    %c0_i32_0 = arith.constant 0 : i32
    %c0_i32_1 = arith.constant 0 : i32
    return %c0_i32, %c0_i32_0 : i32, i32
  }
  func.func @transform_5(%arg0: i32) -> (i32, i32) {
    %c0_i32 = arith.constant 0 : i32
    %c0_i32_0 = arith.constant 0 : i32
    %c0_i32_1 = arith.constant 0 : i32
    return %c0_i32, %c0_i32_0 : i32, i32
  }
  func.func @transform_6(%arg0: i32) -> (i32, i32) {
    %c0_i32 = arith.constant 0 : i32
    %c0_i32_0 = arith.constant 0 : i32
    return %arg0, %c0_i32 : i32, i32
  }
  func.func @transform_7(%arg0: i32) -> (i32, i32) {
    %c0_i32 = arith.constant 0 : i32
    %c0_i32_0 = arith.constant 0 : i32
    return %arg0, %c0_i32 : i32, i32
  }
}

module attributes {stable_mosaic.version = 14 : i64} {
  func.func @_fin_a_body(%arg0: i32, %arg1: memref<1000x128xf32, #tpu.memory_space<vmem>>, %arg2: memref<1000x128xf32, #tpu.memory_space<vmem>>, %arg3: memref<1000x1xi32, #tpu.memory_space<vmem>>, %arg4: memref<64x256xf32, #tpu.memory_space<vmem>>, %arg5: memref<64x256xf32, #tpu.memory_space<vmem>>) attributes {dimension_semantics = [#tpu.dimension_semantics<arbitrary>], iteration_bounds = array<i64: 10>, scalar_prefetch = 0 : i64, scratch_operands = 1 : i64, tpu.core_type = #tpu.core_type<tc>, window_params = [{transform_indices = @transform_0, window_bounds = array<i64: 1000, 128>}, {transform_indices = @transform_1, window_bounds = array<i64: 1000, 128>}, {transform_indices = @transform_2, window_bounds = array<i64: 1000, 1>}, {pipeline_mode = #tpu.pipeline_mode<synchronous>, transform_indices = @transform_3, window_bounds = array<i64: 64, 256>}]} {
    %get3A = arith.constant 0 : index
    %get3A_0 = arith.constant 0 : index
    %get3A_1 = vector.load %arg1[%get3A, %get3A_0] : memref<1000x128xf32, #tpu.memory_space<vmem>>, vector<1000x128xf32>
    %get3A_2 = arith.constant 0 : index
    %get3A_3 = arith.constant 0 : index
    %get3A_4 = vector.load %arg2[%get3A_2, %get3A_3] : memref<1000x128xf32, #tpu.memory_space<vmem>>, vector<1000x128xf32>
    %concatenate3A = tpu.concatenate %get3A_1, %get3A_4 in 1 : vector<1000x128xf32>, vector<1000x128xf32> -> vector<1000x256xf32>
    %iota3A = tpu.iota {dimensions = array<i32: 1>} : vector<1000x64xi32>
    %get3A_5 = arith.constant 0 : index
    %get3A_6 = arith.constant 0 : index
    %get3A_7 = vector.load %arg3[%get3A_5, %get3A_6] : memref<1000x1xi32, #tpu.memory_space<vmem>>, vector<1000x1xi32>
    %eq3A = vector.broadcast %get3A_7 : vector<1000x1xi32> to vector<1000x64xi32>
    %eq3A_8 = arith.cmpi eq, %eq3A, %iota3A : vector<1000x64xi32>
    %jit3A = arith.constant 1.000000e+00 : f32
    %jit3A_9 = arith.constant 0.000000e+00 : f32
    %broadcast_in_dim3A = vector.broadcast %jit3A : f32 to vector<1000x64xf32>
    %broadcast_in_dim3A_10 = vector.broadcast %jit3A_9 : f32 to vector<1000x64xf32>
    %select_n3A = arith.select %eq3A_8, %broadcast_in_dim3A, %broadcast_in_dim3A_10 : vector<1000x64xi1>, vector<1000x64xf32>
    %dot_general3A = arith.constant dense<0.000000e+00> : vector<64x256xf32>
    %dot_general3A_11 = tpu.matmul %select_n3A, %concatenate3A, %dot_general3A {dimension_numbers = #tpu.dot_dimension_numbers<[0], [0], [1], [1], [0, 1, 1, 1], [], []>, transpose_lhs_hint = false} : vector<1000x64xf32>, vector<1000x256xf32>, vector<64x256xf32> -> vector<64x256xf32>
    %eq3A_12 = arith.constant 0 : i32
    %eq3A_13 = arith.cmpi eq, %arg0, %eq3A_12 : i32
    %convert_element_type3A = arith.extui %eq3A_13 : i1 to i32
    %cond3A = arith.constant 0 : i32
    %cond3A_14 = arith.cmpi ne, %convert_element_type3A, %cond3A : i32
    scf.if %cond3A_14 {
      %swap3A = arith.constant 0 : index
      %swap3A_24 = arith.constant 0 : index
      %swap3A_25 = vector.load %arg5[%swap3A, %swap3A_24] : memref<64x256xf32, #tpu.memory_space<vmem>>, vector<64x256xf32>
      tpu.vector_store %arg5[%swap3A, %swap3A_24], %dot_general3A_11 {strides = array<i32>} : memref<64x256xf32, #tpu.memory_space<vmem>>, vector<64x256xf32>,
    } else {
    }
    %gt3A = arith.constant 0 : i32
    %gt3A_15 = arith.cmpi sgt, %arg0, %gt3A : i32
    %convert_element_type3A_16 = arith.extui %gt3A_15 : i1 to i32
    %cond3A_17 = arith.constant 0 : i32
    %cond3A_18 = arith.cmpi ne, %convert_element_type3A_16, %cond3A_17 : i32
    scf.if %cond3A_18 {
      %get3A_24 = arith.constant 0 : index
      %get3A_25 = arith.constant 0 : index
      %get3A_26 = vector.load %arg5[%get3A_24, %get3A_25] : memref<64x256xf32, #tpu.memory_space<vmem>>, vector<64x256xf32>
      %add3A = arith.addf %get3A_26, %dot_general3A_11 : vector<64x256xf32>
      %swap3A = arith.constant 0 : index
      %swap3A_27 = arith.constant 0 : index
      %swap3A_28 = vector.load %arg5[%swap3A, %swap3A_27] : memref<64x256xf32, #tpu.memory_space<vmem>>, vector<64x256xf32>
      tpu.vector_store %arg5[%swap3A, %swap3A_27], %add3A {strides = array<i32>} : memref<64x256xf32, #tpu.memory_space<vmem>>, vector<64x256xf32>,
    } else {
    }
    %eq3A_19 = arith.constant 9 : i32
    %eq3A_20 = arith.cmpi eq, %arg0, %eq3A_19 : i32
    %convert_element_type3A_21 = arith.extui %eq3A_20 : i1 to i32
    %cond3A_22 = arith.constant 0 : i32
    %cond3A_23 = arith.cmpi ne, %convert_element_type3A_21, %cond3A_22 : i32
    scf.if %cond3A_23 {
      %get3A_24 = arith.constant 0 : index
      %get3A_25 = arith.constant 0 : index
      %get3A_26 = vector.load %arg5[%get3A_24, %get3A_25] : memref<64x256xf32, #tpu.memory_space<vmem>>, vector<64x256xf32>
      %swap3A = arith.constant 0 : index
      %swap3A_27 = arith.constant 0 : index
      %swap3A_28 = vector.load %arg4[%swap3A, %swap3A_27] : memref<64x256xf32, #tpu.memory_space<vmem>>, vector<64x256xf32>
      tpu.vector_store %arg4[%swap3A, %swap3A_27], %get3A_26 {strides = array<i32>} : memref<64x256xf32, #tpu.memory_space<vmem>>, vector<64x256xf32>,
    } else {
    }
    return
  }
  func.func @transform_0(%arg0: i32) -> (i32, i32) {
    %c0_i32 = arith.constant 0 : i32
    %c0_i32_0 = arith.constant 0 : i32
    return %arg0, %c0_i32 : i32, i32
  }
  func.func @transform_1(%arg0: i32) -> (i32, i32) {
    %c0_i32 = arith.constant 0 : i32
    %c0_i32_0 = arith.constant 0 : i32
    return %arg0, %c0_i32 : i32, i32
  }
  func.func @transform_2(%arg0: i32) -> (i32, i32) {
    %c0_i32 = arith.constant 0 : i32
    %c0_i32_0 = arith.constant 0 : i32
    return %arg0, %c0_i32 : i32, i32
  }
  func.func @transform_3(%arg0: i32) -> (i32, i32) {
    %c0_i32 = arith.constant 0 : i32
    %c0_i32_0 = arith.constant 0 : i32
    %c0_i32_1 = arith.constant 0 : i32
    return %c0_i32, %c0_i32_0 : i32, i32
  }
}

module attributes {stable_mosaic.version = 14 : i64} {
  func.func @_fin_b_body(%arg0: i32, %arg1: memref<2x1000x1xf32, #tpu.memory_space<vmem>>, %arg2: memref<1000x128xf32, #tpu.memory_space<vmem>>, %arg3: memref<2x1000x128xf32, #tpu.memory_space<vmem>>, %arg4: memref<1x128xf32, #tpu.memory_space<vmem>>, %arg5: memref<1000x1xi32, #tpu.memory_space<vmem>>, %arg6: memref<64x256xf32, #tpu.memory_space<vmem>>, %arg7: memref<128x384xf32, #tpu.memory_space<vmem>>, %arg8: memref<1x128xf32, #tpu.memory_space<vmem>>, %arg9: memref<32x128xf32, #tpu.memory_space<vmem>>, %arg10: memref<1x32xf32, #tpu.memory_space<vmem>>, %arg11: memref<64x32xf32, #tpu.memory_space<vmem>>, %arg12: memref<64x128xf32, #tpu.memory_space<vmem>>) attributes {dimension_semantics = [#tpu.dimension_semantics<arbitrary>], iteration_bounds = array<i64: 10>, scalar_prefetch = 0 : i64, scratch_operands = 1 : i64, tpu.core_type = #tpu.core_type<tc>, window_params = [{transform_indices = @transform_0, window_bounds = array<i64: 2, 1000, 1>}, {transform_indices = @transform_1, window_bounds = array<i64: 1000, 128>}, {transform_indices = @transform_2, window_bounds = array<i64: 2, 1000, 128>}, {pipeline_mode = #tpu.pipeline_mode<synchronous>, transform_indices = @transform_3, window_bounds = array<i64: 1, 128>}, {transform_indices = @transform_4, window_bounds = array<i64: 1000, 1>}, {pipeline_mode = #tpu.pipeline_mode<synchronous>, transform_indices = @transform_5, window_bounds = array<i64: 64, 256>}, {pipeline_mode = #tpu.pipeline_mode<synchronous>, transform_indices = @transform_6, window_bounds = array<i64: 128, 384>}, {pipeline_mode = #tpu.pipeline_mode<synchronous>, transform_indices = @transform_7, window_bounds = array<i64: 1, 128>}, {pipeline_mode = #tpu.pipeline_mode<synchronous>, transform_indices = @transform_8, window_bounds = array<i64: 32, 128>}, {pipeline_mode = #tpu.pipeline_mode<synchronous>, transform_indices = @transform_9, window_bounds = array<i64: 1, 32>}, {pipeline_mode = #tpu.pipeline_mode<synchronous>, transform_indices = @transform_10, window_bounds = array<i64: 64, 32>}]} {
    %get3A = arith.constant 0 : index
    %get3A_0 = arith.constant 0 : index
    %get3A_1 = arith.constant 0 : index
    %get3A_2 = vector.load %arg1[%get3A, %get3A_0, %get3A_1] : memref<2x1000x1xf32, #tpu.memory_space<vmem>>, vector<2x1000x1xf32>
    %slice3A = vector.extract_strided_slice %get3A_2 {offsets = [0, 0, 0], sizes = [1, 1000, 1], strides = [1, 1, 1]} : vector<2x1000x1xf32> to vector<1x1000x1xf32>
    %squeeze3A = vector.shape_cast %slice3A : vector<1x1000x1xf32> to vector<1000x1xf32>
    %slice3A_3 = vector.extract_strided_slice %get3A_2 {offsets = [1, 0, 0], sizes = [1, 1000, 1], strides = [1, 1, 1]} : vector<2x1000x1xf32> to vector<1x1000x1xf32>
    %squeeze3A_4 = vector.shape_cast %slice3A_3 : vector<1x1000x1xf32> to vector<1000x1xf32>
    %add3A = arith.addf %squeeze3A, %squeeze3A_4 : vector<1000x1xf32>
    %add3A_5 = arith.constant 1.000000e+00 : f32
    %add3A_6 = vector.broadcast %add3A_5 : f32 to vector<1000x1xf32>
    %add3A_7 = arith.addf %add3A, %add3A_6 : vector<1000x1xf32>
    %rsqrt3A = math.rsqrt %add3A_7 : vector<1000x1xf32>
    %get3A_8 = arith.constant 0 : index
    %get3A_9 = arith.constant 0 : index
    %get3A_10 = arith.constant 0 : index
    %get3A_11 = vector.load %arg3[%get3A_8, %get3A_9, %get3A_10] : memref<2x1000x128xf32, #tpu.memory_space<vmem>>, vector<2x1000x128xf32>
    %slice3A_12 = vector.extract_strided_slice %get3A_11 {offsets = [0, 0, 0], sizes = [1, 1000, 128], strides = [1, 1, 1]} : vector<2x1000x128xf32> to vector<1x1000x128xf32>
    %squeeze3A_13 = vector.shape_cast %slice3A_12 : vector<1x1000x128xf32> to vector<1000x128xf32>
    %slice3A_14 = vector.extract_strided_slice %get3A_11 {offsets = [1, 0, 0], sizes = [1, 1000, 128], strides = [1, 1, 1]} : vector<2x1000x128xf32> to vector<1x1000x128xf32>
    %squeeze3A_15 = vector.shape_cast %slice3A_14 : vector<1x1000x128xf32> to vector<1000x128xf32>
    %add3A_16 = arith.addf %squeeze3A_13, %squeeze3A_15 : vector<1000x128xf32>
    %get3A_17 = arith.constant 0 : index
    %get3A_18 = arith.constant 0 : index
    %get3A_19 = vector.load %arg2[%get3A_17, %get3A_18] : memref<1000x128xf32, #tpu.memory_space<vmem>>, vector<1000x128xf32>
    %add3A_20 = arith.addf %add3A_16, %get3A_19 : vector<1000x128xf32>
    %mul3A = vector.broadcast %rsqrt3A : vector<1000x1xf32> to vector<1000x128xf32>
    %mul3A_21 = arith.mulf %mul3A, %add3A_20 : vector<1000x128xf32>
    %get3A_22 = arith.constant 0 : index
    %get3A_23 = arith.constant 0 : index
    %get3A_24 = vector.load %arg4[%get3A_22, %get3A_23] : memref<1x128xf32, #tpu.memory_space<vmem>>, vector<1x128xf32>
    %add3A_25 = vector.broadcast %get3A_24 : vector<1x128xf32> to vector<1000x128xf32>
    %add3A_26 = arith.addf %mul3A_21, %add3A_25 : vector<1000x128xf32>
    %max3A = arith.constant 0.000000e+00 : f32
    %max3A_27 = vector.broadcast %max3A : f32 to vector<1000x128xf32>
    %max3A_28 = arith.maximumf %add3A_26, %max3A_27 : vector<1000x128xf32>
    %iota3A = tpu.iota {dimensions = array<i32: 1>} : vector<1000x64xi32>
    %get3A_29 = arith.constant 0 : index
    %get3A_30 = arith.constant 0 : index
    %get3A_31 = vector.load %arg5[%get3A_29, %get3A_30] : memref<1000x1xi32, #tpu.memory_space<vmem>>, vector<1000x1xi32>
    %eq3A = vector.broadcast %get3A_31 : vector<1000x1xi32> to vector<1000x64xi32>
    %eq3A_32 = arith.cmpi eq, %eq3A, %iota3A : vector<1000x64xi32>
    %jit3A = arith.constant 1.000000e+00 : f32
    %jit3A_33 = arith.constant 0.000000e+00 : f32
    %broadcast_in_dim3A = vector.broadcast %jit3A : f32 to vector<1000x64xf32>
    %broadcast_in_dim3A_34 = vector.broadcast %jit3A_33 : f32 to vector<1000x64xf32>
    %select_n3A = arith.select %eq3A_32, %broadcast_in_dim3A, %broadcast_in_dim3A_34 : vector<1000x64xi1>, vector<1000x64xf32>
    %dot_general3A = arith.constant dense<0.000000e+00> : vector<64x128xf32>
    %dot_general3A_35 = tpu.matmul %select_n3A, %max3A_28, %dot_general3A {dimension_numbers = #tpu.dot_dimension_numbers<[0], [0], [1], [1], [0, 1, 1, 1], [], []>, transpose_lhs_hint = false} : vector<1000x64xf32>, vector<1000x128xf32>, vector<64x128xf32> -> vector<64x128xf32>
    %eq3A_36 = arith.constant 0 : i32
    %eq3A_37 = arith.cmpi eq, %arg0, %eq3A_36 : i32
    %convert_element_type3A = arith.extui %eq3A_37 : i1 to i32
    %cond3A = arith.constant 0 : i32
    %cond3A_38 = arith.cmpi ne, %convert_element_type3A, %cond3A : i32
    scf.if %cond3A_38 {
      %swap3A = arith.constant 0 : index
      %swap3A_48 = arith.constant 0 : index
      %swap3A_49 = vector.load %arg12[%swap3A, %swap3A_48] : memref<64x128xf32, #tpu.memory_space<vmem>>, vector<64x128xf32>
      tpu.vector_store %arg12[%swap3A, %swap3A_48], %dot_general3A_35 {strides = array<i32>} : memref<64x128xf32, #tpu.memory_space<vmem>>, vector<64x128xf32>,
    } else {
    }
    %gt3A = arith.constant 0 : i32
    %gt3A_39 = arith.cmpi sgt, %arg0, %gt3A : i32
    %convert_element_type3A_40 = arith.extui %gt3A_39 : i1 to i32
    %cond3A_41 = arith.constant 0 : i32
    %cond3A_42 = arith.cmpi ne, %convert_element_type3A_40, %cond3A_41 : i32
    scf.if %cond3A_42 {
      %get3A_48 = arith.constant 0 : index
      %get3A_49 = arith.constant 0 : index
      %get3A_50 = vector.load %arg12[%get3A_48, %get3A_49] : memref<64x128xf32, #tpu.memory_space<vmem>>, vector<64x128xf32>
      %add3A_51 = arith.addf %get3A_50, %dot_general3A_35 : vector<64x128xf32>
      %swap3A = arith.constant 0 : index
      %swap3A_52 = arith.constant 0 : index
      %swap3A_53 = vector.load %arg12[%swap3A, %swap3A_52] : memref<64x128xf32, #tpu.memory_space<vmem>>, vector<64x128xf32>
      tpu.vector_store %arg12[%swap3A, %swap3A_52], %add3A_51 {strides = array<i32>} : memref<64x128xf32, #tpu.memory_space<vmem>>, vector<64x128xf32>,
    } else {
    }
    %eq3A_43 = arith.constant 9 : i32
    %eq3A_44 = arith.cmpi eq, %arg0, %eq3A_43 : i32
    %convert_element_type3A_45 = arith.extui %eq3A_44 : i1 to i32
    %cond3A_46 = arith.constant 0 : i32
    %cond3A_47 = arith.cmpi ne, %convert_element_type3A_45, %cond3A_46 : i32
    scf.if %cond3A_47 {
      %get3A_48 = arith.constant 0 : index
      %get3A_49 = arith.constant 0 : index
      %get3A_50 = vector.load %arg6[%get3A_48, %get3A_49] : memref<64x256xf32, #tpu.memory_space<vmem>>, vector<64x256xf32>
      %get3A_51 = arith.constant 0 : index
      %get3A_52 = arith.constant 0 : index
      %get3A_53 = vector.load %arg12[%get3A_51, %get3A_52] : memref<64x128xf32, #tpu.memory_space<vmem>>, vector<64x128xf32>
      %concatenate3A = tpu.concatenate %get3A_50, %get3A_53 in 1 : vector<64x256xf32>, vector<64x128xf32> -> vector<64x384xf32>
      %get3A_54 = arith.constant 0 : index
      %get3A_55 = arith.constant 0 : index
      %get3A_56 = vector.load %arg7[%get3A_54, %get3A_55] : memref<128x384xf32, #tpu.memory_space<vmem>>, vector<128x384xf32>
      %dot_general3A_57 = arith.constant dense<0.000000e+00> : vector<64x128xf32>
      %dot_general3A_58 = tpu.matmul %concatenate3A, %get3A_56, %dot_general3A_57 {dimension_numbers = #tpu.dot_dimension_numbers<[1], [1], [0], [0], [0, 0, 1, 0], [], []>, transpose_lhs_hint = false} : vector<64x384xf32>, vector<128x384xf32>, vector<64x128xf32> -> vector<64x128xf32>
      %get3A_59 = arith.constant 0 : index
      %get3A_60 = arith.constant 0 : index
      %get3A_61 = vector.load %arg8[%get3A_59, %get3A_60] : memref<1x128xf32, #tpu.memory_space<vmem>>, vector<1x128xf32>
      %add3A_62 = vector.broadcast %get3A_61 : vector<1x128xf32> to vector<64x128xf32>
      %add3A_63 = arith.addf %dot_general3A_58, %add3A_62 : vector<64x128xf32>
      %gt3A_64 = arith.constant 0.000000e+00 : f32
      %gt3A_65 = vector.broadcast %gt3A_64 : f32 to vector<64x128xf32>
      %gt3A_66 = arith.cmpf ogt, %add3A_63, %gt3A_65 : vector<64x128xf32>
      %mul3A_67 = arith.constant 1.000000e-01 : f32
      %mul3A_68 = vector.broadcast %mul3A_67 : f32 to vector<64x128xf32>
      %mul3A_69 = arith.mulf %mul3A_68, %add3A_63 : vector<64x128xf32>
      %select_n3A_70 = arith.select %gt3A_66, %add3A_63, %mul3A_69 : vector<64x128xi1>, vector<64x128xf32>
      %get3A_71 = arith.constant 0 : index
      %get3A_72 = arith.constant 0 : index
      %get3A_73 = vector.load %arg9[%get3A_71, %get3A_72] : memref<32x128xf32, #tpu.memory_space<vmem>>, vector<32x128xf32>
      %dot_general3A_74 = arith.constant dense<0.000000e+00> : vector<64x32xf32>
      %dot_general3A_75 = tpu.matmul %select_n3A_70, %get3A_73, %dot_general3A_74 {dimension_numbers = #tpu.dot_dimension_numbers<[1], [1], [0], [0], [0, 0, 1, 0], [], []>, transpose_lhs_hint = false} : vector<64x128xf32>, vector<32x128xf32>, vector<64x32xf32> -> vector<64x32xf32>
      %get3A_76 = arith.constant 0 : index
      %get3A_77 = arith.constant 0 : index
      %get3A_78 = vector.load %arg10[%get3A_76, %get3A_77] : memref<1x32xf32, #tpu.memory_space<vmem>>, vector<1x32xf32>
      %add3A_79 = vector.broadcast %get3A_78 : vector<1x32xf32> to vector<64x32xf32>
      %add3A_80 = arith.addf %dot_general3A_75, %add3A_79 : vector<64x32xf32>
      %reduce_max3A = arith.constant dense<0xFF800000> : vector<64xf32>
      %reduce_max3A_81 = vector.multi_reduction <maximumf>, %add3A_80, %reduce_max3A [1] : vector<64x32xf32> to vector<64xf32>
      %broadcast_in_dim3A_82 = vector.shape_cast %reduce_max3A_81 : vector<64xf32> to vector<64x1xf32>
      %sub3A = vector.broadcast %broadcast_in_dim3A_82 : vector<64x1xf32> to vector<64x32xf32>
      %sub3A_83 = arith.subf %add3A_80, %sub3A : vector<64x32xf32>
      %exp3A = math.exp %sub3A_83 : vector<64x32xf32>
      %reduce_sum3A = arith.constant dense<0.000000e+00> : vector<64xf32>
      %reduce_sum3A_84 = vector.multi_reduction <add>, %exp3A, %reduce_sum3A [1] : vector<64x32xf32> to vector<64xf32>
      %broadcast_in_dim3A_85 = vector.shape_cast %reduce_sum3A_84 : vector<64xf32> to vector<64x1xf32>
      %log3A = math.log %broadcast_in_dim3A_85 : vector<64x1xf32>
      %add3A_86 = arith.addf %log3A, %broadcast_in_dim3A_82 : vector<64x1xf32>
      %sub3A_87 = vector.broadcast %add3A_86 : vector<64x1xf32> to vector<64x32xf32>
      %sub3A_88 = arith.subf %add3A_80, %sub3A_87 : vector<64x32xf32>
      %swap3A = arith.constant 0 : index
      %swap3A_89 = arith.constant 0 : index
      %swap3A_90 = vector.load %arg11[%swap3A, %swap3A_89] : memref<64x32xf32, #tpu.memory_space<vmem>>, vector<64x32xf32>
      tpu.vector_store %arg11[%swap3A, %swap3A_89], %sub3A_88 {strides = array<i32>} : memref<64x32xf32, #tpu.memory_space<vmem>>, vector<64x32xf32>,
    } else {
    }
    return
  }
  func.func @transform_0(%arg0: i32) -> (i32, i32, i32) {
    %c0_i32 = arith.constant 0 : i32
    %c0_i32_0 = arith.constant 0 : i32
    %c0_i32_1 = arith.constant 0 : i32
    return %c0_i32, %arg0, %c0_i32_0 : i32, i32, i32
  }
  func.func @transform_1(%arg0: i32) -> (i32, i32) {
    %c0_i32 = arith.constant 0 : i32
    %c0_i32_0 = arith.constant 0 : i32
    return %arg0, %c0_i32 : i32, i32
  }
  func.func @transform_2(%arg0: i32) -> (i32, i32, i32) {
    %c0_i32 = arith.constant 0 : i32
    %c0_i32_0 = arith.constant 0 : i32
    %c0_i32_1 = arith.constant 0 : i32
    return %c0_i32, %arg0, %c0_i32_0 : i32, i32, i32
  }
  func.func @transform_3(%arg0: i32) -> (i32, i32) {
    %c0_i32 = arith.constant 0 : i32
    %c0_i32_0 = arith.constant 0 : i32
    %c0_i32_1 = arith.constant 0 : i32
    return %c0_i32, %c0_i32_0 : i32, i32
  }
  func.func @transform_4(%arg0: i32) -> (i32, i32) {
    %c0_i32 = arith.constant 0 : i32
    %c0_i32_0 = arith.constant 0 : i32
    return %arg0, %c0_i32 : i32, i32
  }
  func.func @transform_5(%arg0: i32) -> (i32, i32) {
    %c0_i32 = arith.constant 0 : i32
    %c0_i32_0 = arith.constant 0 : i32
    %c0_i32_1 = arith.constant 0 : i32
    return %c0_i32, %c0_i32_0 : i32, i32
  }
  func.func @transform_6(%arg0: i32) -> (i32, i32) {
    %c0_i32 = arith.constant 0 : i32
    %c0_i32_0 = arith.constant 0 : i32
    %c0_i32_1 = arith.constant 0 : i32
    return %c0_i32, %c0_i32_0 : i32, i32
  }
  func.func @transform_7(%arg0: i32) -> (i32, i32) {
    %c0_i32 = arith.constant 0 : i32
    %c0_i32_0 = arith.constant 0 : i32
    %c0_i32_1 = arith.constant 0 : i32
    return %c0_i32, %c0_i32_0 : i32, i32
  }
  func.func @transform_8(%arg0: i32) -> (i32, i32) {
    %c0_i32 = arith.constant 0 : i32
    %c0_i32_0 = arith.constant 0 : i32
    %c0_i32_1 = arith.constant 0 : i32
    return %c0_i32, %c0_i32_0 : i32, i32
  }
  func.func @transform_9(%arg0: i32) -> (i32, i32) {
    %c0_i32 = arith.constant 0 : i32
    %c0_i32_0 = arith.constant 0 : i32
    %c0_i32_1 = arith.constant 0 : i32
    return %c0_i32, %c0_i32_0 : i32, i32
  }
  func.func @transform_10(%arg0: i32) -> (i32, i32) {
    %c0_i32 = arith.constant 0 : i32
    %c0_i32_0 = arith.constant 0 : i32
    %c0_i32_1 = arith.constant 0 : i32
    return %c0_i32, %c0_i32_0 : i32, i32
  }
}

</mosaic_0001>

<sc_bundles>
// kernel: kernel.11.cloned.1.call-start
scs
__scs_entry_jumppad:
0x0: {  	(pc) =	sbr.rel $0x88, $3  }
0x1: {  	(tag) =	ssettag $0x0;
	lr =	simm.s32 $0x1  }
0x2: {  	[smem:$0x3F94] =	sst lr;
	_ =	strace $0xD0000000  }
0x3: {  	_ = 	snop  }
0x4: {  	_ = 	snop  }
0x5: {  	_ = 	snop  }
0x6: {  	_ = 	snop  }
0x7: {  	_ = 	snop  }
__scs_overlays_trampoline_lowered:
0x8: {  	[smem:$0x3FA3] =	sst s0  }
0x9: {  	[smem:$0x3FA4] =	sst s1  }
0xa: {  	[smem:$0x3FA5] =	sst s2  }
0xb: {  	[smem:$0x3FA6] =	sst s3  }
0xc: {  	[smem:$0x3FA7] =	sst s4  }
0xd: {  	[smem:$0x3FA8] =	sst s5  }
0xe: {  	[smem:$0x3FA9] =	sst s6  }
0xf: {  	[smem:$0x3FAA] =	sst s7  }
0x10: {  	[smem:$0x3FAB] =	sst s8  }
0x11: {  	[smem:$0x3FAC] =	sst s9;
	s0 =	simm.s32 @!p0 $0x0  }
0x12: {  	s1 =	sld [smem:$0x3F92];
	s0 =	simm.s32 @p0 $0x1  }
0x13: {  	[smem:$0x3FAD] =	sst s0;
	s0 =	simm.s32 @!p1 $0x0  }
0x14: {  	s2 =	sld [smem:$0x3F91];
	s0 =	simm.s32 @p1 $0x1  }
0x15: {  	[smem:$0x3FAE] =	sst s0;
	s0 =	simm.s32 @!p2 $0x0  }
0x16: {  	s3 =	sld [smem:$0x3FDB];
	s0 =	simm.s32 @p2 $0x1  }
0x17: {  	s4 =	simm.s32 $0x1BF5;
	[smem:$0x3FB0] =	sst s0  }
0x18: {  	s0 =	sld [smem:$0x3F93];
	_ =	swait.ge [sflag:s4], $0x0  }
0x19: {  	s7 =	sld [smem:$0x3F94]  }
0x1a: {  	s8 =	sadd.s32 $0xFFFFE003, lr  }
0x1b: {  	s9 =	sadd.s32 $0xFFFFFEF7, lr;
	s5 =	simm.s32 $0xFFFFFFFF;
	p2 =	slt.u32 s8, $0xFFFFF086  }
0x1c: {  	p1 =	slt.u32 s9, $0xF7A;
	s5 =	simm.s32 @!p2 $0x0  }
0x1d: {  	s5 =	simm.s32 @p1 $0x1;
	p0 =	seq.s32 s7, s2  }
0x1e: {  	s7 =	smul.u32 @!p0 $0xF7A, s2;
	p2 =	seq.s32 @!p0 s5, $0x0  }
0x1f: {  	s9 =	smul.u32 $0xF7A, s1;
	s8 =	simm.s32 @!p0 $0x1BF5;
	p2 =	por !p2, p0  }
0x20: {  	[sflag:s8] =	ssyncset.s32 @!p0 $0xFFFFF086;
	s6 =	sadd.s32 @!p0 s3, s7;
	s7 =	simm.s32 @!p0 $0x108  }
0x21: {  	s3 =	sadd.s32 s3, s9;
	s6 =	sadd.s32 @!p0 $0x88, s6;
	s7 =	simm.s32 @p2 $0x1082  }
0x22: {  	[simem:s7], [sflag:s8] =	dma.local @!p0 [hbm:s6], $0xF7A  }
0x23: {  	s9 =	sor.u32 $0xD0000000, s2;
	s6 =	simm.s32 $0x108;
	_ =	swait.ge @!p0 [sflag:s8], $0x0  }
0x24: {  	s3 =	sadd.s32 $0x88, s3;
	s6 =	simm.s32 @!p1 $0x1082;
	[sflag:s4] =	ssyncset.s32 $0xFFFFF086  }
0x25: {  	[simem:s6], [sflag:s4] =	dma.local [hbm:s3], $0xF7A  }
0x26: {  	[smem:$0x3F94] =	sst s1;
	(tag) =	ssettag s2;
	_ =	strace s9  }
0x27: {  	s1 =	sld [smem:$0x3FA4]  }
0x28: {  	s2 =	sld [smem:$0x3FA5]  }
0x29: {  	s4 =	sld [smem:$0x3FA7]  }
0x2a: {  	p0 =	seq.s32 s5, $0x0;
	s5 =	sld [smem:$0x3FA8]  }
0x2b: {  	s6 =	sld [smem:$0x3FA9]  }
0x2c: {  	s7 =	sld [smem:$0x3FAA]  }
0x2d: {  	s3 =	simm.s32 $0x108;
	s8 =	sld [smem:$0x3FAB]  }
0x2e: {  	s3 =	simm.s32 @!p0 $0x1082;
	s9 =	sld [smem:$0x3FAC]  }
0x2f: {  	lr =	sadd.s32 s0, s3;
	s0 =	sld [smem:$0x3FA3]  }
0x30: {  	s3 =	sld [smem:$0x3FA6]  }
0x31: {  	[smem:$0x3FAF] =	sst s10  }
0x32: {  	s10 =	sld [smem:$0x3FAD];
	_ =	sdelay $0x3  }
0x33: {  	p0 =	seq.s32 s10, $0x1;
	s10 =	sld [smem:$0x3FAF];
	_ =	sdelay $0x3  }
0x34: {  	[smem:$0x3FAF] =	sst s10  }
0x35: {  	s10 =	sld [smem:$0x3FAE];
	_ =	sdelay $0x3  }
0x36: {  	p1 =	seq.s32 s10, $0x1;
	s10 =	sld [smem:$0x3FAF];
	_ =	sdelay $0x3  }
0x37: {  	[smem:$0x3FAF] =	sst s10  }
0x38: {  	s10 =	sld [smem:$0x3FB0]  }
0x39: {  	_ = 	snop;
	(pc) =	sbr.ind lr, $3  }
0x3a: {  	_ = 	snop  }
0x3b: {  	_ = 	snop  }
0x3c: {  	p2 =	seq.s32 s10, $0x1;
	s10 =	sld [smem:$0x3FAF]  }
0x3d: {  	_ =	shalt  }
0x3e: {  	_ =	shalt  }
0x3f: {  	_ =	shalt  }
0x40: {  	_ =	shalt  }
0x41: {  	_ =	shalt  }
0x42: {  	_ =	shalt  }
0x43: {  	_ =	shalt  }
0x44: {  	_ =	shalt  }
0x45: {  	_ =	shalt  }
0x46: {  	_ =	shalt  }
0x47: {  	_ =	shalt  }
0x48: {  	_ =	shalt  }
0x49: {  	_ =	shalt  }
0x4a: {  	_ =	shalt  }
0x4b: {  	_ =	shalt  }
0x4c: {  	_ =	shalt  }
0x4d: {  	_ =	shalt  }
0x4e: {  	_ =	shalt  }
0x4f: {  	_ =	shalt  }
0x50: {  	_ =	shalt  }
0x51: {  	_ =	shalt  }
0x52: {  	_ =	shalt  }
0x53: {  	_ =	shalt  }
0x54: {  	_ =	shalt  }
0x55: {  	_ =	shalt  }
0x56: {  	_ =	shalt  }
0x57: {  	_ =	shalt  }
0x58: {  	_ =	shalt  }
0x59: {  	_ =	shalt  }
0x5a: {  	_ =	shalt  }
0x5b: {  	_ =	shalt  }
0x5c: {  	_ =	shalt  }
0x5d: {  	_ =	shalt  }
0x5e: {  	_ =	shalt  }
0x5f: {  	_ =	shalt  }
0x60: {  	_ =	shalt  }
0x61: {  	_ =	shalt  }
0x62: {  	_ =	shalt  }
0x63: {  	_ =	shalt  }
0x64: {  	_ =	shalt  }
0x65: {  	_ =	shalt  }
0x66: {  	_ =	shalt  }
0x67: {  	_ =	shalt  }
0x68: {  	_ =	shalt  }
0x69: {  	_ =	shalt  }
0x6a: {  	_ =	shalt  }
0x6b: {  	_ =	shalt  }
0x6c: {  	_ =	shalt  }
0x6d: {  	_ =	shalt  }
0x6e: {  	_ =	shalt  }
0x6f: {  	_ =	shalt  }
0x70: {  	_ =	shalt  }
0x71: {  	_ =	shalt  }
0x72: {  	_ =	shalt  }
0x73: {  	_ =	shalt  }
0x74: {  	_ =	shalt  }
0x75: {  	_ =	shalt  }
0x76: {  	_ =	shalt  }
0x77: {  	_ =	shalt  }
0x78: {  	_ =	shalt  }
0x79: {  	_ =	shalt  }
0x7a: {  	_ =	shalt  }
0x7b: {  	_ =	shalt  }
0x7c: {  	_ =	shalt  }
0x7d: {  	_ =	shalt  }
0x7e: {  	_ =	shalt  }
0x7f: {  	_ =	shalt  }
0x80: {  	_ =	shalt  }
0x81: {  	_ =	shalt  }
0x82: {  	_ =	shalt  }
0x83: {  	_ =	shalt  }
0x84: {  	_ =	shalt  }
0x85: {  	_ =	shalt  }
0x86: {  	_ =	shalt  }
0x87: {  	_ =	shalt  }
.Lfunc_end0:
.L_simem_size_0:
called_computation_lowered:
.L_overlay_start_0:
0x88: {  	s2 =	sld [smem:$0x3FD9]  }
0x89: {  	s3 =	sld [smem:$0x3FFE];
	_ =	sdelay $0x1  }
0x8a: {  	s1 =	srdreg.scid  }
0x8b: {  	s0 =	sand.u32 $0x1, s1  }
0x8c: {  	s17 =	sshll.u32 s0, $0xA;
	s2 =	sadd.s32 s3, s2  }
0x8d: {  	s2 =	sadd.s32 s2, s17  }
0x8e: {  	[smem:$0x3FBB] =	sst s2  }
0x8f: {  	_ = 	snop  }
0x90: {  	s2 =	sld [smem:$0x3FD0];
	(tm) =	ssettm $0x1  }
0x91: {  	s18 =	sld [smem:$0x3FFB];
	_ =	sdelay $0x3  }
0x92: {  	_ =	strace s18  }
0x93: {  	s3 =	sld [smem:$0x3FFC];
	_ =	sdelay $0x3  }
0x94: {  	_ =	strace s3  }
0x95: {  	s3 =	sld [smem:$0x3FFD];
	_ =	sdelay $0x3  }
0x96: {  	_ =	strace s3  }
0x97: {  	_ =	strace $0x8FFFFFFF  }
0x98: {  	s19 =	sld [smem:$0x3FDB];
	_ =	sdelay $0x1  }
0x99: {  	s4 =	simm.s32 $_scs_section_size  }
0x9a: {  	s5 =	simm.s32 $_size__tile_overlayer_lowered;
	s6 =	simm.s32 $_tile_overlayer_lowered  }
0x9b: {  	s22 =	simm.s32 $0x1BFF;
	s21 =	sshll.u32 s6, $0x1;
	s3 =	sadd.s32 s4, s19  }
0x9c: {  	s7 =	simm.s32 $0x0;
	s20 =	sshll.u32 s5, $0x1;
	s5 =	sadd.s32 s21, s3  }
0x9d: {  	[timem:s7], [sflag:s22] =	dma.local [hbm:s5], s20  }
0x9e: {  	_ =	swait.ge [sflag:s22], s20  }
0x9f: {  	s4 =	ssub.s32 $0x0, s20;
	[sflag:s22] =	ssyncset.done $0x0  }
0xa0: {  	[sflag:s22] =	ssyncadd.s32 s4;
	_ =	sdelay $0x1  }
0xa1: {  	s23 =	simm.s32 $0x1B8B  }
0xa2: {  	_ =	swait.ge [sflag:s23], $0x1  }
0xa3: {  	[sflag:s23] =	ssyncset.done $0x0  }
0xa4: {  	s25 =	simm.s32 $0x1B8E;
	s24 =	sld [smem:$0x3FFE];
	[sflag:s23] =	ssyncadd.s32 $0xFFFFFFFF  }
0xa5: {  	s26 =	simm.s32 $execute0_lowered;
	[smem:$0x3FD2] =	sst s25  }
0xa6: {  	s5 =	sshll.u32 s26, $0x1;
	_ =	strace $0x80000046;
	[dreg:$0x1] =	wrdreg $0xFFFFFFFF  }
0xa7: {  	s28 =	simm.s32 $_size_execute0_lowered;
	s3 =	sadd.s32 s3, s5;
	[dreg:$0x0] =	wrdreg $0x0  }
0xa8: {  	s5 =	sshll.u32 s28, $0x1;
	[dreg:$0x2] =	wrdreg s3  }
0xa9: {  	[dreg:$0x3] =	wrdreg s5  }
0xaa: {  	[dreg:$0x4] =	wrdreg $0xC0  }
0xab: {  	_ =	task [dreg:s7], $0x5FFFF  }
0xac: {  	[dreg:$0x1] =	wrdreg $0xFFFFFFFF  }
0xad: {  	[dreg:$0x0] =	wrdreg $0x60  }
0xae: {  	[dreg:$0x2] =	wrdreg s24  }
0xaf: {  	[dreg:$0x3] =	wrdreg s2  }
0xb0: {  	[dreg:$0x4] =	wrdreg $0x28800  }
0xb1: {  	[dreg:$0x5] =	wrdreg $0x9  }
0xb2: {  	_ =	task.clear_ibuf [dreg:s7], $0x6FFFF;
	_ =	strace $0x90000046  }
0xb3: {  	s29 =	simm.s32 $0x9;
	_ =	strace $0x80000048  }
0xb4: {  	_ =	swait.ge [sflag:s29], $0x1  }
0xb5: {  	[sflag:s29] =	ssyncadd.s32 $0xFFFFFFFF  }
0xb6: {  	_ =	strace $0x90000048  }
0xb7: {  	_ =	sfence  }
0xb8: {  	s30 =	sld [smem:$0x0];
	_ =	sdelay $0x2  }
0xb9: {  	s31 =	sshll.u32 s1, $0xD;
	s1 =	sshrl.u32 s1, $0x2  }
0xba: {  	s3 =	sand.u32 $0x4000, s31;
	s1 =	sadd.s32 s1, s30  }
0xbb: {  	s0 =	sor.u32 s3, s0;
	s1 =	sshll.u32 s1, $0x11  }
0xbc: {  	s0 =	sor.u32 s1, s0  }
0xbd: {  	s0 =	sadd.s32 $0x8F2B, s0  }
0xbe: {  	[sflag:s0] =	ssyncadd.remote.s32 $0x1  }
0xbf: {  	_ =	sfence.sel $0xFFFF  }
0xc0: {  	[dreg:$0x0] =	wrdreg $0xFFFFFFFF;
	(pc) =	sbr.abs _section_cstart, $3  }
0xc1: {  	[dreg:$0x1] =	wrdreg $0xFFFFFFFF  }
0xc2: {  	_ =	task.clear_ibuf [dreg:s7], $0x2FFFF;
	_ =	strace $0x9FFFFFFF  }
0xc3: {  	(tm) =	ssettm $0x7FFFFFFF  }
tec
execute0_lowered:
.L_overlay_start_1:
0x0: {  	(tag) =	ssettag $0x1  }
0x1: {  	s0 =	rddreg [dreg:$0x0]  }
0x2: {  	s2 =	rddreg [dreg:$0x1]  }
0x3: {  	s3 =	rddreg [dreg:$0x2]  }
0x4: {  	s1 =	srdreg.scid;
	s9 =	stileid.u32  }
0x5: {  	s4 =	simm.s32 $0x0;
	s12 =	simm.s32 $0x80;
	s13 =	simm.s32 $0x2800  }
0x6: {  	s14 =	simm.s32 $0x1;
	s16 =	simm.s32 $0x2;
	s28 =	simm.s32 $0x680  }
0x7: {  	s29 =	simm.s32 $0x700;
	s30 =	simm.s32 $0x780;
	s31 =	simm.s32 $0x800  }
0x8: {  	s15 =	simm.s32 $0x980;
	s17 =	simm.s32 $0x20;
	s18 =	simm.s32 $0x10  }
0x9: {  	s19 =	simm.s32 $0x0;
	s1 =	sand.u32 $0x1, s1;
	s5 =	smul.u32 $0x500, s9  }
0xa: {  	[smem:$0x7FF] =	sst s4;
	s7 =	sshll.u32 s9, $0x1;
	s22 =	smul.u32 $0xA00, s9  }
0xb: {  	s26 =	sshll.u32 s9, $0x6;
	s6 =	sshll.u32 s1, $0x7;
	s10 =	sor.u32 s1, s7  }
0xc: {  	s1 =	ssub.s32 $0x2, s1;
	_ =	strace $0x80000047;
	s5 =	sor.u32 s6, s5  }
0xd: {  	s7 =	smul.u32 $0x2800, s10;
	s23 =	sshrl.u32 s1, $0x1;
	s24 =	sshrl.u32 s22, $0x2  }
0xe: {  	p0 =	sne.s32 s10, $0x1F;
	s5 =	sshrl.u32 s5, $0x3;
	s1 =	ssub.s32 s1, s23  }
0xf: {  	s11 =	sadd.s32 s24, s3;
	s23 =	simm.s32 $0x480;
	s24 =	simm.s32 $0x500  }
.Ltmp0:
0x10: {  	s8 =	sadd.s32 s5, s0;
	s25 =	sshrl.u32 s7, $0x3;
	(pc) =	sbr.rel .LBB2_1-.Ltmp0, $4  }
0x11: {  	s5 =	sor.u32 $0x1C03, s26;
	s7 =	sadd.s32 $0x18980, s0;
	s9 =	smax.u32 s1, $0x1  }
0x12: {  	s10 =	sshrl.u32 s11, $0x3;
	s11 =	simm.s32 $0x3;
	s26 =	simm.s32 $0x600  }
0x13: {  	s1 =	simm.s32 $0x900;
	s6 =	sadd.s32 s0, s25;
	s8 =	sadd.s32 $0x18C00, s8  }
0x14: {  	v0 =	vimm.f32 $1.000000000e+00;
	s25 =	simm.s32 $0x580;
	s0 =	simm.s32 $0x880;
	s6 =	sadd.s32 $0xEE80, s6  }
.LBB2_2:
0x15: {  	[tilespmem:s4], [sflag:$0x3] =	stream.linear.gather [hbm4b:s7+s4], $0xA00, $0x38;
	[tilespmem:$0x2B00] =	vst v63  }
0x16: {  	_ =	swait.ge [sflag:s11], $0xA00  }
0x17: {  	[sflag:s11] =	ssyncset.done $0x0  }
0x18: {  	[sflag:s11] =	ssyncadd.s32 $0xFFFFF600  }
0x19: {  	[bflag:$0x0] =	sbarrier.arrive $0xFFFF  }
0x1a: {  	[spmem:s3] =	stream.indirect.scatter.add.f32 [tilespmem:s13], [sflag:$0x1], $0x1, s4, s12, $0xb8;
	[tilespmem:$0x2B00] =	vst v63  }
0x1b: {  	_ = 	snop  }
0x1c: {  	[spmem:s3] =	stream.indirect.scatter.add.f32 [tilespmem:s13], [sflag:$0x2], $0x1, s12, s12, $0xb8;
	[tilespmem:$0x2B00] =	vst v63  }
0x1d: {  	_ =	swait.ge [sflag:s14], $0x80  }
0x1e: {  	[sflag:s14] =	ssyncset.done $0x0  }
0x1f: {  	s20 =	simm.s32 $0x100;
	[sflag:s14] =	ssyncadd.s32 $0xFFFFFF80  }
0x20: {  	[spmem:s3] =	stream.indirect.scatter.add.f32 [tilespmem:s13], [sflag:$0x1], $0x1, s20, s12, $0xb8;
	[tilespmem:$0x2B00] =	vst v63  }
0x21: {  	_ =	swait.ge [sflag:s16], $0x80  }
0x22: {  	[sflag:s16] =	ssyncset.done $0x0  }
0x23: {  	s21 =	simm.s32 $0x180;
	[sflag:s16] =	ssyncadd.s32 $0xFFFFFF80  }
0x24: {  	[spmem:s3] =	stream.indirect.scatter.add.f32 [tilespmem:s13], [sflag:$0x2], $0x1, s21, s12, $0xb8;
	[tilespmem:$0x2B00] =	vst v63  }
0x25: {  	_ =	swait.ge [sflag:s14], $0x80  }
0x26: {  	[sflag:s14] =	ssyncset.done $0x0  }
0x27: {  	s22 =	simm.s32 $0x200;
	[sflag:s14] =	ssyncadd.s32 $0xFFFFFF80  }
0x28: {  	[spmem:s3] =	stream.indirect.scatter.add.f32 [tilespmem:s13], [sflag:$0x1], $0x1, s22, s12, $0xb8;
	[tilespmem:$0x2B00] =	vst v63  }
0x29: {  	_ =	swait.ge [sflag:s16], $0x80  }
0x2a: {  	[sflag:s16] =	ssyncset.done $0x0  }
0x2b: {  	s21 =	simm.s32 $0x280;
	[sflag:s16] =	ssyncadd.s32 $0xFFFFFF80  }
0x2c: {  	[spmem:s3] =	stream.indirect.scatter.add.f32 [tilespmem:s13], [sflag:$0x2], $0x1, s21, s12, $0xb8;
	[tilespmem:$0x2B00] =	vst v63  }
0x2d: {  	_ =	swait.ge [sflag:s14], $0x80  }
0x2e: {  	[sflag:s14] =	ssyncset.done $0x0  }
0x2f: {  	s22 =	simm.s32 $0x300;
	[sflag:s14] =	ssyncadd.s32 $0xFFFFFF80  }
0x30: {  	[spmem:s3] =	stream.indirect.scatter.add.f32 [tilespmem:s13], [sflag:$0x1], $0x1, s22, s12, $0xb8;
	[tilespmem:$0x2B00] =	vst v63  }
0x31: {  	_ =	swait.ge [sflag:s16], $0x80  }
0x32: {  	[sflag:s16] =	ssyncset.done $0x0  }
0x33: {  	s21 =	simm.s32 $0x380;
	[sflag:s16] =	ssyncadd.s32 $0xFFFFFF80  }
0x34: {  	[spmem:s3] =	stream.indirect.scatter.add.f32 [tilespmem:s13], [sflag:$0x2], $0x1, s21, s12, $0xb8;
	[tilespmem:$0x2B00] =	vst v63  }
0x35: {  	_ =	swait.ge [sflag:s14], $0x80  }
0x36: {  	[sflag:s14] =	ssyncset.done $0x0  }
0x37: {  	s22 =	simm.s32 $0x400;
	[sflag:s14] =	ssyncadd.s32 $0xFFFFFF80  }
0x38: {  	[spmem:s3] =	stream.indirect.scatter.add.f32 [tilespmem:s13], [sflag:$0x1], $0x1, s22, s12, $0xb8;
	[tilespmem:$0x2B00] =	vst v63  }
0x39: {  	_ =	swait.ge [sflag:s16], $0x80  }
0x3a: {  	[sflag:s16] =	ssyncset.done $0x0  }
0x3b: {  	[sflag:s16] =	ssyncadd.s32 $0xFFFFFF80  }
0x3c: {  	[spmem:s3] =	stream.indirect.scatter.add.f32 [tilespmem:s13], [sflag:$0x2], $0x1, s23, s12, $0xb8;
	[tilespmem:$0x2B00] =	vst v63  }
0x3d: {  	_ =	swait.ge [sflag:s14], $0x80  }
0x3e: {  	[sflag:s14] =	ssyncset.done $0x0  }
0x3f: {  	[sflag:s14] =	ssyncadd.s32 $0xFFFFFF80  }
0x40: {  	[spmem:s3] =	stream.indirect.scatter.add.f32 [tilespmem:s13], [sflag:$0x1], $0x1, s24, s12, $0xb8;
	[tilespmem:$0x2B00] =	vst v63  }
0x41: {  	_ =	swait.ge [sflag:s16], $0x80  }
0x42: {  	[sflag:s16] =	ssyncset.done $0x0  }
0x43: {  	[sflag:s16] =	ssyncadd.s32 $0xFFFFFF80  }
0x44: {  	[spmem:s3] =	stream.indirect.scatter.add.f32 [tilespmem:s13], [sflag:$0x2], $0x1, s25, s12, $0xb8;
	[tilespmem:$0x2B00] =	vst v63  }
0x45: {  	_ =	swait.ge [sflag:s14], $0x80  }
0x46: {  	[sflag:s14] =	ssyncset.done $0x0  }
0x47: {  	[sflag:s14] =	ssyncadd.s32 $0xFFFFFF80  }
0x48: {  	[spmem:s3] =	stream.indirect.scatter.add.f32 [tilespmem:s13], [sflag:$0x1], $0x1, s26, s12, $0xb8;
	[tilespmem:$0x2B00] =	vst v63  }
0x49: {  	_ =	swait.ge [sflag:s16], $0x80  }
0x4a: {  	[sflag:s16] =	ssyncset.done $0x0  }
0x4b: {  	[sflag:s16] =	ssyncadd.s32 $0xFFFFFF80  }
0x4c: {  	[spmem:s3] =	stream.indirect.scatter.add.f32 [tilespmem:s13], [sflag:$0x2], $0x1, s28, s12, $0xb8;
	[tilespmem:$0x2B00] =	vst v63  }
0x4d: {  	_ =	swait.ge [sflag:s14], $0x80  }
0x4e: {  	[sflag:s14] =	ssyncset.done $0x0  }
0x4f: {  	[sflag:s14] =	ssyncadd.s32 $0xFFFFFF80  }
0x50: {  	[spmem:s3] =	stream.indirect.scatter.add.f32 [tilespmem:s13], [sflag:$0x1], $0x1, s29, s12, $0xb8;
	[tilespmem:$0x2B00] =	vst v63  }
0x51: {  	_ =	swait.ge [sflag:s16], $0x80  }
0x52: {  	[sflag:s16] =	ssyncset.done $0x0  }
0x53: {  	[sflag:s16] =	ssyncadd.s32 $0xFFFFFF80  }
0x54: {  	[spmem:s3] =	stream.indirect.scatter.add.f32 [tilespmem:s13], [sflag:$0x2], $0x1, s30, s12, $0xb8;
	[tilespmem:$0x2B00] =	vst v63  }
0x55: {  	_ =	swait.ge [sflag:s14], $0x80  }
0x56: {  	[sflag:s14] =	ssyncset.done $0x0  }
0x57: {  	[sflag:s14] =	ssyncadd.s32 $0xFFFFFF80  }
0x58: {  	[spmem:s3] =	stream.indirect.scatter.add.f32 [tilespmem:s13], [sflag:$0x1], $0x1, s31, s12, $0xb8;
	[tilespmem:$0x2B00] =	vst v63  }
0x59: {  	_ =	swait.ge [sflag:s16], $0x80  }
0x5a: {  	[sflag:s16] =	ssyncset.done $0x0  }
0x5b: {  	[sflag:s16] =	ssyncadd.s32 $0xFFFFFF80  }
0x5c: {  	[spmem:s3] =	stream.indirect.scatter.add.f32 [tilespmem:s13], [sflag:$0x2], $0x1, s0, s12, $0xb8;
	[tilespmem:$0x2B00] =	vst v63  }
0x5d: {  	_ =	swait.ge [sflag:s14], $0x80  }
0x5e: {  	[sflag:s14] =	ssyncset.done $0x0  }
0x5f: {  	[sflag:s14] =	ssyncadd.s32 $0xFFFFFF80  }
0x60: {  	[spmem:s3] =	stream.indirect.scatter.add.f32 [tilespmem:s13], [sflag:$0x1], $0x1, s1, s12, $0xb8;
	[tilespmem:$0x2B00] =	vst v63  }
0x61: {  	_ =	swait.ge [sflag:s16], $0x80  }
0x62: {  	[sflag:s16] =	ssyncset.done $0x0  }
0x63: {  	[sflag:s16] =	ssyncadd.s32 $0xFFFFFF80  }
0x64: {  	[spmem:s3] =	stream.indirect.scatter.add.f32 [tilespmem:s13], [sflag:$0x2], $0x1, s15, s12, $0xb8;
	[tilespmem:$0x2B00] =	vst v63  }
.LBB2_6:
0x65: {  	_ =	swait.ge [sflag:s14], $0x80  }
0x66: {  	[sflag:s14] =	ssyncset.done $0x0  }
0x67: {  	[sflag:s14] =	ssyncadd.s32 $0xFFFFFF80  }
0x68: {  	_ =	swait.ge [sflag:s16], $0x80  }
0x69: {  	s19 =	sadd.s32 $0x1, s19;
	[sflag:s16] =	ssyncset.done $0x0  }
0x6a: {  	p1 =	sne.s32 s19, s9;
	[sflag:s16] =	ssyncadd.s32 $0xFFFFFF80  }
.Ltmp1:
0x6b: {  	[bflag:$0x0] =	sbarrier.arrive $0xFFFF;
	(pc) =	sbr.rel @!p1 .LBB2_7-.Ltmp1, $4  }
0x6c: {  	[hbm:s8@s17], [sflag:s5] =	dma.strided [spmem:s10@s18], $0x50, s14, $0x10   }
0x6d: {  	_ =	swait.ge [sflag:s11], $0x50  }
0x6e: {  	[sflag:s11] =	ssyncset.done $0x0  }
0x6f: {  	[sflag:s11] =	ssyncadd.s32 $0xFFFFFFB0  }
.LBB2_1:
0x70: {  	[tilespmem:$0x2800] =	vst v0  }
0x71: {  	[tilespmem:$0x2810] =	vst v0  }
0x72: {  	[tilespmem:$0x2820] =	vst v0  }
0x73: {  	[tilespmem:$0x2830] =	vst v0  }
0x74: {  	[tilespmem:$0x2840] =	vst v0  }
0x75: {  	[tilespmem:$0x2850] =	vst v0  }
0x76: {  	[tilespmem:$0x2860] =	vst v0  }
.Ltmp2:
0x77: {  	[tilespmem:$0x2870] =	vst v0;
	(pc) =	sbr.rel @!p0 .LBB2_2-.Ltmp2, $4  }
0x78: {  	[spmem:s10], [sflag:s5] =	dma.local [hbm:s2], $0x50  }
0x79: {  	_ =	swait.ge [sflag:s11], $0x50  }
0x7a: {  	[sflag:s11] =	ssyncset.done $0x0  }
0x7b: {  	[sflag:s11] =	ssyncadd.s32 $0xFFFFFFB0  }
0x7c: {  	[tilespmem:s4], [sflag:$0x3] =	stream.linear.gather [hbm4b:s6+s4], $0x2800, $0x38;
	[tilespmem:$0x2B00] =	vst v63  }
0x7d: {  	_ =	swait.ge [sflag:s11], $0x2800  }
0x7e: {  	[sflag:s11] =	ssyncset.done $0x0  }
0x7f: {  	[sflag:s11] =	ssyncadd.s32 $0xFFFFD800  }
0x80: {  	[bflag:$0x0] =	sbarrier.arrive $0xFFFF  }
0x81: {  	[spmem:s3] =	stream.indirect.scatter.add.f32 [tilespmem:s13], [sflag:$0x1], $0x1, s4, s12, $0xb8;
	[tilespmem:$0x2B00] =	vst v63  }
0x82: {  	_ = 	snop  }
0x83: {  	[spmem:s3] =	stream.indirect.scatter.add.f32 [tilespmem:s13], [sflag:$0x2], $0x1, s12, s12, $0xb8;
	[tilespmem:$0x2B00] =	vst v63  }
0x84: {  	_ =	swait.ge [sflag:s14], $0x80  }
0x85: {  	[sflag:s14] =	ssyncset.done $0x0  }
0x86: {  	s20 =	simm.s32 $0x100;
	[sflag:s14] =	ssyncadd.s32 $0xFFFFFF80  }
0x87: {  	[spmem:s3] =	stream.indirect.scatter.add.f32 [tilespmem:s13], [sflag:$0x1], $0x1, s20, s12, $0xb8;
	[tilespmem:$0x2B00] =	vst v63  }
0x88: {  	_ =	swait.ge [sflag:s16], $0x80  }
0x89: {  	[sflag:s16] =	ssyncset.done $0x0  }
0x8a: {  	s21 =	simm.s32 $0x180;
	s20 =	simm.s32 $0xFFFF6800;
	[sflag:s16] =	ssyncadd.s32 $0xFFFFFF80  }
.LBB2_4:
0x8b: {  	[spmem:s3] =	stream.indirect.scatter.add.f32 [tilespmem:s13], [sflag:$0x2], $0x1, s21, s12, $0xb8;
	[tilespmem:$0x2B00] =	vst v63  }
0x8c: {  	s21 =	smov.u32 s20  }
0x8d: {  	p1 =	sne.s32 s20, $0xFFFFFC00;
	s20 =	sadd.s32 $0x400, s20;
	_ =	swait.ge [sflag:s14], $0x80  }
0x8e: {  	s21 =	sshra.s32 s21, $0x2;
	[sflag:s14] =	ssyncset.done $0x0  }
.Ltmp3:
0x8f: {  	s22 =	sadd.s32 $0x2800, s21;
	[sflag:s14] =	ssyncadd.s32 $0xFFFFFF80;
	(pc) =	sbr.rel @p1 .LBB2_4-.Ltmp3, $4  }
0x90: {  	[spmem:s3] =	stream.indirect.scatter.add.f32 [tilespmem:s13], [sflag:$0x1], $0x1, s22, s12, $0xb8;
	[tilespmem:$0x2B00] =	vst v63  }
0x91: {  	_ =	swait.ge [sflag:s16], $0x80  }
0x92: {  	[sflag:s16] =	ssyncset.done $0x0  }
0x93: {  	s21 =	sadd.s32 $0x2880, s21;
	[sflag:s16] =	ssyncadd.s32 $0xFFFFFF80  }
.Ltmp4:
0x94: {  	(pc) =	sbr.rel .LBB2_6-.Ltmp4, $2  }
0x95: {  	_ =	sdelay $0x2  }
0x96: {  	[spmem:s3] =	stream.indirect.scatter.add.f32 [tilespmem:s13], [sflag:$0x2], $0x1, s21, s12, $0xb8;
	[tilespmem:$0x2B00] =	vst v63  }
.LBB2_7:
0x97: {  	_ =	sfence.sel $0x180000  }
0x98: {  	[bflag:$0x0] =	sbarrier.arrive $0xFFFF  }
0x99: {  	_ =	strace $0x90000047  }
0x9a: {  	s0 =	stileid.u32;
	[bflag:$0x2] =	sbarrier.arrive $0xFFFF  }
0x9b: {  	p0 =	sne.s32 s0, $0x0;
	s0 =	rddreg [dreg:$0x3]  }
0x9c: {  	s0 =	sadd.s32 @!p0 $0x100000, s0  }
0x9d: {  	[sflag:s0] =	ssyncadd.tile.s32 @!p0 $0x1;
	_ =	shalt  }
.Lfunc_end2:
_tile_overlayer_lowered:
.L_overlay_start_2:
0x9e: {  	(tag) =	ssettag $0x2  }
0x9f: {  	s0 =	rddreg [dreg:$0x0];
	s2 =	stileid.u32  }
0xa0: {  	s1 =	rddreg [dreg:$0x1];
	p0 =	sne.s32 s2, $0x0  }
0xa1: {  	s3 =	rddreg [dreg:$0x2];
	[bflag:$0x3] =	sbarrier.arrive $0xFFFF;
	s2 =	simm.s32 @!p0 $0x1C03  }
0xa2: {  	[timem:s3], [sflag:s2] =	dma.local @!p0 [hbm:s0], s1  }
0xa3: {  	s0 =	simm.s32 @!p0 $0x3  }
0xa4: {  	_ =	swait.ge @!p0 [sflag:s0], s1  }
0xa5: {  	s1 =	ssub.s32 @!p0 $0x0, s1;
	[sflag:s0] =	ssyncset.done @!p0 $0x0  }
0xa6: {  	[sflag:s0] =	ssyncadd.s32 @!p0 s1  }
0xa7: {  	[bflag:$0x3] =	sbarrier.arrive $0xFFFF  }
0xa8: {  	_ =	shalt  }

// kernel: kernel.14.cloned.1.call-start
scs
__scs_entry_jumppad:
0x0: {  	(pc) =	sbr.rel $0x88, $3  }
0x1: {  	(tag) =	ssettag $0x0;
	lr =	simm.s32 $0x1  }
0x2: {  	[smem:$0x3F94] =	sst lr;
	_ =	strace $0xD0000000  }
0x3: {  	_ = 	snop  }
0x4: {  	_ = 	snop  }
0x5: {  	_ = 	snop  }
0x6: {  	_ = 	snop  }
0x7: {  	_ = 	snop  }
__scs_overlays_trampoline_lowered:
0x8: {  	[smem:$0x3FA3] =	sst s0  }
0x9: {  	[smem:$0x3FA4] =	sst s1  }
0xa: {  	[smem:$0x3FA5] =	sst s2  }
0xb: {  	[smem:$0x3FA6] =	sst s3  }
0xc: {  	[smem:$0x3FA7] =	sst s4  }
0xd: {  	[smem:$0x3FA8] =	sst s5  }
0xe: {  	[smem:$0x3FA9] =	sst s6  }
0xf: {  	[smem:$0x3FAA] =	sst s7  }
0x10: {  	[smem:$0x3FAB] =	sst s8  }
0x11: {  	[smem:$0x3FAC] =	sst s9;
	s0 =	simm.s32 @!p0 $0x0  }
0x12: {  	s1 =	sld [smem:$0x3F92];
	s0 =	simm.s32 @p0 $0x1  }
0x13: {  	[smem:$0x3FAD] =	sst s0;
	s0 =	simm.s32 @!p1 $0x0  }
0x14: {  	s2 =	sld [smem:$0x3F91];
	s0 =	simm.s32 @p1 $0x1  }
0x15: {  	[smem:$0x3FAE] =	sst s0;
	s0 =	simm.s32 @!p2 $0x0  }
0x16: {  	s3 =	sld [smem:$0x3FDB];
	s0 =	simm.s32 @p2 $0x1  }
0x17: {  	s4 =	simm.s32 $0x1BF5;
	[smem:$0x3FB0] =	sst s0  }
0x18: {  	s0 =	sld [smem:$0x3F93];
	_ =	swait.ge [sflag:s4], $0x0  }
0x19: {  	s7 =	sld [smem:$0x3F94]  }
0x1a: {  	s8 =	sadd.s32 $0xFFFFE003, lr  }
0x1b: {  	s9 =	sadd.s32 $0xFFFFFEF7, lr;
	s5 =	simm.s32 $0xFFFFFFFF;
	p2 =	slt.u32 s8, $0xFFFFF086  }
0x1c: {  	p1 =	slt.u32 s9, $0xF7A;
	s5 =	simm.s32 @!p2 $0x0  }
0x1d: {  	s5 =	simm.s32 @p1 $0x1;
	p0 =	seq.s32 s7, s2  }
0x1e: {  	s7 =	smul.u32 @!p0 $0xF7A, s2;
	p2 =	seq.s32 @!p0 s5, $0x0  }
0x1f: {  	s9 =	smul.u32 $0xF7A, s1;
	s8 =	simm.s32 @!p0 $0x1BF5;
	p2 =	por !p2, p0  }
0x20: {  	[sflag:s8] =	ssyncset.s32 @!p0 $0xFFFFF086;
	s6 =	sadd.s32 @!p0 s3, s7;
	s7 =	simm.s32 @!p0 $0x108  }
0x21: {  	s3 =	sadd.s32 s3, s9;
	s6 =	sadd.s32 @!p0 $0x88, s6;
	s7 =	simm.s32 @p2 $0x1082  }
0x22: {  	[simem:s7], [sflag:s8] =	dma.local @!p0 [hbm:s6], $0xF7A  }
0x23: {  	s9 =	sor.u32 $0xD0000000, s2;
	s6 =	simm.s32 $0x108;
	_ =	swait.ge @!p0 [sflag:s8], $0x0  }
0x24: {  	s3 =	sadd.s32 $0x88, s3;
	s6 =	simm.s32 @!p1 $0x1082;
	[sflag:s4] =	ssyncset.s32 $0xFFFFF086  }
0x25: {  	[simem:s6], [sflag:s4] =	dma.local [hbm:s3], $0xF7A  }
0x26: {  	[smem:$0x3F94] =	sst s1;
	(tag) =	ssettag s2;
	_ =	strace s9  }
0x27: {  	s1 =	sld [smem:$0x3FA4]  }
0x28: {  	s2 =	sld [smem:$0x3FA5]  }
0x29: {  	s4 =	sld [smem:$0x3FA7]  }
0x2a: {  	p0 =	seq.s32 s5, $0x0;
	s5 =	sld [smem:$0x3FA8]  }
0x2b: {  	s6 =	sld [smem:$0x3FA9]  }
0x2c: {  	s7 =	sld [smem:$0x3FAA]  }
0x2d: {  	s3 =	simm.s32 $0x108;
	s8 =	sld [smem:$0x3FAB]  }
0x2e: {  	s3 =	simm.s32 @!p0 $0x1082;
	s9 =	sld [smem:$0x3FAC]  }
0x2f: {  	lr =	sadd.s32 s0, s3;
	s0 =	sld [smem:$0x3FA3]  }
0x30: {  	s3 =	sld [smem:$0x3FA6]  }
0x31: {  	[smem:$0x3FAF] =	sst s10  }
0x32: {  	s10 =	sld [smem:$0x3FAD];
	_ =	sdelay $0x3  }
0x33: {  	p0 =	seq.s32 s10, $0x1;
	s10 =	sld [smem:$0x3FAF];
	_ =	sdelay $0x3  }
0x34: {  	[smem:$0x3FAF] =	sst s10  }
0x35: {  	s10 =	sld [smem:$0x3FAE];
	_ =	sdelay $0x3  }
0x36: {  	p1 =	seq.s32 s10, $0x1;
	s10 =	sld [smem:$0x3FAF];
	_ =	sdelay $0x3  }
0x37: {  	[smem:$0x3FAF] =	sst s10  }
0x38: {  	s10 =	sld [smem:$0x3FB0]  }
0x39: {  	_ = 	snop;
	(pc) =	sbr.ind lr, $3  }
0x3a: {  	_ = 	snop  }
0x3b: {  	_ = 	snop  }
0x3c: {  	p2 =	seq.s32 s10, $0x1;
	s10 =	sld [smem:$0x3FAF]  }
0x3d: {  	_ =	shalt  }
0x3e: {  	_ =	shalt  }
0x3f: {  	_ =	shalt  }
0x40: {  	_ =	shalt  }
0x41: {  	_ =	shalt  }
0x42: {  	_ =	shalt  }
0x43: {  	_ =	shalt  }
0x44: {  	_ =	shalt  }
0x45: {  	_ =	shalt  }
0x46: {  	_ =	shalt  }
0x47: {  	_ =	shalt  }
0x48: {  	_ =	shalt  }
0x49: {  	_ =	shalt  }
0x4a: {  	_ =	shalt  }
0x4b: {  	_ =	shalt  }
0x4c: {  	_ =	shalt  }
0x4d: {  	_ =	shalt  }
0x4e: {  	_ =	shalt  }
0x4f: {  	_ =	shalt  }
0x50: {  	_ =	shalt  }
0x51: {  	_ =	shalt  }
0x52: {  	_ =	shalt  }
0x53: {  	_ =	shalt  }
0x54: {  	_ =	shalt  }
0x55: {  	_ =	shalt  }
0x56: {  	_ =	shalt  }
0x57: {  	_ =	shalt  }
0x58: {  	_ =	shalt  }
0x59: {  	_ =	shalt  }
0x5a: {  	_ =	shalt  }
0x5b: {  	_ =	shalt  }
0x5c: {  	_ =	shalt  }
0x5d: {  	_ =	shalt  }
0x5e: {  	_ =	shalt  }
0x5f: {  	_ =	shalt  }
0x60: {  	_ =	shalt  }
0x61: {  	_ =	shalt  }
0x62: {  	_ =	shalt  }
0x63: {  	_ =	shalt  }
0x64: {  	_ =	shalt  }
0x65: {  	_ =	shalt  }
0x66: {  	_ =	shalt  }
0x67: {  	_ =	shalt  }
0x68: {  	_ =	shalt  }
0x69: {  	_ =	shalt  }
0x6a: {  	_ =	shalt  }
0x6b: {  	_ =	shalt  }
0x6c: {  	_ =	shalt  }
0x6d: {  	_ =	shalt  }
0x6e: {  	_ =	shalt  }
0x6f: {  	_ =	shalt  }
0x70: {  	_ =	shalt  }
0x71: {  	_ =	shalt  }
0x72: {  	_ =	shalt  }
0x73: {  	_ =	shalt  }
0x74: {  	_ =	shalt  }
0x75: {  	_ =	shalt  }
0x76: {  	_ =	shalt  }
0x77: {  	_ =	shalt  }
0x78: {  	_ =	shalt  }
0x79: {  	_ =	shalt  }
0x7a: {  	_ =	shalt  }
0x7b: {  	_ =	shalt  }
0x7c: {  	_ =	shalt  }
0x7d: {  	_ =	shalt  }
0x7e: {  	_ =	shalt  }
0x7f: {  	_ =	shalt  }
0x80: {  	_ =	shalt  }
0x81: {  	_ =	shalt  }
0x82: {  	_ =	shalt  }
0x83: {  	_ =	shalt  }
0x84: {  	_ =	shalt  }
0x85: {  	_ =	shalt  }
0x86: {  	_ =	shalt  }
0x87: {  	_ =	shalt  }
.Lfunc_end0:
.L_simem_size_0:
called_computation.1_lowered:
.L_overlay_start_0:
0x88: {  	s2 =	sld [smem:$0x3FD9]  }
0x89: {  	s3 =	sld [smem:$0x3FFE];
	_ =	sdelay $0x1  }
0x8a: {  	s1 =	srdreg.scid  }
0x8b: {  	s0 =	sand.u32 $0x1, s1  }
0x8c: {  	s16 =	sshll.u32 s0, $0xA;
	s2 =	sadd.s32 s3, s2  }
0x8d: {  	s2 =	sadd.s32 s2, s16  }
0x8e: {  	[smem:$0x3FBB] =	sst s2  }
0x8f: {  	_ = 	snop  }
0x90: {  	(tm) =	ssettm $0x1  }
0x91: {  	s17 =	sld [smem:$0x3FFB];
	_ =	sdelay $0x3  }
0x92: {  	_ =	strace s17  }
0x93: {  	s2 =	sld [smem:$0x3FFC];
	_ =	sdelay $0x3  }
0x94: {  	_ =	strace s2  }
0x95: {  	s2 =	sld [smem:$0x3FFD];
	_ =	sdelay $0x3  }
0x96: {  	_ =	strace s2  }
0x97: {  	_ =	strace $0x8FFFFFFF  }
0x98: {  	s18 =	sld [smem:$0x3FDB];
	_ =	sdelay $0x1  }
0x99: {  	s19 =	simm.s32 $_scs_section_size  }
0x9a: {  	s4 =	simm.s32 $_size__tile_overlayer_lowered;
	s5 =	simm.s32 $_tile_overlayer_lowered  }
0x9b: {  	s22 =	simm.s32 $0x1BFF;
	s21 =	sshll.u32 s5, $0x1;
	s2 =	sadd.s32 s19, s18  }
0x9c: {  	s6 =	simm.s32 $0x0;
	s20 =	sshll.u32 s4, $0x1;
	s4 =	sadd.s32 s21, s2  }
0x9d: {  	[timem:s6], [sflag:s22] =	dma.local [hbm:s4], s20  }
0x9e: {  	_ =	swait.ge [sflag:s22], s20  }
0x9f: {  	s3 =	ssub.s32 $0x0, s20;
	[sflag:s22] =	ssyncset.done $0x0  }
0xa0: {  	[sflag:s22] =	ssyncadd.s32 s3;
	_ =	sdelay $0x1  }
0xa1: {  	s23 =	simm.s32 $0x1B8B  }
0xa2: {  	_ =	swait.ge [sflag:s23], $0x1  }
0xa3: {  	[sflag:s23] =	ssyncset.done $0x0  }
0xa4: {  	s25 =	simm.s32 $0x1B8E;
	s24 =	sld [smem:$0x3FFE];
	[sflag:s23] =	ssyncadd.s32 $0xFFFFFFFF  }
0xa5: {  	s26 =	simm.s32 $execute0_lowered;
	[smem:$0x3FD2] =	sst s25  }
0xa6: {  	s4 =	sshll.u32 s26, $0x1;
	_ =	strace $0x80000049;
	[dreg:$0x1] =	wrdreg $0xFFFFFFFF  }
0xa7: {  	s28 =	simm.s32 $_size_execute0_lowered;
	s2 =	sadd.s32 s2, s4;
	[dreg:$0x0] =	wrdreg $0x0  }
0xa8: {  	s4 =	sshll.u32 s28, $0x1;
	[dreg:$0x2] =	wrdreg s2  }
0xa9: {  	[dreg:$0x3] =	wrdreg s4  }
0xaa: {  	[dreg:$0x4] =	wrdreg $0xC0  }
0xab: {  	_ =	task [dreg:s6], $0x5FFFF  }
0xac: {  	[dreg:$0x1] =	wrdreg $0xFFFFFFFF  }
0xad: {  	[dreg:$0x0] =	wrdreg $0x60  }
0xae: {  	[dreg:$0x2] =	wrdreg s24  }
0xaf: {  	[dreg:$0x3] =	wrdreg $0xA8000  }
0xb0: {  	[dreg:$0x4] =	wrdreg $0x9  }
0xb1: {  	_ =	task.clear_ibuf [dreg:s6], $0x5FFFF;
	_ =	strace $0x90000049  }
0xb2: {  	s29 =	simm.s32 $0x9;
	_ =	strace $0x8000004B  }
0xb3: {  	_ =	swait.ge [sflag:s29], $0x1  }
0xb4: {  	[sflag:s29] =	ssyncadd.s32 $0xFFFFFFFF  }
0xb5: {  	_ =	strace $0x9000004B  }
0xb6: {  	_ =	sfence  }
0xb7: {  	s30 =	sld [smem:$0x0];
	_ =	sdelay $0x2  }
0xb8: {  	s31 =	sshll.u32 s1, $0xD;
	s1 =	sshrl.u32 s1, $0x2  }
0xb9: {  	s3 =	sand.u32 $0x4000, s31;
	s1 =	sadd.s32 s1, s30  }
0xba: {  	s0 =	sor.u32 s3, s0;
	s1 =	sshll.u32 s1, $0x11  }
0xbb: {  	s0 =	sor.u32 s1, s0  }
0xbc: {  	s0 =	sadd.s32 $0x8F2B, s0  }
0xbd: {  	[sflag:s0] =	ssyncadd.remote.s32 $0x1  }
0xbe: {  	_ =	sfence.sel $0xFFFF  }
0xbf: {  	[dreg:$0x0] =	wrdreg $0xFFFFFFFF;
	(pc) =	sbr.abs _section_cstart, $3  }
0xc0: {  	[dreg:$0x1] =	wrdreg $0xFFFFFFFF  }
0xc1: {  	_ =	task.clear_ibuf [dreg:s6], $0x2FFFF;
	_ =	strace $0x9FFFFFFF  }
0xc2: {  	(tm) =	ssettm $0x7FFFFFFF  }
0xc3: {  	_ =	shalt  }
tec
execute0_lowered:
.L_overlay_start_1:
0x0: {  	(tag) =	ssettag $0x1  }
0x1: {  	s1 =	srdreg.scid  }
0x2: {  	s0 =	stileid.u32;
	s15 =	rddreg [dreg:$0x0]  }
0x3: {  	s3 =	simm.s32 $0x0;
	s19 =	simm.s32 $0x3;
	s20 =	simm.s32 $0x1400  }
0x4: {  	s21 =	simm.s32 $0x80;
	s22 =	simm.s32 $0x6800;
	s23 =	simm.s32 $0x1  }
0x5: {  	s25 =	simm.s32 $0x2;
	s26 =	simm.s32 $0x2780;
	s28 =	simm.s32 $0x0  }
0x6: {  	s1 =	sand.u32 $0x1, s1;
	s2 =	sshll.u32 s0, $0x1;
	s6 =	smul.u32 $0x14000, s0  }
0x7: {  	[smem:$0x7FF] =	sst s3;
	s7 =	smul.u32 $0x50000, s0;
	s14 =	sadd.s32 $0xED00, s15  }
0x8: {  	s18 =	sor.u32 s1, s2;
	s2 =	rddreg [dreg:$0x1];
	s5 =	smul.u32 $0x140000, s1  }
0x9: {  	_ =	strace $0x8000004A;
	s1 =	ssub.s32 $0x2, s1;
	s4 =	smul.u32 $0x2800, s18  }
0xa: {  	s30 =	sshrl.u32 s7, $0x2;
	s8 =	sshrl.u32 s1, $0x1;
	p0 =	seq.s32 s18, $0x1F  }
0xb: {  	s18 =	simm.s32 $0x2800;
	s5 =	sadd.s32 s6, s5;
	s1 =	ssub.s32 s1, s8  }
0xc: {  	s4 =	sshrl.u32 s4, $0x3;
	s31 =	sshrl.u32 s5, $0x3;
	s5 =	sadd.s32 s30, s2  }
.Ltmp0:
0xd: {  	s17 =	smax.u32 s1, $0x1;
	s13 =	sadd.s32 s4, s15;
	(pc) =	sbr.rel .LBB2_1-.Ltmp0, $4  }
0xe: {  	s4 =	sadd.s32 $0x90800, s15;
	s16 =	sadd.s32 s31, s15;
	s6 =	sadd.s32 $0x4000, s5  }
0xf: {  	s7 =	sadd.s32 $0x8000, s5;
	s8 =	sadd.s32 $0xC000, s5;
	s9 =	sadd.s32 $0x10000, s5  }
0x10: {  	s15 =	sadd.s32 $0x18980, s15;
	s10 =	sadd.s32 $0x5200, s13;
	s11 =	sadd.s32 $0xEE80, s13  }
0x11: {  	v0 =	vimm.f32 $0.0e+00;
	s12 =	sadd.s32 $0x5480, s13;
	s13 =	sadd.s32 $0xF100, s13;
	s16 =	sadd.s32 $0xB7A00, s16  }
.LBB2_11:
0x12: {  	[tilespmem:s3], [sflag:$0x3] =	stream.linear.gather [hbm4b:s14+s3], $0xA00, $0x38;
	[tilespmem:$0x1E800] =	vst v63  }
0x13: {  	_ =	swait.ge [sflag:s19], $0xA00  }
0x14: {  	[sflag:s19] =	ssyncset.done $0x0  }
0x15: {  	[sflag:s19] =	ssyncadd.s32 $0xFFFFF600  }
0x16: {  	[tilespmem:s20], [sflag:$0x3] =	stream.linear.gather [hbm4b:s15+s3], $0xA00, $0x38;
	[tilespmem:$0x1E800] =	vst v63  }
0x17: {  	_ =	swait.ge [sflag:s19], $0xA00  }
0x18: {  	[sflag:s19] =	ssyncset.done $0x0  }
0x19: {  	[sflag:s19] =	ssyncadd.s32 $0xFFFFF600  }
0x1a: {  	[tilespmem:s18], [sflag:$0x1] =	stream.indirect.gather [hbm4b:s4+s21], $0x80, s3, s21, $0xb8;
	[tilespmem:$0x1E800] =	vst v63  }
0x1b: {  	_ = 	snop  }
0x1c: {  	[tilespmem:s22], [sflag:$0x2] =	stream.indirect.gather [hbm4b:s4+s21], $0x80, s21, s21, $0xb8;
	[tilespmem:$0x1E800] =	vst v63  }
0x1d: {  	_ =	swait.ge [sflag:s23], $0x4000  }
0x1e: {  	[sflag:s23] =	ssyncset.done $0x0  }
0x1f: {  	[sflag:s23] =	ssyncadd.s32 $0xFFFFC000  }
0x20: {  	[spmem:s2] =	stream.indirect.scatter.add.f32 [tilespmem:s18], [sflag:$0x3], $0x80, s20, s21, $0xb8;
	[tilespmem:$0x1E800] =	vst v63  }
0x21: {  	_ =	swait.ge [sflag:s19], $0x4000  }
0x22: {  	[sflag:s19] =	ssyncset.done $0x0  }
0x23: {  	s1 =	simm.s32 $0x100;
	[sflag:s19] =	ssyncadd.s32 $0xFFFFC000  }
0x24: {  	[tilespmem:s18], [sflag:$0x1] =	stream.indirect.gather [hbm4b:s4+s21], $0x80, s1, s21, $0xb8;
	[tilespmem:$0x1E800] =	vst v63  }
0x25: {  	_ =	swait.ge [sflag:s25], $0x4000  }
0x26: {  	[sflag:s25] =	ssyncset.done $0x0  }
0x27: {  	s24 =	simm.s32 $0x1480;
	[sflag:s25] =	ssyncadd.s32 $0xFFFFC000  }
0x28: {  	[spmem:s2] =	stream.indirect.scatter.add.f32 [tilespmem:s22], [sflag:$0x3], $0x80, s24, s21, $0xb8;
	[tilespmem:$0x1E800] =	vst v63  }
0x29: {  	_ =	swait.ge [sflag:s19], $0x4000  }
0x2a: {  	[sflag:s19] =	ssyncset.done $0x0  }
0x2b: {  	s24 =	simm.s32 $0x180;
	[sflag:s19] =	ssyncadd.s32 $0xFFFFC000  }
0x2c: {  	[tilespmem:s22], [sflag:$0x2] =	stream.indirect.gather [hbm4b:s4+s21], $0x80, s24, s21, $0xb8;
	[tilespmem:$0x1E800] =	vst v63  }
0x2d: {  	_ =	swait.ge [sflag:s23], $0x4000  }
0x2e: {  	[sflag:s23] =	ssyncset.done $0x0  }
0x2f: {  	s24 =	simm.s32 $0x1500;
	[sflag:s23] =	ssyncadd.s32 $0xFFFFC000  }
0x30: {  	[spmem:s2] =	stream.indirect.scatter.add.f32 [tilespmem:s18], [sflag:$0x3], $0x80, s24, s21, $0xb8;
	[tilespmem:$0x1E800] =	vst v63  }
0x31: {  	_ =	swait.ge [sflag:s19], $0x4000  }
0x32: {  	[sflag:s19] =	ssyncset.done $0x0  }
0x33: {  	s24 =	simm.s32 $0x200;
	[sflag:s19] =	ssyncadd.s32 $0xFFFFC000  }
0x34: {  	[tilespmem:s18], [sflag:$0x1] =	stream.indirect.gather [hbm4b:s4+s21], $0x80, s24, s21, $0xb8;
	[tilespmem:$0x1E800] =	vst v63  }
0x35: {  	_ =	swait.ge [sflag:s25], $0x4000  }
0x36: {  	[sflag:s25] =	ssyncset.done $0x0  }
0x37: {  	s24 =	simm.s32 $0x1580;
	[sflag:s25] =	ssyncadd.s32 $0xFFFFC000  }
0x38: {  	[spmem:s2] =	stream.indirect.scatter.add.f32 [tilespmem:s22], [sflag:$0x3], $0x80, s24, s21, $0xb8;
	[tilespmem:$0x1E800] =	vst v63  }
0x39: {  	_ =	swait.ge [sflag:s19], $0x4000  }
0x3a: {  	[sflag:s19] =	ssyncset.done $0x0  }
0x3b: {  	s24 =	simm.s32 $0x280;
	[sflag:s19] =	ssyncadd.s32 $0xFFFFC000  }
0x3c: {  	[tilespmem:s22], [sflag:$0x2] =	stream.indirect.gather [hbm4b:s4+s21], $0x80, s24, s21, $0xb8;
	[tilespmem:$0x1E800] =	vst v63  }
0x3d: {  	_ =	swait.ge [sflag:s23], $0x4000  }
0x3e: {  	[sflag:s23] =	ssyncset.done $0x0  }
0x3f: {  	s24 =	simm.s32 $0x1600;
	[sflag:s23] =	ssyncadd.s32 $0xFFFFC000  }
0x40: {  	[spmem:s2] =	stream.indirect.scatter.add.f32 [tilespmem:s18], [sflag:$0x3], $0x80, s24, s21, $0xb8;
	[tilespmem:$0x1E800] =	vst v63  }
0x41: {  	_ =	swait.ge [sflag:s19], $0x4000  }
0x42: {  	[sflag:s19] =	ssyncset.done $0x0  }
0x43: {  	s24 =	simm.s32 $0x300;
	[sflag:s19] =	ssyncadd.s32 $0xFFFFC000  }
0x44: {  	[tilespmem:s18], [sflag:$0x1] =	stream.indirect.gather [hbm4b:s4+s21], $0x80, s24, s21, $0xb8;
	[tilespmem:$0x1E800] =	vst v63  }
0x45: {  	_ =	swait.ge [sflag:s25], $0x4000  }
0x46: {  	[sflag:s25] =	ssyncset.done $0x0  }
0x47: {  	s24 =	simm.s32 $0x1680;
	[sflag:s25] =	ssyncadd.s32 $0xFFFFC000  }
0x48: {  	[spmem:s2] =	stream.indirect.scatter.add.f32 [tilespmem:s22], [sflag:$0x3], $0x80, s24, s21, $0xb8;
	[tilespmem:$0x1E800] =	vst v63  }
0x49: {  	_ =	swait.ge [sflag:s19], $0x4000  }
0x4a: {  	[sflag:s19] =	ssyncset.done $0x0  }
0x4b: {  	s24 =	simm.s32 $0x380;
	[sflag:s19] =	ssyncadd.s32 $0xFFFFC000  }
0x4c: {  	[tilespmem:s22], [sflag:$0x2] =	stream.indirect.gather [hbm4b:s4+s21], $0x80, s24, s21, $0xb8;
	[tilespmem:$0x1E800] =	vst v63  }
0x4d: {  	_ =	swait.ge [sflag:s23], $0x4000  }
0x4e: {  	[sflag:s23] =	ssyncset.done $0x0  }
0x4f: {  	s24 =	simm.s32 $0x1700;
	[sflag:s23] =	ssyncadd.s32 $0xFFFFC000  }
0x50: {  	[spmem:s2] =	stream.indirect.scatter.add.f32 [tilespmem:s18], [sflag:$0x3], $0x80, s24, s21, $0xb8;
	[tilespmem:$0x1E800] =	vst v63  }
0x51: {  	_ =	swait.ge [sflag:s19], $0x4000  }
0x52: {  	[sflag:s19] =	ssyncset.done $0x0  }
0x53: {  	s24 =	simm.s32 $0x400;
	[sflag:s19] =	ssyncadd.s32 $0xFFFFC000  }
0x54: {  	[tilespmem:s18], [sflag:$0x1] =	stream.indirect.gather [hbm4b:s4+s21], $0x80, s24, s21, $0xb8;
	[tilespmem:$0x1E800] =	vst v63  }
0x55: {  	_ =	swait.ge [sflag:s25], $0x4000  }
0x56: {  	[sflag:s25] =	ssyncset.done $0x0  }
0x57: {  	s24 =	simm.s32 $0x1780;
	[sflag:s25] =	ssyncadd.s32 $0xFFFFC000  }
0x58: {  	[spmem:s2] =	stream.indirect.scatter.add.f32 [tilespmem:s22], [sflag:$0x3], $0x80, s24, s21, $0xb8;
	[tilespmem:$0x1E800] =	vst v63  }
0x59: {  	_ =	swait.ge [sflag:s19], $0x4000  }
0x5a: {  	[sflag:s19] =	ssyncset.done $0x0  }
0x5b: {  	s24 =	simm.s32 $0x480;
	[sflag:s19] =	ssyncadd.s32 $0xFFFFC000  }
0x5c: {  	[tilespmem:s22], [sflag:$0x2] =	stream.indirect.gather [hbm4b:s4+s21], $0x80, s24, s21, $0xb8;
	[tilespmem:$0x1E800] =	vst v63  }
0x5d: {  	_ =	swait.ge [sflag:s23], $0x4000  }
0x5e: {  	[sflag:s23] =	ssyncset.done $0x0  }
0x5f: {  	s24 =	simm.s32 $0x1800;
	[sflag:s23] =	ssyncadd.s32 $0xFFFFC000  }
0x60: {  	[spmem:s2] =	stream.indirect.scatter.add.f32 [tilespmem:s18], [sflag:$0x3], $0x80, s24, s21, $0xb8;
	[tilespmem:$0x1E800] =	vst v63  }
0x61: {  	_ =	swait.ge [sflag:s19], $0x4000  }
0x62: {  	[sflag:s19] =	ssyncset.done $0x0  }
0x63: {  	s24 =	simm.s32 $0x500;
	[sflag:s19] =	ssyncadd.s32 $0xFFFFC000  }
0x64: {  	[tilespmem:s18], [sflag:$0x1] =	stream.indirect.gather [hbm4b:s4+s21], $0x80, s24, s21, $0xb8;
	[tilespmem:$0x1E800] =	vst v63  }
0x65: {  	_ =	swait.ge [sflag:s25], $0x4000  }
0x66: {  	[sflag:s25] =	ssyncset.done $0x0  }
0x67: {  	s24 =	simm.s32 $0x1880;
	[sflag:s25] =	ssyncadd.s32 $0xFFFFC000  }
0x68: {  	[spmem:s2] =	stream.indirect.scatter.add.f32 [tilespmem:s22], [sflag:$0x3], $0x80, s24, s21, $0xb8;
	[tilespmem:$0x1E800] =	vst v63  }
0x69: {  	_ =	swait.ge [sflag:s19], $0x4000  }
0x6a: {  	[sflag:s19] =	ssyncset.done $0x0  }
0x6b: {  	s24 =	simm.s32 $0x580;
	[sflag:s19] =	ssyncadd.s32 $0xFFFFC000  }
0x6c: {  	[tilespmem:s22], [sflag:$0x2] =	stream.indirect.gather [hbm4b:s4+s21], $0x80, s24, s21, $0xb8;
	[tilespmem:$0x1E800] =	vst v63  }
0x6d: {  	_ =	swait.ge [sflag:s23], $0x4000  }
0x6e: {  	[sflag:s23] =	ssyncset.done $0x0  }
0x6f: {  	s24 =	simm.s32 $0x1900;
	[sflag:s23] =	ssyncadd.s32 $0xFFFFC000  }
0x70: {  	[spmem:s2] =	stream.indirect.scatter.add.f32 [tilespmem:s18], [sflag:$0x3], $0x80, s24, s21, $0xb8;
	[tilespmem:$0x1E800] =	vst v63  }
0x71: {  	_ =	swait.ge [sflag:s19], $0x4000  }
0x72: {  	[sflag:s19] =	ssyncset.done $0x0  }
0x73: {  	s24 =	simm.s32 $0x600;
	[sflag:s19] =	ssyncadd.s32 $0xFFFFC000  }
0x74: {  	[tilespmem:s18], [sflag:$0x1] =	stream.indirect.gather [hbm4b:s4+s21], $0x80, s24, s21, $0xb8;
	[tilespmem:$0x1E800] =	vst v63  }
0x75: {  	_ =	swait.ge [sflag:s25], $0x4000  }
0x76: {  	[sflag:s25] =	ssyncset.done $0x0  }
0x77: {  	s24 =	simm.s32 $0x1980;
	[sflag:s25] =	ssyncadd.s32 $0xFFFFC000  }
0x78: {  	[spmem:s2] =	stream.indirect.scatter.add.f32 [tilespmem:s22], [sflag:$0x3], $0x80, s24, s21, $0xb8;
	[tilespmem:$0x1E800] =	vst v63  }
0x79: {  	_ =	swait.ge [sflag:s19], $0x4000  }
0x7a: {  	[sflag:s19] =	ssyncset.done $0x0  }
0x7b: {  	s24 =	simm.s32 $0x680;
	[sflag:s19] =	ssyncadd.s32 $0xFFFFC000  }
0x7c: {  	[tilespmem:s22], [sflag:$0x2] =	stream.indirect.gather [hbm4b:s4+s21], $0x80, s24, s21, $0xb8;
	[tilespmem:$0x1E800] =	vst v63  }
0x7d: {  	_ =	swait.ge [sflag:s23], $0x4000  }
0x7e: {  	[sflag:s23] =	ssyncset.done $0x0  }
0x7f: {  	s24 =	simm.s32 $0x1A00;
	[sflag:s23] =	ssyncadd.s32 $0xFFFFC000  }
0x80: {  	[spmem:s2] =	stream.indirect.scatter.add.f32 [tilespmem:s18], [sflag:$0x3], $0x80, s24, s21, $0xb8;
	[tilespmem:$0x1E800] =	vst v63  }
0x81: {  	_ =	swait.ge [sflag:s19], $0x4000  }
0x82: {  	[sflag:s19] =	ssyncset.done $0x0  }
0x83: {  	s24 =	simm.s32 $0x700;
	[sflag:s19] =	ssyncadd.s32 $0xFFFFC000  }
0x84: {  	[tilespmem:s18], [sflag:$0x1] =	stream.indirect.gather [hbm4b:s4+s21], $0x80, s24, s21, $0xb8;
	[tilespmem:$0x1E800] =	vst v63  }
0x85: {  	_ =	swait.ge [sflag:s25], $0x4000  }
0x86: {  	[sflag:s25] =	ssyncset.done $0x0  }
0x87: {  	s24 =	simm.s32 $0x1A80;
	[sflag:s25] =	ssyncadd.s32 $0xFFFFC000  }
0x88: {  	[spmem:s2] =	stream.indirect.scatter.add.f32 [tilespmem:s22], [sflag:$0x3], $0x80, s24, s21, $0xb8;
	[tilespmem:$0x1E800] =	vst v63  }
0x89: {  	_ =	swait.ge [sflag:s19], $0x4000  }
0x8a: {  	[sflag:s19] =	ssyncset.done $0x0  }
0x8b: {  	s24 =	simm.s32 $0x780;
	[sflag:s19] =	ssyncadd.s32 $0xFFFFC000  }
0x8c: {  	[tilespmem:s22], [sflag:$0x2] =	stream.indirect.gather [hbm4b:s4+s21], $0x80, s24, s21, $0xb8;
	[tilespmem:$0x1E800] =	vst v63  }
0x8d: {  	_ =	swait.ge [sflag:s23], $0x4000  }
0x8e: {  	[sflag:s23] =	ssyncset.done $0x0  }
0x8f: {  	s24 =	simm.s32 $0x1B00;
	[sflag:s23] =	ssyncadd.s32 $0xFFFFC000  }
0x90: {  	[spmem:s2] =	stream.indirect.scatter.add.f32 [tilespmem:s18], [sflag:$0x3], $0x80, s24, s21, $0xb8;
	[tilespmem:$0x1E800] =	vst v63  }
0x91: {  	_ =	swait.ge [sflag:s19], $0x4000  }
0x92: {  	[sflag:s19] =	ssyncset.done $0x0  }
0x93: {  	s24 =	simm.s32 $0x800;
	[sflag:s19] =	ssyncadd.s32 $0xFFFFC000  }
0x94: {  	[tilespmem:s18], [sflag:$0x1] =	stream.indirect.gather [hbm4b:s4+s21], $0x80, s24, s21, $0xb8;
	[tilespmem:$0x1E800] =	vst v63  }
0x95: {  	_ =	swait.ge [sflag:s25], $0x4000  }
0x96: {  	[sflag:s25] =	ssyncset.done $0x0  }
0x97: {  	s24 =	simm.s32 $0x1B80;
	[sflag:s25] =	ssyncadd.s32 $0xFFFFC000  }
0x98: {  	[spmem:s2] =	stream.indirect.scatter.add.f32 [tilespmem:s22], [sflag:$0x3], $0x80, s24, s21, $0xb8;
	[tilespmem:$0x1E800] =	vst v63  }
0x99: {  	_ =	swait.ge [sflag:s19], $0x4000  }
0x9a: {  	[sflag:s19] =	ssyncset.done $0x0  }
0x9b: {  	s24 =	simm.s32 $0x880;
	[sflag:s19] =	ssyncadd.s32 $0xFFFFC000  }
0x9c: {  	[tilespmem:s22], [sflag:$0x2] =	stream.indirect.gather [hbm4b:s4+s21], $0x80, s24, s21, $0xb8;
	[tilespmem:$0x1E800] =	vst v63  }
0x9d: {  	_ =	swait.ge [sflag:s23], $0x4000  }
0x9e: {  	[sflag:s23] =	ssyncset.done $0x0  }
0x9f: {  	s24 =	simm.s32 $0x1C00;
	[sflag:s23] =	ssyncadd.s32 $0xFFFFC000  }
0xa0: {  	[spmem:s2] =	stream.indirect.scatter.add.f32 [tilespmem:s18], [sflag:$0x3], $0x80, s24, s21, $0xb8;
	[tilespmem:$0x1E800] =	vst v63  }
0xa1: {  	_ =	swait.ge [sflag:s19], $0x4000  }
0xa2: {  	[sflag:s19] =	ssyncset.done $0x0  }
0xa3: {  	s24 =	simm.s32 $0x900;
	[sflag:s19] =	ssyncadd.s32 $0xFFFFC000  }
0xa4: {  	[tilespmem:s18], [sflag:$0x1] =	stream.indirect.gather [hbm4b:s4+s21], $0x80, s24, s21, $0xb8;
	[tilespmem:$0x1E800] =	vst v63  }
0xa5: {  	_ =	swait.ge [sflag:s25], $0x4000  }
0xa6: {  	[sflag:s25] =	ssyncset.done $0x0  }
0xa7: {  	s24 =	simm.s32 $0x1C80;
	[sflag:s25] =	ssyncadd.s32 $0xFFFFC000  }
0xa8: {  	[spmem:s2] =	stream.indirect.scatter.add.f32 [tilespmem:s22], [sflag:$0x3], $0x80, s24, s21, $0xb8;
	[tilespmem:$0x1E800] =	vst v63  }
0xa9: {  	_ =	swait.ge [sflag:s19], $0x4000  }
0xaa: {  	s29 =	simm.s32 $0x1D80;
	[sflag:s19] =	ssyncset.done $0x0  }
0xab: {  	s30 =	simm.s32 $0x1D00;
	s31 =	simm.s32 $0x980;
	[sflag:s19] =	ssyncadd.s32 $0xFFFFC000  }
.LBB2_9:
0xac: {  	[tilespmem:s22], [sflag:$0x2] =	stream.indirect.gather [hbm4b:s4+s21], $0x80, s31, s21, $0xb8;
	[tilespmem:$0x1E800] =	vst v63  }
0xad: {  	_ =	swait.ge [sflag:s23], $0x4000  }
0xae: {  	[sflag:s23] =	ssyncset.done $0x0  }
0xaf: {  	[sflag:s23] =	ssyncadd.s32 $0xFFFFC000  }
0xb0: {  	[spmem:s2] =	stream.indirect.scatter.add.f32 [tilespmem:s18], [sflag:$0x3], $0x80, s30, s21, $0xb8;
	[tilespmem:$0x1E800] =	vst v63  }
0xb1: {  	_ =	swait.ge [sflag:s19], $0x4000  }
0xb2: {  	[sflag:s19] =	ssyncset.done $0x0  }
0xb3: {  	[sflag:s19] =	ssyncadd.s32 $0xFFFFC000  }
0xb4: {  	_ =	swait.ge [sflag:s25], $0x4000  }
0xb5: {  	[sflag:s25] =	ssyncset.done $0x0  }
0xb6: {  	[sflag:s25] =	ssyncadd.s32 $0xFFFFC000  }
0xb7: {  	[spmem:s2] =	stream.indirect.scatter.add.f32 [tilespmem:s22], [sflag:$0x3], $0x80, s29, s21, $0xb8;
	[tilespmem:$0x1E800] =	vst v63  }
0xb8: {  	_ =	swait.ge [sflag:s19], $0x4000  }
0xb9: {  	s1 =	sshll.u32 s0, $0x6;
	s28 =	sadd.s32 $0x1, s28;
	[sflag:s19] =	ssyncset.done $0x0  }
0xba: {  	s24 =	sshrl.u32 s5, $0x3;
	p1 =	sne.s32 s28, s17;
	[sflag:s19] =	ssyncadd.s32 $0xFFFFC000  }
.Ltmp1:
0xbb: {  	s1 =	sor.u32 $0x1C03, s1;
	[bflag:$0x0] =	sbarrier.arrive $0xFFFF;
	(pc) =	sbr.rel @!p1 .LBB2_10-.Ltmp1, $4  }
0xbc: {  	[hbm:s16], [sflag:s1] =	dma.local [spmem:s24], $0x2800  }
0xbd: {  	_ =	swait.ge [sflag:s19], $0x2800  }
0xbe: {  	[sflag:s19] =	ssyncset.done $0x0  }
0xbf: {  	[sflag:s19] =	ssyncadd.s32 $0xFFFFD800  }
.LBB2_1:
0xc0: {  	s29 =	simm.s32 $0x0;
	s30 =	simm.s32 $0x200  }
.LBB2_2:
0xc1: {  	p1 =	sne.s32 s30, $0xFE00;
	[tilespmem:s29+$0x2870] =	vst v0  }
0xc2: {  	[tilespmem:s29+$0x2800] =	vst v0  }
0xc3: {  	[tilespmem:s29+$0x2810] =	vst v0  }
.Ltmp2:
0xc4: {  	[tilespmem:s29+$0x2820] =	vst v0;
	(pc) =	sbr.rel @p1 .LBB2_2-.Ltmp2, $4  }
0xc5: {  	[tilespmem:s29+$0x2830] =	vst v0  }
0xc6: {  	[tilespmem:s29+$0x2840] =	vst v0  }
0xc7: {  	[tilespmem:s29+$0x2850] =	vst v0  }
0xc8: {  	[tilespmem:s29+$0x2860] =	vst v0;
	s29 =	sshra.s32 s30, $0x2;
	s30 =	sadd.s32 $0x200, s30  }
0xc9: {  	[tilespmem:s29+$0x2870] =	vst v0  }
0xca: {  	[tilespmem:s29+$0x2800] =	vst v0  }
0xcb: {  	[tilespmem:s29+$0x2810] =	vst v0  }
0xcc: {  	[tilespmem:s29+$0x2820] =	vst v0  }
0xcd: {  	[tilespmem:s29+$0x2830] =	vst v0  }
0xce: {  	[tilespmem:s29+$0x2840] =	vst v0  }
0xcf: {  	[tilespmem:s29+$0x2850] =	vst v0  }
0xd0: {  	[tilespmem:s29+$0x2860] =	vst v0  }
0xd1: {  	[spmem:s5] =	stream.linear.scatter [tilespmem:s18], [sflag:$0x3], $0x4000, $0x38;
	[tilespmem:$0x1E800] =	vst v63  }
0xd2: {  	_ =	swait.ge [sflag:s19], $0x4000  }
0xd3: {  	[sflag:s19] =	ssyncset.done $0x0  }
0xd4: {  	[sflag:s19] =	ssyncadd.s32 $0xFFFFC000  }
0xd5: {  	[spmem:s6] =	stream.linear.scatter [tilespmem:s18], [sflag:$0x3], $0x4000, $0x38;
	[tilespmem:$0x1E800] =	vst v63  }
0xd6: {  	_ =	swait.ge [sflag:s19], $0x4000  }
0xd7: {  	[sflag:s19] =	ssyncset.done $0x0  }
0xd8: {  	[sflag:s19] =	ssyncadd.s32 $0xFFFFC000  }
0xd9: {  	[spmem:s7] =	stream.linear.scatter [tilespmem:s18], [sflag:$0x3], $0x4000, $0x38;
	[tilespmem:$0x1E800] =	vst v63  }
0xda: {  	_ =	swait.ge [sflag:s19], $0x4000  }
0xdb: {  	[sflag:s19] =	ssyncset.done $0x0  }
0xdc: {  	[sflag:s19] =	ssyncadd.s32 $0xFFFFC000  }
0xdd: {  	[spmem:s8] =	stream.linear.scatter [tilespmem:s18], [sflag:$0x3], $0x4000, $0x38;
	[tilespmem:$0x1E800] =	vst v63  }
0xde: {  	_ =	swait.ge [sflag:s19], $0x4000  }
0xdf: {  	[sflag:s19] =	ssyncset.done $0x0  }
0xe0: {  	[sflag:s19] =	ssyncadd.s32 $0xFFFFC000  }
0xe1: {  	[spmem:s9] =	stream.linear.scatter [tilespmem:s18], [sflag:$0x3], $0x4000, $0x38;
	[tilespmem:$0x1E800] =	vst v63  }
.Ltmp3:
0xe2: {  	_ =	swait.ge [sflag:s19], $0x4000;
	(pc) =	sbr.rel @p0 .LBB2_11-.Ltmp3, $3  }
0xe3: {  	[sflag:s19] =	ssyncset.done $0x0  }
0xe4: {  	[sflag:s19] =	ssyncadd.s32 $0xFFFFC000  }
0xe5: {  	[bflag:$0x0] =	sbarrier.arrive $0xFFFF;
	_ =	sdelay $0x1  }
0xe6: {  	s29 =	simm.s32 $0x0  }
0xe7: {  	[tilespmem:s29], [sflag:$0x3] =	stream.linear.gather [hbm4b:s10+s29], $0x1400, $0x38;
	[tilespmem:$0x1E800] =	vst v63  }
0xe8: {  	_ =	swait.ge [sflag:s19], $0x1400  }
0xe9: {  	[sflag:s19] =	ssyncset.done $0x0  }
0xea: {  	[sflag:s19] =	ssyncadd.s32 $0xFFFFEC00  }
0xeb: {  	[tilespmem:s20], [sflag:$0x3] =	stream.linear.gather [hbm4b:s11+s29], $0x1400, $0x38;
	[tilespmem:$0x1E800] =	vst v63  }
0xec: {  	_ =	swait.ge [sflag:s19], $0x1400  }
0xed: {  	[sflag:s19] =	ssyncset.done $0x0  }
0xee: {  	[sflag:s19] =	ssyncadd.s32 $0xFFFFEC00  }
0xef: {  	[tilespmem:s18], [sflag:$0x1] =	stream.indirect.gather [hbm4b:s4+s21], $0x80, s29, s21, $0xb8;
	[tilespmem:$0x1E800] =	vst v63  }
0xf0: {  	s29 =	simm.s32 $0x80  }
0xf1: {  	[tilespmem:s22], [sflag:$0x2] =	stream.indirect.gather [hbm4b:s4+s21], $0x80, s29, s21, $0xb8;
	[tilespmem:$0x1E800] =	vst v63  }
0xf2: {  	_ =	swait.ge [sflag:s23], $0x4000  }
0xf3: {  	[sflag:s23] =	ssyncset.done $0x0  }
0xf4: {  	s29 =	simm.s32 $0x1400;
	[sflag:s23] =	ssyncadd.s32 $0xFFFFC000  }
0xf5: {  	[spmem:s2] =	stream.indirect.scatter.add.f32 [tilespmem:s18], [sflag:$0x3], $0x80, s29, s21, $0xb8;
	[tilespmem:$0x1E800] =	vst v63  }
0xf6: {  	_ =	swait.ge [sflag:s19], $0x4000  }
0xf7: {  	[sflag:s19] =	ssyncset.done $0x0  }
0xf8: {  	s29 =	simm.s32 $0x100;
	[sflag:s19] =	ssyncadd.s32 $0xFFFFC000  }
0xf9: {  	[tilespmem:s18], [sflag:$0x1] =	stream.indirect.gather [hbm4b:s4+s21], $0x80, s29, s21, $0xb8;
	[tilespmem:$0x1E800] =	vst v63  }
0xfa: {  	_ =	swait.ge [sflag:s25], $0x4000  }
0xfb: {  	[sflag:s25] =	ssyncset.done $0x0  }
0xfc: {  	s29 =	simm.s32 $0x1480;
	[sflag:s25] =	ssyncadd.s32 $0xFFFFC000  }
0xfd: {  	[spmem:s2] =	stream.indirect.scatter.add.f32 [tilespmem:s22], [sflag:$0x3], $0x80, s29, s21, $0xb8;
	[tilespmem:$0x1E800] =	vst v63  }
0xfe: {  	_ =	swait.ge [sflag:s19], $0x4000  }
0xff: {  	s30 =	simm.s32 $0x800;
	s29 =	simm.s32 $0x100;
	[sflag:s19] =	ssyncset.done $0x0  }
.LBB2_5:
0x100: {  	s31 =	sadd.s32 $0x80, s29  }
0x101: {  	[sflag:s19] =	ssyncadd.s32 $0xFFFFC000;
	s1 =	smov.u32 s30;
	s24 =	sadd.s32 $0x400, s30  }
0x102: {  	[tilespmem:s22], [sflag:$0x2] =	stream.indirect.gather [hbm4b:s4+s21], $0x80, s31, s21, $0xb8;
	[tilespmem:$0x1E800] =	vst v63  }
0x103: {  	p1 =	sne.s32 s30, $0x4800;
	_ =	swait.ge [sflag:s23], $0x4000  }
0x104: {  	[sflag:s23] =	ssyncset.done $0x0  }
0x105: {  	s30 =	sadd.s32 $0x1400, s29;
	[sflag:s23] =	ssyncadd.s32 $0xFFFFC000  }
0x106: {  	[spmem:s2] =	stream.indirect.scatter.add.f32 [tilespmem:s18], [sflag:$0x3], $0x80, s30, s21, $0xb8;
	[tilespmem:$0x1E800] =	vst v63  }
0x107: {  	_ =	swait.ge [sflag:s19], $0x4000  }
0x108: {  	[sflag:s19] =	ssyncset.done $0x0  }
0x109: {  	s30 =	sadd.s32 $0x100, s29;
	[sflag:s19] =	ssyncadd.s32 $0xFFFFC000  }
0x10a: {  	[tilespmem:s18], [sflag:$0x1] =	stream.indirect.gather [hbm4b:s4+s21], $0x80, s30, s21, $0xb8;
	[tilespmem:$0x1E800] =	vst v63  }
0x10b: {  	_ =	swait.ge [sflag:s25], $0x4000  }
.Ltmp4:
0x10c: {  	[sflag:s25] =	ssyncset.done $0x0;
	(pc) =	sbr.rel @p1 .LBB2_5-.Ltmp4, $4  }
0x10d: {  	s29 =	sadd.s32 $0x1480, s29;
	[sflag:s25] =	ssyncadd.s32 $0xFFFFC000  }
0x10e: {  	[spmem:s2] =	stream.indirect.scatter.add.f32 [tilespmem:s22], [sflag:$0x3], $0x80, s29, s21, $0xb8;
	[tilespmem:$0x1E800] =	vst v63  }
0x10f: {  	_ =	swait.ge [sflag:s19], $0x4000  }
0x110: {  	s30 =	smov.u32 s24;
	s29 =	sshra.s32 s1, $0x2;
	[sflag:s19] =	ssyncset.done $0x0  }
0x111: {  	s1 =	sadd.s32 $0x80, s29;
	[sflag:s19] =	ssyncadd.s32 $0xFFFFC000  }
0x112: {  	[tilespmem:s22], [sflag:$0x2] =	stream.indirect.gather [hbm4b:s4+s21], $0x80, s1, s21, $0xb8;
	[tilespmem:$0x1E800] =	vst v63  }
0x113: {  	_ =	swait.ge [sflag:s23], $0x4000  }
0x114: {  	[sflag:s23] =	ssyncset.done $0x0  }
0x115: {  	s24 =	sadd.s32 $0x1400, s29;
	[sflag:s23] =	ssyncadd.s32 $0xFFFFC000  }
0x116: {  	[spmem:s2] =	stream.indirect.scatter.add.f32 [tilespmem:s18], [sflag:$0x3], $0x80, s24, s21, $0xb8;
	[tilespmem:$0x1E800] =	vst v63  }
0x117: {  	_ =	swait.ge [sflag:s19], $0x4000  }
0x118: {  	[sflag:s19] =	ssyncset.done $0x0  }
0x119: {  	s31 =	sadd.s32 $0x100, s29;
	[sflag:s19] =	ssyncadd.s32 $0xFFFFC000  }
0x11a: {  	[tilespmem:s18], [sflag:$0x1] =	stream.indirect.gather [hbm4b:s4+s21], $0x80, s31, s21, $0xb8;
	[tilespmem:$0x1E800] =	vst v63  }
0x11b: {  	_ =	swait.ge [sflag:s25], $0x4000  }
0x11c: {  	[sflag:s25] =	ssyncset.done $0x0  }
0x11d: {  	s24 =	sadd.s32 $0x1480, s29;
	[sflag:s25] =	ssyncadd.s32 $0xFFFFC000  }
0x11e: {  	[spmem:s2] =	stream.indirect.scatter.add.f32 [tilespmem:s22], [sflag:$0x3], $0x80, s24, s21, $0xb8;
	[tilespmem:$0x1E800] =	vst v63  }
0x11f: {  	_ =	swait.ge [sflag:s19], $0x4000  }
0x120: {  	[sflag:s19] =	ssyncset.done $0x0  }
0x121: {  	s31 =	simm.s32 $0x1380;
	[sflag:s19] =	ssyncadd.s32 $0xFFFFC000  }
0x122: {  	[tilespmem:s22], [sflag:$0x2] =	stream.indirect.gather [hbm4b:s4+s21], $0x80, s31, s21, $0xb8;
	[tilespmem:$0x1E800] =	vst v63  }
0x123: {  	_ =	swait.ge [sflag:s23], $0x4000  }
0x124: {  	[sflag:s23] =	ssyncset.done $0x0  }
0x125: {  	s24 =	simm.s32 $0x2700;
	[sflag:s23] =	ssyncadd.s32 $0xFFFFC000  }
0x126: {  	[spmem:s2] =	stream.indirect.scatter.add.f32 [tilespmem:s18], [sflag:$0x3], $0x80, s24, s21, $0xb8;
	[tilespmem:$0x1E800] =	vst v63  }
0x127: {  	_ =	swait.ge [sflag:s19], $0x4000  }
0x128: {  	[sflag:s19] =	ssyncset.done $0x0  }
0x129: {  	[sflag:s19] =	ssyncadd.s32 $0xFFFFC000  }
0x12a: {  	_ =	swait.ge [sflag:s25], $0x4000  }
0x12b: {  	[sflag:s25] =	ssyncset.done $0x0  }
0x12c: {  	[sflag:s25] =	ssyncadd.s32 $0xFFFFC000  }
0x12d: {  	[spmem:s2] =	stream.indirect.scatter.add.f32 [tilespmem:s22], [sflag:$0x3], $0x80, s26, s21, $0xb8;
	[tilespmem:$0x1E800] =	vst v63  }
0x12e: {  	_ =	swait.ge [sflag:s19], $0x4000  }
0x12f: {  	[sflag:s19] =	ssyncset.done $0x0  }
0x130: {  	s31 =	simm.s32 $0x0;
	[sflag:s19] =	ssyncadd.s32 $0xFFFFC000  }
0x131: {  	[tilespmem:s31], [sflag:$0x3] =	stream.linear.gather [hbm4b:s12+s31], $0x1400, $0x38;
	[tilespmem:$0x1E800] =	vst v63  }
0x132: {  	_ =	swait.ge [sflag:s19], $0x1400  }
0x133: {  	[sflag:s19] =	ssyncset.done $0x0  }
0x134: {  	[sflag:s19] =	ssyncadd.s32 $0xFFFFEC00  }
0x135: {  	[tilespmem:s20], [sflag:$0x3] =	stream.linear.gather [hbm4b:s13+s31], $0x1400, $0x38;
	[tilespmem:$0x1E800] =	vst v63  }
0x136: {  	_ =	swait.ge [sflag:s19], $0x1400  }
0x137: {  	[sflag:s19] =	ssyncset.done $0x0  }
0x138: {  	[sflag:s19] =	ssyncadd.s32 $0xFFFFEC00  }
0x139: {  	[tilespmem:s18], [sflag:$0x1] =	stream.indirect.gather [hbm4b:s4+s21], $0x80, s31, s21, $0xb8;
	[tilespmem:$0x1E800] =	vst v63  }
0x13a: {  	s24 =	simm.s32 $0x80  }
0x13b: {  	[tilespmem:s22], [sflag:$0x2] =	stream.indirect.gather [hbm4b:s4+s21], $0x80, s24, s21, $0xb8;
	[tilespmem:$0x1E800] =	vst v63  }
0x13c: {  	_ =	swait.ge [sflag:s23], $0x4000  }
0x13d: {  	[sflag:s23] =	ssyncset.done $0x0  }
0x13e: {  	s31 =	simm.s32 $0x1400;
	[sflag:s23] =	ssyncadd.s32 $0xFFFFC000  }
0x13f: {  	[spmem:s2] =	stream.indirect.scatter.add.f32 [tilespmem:s18], [sflag:$0x3], $0x80, s31, s21, $0xb8;
	[tilespmem:$0x1E800] =	vst v63  }
0x140: {  	_ =	swait.ge [sflag:s19], $0x4000  }
0x141: {  	[sflag:s19] =	ssyncset.done $0x0  }
0x142: {  	s24 =	simm.s32 $0x100;
	[sflag:s19] =	ssyncadd.s32 $0xFFFFC000  }
0x143: {  	[tilespmem:s18], [sflag:$0x1] =	stream.indirect.gather [hbm4b:s4+s21], $0x80, s24, s21, $0xb8;
	[tilespmem:$0x1E800] =	vst v63  }
0x144: {  	_ =	swait.ge [sflag:s25], $0x4000  }
0x145: {  	[sflag:s25] =	ssyncset.done $0x0  }
0x146: {  	s31 =	simm.s32 $0x1480;
	[sflag:s25] =	ssyncadd.s32 $0xFFFFC000  }
0x147: {  	[spmem:s2] =	stream.indirect.scatter.add.f32 [tilespmem:s22], [sflag:$0x3], $0x80, s31, s21, $0xb8;
	[tilespmem:$0x1E800] =	vst v63  }
0x148: {  	_ =	swait.ge [sflag:s19], $0x4000  }
0x149: {  	s30 =	simm.s32 $0x800;
	s29 =	simm.s32 $0x100;
	[sflag:s19] =	ssyncset.done $0x0  }
.LBB2_7:
0x14a: {  	s1 =	sadd.s32 $0x80, s29  }
0x14b: {  	[sflag:s19] =	ssyncadd.s32 $0xFFFFC000;
	s24 =	smov.u32 s30;
	s31 =	sadd.s32 $0x400, s30  }
0x14c: {  	[tilespmem:s22], [sflag:$0x2] =	stream.indirect.gather [hbm4b:s4+s21], $0x80, s1, s21, $0xb8;
	[tilespmem:$0x1E800] =	vst v63  }
0x14d: {  	p1 =	sne.s32 s30, $0x4800;
	_ =	swait.ge [sflag:s23], $0x4000  }
0x14e: {  	[sflag:s23] =	ssyncset.done $0x0  }
0x14f: {  	s1 =	sadd.s32 $0x1400, s29;
	[sflag:s23] =	ssyncadd.s32 $0xFFFFC000  }
0x150: {  	[spmem:s2] =	stream.indirect.scatter.add.f32 [tilespmem:s18], [sflag:$0x3], $0x80, s1, s21, $0xb8;
	[tilespmem:$0x1E800] =	vst v63  }
0x151: {  	_ =	swait.ge [sflag:s19], $0x4000  }
0x152: {  	[sflag:s19] =	ssyncset.done $0x0  }
0x153: {  	s1 =	sadd.s32 $0x100, s29;
	[sflag:s19] =	ssyncadd.s32 $0xFFFFC000  }
0x154: {  	[tilespmem:s18], [sflag:$0x1] =	stream.indirect.gather [hbm4b:s4+s21], $0x80, s1, s21, $0xb8;
	[tilespmem:$0x1E800] =	vst v63  }
0x155: {  	_ =	swait.ge [sflag:s25], $0x4000  }
.Ltmp5:
0x156: {  	[sflag:s25] =	ssyncset.done $0x0;
	(pc) =	sbr.rel @p1 .LBB2_7-.Ltmp5, $4  }
0x157: {  	s1 =	sadd.s32 $0x1480, s29;
	[sflag:s25] =	ssyncadd.s32 $0xFFFFC000  }
0x158: {  	[spmem:s2] =	stream.indirect.scatter.add.f32 [tilespmem:s22], [sflag:$0x3], $0x80, s1, s21, $0xb8;
	[tilespmem:$0x1E800] =	vst v63  }
0x159: {  	_ =	swait.ge [sflag:s19], $0x4000  }
0x15a: {  	s30 =	smov.u32 s31;
	s29 =	sshra.s32 s24, $0x2;
	[sflag:s19] =	ssyncset.done $0x0  }
0x15b: {  	s1 =	sadd.s32 $0x80, s29;
	[sflag:s19] =	ssyncadd.s32 $0xFFFFC000  }
0x15c: {  	[tilespmem:s22], [sflag:$0x2] =	stream.indirect.gather [hbm4b:s4+s21], $0x80, s1, s21, $0xb8;
	[tilespmem:$0x1E800] =	vst v63  }
0x15d: {  	_ =	swait.ge [sflag:s23], $0x4000  }
0x15e: {  	[sflag:s23] =	ssyncset.done $0x0  }
0x15f: {  	s24 =	sadd.s32 $0x1400, s29;
	[sflag:s23] =	ssyncadd.s32 $0xFFFFC000  }
0x160: {  	[spmem:s2] =	stream.indirect.scatter.add.f32 [tilespmem:s18], [sflag:$0x3], $0x80, s24, s21, $0xb8;
	[tilespmem:$0x1E800] =	vst v63  }
0x161: {  	_ =	swait.ge [sflag:s19], $0x4000  }
0x162: {  	[sflag:s19] =	ssyncset.done $0x0  }
0x163: {  	s24 =	sadd.s32 $0x100, s29;
	[sflag:s19] =	ssyncadd.s32 $0xFFFFC000  }
0x164: {  	[tilespmem:s18], [sflag:$0x1] =	stream.indirect.gather [hbm4b:s4+s21], $0x80, s24, s21, $0xb8;
	[tilespmem:$0x1E800] =	vst v63  }
0x165: {  	_ =	swait.ge [sflag:s25], $0x4000  }
0x166: {  	[sflag:s25] =	ssyncset.done $0x0  }
.Ltmp6:
0x167: {  	s24 =	sadd.s32 $0x1480, s29;
	[sflag:s25] =	ssyncadd.s32 $0xFFFFC000;
	(pc) =	sbr.rel .LBB2_9-.Ltmp6, $4  }
0x168: {  	[spmem:s2] =	stream.indirect.scatter.add.f32 [tilespmem:s22], [sflag:$0x3], $0x80, s24, s21, $0xb8;
	[tilespmem:$0x1E800] =	vst v63  }
0x169: {  	_ =	swait.ge [sflag:s19], $0x4000  }
0x16a: {  	s30 =	simm.s32 $0x2700;
	[sflag:s19] =	ssyncset.done $0x0  }
0x16b: {  	s31 =	simm.s32 $0x1380;
	s29 =	simm.s32 $0x2780;
	[sflag:s19] =	ssyncadd.s32 $0xFFFFC000  }
.LBB2_10:
0x16c: {  	_ =	sfence.sel $0x180000  }
0x16d: {  	[bflag:$0x0] =	sbarrier.arrive $0xFFFF  }
0x16e: {  	_ =	strace $0x9000004A  }
0x16f: {  	[bflag:$0x2] =	sbarrier.arrive $0xFFFF  }
0x170: {  	p0 =	sne.s32 s0, $0x0;
	s0 =	rddreg [dreg:$0x2]  }
0x171: {  	s0 =	sadd.s32 @!p0 $0x100000, s0  }
0x172: {  	[sflag:s0] =	ssyncadd.tile.s32 @!p0 $0x1;
	_ =	shalt  }
.Lfunc_end2:
_tile_overlayer_lowered:
.L_overlay_start_2:
0x173: {  	(tag) =	ssettag $0x2  }
0x174: {  	s0 =	rddreg [dreg:$0x0];
	s2 =	stileid.u32  }
0x175: {  	s1 =	rddreg [dreg:$0x1];
	p0 =	sne.s32 s2, $0x0  }
0x176: {  	s3 =	rddreg [dreg:$0x2];
	[bflag:$0x3] =	sbarrier.arrive $0xFFFF;
	s2 =	simm.s32 @!p0 $0x1C03  }
0x177: {  	[timem:s3], [sflag:s2] =	dma.local @!p0 [hbm:s0], s1  }
0x178: {  	s0 =	simm.s32 @!p0 $0x3  }
0x179: {  	_ =	swait.ge @!p0 [sflag:s0], s1  }
0x17a: {  	s1 =	ssub.s32 @!p0 $0x0, s1;
	[sflag:s0] =	ssyncset.done @!p0 $0x0  }
0x17b: {  	[sflag:s0] =	ssyncadd.s32 @!p0 s1  }
0x17c: {  	[bflag:$0x3] =	sbarrier.arrive $0xFFFF  }
0x17d: {  	_ =	shalt  }

// kernel: kernel.17.cloned.1.call-start
scs
__scs_entry_jumppad:
0x0: {  	(pc) =	sbr.rel $0x88, $3  }
0x1: {  	(tag) =	ssettag $0x0;
	lr =	simm.s32 $0x1  }
0x2: {  	[smem:$0x3F94] =	sst lr;
	_ =	strace $0xD0000000  }
0x3: {  	_ = 	snop  }
0x4: {  	_ = 	snop  }
0x5: {  	_ = 	snop  }
0x6: {  	_ = 	snop  }
0x7: {  	_ = 	snop  }
__scs_overlays_trampoline_lowered:
0x8: {  	[smem:$0x3FA3] =	sst s0  }
0x9: {  	[smem:$0x3FA4] =	sst s1  }
0xa: {  	[smem:$0x3FA5] =	sst s2  }
0xb: {  	[smem:$0x3FA6] =	sst s3  }
0xc: {  	[smem:$0x3FA7] =	sst s4  }
0xd: {  	[smem:$0x3FA8] =	sst s5  }
0xe: {  	[smem:$0x3FA9] =	sst s6  }
0xf: {  	[smem:$0x3FAA] =	sst s7  }
0x10: {  	[smem:$0x3FAB] =	sst s8  }
0x11: {  	[smem:$0x3FAC] =	sst s9;
	s0 =	simm.s32 @!p0 $0x0  }
0x12: {  	s1 =	sld [smem:$0x3F92];
	s0 =	simm.s32 @p0 $0x1  }
0x13: {  	[smem:$0x3FAD] =	sst s0;
	s0 =	simm.s32 @!p1 $0x0  }
0x14: {  	s2 =	sld [smem:$0x3F91];
	s0 =	simm.s32 @p1 $0x1  }
0x15: {  	[smem:$0x3FAE] =	sst s0;
	s0 =	simm.s32 @!p2 $0x0  }
0x16: {  	s3 =	sld [smem:$0x3FDB];
	s0 =	simm.s32 @p2 $0x1  }
0x17: {  	s4 =	simm.s32 $0x1BF5;
	[smem:$0x3FB0] =	sst s0  }
0x18: {  	s0 =	sld [smem:$0x3F93];
	_ =	swait.ge [sflag:s4], $0x0  }
0x19: {  	s7 =	sld [smem:$0x3F94]  }
0x1a: {  	s8 =	sadd.s32 $0xFFFFE003, lr  }
0x1b: {  	s9 =	sadd.s32 $0xFFFFFEF7, lr;
	s5 =	simm.s32 $0xFFFFFFFF;
	p2 =	slt.u32 s8, $0xFFFFF086  }
0x1c: {  	p1 =	slt.u32 s9, $0xF7A;
	s5 =	simm.s32 @!p2 $0x0  }
0x1d: {  	s5 =	simm.s32 @p1 $0x1;
	p0 =	seq.s32 s7, s2  }
0x1e: {  	s7 =	smul.u32 @!p0 $0xF7A, s2;
	p2 =	seq.s32 @!p0 s5, $0x0  }
0x1f: {  	s9 =	smul.u32 $0xF7A, s1;
	s8 =	simm.s32 @!p0 $0x1BF5;
	p2 =	por !p2, p0  }
0x20: {  	[sflag:s8] =	ssyncset.s32 @!p0 $0xFFFFF086;
	s6 =	sadd.s32 @!p0 s3, s7;
	s7 =	simm.s32 @!p0 $0x108  }
0x21: {  	s3 =	sadd.s32 s3, s9;
	s6 =	sadd.s32 @!p0 $0x88, s6;
	s7 =	simm.s32 @p2 $0x1082  }
0x22: {  	[simem:s7], [sflag:s8] =	dma.local @!p0 [hbm:s6], $0xF7A  }
0x23: {  	s9 =	sor.u32 $0xD0000000, s2;
	s6 =	simm.s32 $0x108;
	_ =	swait.ge @!p0 [sflag:s8], $0x0  }
0x24: {  	s3 =	sadd.s32 $0x88, s3;
	s6 =	simm.s32 @!p1 $0x1082;
	[sflag:s4] =	ssyncset.s32 $0xFFFFF086  }
0x25: {  	[simem:s6], [sflag:s4] =	dma.local [hbm:s3], $0xF7A  }
0x26: {  	[smem:$0x3F94] =	sst s1;
	(tag) =	ssettag s2;
	_ =	strace s9  }
0x27: {  	s1 =	sld [smem:$0x3FA4]  }
0x28: {  	s2 =	sld [smem:$0x3FA5]  }
0x29: {  	s4 =	sld [smem:$0x3FA7]  }
0x2a: {  	p0 =	seq.s32 s5, $0x0;
	s5 =	sld [smem:$0x3FA8]  }
0x2b: {  	s6 =	sld [smem:$0x3FA9]  }
0x2c: {  	s7 =	sld [smem:$0x3FAA]  }
0x2d: {  	s3 =	simm.s32 $0x108;
	s8 =	sld [smem:$0x3FAB]  }
0x2e: {  	s3 =	simm.s32 @!p0 $0x1082;
	s9 =	sld [smem:$0x3FAC]  }
0x2f: {  	lr =	sadd.s32 s0, s3;
	s0 =	sld [smem:$0x3FA3]  }
0x30: {  	s3 =	sld [smem:$0x3FA6]  }
0x31: {  	[smem:$0x3FAF] =	sst s10  }
0x32: {  	s10 =	sld [smem:$0x3FAD];
	_ =	sdelay $0x3  }
0x33: {  	p0 =	seq.s32 s10, $0x1;
	s10 =	sld [smem:$0x3FAF];
	_ =	sdelay $0x3  }
0x34: {  	[smem:$0x3FAF] =	sst s10  }
0x35: {  	s10 =	sld [smem:$0x3FAE];
	_ =	sdelay $0x3  }
0x36: {  	p1 =	seq.s32 s10, $0x1;
	s10 =	sld [smem:$0x3FAF];
	_ =	sdelay $0x3  }
0x37: {  	[smem:$0x3FAF] =	sst s10  }
0x38: {  	s10 =	sld [smem:$0x3FB0]  }
0x39: {  	_ = 	snop;
	(pc) =	sbr.ind lr, $3  }
0x3a: {  	_ = 	snop  }
0x3b: {  	_ = 	snop  }
0x3c: {  	p2 =	seq.s32 s10, $0x1;
	s10 =	sld [smem:$0x3FAF]  }
0x3d: {  	_ =	shalt  }
0x3e: {  	_ =	shalt  }
0x3f: {  	_ =	shalt  }
0x40: {  	_ =	shalt  }
0x41: {  	_ =	shalt  }
0x42: {  	_ =	shalt  }
0x43: {  	_ =	shalt  }
0x44: {  	_ =	shalt  }
0x45: {  	_ =	shalt  }
0x46: {  	_ =	shalt  }
0x47: {  	_ =	shalt  }
0x48: {  	_ =	shalt  }
0x49: {  	_ =	shalt  }
0x4a: {  	_ =	shalt  }
0x4b: {  	_ =	shalt  }
0x4c: {  	_ =	shalt  }
0x4d: {  	_ =	shalt  }
0x4e: {  	_ =	shalt  }
0x4f: {  	_ =	shalt  }
0x50: {  	_ =	shalt  }
0x51: {  	_ =	shalt  }
0x52: {  	_ =	shalt  }
0x53: {  	_ =	shalt  }
0x54: {  	_ =	shalt  }
0x55: {  	_ =	shalt  }
0x56: {  	_ =	shalt  }
0x57: {  	_ =	shalt  }
0x58: {  	_ =	shalt  }
0x59: {  	_ =	shalt  }
0x5a: {  	_ =	shalt  }
0x5b: {  	_ =	shalt  }
0x5c: {  	_ =	shalt  }
0x5d: {  	_ =	shalt  }
0x5e: {  	_ =	shalt  }
0x5f: {  	_ =	shalt  }
0x60: {  	_ =	shalt  }
0x61: {  	_ =	shalt  }
0x62: {  	_ =	shalt  }
0x63: {  	_ =	shalt  }
0x64: {  	_ =	shalt  }
0x65: {  	_ =	shalt  }
0x66: {  	_ =	shalt  }
0x67: {  	_ =	shalt  }
0x68: {  	_ =	shalt  }
0x69: {  	_ =	shalt  }
0x6a: {  	_ =	shalt  }
0x6b: {  	_ =	shalt  }
0x6c: {  	_ =	shalt  }
0x6d: {  	_ =	shalt  }
0x6e: {  	_ =	shalt  }
0x6f: {  	_ =	shalt  }
0x70: {  	_ =	shalt  }
0x71: {  	_ =	shalt  }
0x72: {  	_ =	shalt  }
0x73: {  	_ =	shalt  }
0x74: {  	_ =	shalt  }
0x75: {  	_ =	shalt  }
0x76: {  	_ =	shalt  }
0x77: {  	_ =	shalt  }
0x78: {  	_ =	shalt  }
0x79: {  	_ =	shalt  }
0x7a: {  	_ =	shalt  }
0x7b: {  	_ =	shalt  }
0x7c: {  	_ =	shalt  }
0x7d: {  	_ =	shalt  }
0x7e: {  	_ =	shalt  }
0x7f: {  	_ =	shalt  }
0x80: {  	_ =	shalt  }
0x81: {  	_ =	shalt  }
0x82: {  	_ =	shalt  }
0x83: {  	_ =	shalt  }
0x84: {  	_ =	shalt  }
0x85: {  	_ =	shalt  }
0x86: {  	_ =	shalt  }
0x87: {  	_ =	shalt  }
.Lfunc_end0:
.L_simem_size_0:
called_computation.2_lowered:
.L_overlay_start_0:
0x88: {  	s2 =	sld [smem:$0x3FD9]  }
0x89: {  	s3 =	sld [smem:$0x3FFE];
	_ =	sdelay $0x1  }
0x8a: {  	s1 =	srdreg.scid  }
0x8b: {  	s0 =	sand.u32 $0x1, s1  }
0x8c: {  	s16 =	sshll.u32 s0, $0xA;
	s2 =	sadd.s32 s3, s2  }
0x8d: {  	s2 =	sadd.s32 s2, s16  }
0x8e: {  	[smem:$0x3FBB] =	sst s2  }
0x8f: {  	_ = 	snop  }
0x90: {  	(tm) =	ssettm $0x1  }
0x91: {  	s17 =	sld [smem:$0x3FFB];
	_ =	sdelay $0x3  }
0x92: {  	_ =	strace s17  }
0x93: {  	s2 =	sld [smem:$0x3FFC];
	_ =	sdelay $0x3  }
0x94: {  	_ =	strace s2  }
0x95: {  	s2 =	sld [smem:$0x3FFD];
	_ =	sdelay $0x3  }
0x96: {  	_ =	strace s2  }
0x97: {  	_ =	strace $0x8FFFFFFF  }
0x98: {  	s18 =	sld [smem:$0x3FDB];
	_ =	sdelay $0x1  }
0x99: {  	s19 =	simm.s32 $_scs_section_size  }
0x9a: {  	s4 =	simm.s32 $_size__tile_overlayer_lowered;
	s5 =	simm.s32 $_tile_overlayer_lowered  }
0x9b: {  	s22 =	simm.s32 $0x1BFF;
	s21 =	sshll.u32 s5, $0x1;
	s2 =	sadd.s32 s19, s18  }
0x9c: {  	s6 =	simm.s32 $0x0;
	s20 =	sshll.u32 s4, $0x1;
	s4 =	sadd.s32 s21, s2  }
0x9d: {  	[timem:s6], [sflag:s22] =	dma.local [hbm:s4], s20  }
0x9e: {  	_ =	swait.ge [sflag:s22], s20  }
0x9f: {  	s3 =	ssub.s32 $0x0, s20;
	[sflag:s22] =	ssyncset.done $0x0  }
0xa0: {  	[sflag:s22] =	ssyncadd.s32 s3;
	_ =	sdelay $0x1  }
0xa1: {  	s23 =	simm.s32 $0x1B8B  }
0xa2: {  	_ =	swait.ge [sflag:s23], $0x1  }
0xa3: {  	[sflag:s23] =	ssyncset.done $0x0  }
0xa4: {  	s25 =	simm.s32 $0x1B8E;
	s24 =	sld [smem:$0x3FFE];
	[sflag:s23] =	ssyncadd.s32 $0xFFFFFFFF  }
0xa5: {  	s26 =	simm.s32 $execute0_lowered;
	[smem:$0x3FD2] =	sst s25  }
0xa6: {  	s4 =	sshll.u32 s26, $0x1;
	_ =	strace $0x8000004C;
	[dreg:$0x1] =	wrdreg $0xFFFFFFFF  }
0xa7: {  	s28 =	simm.s32 $_size_execute0_lowered;
	s2 =	sadd.s32 s2, s4;
	[dreg:$0x0] =	wrdreg $0x0  }
0xa8: {  	s4 =	sshll.u32 s28, $0x1;
	[dreg:$0x2] =	wrdreg s2  }
0xa9: {  	[dreg:$0x3] =	wrdreg s4  }
0xaa: {  	[dreg:$0x4] =	wrdreg $0xC0  }
0xab: {  	_ =	task [dreg:s6], $0x5FFFF  }
0xac: {  	[dreg:$0x1] =	wrdreg $0xFFFFFFFF  }
0xad: {  	[dreg:$0x0] =	wrdreg $0x60  }
0xae: {  	[dreg:$0x2] =	wrdreg s24  }
0xaf: {  	[dreg:$0x3] =	wrdreg $0xA8000  }
0xb0: {  	[dreg:$0x4] =	wrdreg $0x9  }
0xb1: {  	_ =	task.clear_ibuf [dreg:s6], $0x5FFFF;
	_ =	strace $0x9000004C  }
0xb2: {  	s29 =	simm.s32 $0x9;
	_ =	strace $0x8000004E  }
0xb3: {  	_ =	swait.ge [sflag:s29], $0x1  }
0xb4: {  	[sflag:s29] =	ssyncadd.s32 $0xFFFFFFFF  }
0xb5: {  	_ =	strace $0x9000004E  }
0xb6: {  	_ =	sfence  }
0xb7: {  	s30 =	sld [smem:$0x0];
	_ =	sdelay $0x2  }
0xb8: {  	s31 =	sshll.u32 s1, $0xD;
	s1 =	sshrl.u32 s1, $0x2  }
0xb9: {  	s3 =	sand.u32 $0x4000, s31;
	s1 =	sadd.s32 s1, s30  }
0xba: {  	s0 =	sor.u32 s3, s0;
	s1 =	sshll.u32 s1, $0x11  }
0xbb: {  	s0 =	sor.u32 s1, s0  }
0xbc: {  	s0 =	sadd.s32 $0x8F2B, s0  }
0xbd: {  	[sflag:s0] =	ssyncadd.remote.s32 $0x1  }
0xbe: {  	_ =	sfence.sel $0xFFFF  }
0xbf: {  	[dreg:$0x0] =	wrdreg $0xFFFFFFFF;
	(pc) =	sbr.abs _section_cstart, $3  }
0xc0: {  	[dreg:$0x1] =	wrdreg $0xFFFFFFFF  }
0xc1: {  	_ =	task.clear_ibuf [dreg:s6], $0x2FFFF;
	_ =	strace $0x9FFFFFFF  }
0xc2: {  	(tm) =	ssettm $0x7FFFFFFF  }
0xc3: {  	_ =	shalt  }
tec
execute0_lowered:
.L_overlay_start_1:
0x0: {  	(tag) =	ssettag $0x1  }
0x1: {  	s1 =	srdreg.scid  }
0x2: {  	s0 =	stileid.u32;
	s15 =	rddreg [dreg:$0x0]  }
0x3: {  	s3 =	simm.s32 $0x0;
	s19 =	simm.s32 $0x3;
	s20 =	simm.s32 $0x1400  }
0x4: {  	s21 =	simm.s32 $0x80;
	s22 =	simm.s32 $0x6800;
	s23 =	simm.s32 $0x1  }
0x5: {  	s25 =	simm.s32 $0x2;
	s26 =	simm.s32 $0x2780;
	s28 =	simm.s32 $0x0  }
0x6: {  	s1 =	sand.u32 $0x1, s1;
	s2 =	sshll.u32 s0, $0x1;
	s6 =	smul.u32 $0x14000, s0  }
0x7: {  	[smem:$0x7FF] =	sst s3;
	s7 =	smul.u32 $0x50000, s0;
	s14 =	sadd.s32 $0xED00, s15  }
0x8: {  	s18 =	sor.u32 s1, s2;
	s2 =	rddreg [dreg:$0x1];
	s5 =	smul.u32 $0x140000, s1  }
0x9: {  	_ =	strace $0x8000004D;
	s1 =	ssub.s32 $0x2, s1;
	s4 =	smul.u32 $0x2800, s18  }
0xa: {  	s30 =	sshrl.u32 s7, $0x2;
	s8 =	sshrl.u32 s1, $0x1;
	p0 =	seq.s32 s18, $0x1F  }
0xb: {  	s18 =	simm.s32 $0x2800;
	s5 =	sadd.s32 s6, s5;
	s1 =	ssub.s32 s1, s8  }
0xc: {  	s4 =	sshrl.u32 s4, $0x3;
	s31 =	sshrl.u32 s5, $0x3;
	s5 =	sadd.s32 s30, s2  }
.Ltmp0:
0xd: {  	s17 =	smax.u32 s1, $0x1;
	s13 =	sadd.s32 s4, s15;
	(pc) =	sbr.rel .LBB2_1-.Ltmp0, $4  }
0xe: {  	s4 =	sadd.s32 $0x90800, s15;
	s16 =	sadd.s32 s31, s15;
	s6 =	sadd.s32 $0x4000, s5  }
0xf: {  	s7 =	sadd.s32 $0x8000, s5;
	s8 =	sadd.s32 $0xC000, s5;
	s9 =	sadd.s32 $0x10000, s5  }
0x10: {  	s15 =	sadd.s32 $0x18980, s15;
	s10 =	sadd.s32 $0x5200, s13;
	s11 =	sadd.s32 $0xEE80, s13  }
0x11: {  	v0 =	vimm.f32 $0.0e+00;
	s12 =	sadd.s32 $0x5480, s13;
	s13 =	sadd.s32 $0xF100, s13;
	s16 =	sadd.s32 $0xB7A00, s16  }
.LBB2_11:
0x12: {  	[tilespmem:s3], [sflag:$0x3] =	stream.linear.gather [hbm4b:s14+s3], $0xA00, $0x38;
	[tilespmem:$0x1E800] =	vst v63  }
0x13: {  	_ =	swait.ge [sflag:s19], $0xA00  }
0x14: {  	[sflag:s19] =	ssyncset.done $0x0  }
0x15: {  	[sflag:s19] =	ssyncadd.s32 $0xFFFFF600  }
0x16: {  	[tilespmem:s20], [sflag:$0x3] =	stream.linear.gather [hbm4b:s15+s3], $0xA00, $0x38;
	[tilespmem:$0x1E800] =	vst v63  }
0x17: {  	_ =	swait.ge [sflag:s19], $0xA00  }
0x18: {  	[sflag:s19] =	ssyncset.done $0x0  }
0x19: {  	[sflag:s19] =	ssyncadd.s32 $0xFFFFF600  }
0x1a: {  	[tilespmem:s18], [sflag:$0x1] =	stream.indirect.gather [hbm4b:s4+s21], $0x80, s3, s21, $0xb8;
	[tilespmem:$0x1E800] =	vst v63  }
0x1b: {  	_ = 	snop  }
0x1c: {  	[tilespmem:s22], [sflag:$0x2] =	stream.indirect.gather [hbm4b:s4+s21], $0x80, s21, s21, $0xb8;
	[tilespmem:$0x1E800] =	vst v63  }
0x1d: {  	_ =	swait.ge [sflag:s23], $0x4000  }
0x1e: {  	[sflag:s23] =	ssyncset.done $0x0  }
0x1f: {  	[sflag:s23] =	ssyncadd.s32 $0xFFFFC000  }
0x20: {  	[spmem:s2] =	stream.indirect.scatter.add.f32 [tilespmem:s18], [sflag:$0x3], $0x80, s20, s21, $0xb8;
	[tilespmem:$0x1E800] =	vst v63  }
0x21: {  	_ =	swait.ge [sflag:s19], $0x4000  }
0x22: {  	[sflag:s19] =	ssyncset.done $0x0  }
0x23: {  	s1 =	simm.s32 $0x100;
	[sflag:s19] =	ssyncadd.s32 $0xFFFFC000  }
0x24: {  	[tilespmem:s18], [sflag:$0x1] =	stream.indirect.gather [hbm4b:s4+s21], $0x80, s1, s21, $0xb8;
	[tilespmem:$0x1E800] =	vst v63  }
0x25: {  	_ =	swait.ge [sflag:s25], $0x4000  }
0x26: {  	[sflag:s25] =	ssyncset.done $0x0  }
0x27: {  	s24 =	simm.s32 $0x1480;
	[sflag:s25] =	ssyncadd.s32 $0xFFFFC000  }
0x28: {  	[spmem:s2] =	stream.indirect.scatter.add.f32 [tilespmem:s22], [sflag:$0x3], $0x80, s24, s21, $0xb8;
	[tilespmem:$0x1E800] =	vst v63  }
0x29: {  	_ =	swait.ge [sflag:s19], $0x4000  }
0x2a: {  	[sflag:s19] =	ssyncset.done $0x0  }
0x2b: {  	s24 =	simm.s32 $0x180;
	[sflag:s19] =	ssyncadd.s32 $0xFFFFC000  }
0x2c: {  	[tilespmem:s22], [sflag:$0x2] =	stream.indirect.gather [hbm4b:s4+s21], $0x80, s24, s21, $0xb8;
	[tilespmem:$0x1E800] =	vst v63  }
0x2d: {  	_ =	swait.ge [sflag:s23], $0x4000  }
0x2e: {  	[sflag:s23] =	ssyncset.done $0x0  }
0x2f: {  	s24 =	simm.s32 $0x1500;
	[sflag:s23] =	ssyncadd.s32 $0xFFFFC000  }
0x30: {  	[spmem:s2] =	stream.indirect.scatter.add.f32 [tilespmem:s18], [sflag:$0x3], $0x80, s24, s21, $0xb8;
	[tilespmem:$0x1E800] =	vst v63  }
0x31: {  	_ =	swait.ge [sflag:s19], $0x4000  }
0x32: {  	[sflag:s19] =	ssyncset.done $0x0  }
0x33: {  	s24 =	simm.s32 $0x200;
	[sflag:s19] =	ssyncadd.s32 $0xFFFFC000  }
0x34: {  	[tilespmem:s18], [sflag:$0x1] =	stream.indirect.gather [hbm4b:s4+s21], $0x80, s24, s21, $0xb8;
	[tilespmem:$0x1E800] =	vst v63  }
0x35: {  	_ =	swait.ge [sflag:s25], $0x4000  }
0x36: {  	[sflag:s25] =	ssyncset.done $0x0  }
0x37: {  	s24 =	simm.s32 $0x1580;
	[sflag:s25] =	ssyncadd.s32 $0xFFFFC000  }
0x38: {  	[spmem:s2] =	stream.indirect.scatter.add.f32 [tilespmem:s22], [sflag:$0x3], $0x80, s24, s21, $0xb8;
	[tilespmem:$0x1E800] =	vst v63  }
0x39: {  	_ =	swait.ge [sflag:s19], $0x4000  }
0x3a: {  	[sflag:s19] =	ssyncset.done $0x0  }
0x3b: {  	s24 =	simm.s32 $0x280;
	[sflag:s19] =	ssyncadd.s32 $0xFFFFC000  }
0x3c: {  	[tilespmem:s22], [sflag:$0x2] =	stream.indirect.gather [hbm4b:s4+s21], $0x80, s24, s21, $0xb8;
	[tilespmem:$0x1E800] =	vst v63  }
0x3d: {  	_ =	swait.ge [sflag:s23], $0x4000  }
0x3e: {  	[sflag:s23] =	ssyncset.done $0x0  }
0x3f: {  	s24 =	simm.s32 $0x1600;
	[sflag:s23] =	ssyncadd.s32 $0xFFFFC000  }
0x40: {  	[spmem:s2] =	stream.indirect.scatter.add.f32 [tilespmem:s18], [sflag:$0x3], $0x80, s24, s21, $0xb8;
	[tilespmem:$0x1E800] =	vst v63  }
0x41: {  	_ =	swait.ge [sflag:s19], $0x4000  }
0x42: {  	[sflag:s19] =	ssyncset.done $0x0  }
0x43: {  	s24 =	simm.s32 $0x300;
	[sflag:s19] =	ssyncadd.s32 $0xFFFFC000  }
0x44: {  	[tilespmem:s18], [sflag:$0x1] =	stream.indirect.gather [hbm4b:s4+s21], $0x80, s24, s21, $0xb8;
	[tilespmem:$0x1E800] =	vst v63  }
0x45: {  	_ =	swait.ge [sflag:s25], $0x4000  }
0x46: {  	[sflag:s25] =	ssyncset.done $0x0  }
0x47: {  	s24 =	simm.s32 $0x1680;
	[sflag:s25] =	ssyncadd.s32 $0xFFFFC000  }
0x48: {  	[spmem:s2] =	stream.indirect.scatter.add.f32 [tilespmem:s22], [sflag:$0x3], $0x80, s24, s21, $0xb8;
	[tilespmem:$0x1E800] =	vst v63  }
0x49: {  	_ =	swait.ge [sflag:s19], $0x4000  }
0x4a: {  	[sflag:s19] =	ssyncset.done $0x0  }
0x4b: {  	s24 =	simm.s32 $0x380;
	[sflag:s19] =	ssyncadd.s32 $0xFFFFC000  }
0x4c: {  	[tilespmem:s22], [sflag:$0x2] =	stream.indirect.gather [hbm4b:s4+s21], $0x80, s24, s21, $0xb8;
	[tilespmem:$0x1E800] =	vst v63  }
0x4d: {  	_ =	swait.ge [sflag:s23], $0x4000  }
0x4e: {  	[sflag:s23] =	ssyncset.done $0x0  }
0x4f: {  	s24 =	simm.s32 $0x1700;
	[sflag:s23] =	ssyncadd.s32 $0xFFFFC000  }
0x50: {  	[spmem:s2] =	stream.indirect.scatter.add.f32 [tilespmem:s18], [sflag:$0x3], $0x80, s24, s21, $0xb8;
	[tilespmem:$0x1E800] =	vst v63  }
0x51: {  	_ =	swait.ge [sflag:s19], $0x4000  }
0x52: {  	[sflag:s19] =	ssyncset.done $0x0  }
0x53: {  	s24 =	simm.s32 $0x400;
	[sflag:s19] =	ssyncadd.s32 $0xFFFFC000  }
0x54: {  	[tilespmem:s18], [sflag:$0x1] =	stream.indirect.gather [hbm4b:s4+s21], $0x80, s24, s21, $0xb8;
	[tilespmem:$0x1E800] =	vst v63  }
0x55: {  	_ =	swait.ge [sflag:s25], $0x4000  }
0x56: {  	[sflag:s25] =	ssyncset.done $0x0  }
0x57: {  	s24 =	simm.s32 $0x1780;
	[sflag:s25] =	ssyncadd.s32 $0xFFFFC000  }
0x58: {  	[spmem:s2] =	stream.indirect.scatter.add.f32 [tilespmem:s22], [sflag:$0x3], $0x80, s24, s21, $0xb8;
	[tilespmem:$0x1E800] =	vst v63  }
0x59: {  	_ =	swait.ge [sflag:s19], $0x4000  }
0x5a: {  	[sflag:s19] =	ssyncset.done $0x0  }
0x5b: {  	s24 =	simm.s32 $0x480;
	[sflag:s19] =	ssyncadd.s32 $0xFFFFC000  }
0x5c: {  	[tilespmem:s22], [sflag:$0x2] =	stream.indirect.gather [hbm4b:s4+s21], $0x80, s24, s21, $0xb8;
	[tilespmem:$0x1E800] =	vst v63  }
0x5d: {  	_ =	swait.ge [sflag:s23], $0x4000  }
0x5e: {  	[sflag:s23] =	ssyncset.done $0x0  }
0x5f: {  	s24 =	simm.s32 $0x1800;
	[sflag:s23] =	ssyncadd.s32 $0xFFFFC000  }
0x60: {  	[spmem:s2] =	stream.indirect.scatter.add.f32 [tilespmem:s18], [sflag:$0x3], $0x80, s24, s21, $0xb8;
	[tilespmem:$0x1E800] =	vst v63  }
0x61: {  	_ =	swait.ge [sflag:s19], $0x4000  }
0x62: {  	[sflag:s19] =	ssyncset.done $0x0  }
0x63: {  	s24 =	simm.s32 $0x500;
	[sflag:s19] =	ssyncadd.s32 $0xFFFFC000  }
0x64: {  	[tilespmem:s18], [sflag:$0x1] =	stream.indirect.gather [hbm4b:s4+s21], $0x80, s24, s21, $0xb8;
	[tilespmem:$0x1E800] =	vst v63  }
0x65: {  	_ =	swait.ge [sflag:s25], $0x4000  }
0x66: {  	[sflag:s25] =	ssyncset.done $0x0  }
0x67: {  	s24 =	simm.s32 $0x1880;
	[sflag:s25] =	ssyncadd.s32 $0xFFFFC000  }
0x68: {  	[spmem:s2] =	stream.indirect.scatter.add.f32 [tilespmem:s22], [sflag:$0x3], $0x80, s24, s21, $0xb8;
	[tilespmem:$0x1E800] =	vst v63  }
0x69: {  	_ =	swait.ge [sflag:s19], $0x4000  }
0x6a: {  	[sflag:s19] =	ssyncset.done $0x0  }
0x6b: {  	s24 =	simm.s32 $0x580;
	[sflag:s19] =	ssyncadd.s32 $0xFFFFC000  }
0x6c: {  	[tilespmem:s22], [sflag:$0x2] =	stream.indirect.gather [hbm4b:s4+s21], $0x80, s24, s21, $0xb8;
	[tilespmem:$0x1E800] =	vst v63  }
0x6d: {  	_ =	swait.ge [sflag:s23], $0x4000  }
0x6e: {  	[sflag:s23] =	ssyncset.done $0x0  }
0x6f: {  	s24 =	simm.s32 $0x1900;
	[sflag:s23] =	ssyncadd.s32 $0xFFFFC000  }
0x70: {  	[spmem:s2] =	stream.indirect.scatter.add.f32 [tilespmem:s18], [sflag:$0x3], $0x80, s24, s21, $0xb8;
	[tilespmem:$0x1E800] =	vst v63  }
0x71: {  	_ =	swait.ge [sflag:s19], $0x4000  }
0x72: {  	[sflag:s19] =	ssyncset.done $0x0  }
0x73: {  	s24 =	simm.s32 $0x600;
	[sflag:s19] =	ssyncadd.s32 $0xFFFFC000  }
0x74: {  	[tilespmem:s18], [sflag:$0x1] =	stream.indirect.gather [hbm4b:s4+s21], $0x80, s24, s21, $0xb8;
	[tilespmem:$0x1E800] =	vst v63  }
0x75: {  	_ =	swait.ge [sflag:s25], $0x4000  }
0x76: {  	[sflag:s25] =	ssyncset.done $0x0  }
0x77: {  	s24 =	simm.s32 $0x1980;
	[sflag:s25] =	ssyncadd.s32 $0xFFFFC000  }
0x78: {  	[spmem:s2] =	stream.indirect.scatter.add.f32 [tilespmem:s22], [sflag:$0x3], $0x80, s24, s21, $0xb8;
	[tilespmem:$0x1E800] =	vst v63  }
0x79: {  	_ =	swait.ge [sflag:s19], $0x4000  }
0x7a: {  	[sflag:s19] =	ssyncset.done $0x0  }
0x7b: {  	s24 =	simm.s32 $0x680;
	[sflag:s19] =	ssyncadd.s32 $0xFFFFC000  }
0x7c: {  	[tilespmem:s22], [sflag:$0x2] =	stream.indirect.gather [hbm4b:s4+s21], $0x80, s24, s21, $0xb8;
	[tilespmem:$0x1E800] =	vst v63  }
0x7d: {  	_ =	swait.ge [sflag:s23], $0x4000  }
0x7e: {  	[sflag:s23] =	ssyncset.done $0x0  }
0x7f: {  	s24 =	simm.s32 $0x1A00;
	[sflag:s23] =	ssyncadd.s32 $0xFFFFC000  }
0x80: {  	[spmem:s2] =	stream.indirect.scatter.add.f32 [tilespmem:s18], [sflag:$0x3], $0x80, s24, s21, $0xb8;
	[tilespmem:$0x1E800] =	vst v63  }
0x81: {  	_ =	swait.ge [sflag:s19], $0x4000  }
0x82: {  	[sflag:s19] =	ssyncset.done $0x0  }
0x83: {  	s24 =	simm.s32 $0x700;
	[sflag:s19] =	ssyncadd.s32 $0xFFFFC000  }
0x84: {  	[tilespmem:s18], [sflag:$0x1] =	stream.indirect.gather [hbm4b:s4+s21], $0x80, s24, s21, $0xb8;
	[tilespmem:$0x1E800] =	vst v63  }
0x85: {  	_ =	swait.ge [sflag:s25], $0x4000  }
0x86: {  	[sflag:s25] =	ssyncset.done $0x0  }
0x87: {  	s24 =	simm.s32 $0x1A80;
	[sflag:s25] =	ssyncadd.s32 $0xFFFFC000  }
0x88: {  	[spmem:s2] =	stream.indirect.scatter.add.f32 [tilespmem:s22], [sflag:$0x3], $0x80, s24, s21, $0xb8;
	[tilespmem:$0x1E800] =	vst v63  }
0x89: {  	_ =	swait.ge [sflag:s19], $0x4000  }
0x8a: {  	[sflag:s19] =	ssyncset.done $0x0  }
0x8b: {  	s24 =	simm.s32 $0x780;
	[sflag:s19] =	ssyncadd.s32 $0xFFFFC000  }
0x8c: {  	[tilespmem:s22], [sflag:$0x2] =	stream.indirect.gather [hbm4b:s4+s21], $0x80, s24, s21, $0xb8;
	[tilespmem:$0x1E800] =	vst v63  }
0x8d: {  	_ =	swait.ge [sflag:s23], $0x4000  }
0x8e: {  	[sflag:s23] =	ssyncset.done $0x0  }
0x8f: {  	s24 =	simm.s32 $0x1B00;
	[sflag:s23] =	ssyncadd.s32 $0xFFFFC000  }
0x90: {  	[spmem:s2] =	stream.indirect.scatter.add.f32 [tilespmem:s18], [sflag:$0x3], $0x80, s24, s21, $0xb8;
	[tilespmem:$0x1E800] =	vst v63  }
0x91: {  	_ =	swait.ge [sflag:s19], $0x4000  }
0x92: {  	[sflag:s19] =	ssyncset.done $0x0  }
0x93: {  	s24 =	simm.s32 $0x800;
	[sflag:s19] =	ssyncadd.s32 $0xFFFFC000  }
0x94: {  	[tilespmem:s18], [sflag:$0x1] =	stream.indirect.gather [hbm4b:s4+s21], $0x80, s24, s21, $0xb8;
	[tilespmem:$0x1E800] =	vst v63  }
0x95: {  	_ =	swait.ge [sflag:s25], $0x4000  }
0x96: {  	[sflag:s25] =	ssyncset.done $0x0  }
0x97: {  	s24 =	simm.s32 $0x1B80;
	[sflag:s25] =	ssyncadd.s32 $0xFFFFC000  }
0x98: {  	[spmem:s2] =	stream.indirect.scatter.add.f32 [tilespmem:s22], [sflag:$0x3], $0x80, s24, s21, $0xb8;
	[tilespmem:$0x1E800] =	vst v63  }
0x99: {  	_ =	swait.ge [sflag:s19], $0x4000  }
0x9a: {  	[sflag:s19] =	ssyncset.done $0x0  }
0x9b: {  	s24 =	simm.s32 $0x880;
	[sflag:s19] =	ssyncadd.s32 $0xFFFFC000  }
0x9c: {  	[tilespmem:s22], [sflag:$0x2] =	stream.indirect.gather [hbm4b:s4+s21], $0x80, s24, s21, $0xb8;
	[tilespmem:$0x1E800] =	vst v63  }
0x9d: {  	_ =	swait.ge [sflag:s23], $0x4000  }
0x9e: {  	[sflag:s23] =	ssyncset.done $0x0  }
0x9f: {  	s24 =	simm.s32 $0x1C00;
	[sflag:s23] =	ssyncadd.s32 $0xFFFFC000  }
0xa0: {  	[spmem:s2] =	stream.indirect.scatter.add.f32 [tilespmem:s18], [sflag:$0x3], $0x80, s24, s21, $0xb8;
	[tilespmem:$0x1E800] =	vst v63  }
0xa1: {  	_ =	swait.ge [sflag:s19], $0x4000  }
0xa2: {  	[sflag:s19] =	ssyncset.done $0x0  }
0xa3: {  	s24 =	simm.s32 $0x900;
	[sflag:s19] =	ssyncadd.s32 $0xFFFFC000  }
0xa4: {  	[tilespmem:s18], [sflag:$0x1] =	stream.indirect.gather [hbm4b:s4+s21], $0x80, s24, s21, $0xb8;
	[tilespmem:$0x1E800] =	vst v63  }
0xa5: {  	_ =	swait.ge [sflag:s25], $0x4000  }
0xa6: {  	[sflag:s25] =	ssyncset.done $0x0  }
0xa7: {  	s24 =	simm.s32 $0x1C80;
	[sflag:s25] =	ssyncadd.s32 $0xFFFFC000  }
0xa8: {  	[spmem:s2] =	stream.indirect.scatter.add.f32 [tilespmem:s22], [sflag:$0x3], $0x80, s24, s21, $0xb8;
	[tilespmem:$0x1E800] =	vst v63  }
0xa9: {  	_ =	swait.ge [sflag:s19], $0x4000  }
0xaa: {  	s29 =	simm.s32 $0x1D80;
	[sflag:s19] =	ssyncset.done $0x0  }
0xab: {  	s30 =	simm.s32 $0x1D00;
	s31 =	simm.s32 $0x980;
	[sflag:s19] =	ssyncadd.s32 $0xFFFFC000  }
.LBB2_9:
0xac: {  	[tilespmem:s22], [sflag:$0x2] =	stream.indirect.gather [hbm4b:s4+s21], $0x80, s31, s21, $0xb8;
	[tilespmem:$0x1E800] =	vst v63  }
0xad: {  	_ =	swait.ge [sflag:s23], $0x4000  }
0xae: {  	[sflag:s23] =	ssyncset.done $0x0  }
0xaf: {  	[sflag:s23] =	ssyncadd.s32 $0xFFFFC000  }
0xb0: {  	[spmem:s2] =	stream.indirect.scatter.add.f32 [tilespmem:s18], [sflag:$0x3], $0x80, s30, s21, $0xb8;
	[tilespmem:$0x1E800] =	vst v63  }
0xb1: {  	_ =	swait.ge [sflag:s19], $0x4000  }
0xb2: {  	[sflag:s19] =	ssyncset.done $0x0  }
0xb3: {  	[sflag:s19] =	ssyncadd.s32 $0xFFFFC000  }
0xb4: {  	_ =	swait.ge [sflag:s25], $0x4000  }
0xb5: {  	[sflag:s25] =	ssyncset.done $0x0  }
0xb6: {  	[sflag:s25] =	ssyncadd.s32 $0xFFFFC000  }
0xb7: {  	[spmem:s2] =	stream.indirect.scatter.add.f32 [tilespmem:s22], [sflag:$0x3], $0x80, s29, s21, $0xb8;
	[tilespmem:$0x1E800] =	vst v63  }
0xb8: {  	_ =	swait.ge [sflag:s19], $0x4000  }
0xb9: {  	s1 =	sshll.u32 s0, $0x6;
	s28 =	sadd.s32 $0x1, s28;
	[sflag:s19] =	ssyncset.done $0x0  }
0xba: {  	s24 =	sshrl.u32 s5, $0x3;
	p1 =	sne.s32 s28, s17;
	[sflag:s19] =	ssyncadd.s32 $0xFFFFC000  }
.Ltmp1:
0xbb: {  	s1 =	sor.u32 $0x1C03, s1;
	[bflag:$0x0] =	sbarrier.arrive $0xFFFF;
	(pc) =	sbr.rel @!p1 .LBB2_10-.Ltmp1, $4  }
0xbc: {  	[hbm:s16], [sflag:s1] =	dma.local [spmem:s24], $0x2800  }
0xbd: {  	_ =	swait.ge [sflag:s19], $0x2800  }
0xbe: {  	[sflag:s19] =	ssyncset.done $0x0  }
0xbf: {  	[sflag:s19] =	ssyncadd.s32 $0xFFFFD800  }
.LBB2_1:
0xc0: {  	s29 =	simm.s32 $0x0;
	s30 =	simm.s32 $0x200  }
.LBB2_2:
0xc1: {  	p1 =	sne.s32 s30, $0xFE00;
	[tilespmem:s29+$0x2870] =	vst v0  }
0xc2: {  	[tilespmem:s29+$0x2800] =	vst v0  }
0xc3: {  	[tilespmem:s29+$0x2810] =	vst v0  }
.Ltmp2:
0xc4: {  	[tilespmem:s29+$0x2820] =	vst v0;
	(pc) =	sbr.rel @p1 .LBB2_2-.Ltmp2, $4  }
0xc5: {  	[tilespmem:s29+$0x2830] =	vst v0  }
0xc6: {  	[tilespmem:s29+$0x2840] =	vst v0  }
0xc7: {  	[tilespmem:s29+$0x2850] =	vst v0  }
0xc8: {  	[tilespmem:s29+$0x2860] =	vst v0;
	s29 =	sshra.s32 s30, $0x2;
	s30 =	sadd.s32 $0x200, s30  }
0xc9: {  	[tilespmem:s29+$0x2870] =	vst v0  }
0xca: {  	[tilespmem:s29+$0x2800] =	vst v0  }
0xcb: {  	[tilespmem:s29+$0x2810] =	vst v0  }
0xcc: {  	[tilespmem:s29+$0x2820] =	vst v0  }
0xcd: {  	[tilespmem:s29+$0x2830] =	vst v0  }
0xce: {  	[tilespmem:s29+$0x2840] =	vst v0  }
0xcf: {  	[tilespmem:s29+$0x2850] =	vst v0  }
0xd0: {  	[tilespmem:s29+$0x2860] =	vst v0  }
0xd1: {  	[spmem:s5] =	stream.linear.scatter [tilespmem:s18], [sflag:$0x3], $0x4000, $0x38;
	[tilespmem:$0x1E800] =	vst v63  }
0xd2: {  	_ =	swait.ge [sflag:s19], $0x4000  }
0xd3: {  	[sflag:s19] =	ssyncset.done $0x0  }
0xd4: {  	[sflag:s19] =	ssyncadd.s32 $0xFFFFC000  }
0xd5: {  	[spmem:s6] =	stream.linear.scatter [tilespmem:s18], [sflag:$0x3], $0x4000, $0x38;
	[tilespmem:$0x1E800] =	vst v63  }
0xd6: {  	_ =	swait.ge [sflag:s19], $0x4000  }
0xd7: {  	[sflag:s19] =	ssyncset.done $0x0  }
0xd8: {  	[sflag:s19] =	ssyncadd.s32 $0xFFFFC000  }
0xd9: {  	[spmem:s7] =	stream.linear.scatter [tilespmem:s18], [sflag:$0x3], $0x4000, $0x38;
	[tilespmem:$0x1E800] =	vst v63  }
0xda: {  	_ =	swait.ge [sflag:s19], $0x4000  }
0xdb: {  	[sflag:s19] =	ssyncset.done $0x0  }
0xdc: {  	[sflag:s19] =	ssyncadd.s32 $0xFFFFC000  }
0xdd: {  	[spmem:s8] =	stream.linear.scatter [tilespmem:s18], [sflag:$0x3], $0x4000, $0x38;
	[tilespmem:$0x1E800] =	vst v63  }
0xde: {  	_ =	swait.ge [sflag:s19], $0x4000  }
0xdf: {  	[sflag:s19] =	ssyncset.done $0x0  }
0xe0: {  	[sflag:s19] =	ssyncadd.s32 $0xFFFFC000  }
0xe1: {  	[spmem:s9] =	stream.linear.scatter [tilespmem:s18], [sflag:$0x3], $0x4000, $0x38;
	[tilespmem:$0x1E800] =	vst v63  }
.Ltmp3:
0xe2: {  	_ =	swait.ge [sflag:s19], $0x4000;
	(pc) =	sbr.rel @p0 .LBB2_11-.Ltmp3, $3  }
0xe3: {  	[sflag:s19] =	ssyncset.done $0x0  }
0xe4: {  	[sflag:s19] =	ssyncadd.s32 $0xFFFFC000  }
0xe5: {  	[bflag:$0x0] =	sbarrier.arrive $0xFFFF;
	_ =	sdelay $0x1  }
0xe6: {  	s29 =	simm.s32 $0x0  }
0xe7: {  	[tilespmem:s29], [sflag:$0x3] =	stream.linear.gather [hbm4b:s10+s29], $0x1400, $0x38;
	[tilespmem:$0x1E800] =	vst v63  }
0xe8: {  	_ =	swait.ge [sflag:s19], $0x1400  }
0xe9: {  	[sflag:s19] =	ssyncset.done $0x0  }
0xea: {  	[sflag:s19] =	ssyncadd.s32 $0xFFFFEC00  }
0xeb: {  	[tilespmem:s20], [sflag:$0x3] =	stream.linear.gather [hbm4b:s11+s29], $0x1400, $0x38;
	[tilespmem:$0x1E800] =	vst v63  }
0xec: {  	_ =	swait.ge [sflag:s19], $0x1400  }
0xed: {  	[sflag:s19] =	ssyncset.done $0x0  }
0xee: {  	[sflag:s19] =	ssyncadd.s32 $0xFFFFEC00  }
0xef: {  	[tilespmem:s18], [sflag:$0x1] =	stream.indirect.gather [hbm4b:s4+s21], $0x80, s29, s21, $0xb8;
	[tilespmem:$0x1E800] =	vst v63  }
0xf0: {  	s29 =	simm.s32 $0x80  }
0xf1: {  	[tilespmem:s22], [sflag:$0x2] =	stream.indirect.gather [hbm4b:s4+s21], $0x80, s29, s21, $0xb8;
	[tilespmem:$0x1E800] =	vst v63  }
0xf2: {  	_ =	swait.ge [sflag:s23], $0x4000  }
0xf3: {  	[sflag:s23] =	ssyncset.done $0x0  }
0xf4: {  	s29 =	simm.s32 $0x1400;
	[sflag:s23] =	ssyncadd.s32 $0xFFFFC000  }
0xf5: {  	[spmem:s2] =	stream.indirect.scatter.add.f32 [tilespmem:s18], [sflag:$0x3], $0x80, s29, s21, $0xb8;
	[tilespmem:$0x1E800] =	vst v63  }
0xf6: {  	_ =	swait.ge [sflag:s19], $0x4000  }
0xf7: {  	[sflag:s19] =	ssyncset.done $0x0  }
0xf8: {  	s29 =	simm.s32 $0x100;
	[sflag:s19] =	ssyncadd.s32 $0xFFFFC000  }
0xf9: {  	[tilespmem:s18], [sflag:$0x1] =	stream.indirect.gather [hbm4b:s4+s21], $0x80, s29, s21, $0xb8;
	[tilespmem:$0x1E800] =	vst v63  }
0xfa: {  	_ =	swait.ge [sflag:s25], $0x4000  }
0xfb: {  	[sflag:s25] =	ssyncset.done $0x0  }
0xfc: {  	s29 =	simm.s32 $0x1480;
	[sflag:s25] =	ssyncadd.s32 $0xFFFFC000  }
0xfd: {  	[spmem:s2] =	stream.indirect.scatter.add.f32 [tilespmem:s22], [sflag:$0x3], $0x80, s29, s21, $0xb8;
	[tilespmem:$0x1E800] =	vst v63  }
0xfe: {  	_ =	swait.ge [sflag:s19], $0x4000  }
0xff: {  	s30 =	simm.s32 $0x800;
	s29 =	simm.s32 $0x100;
	[sflag:s19] =	ssyncset.done $0x0  }
.LBB2_5:
0x100: {  	s31 =	sadd.s32 $0x80, s29  }
0x101: {  	[sflag:s19] =	ssyncadd.s32 $0xFFFFC000;
	s1 =	smov.u32 s30;
	s24 =	sadd.s32 $0x400, s30  }
0x102: {  	[tilespmem:s22], [sflag:$0x2] =	stream.indirect.gather [hbm4b:s4+s21], $0x80, s31, s21, $0xb8;
	[tilespmem:$0x1E800] =	vst v63  }
0x103: {  	p1 =	sne.s32 s30, $0x4800;
	_ =	swait.ge [sflag:s23], $0x4000  }
0x104: {  	[sflag:s23] =	ssyncset.done $0x0  }
0x105: {  	s30 =	sadd.s32 $0x1400, s29;
	[sflag:s23] =	ssyncadd.s32 $0xFFFFC000  }
0x106: {  	[spmem:s2] =	stream.indirect.scatter.add.f32 [tilespmem:s18], [sflag:$0x3], $0x80, s30, s21, $0xb8;
	[tilespmem:$0x1E800] =	vst v63  }
0x107: {  	_ =	swait.ge [sflag:s19], $0x4000  }
0x108: {  	[sflag:s19] =	ssyncset.done $0x0  }
0x109: {  	s30 =	sadd.s32 $0x100, s29;
	[sflag:s19] =	ssyncadd.s32 $0xFFFFC000  }
0x10a: {  	[tilespmem:s18], [sflag:$0x1] =	stream.indirect.gather [hbm4b:s4+s21], $0x80, s30, s21, $0xb8;
	[tilespmem:$0x1E800] =	vst v63  }
0x10b: {  	_ =	swait.ge [sflag:s25], $0x4000  }
.Ltmp4:
0x10c: {  	[sflag:s25] =	ssyncset.done $0x0;
	(pc) =	sbr.rel @p1 .LBB2_5-.Ltmp4, $4  }
0x10d: {  	s29 =	sadd.s32 $0x1480, s29;
	[sflag:s25] =	ssyncadd.s32 $0xFFFFC000  }
0x10e: {  	[spmem:s2] =	stream.indirect.scatter.add.f32 [tilespmem:s22], [sflag:$0x3], $0x80, s29, s21, $0xb8;
	[tilespmem:$0x1E800] =	vst v63  }
0x10f: {  	_ =	swait.ge [sflag:s19], $0x4000  }
0x110: {  	s30 =	smov.u32 s24;
	s29 =	sshra.s32 s1, $0x2;
	[sflag:s19] =	ssyncset.done $0x0  }
0x111: {  	s1 =	sadd.s32 $0x80, s29;
	[sflag:s19] =	ssyncadd.s32 $0xFFFFC000  }
0x112: {  	[tilespmem:s22], [sflag:$0x2] =	stream.indirect.gather [hbm4b:s4+s21], $0x80, s1, s21, $0xb8;
	[tilespmem:$0x1E800] =	vst v63  }
0x113: {  	_ =	swait.ge [sflag:s23], $0x4000  }
0x114: {  	[sflag:s23] =	ssyncset.done $0x0  }
0x115: {  	s24 =	sadd.s32 $0x1400, s29;
	[sflag:s23] =	ssyncadd.s32 $0xFFFFC000  }
0x116: {  	[spmem:s2] =	stream.indirect.scatter.add.f32 [tilespmem:s18], [sflag:$0x3], $0x80, s24, s21, $0xb8;
	[tilespmem:$0x1E800] =	vst v63  }
0x117: {  	_ =	swait.ge [sflag:s19], $0x4000  }
0x118: {  	[sflag:s19] =	ssyncset.done $0x0  }
0x119: {  	s31 =	sadd.s32 $0x100, s29;
	[sflag:s19] =	ssyncadd.s32 $0xFFFFC000  }
0x11a: {  	[tilespmem:s18], [sflag:$0x1] =	stream.indirect.gather [hbm4b:s4+s21], $0x80, s31, s21, $0xb8;
	[tilespmem:$0x1E800] =	vst v63  }
0x11b: {  	_ =	swait.ge [sflag:s25], $0x4000  }
0x11c: {  	[sflag:s25] =	ssyncset.done $0x0  }
0x11d: {  	s24 =	sadd.s32 $0x1480, s29;
	[sflag:s25] =	ssyncadd.s32 $0xFFFFC000  }
0x11e: {  	[spmem:s2] =	stream.indirect.scatter.add.f32 [tilespmem:s22], [sflag:$0x3], $0x80, s24, s21, $0xb8;
	[tilespmem:$0x1E800] =	vst v63  }
0x11f: {  	_ =	swait.ge [sflag:s19], $0x4000  }
0x120: {  	[sflag:s19] =	ssyncset.done $0x0  }
0x121: {  	s31 =	simm.s32 $0x1380;
	[sflag:s19] =	ssyncadd.s32 $0xFFFFC000  }
0x122: {  	[tilespmem:s22], [sflag:$0x2] =	stream.indirect.gather [hbm4b:s4+s21], $0x80, s31, s21, $0xb8;
	[tilespmem:$0x1E800] =	vst v63  }
0x123: {  	_ =	swait.ge [sflag:s23], $0x4000  }
0x124: {  	[sflag:s23] =	ssyncset.done $0x0  }
0x125: {  	s24 =	simm.s32 $0x2700;
	[sflag:s23] =	ssyncadd.s32 $0xFFFFC000  }
0x126: {  	[spmem:s2] =	stream.indirect.scatter.add.f32 [tilespmem:s18], [sflag:$0x3], $0x80, s24, s21, $0xb8;
	[tilespmem:$0x1E800] =	vst v63  }
0x127: {  	_ =	swait.ge [sflag:s19], $0x4000  }
0x128: {  	[sflag:s19] =	ssyncset.done $0x0  }
0x129: {  	[sflag:s19] =	ssyncadd.s32 $0xFFFFC000  }
0x12a: {  	_ =	swait.ge [sflag:s25], $0x4000  }
0x12b: {  	[sflag:s25] =	ssyncset.done $0x0  }
0x12c: {  	[sflag:s25] =	ssyncadd.s32 $0xFFFFC000  }
0x12d: {  	[spmem:s2] =	stream.indirect.scatter.add.f32 [tilespmem:s22], [sflag:$0x3], $0x80, s26, s21, $0xb8;
	[tilespmem:$0x1E800] =	vst v63  }
0x12e: {  	_ =	swait.ge [sflag:s19], $0x4000  }
0x12f: {  	[sflag:s19] =	ssyncset.done $0x0  }
0x130: {  	s31 =	simm.s32 $0x0;
	[sflag:s19] =	ssyncadd.s32 $0xFFFFC000  }
0x131: {  	[tilespmem:s31], [sflag:$0x3] =	stream.linear.gather [hbm4b:s12+s31], $0x1400, $0x38;
	[tilespmem:$0x1E800] =	vst v63  }
0x132: {  	_ =	swait.ge [sflag:s19], $0x1400  }
0x133: {  	[sflag:s19] =	ssyncset.done $0x0  }
0x134: {  	[sflag:s19] =	ssyncadd.s32 $0xFFFFEC00  }
0x135: {  	[tilespmem:s20], [sflag:$0x3] =	stream.linear.gather [hbm4b:s13+s31], $0x1400, $0x38;
	[tilespmem:$0x1E800] =	vst v63  }
0x136: {  	_ =	swait.ge [sflag:s19], $0x1400  }
0x137: {  	[sflag:s19] =	ssyncset.done $0x0  }
0x138: {  	[sflag:s19] =	ssyncadd.s32 $0xFFFFEC00  }
0x139: {  	[tilespmem:s18], [sflag:$0x1] =	stream.indirect.gather [hbm4b:s4+s21], $0x80, s31, s21, $0xb8;
	[tilespmem:$0x1E800] =	vst v63  }
0x13a: {  	s24 =	simm.s32 $0x80  }
0x13b: {  	[tilespmem:s22], [sflag:$0x2] =	stream.indirect.gather [hbm4b:s4+s21], $0x80, s24, s21, $0xb8;
	[tilespmem:$0x1E800] =	vst v63  }
0x13c: {  	_ =	swait.ge [sflag:s23], $0x4000  }
0x13d: {  	[sflag:s23] =	ssyncset.done $0x0  }
0x13e: {  	s31 =	simm.s32 $0x1400;
	[sflag:s23] =	ssyncadd.s32 $0xFFFFC000  }
0x13f: {  	[spmem:s2] =	stream.indirect.scatter.add.f32 [tilespmem:s18], [sflag:$0x3], $0x80, s31, s21, $0xb8;
	[tilespmem:$0x1E800] =	vst v63  }
0x140: {  	_ =	swait.ge [sflag:s19], $0x4000  }
0x141: {  	[sflag:s19] =	ssyncset.done $0x0  }
0x142: {  	s24 =	simm.s32 $0x100;
	[sflag:s19] =	ssyncadd.s32 $0xFFFFC000  }
0x143: {  	[tilespmem:s18], [sflag:$0x1] =	stream.indirect.gather [hbm4b:s4+s21], $0x80, s24, s21, $0xb8;
	[tilespmem:$0x1E800] =	vst v63  }
0x144: {  	_ =	swait.ge [sflag:s25], $0x4000  }
0x145: {  	[sflag:s25] =	ssyncset.done $0x0  }
0x146: {  	s31 =	simm.s32 $0x1480;
	[sflag:s25] =	ssyncadd.s32 $0xFFFFC000  }
0x147: {  	[spmem:s2] =	stream.indirect.scatter.add.f32 [tilespmem:s22], [sflag:$0x3], $0x80, s31, s21, $0xb8;
	[tilespmem:$0x1E800] =	vst v63  }
0x148: {  	_ =	swait.ge [sflag:s19], $0x4000  }
0x149: {  	s30 =	simm.s32 $0x800;
	s29 =	simm.s32 $0x100;
	[sflag:s19] =	ssyncset.done $0x0  }
.LBB2_7:
0x14a: {  	s1 =	sadd.s32 $0x80, s29  }
0x14b: {  	[sflag:s19] =	ssyncadd.s32 $0xFFFFC000;
	s24 =	smov.u32 s30;
	s31 =	sadd.s32 $0x400, s30  }
0x14c: {  	[tilespmem:s22], [sflag:$0x2] =	stream.indirect.gather [hbm4b:s4+s21], $0x80, s1, s21, $0xb8;
	[tilespmem:$0x1E800] =	vst v63  }
0x14d: {  	p1 =	sne.s32 s30, $0x4800;
	_ =	swait.ge [sflag:s23], $0x4000  }
0x14e: {  	[sflag:s23] =	ssyncset.done $0x0  }
0x14f: {  	s1 =	sadd.s32 $0x1400, s29;
	[sflag:s23] =	ssyncadd.s32 $0xFFFFC000  }
0x150: {  	[spmem:s2] =	stream.indirect.scatter.add.f32 [tilespmem:s18], [sflag:$0x3], $0x80, s1, s21, $0xb8;
	[tilespmem:$0x1E800] =	vst v63  }
0x151: {  	_ =	swait.ge [sflag:s19], $0x4000  }
0x152: {  	[sflag:s19] =	ssyncset.done $0x0  }
0x153: {  	s1 =	sadd.s32 $0x100, s29;
	[sflag:s19] =	ssyncadd.s32 $0xFFFFC000  }
0x154: {  	[tilespmem:s18], [sflag:$0x1] =	stream.indirect.gather [hbm4b:s4+s21], $0x80, s1, s21, $0xb8;
	[tilespmem:$0x1E800] =	vst v63  }
0x155: {  	_ =	swait.ge [sflag:s25], $0x4000  }
.Ltmp5:
0x156: {  	[sflag:s25] =	ssyncset.done $0x0;
	(pc) =	sbr.rel @p1 .LBB2_7-.Ltmp5, $4  }
0x157: {  	s1 =	sadd.s32 $0x1480, s29;
	[sflag:s25] =	ssyncadd.s32 $0xFFFFC000  }
0x158: {  	[spmem:s2] =	stream.indirect.scatter.add.f32 [tilespmem:s22], [sflag:$0x3], $0x80, s1, s21, $0xb8;
	[tilespmem:$0x1E800] =	vst v63  }
0x159: {  	_ =	swait.ge [sflag:s19], $0x4000  }
0x15a: {  	s30 =	smov.u32 s31;
	s29 =	sshra.s32 s24, $0x2;
	[sflag:s19] =	ssyncset.done $0x0  }
0x15b: {  	s1 =	sadd.s32 $0x80, s29;
	[sflag:s19] =	ssyncadd.s32 $0xFFFFC000  }
0x15c: {  	[tilespmem:s22], [sflag:$0x2] =	stream.indirect.gather [hbm4b:s4+s21], $0x80, s1, s21, $0xb8;
	[tilespmem:$0x1E800] =	vst v63  }
0x15d: {  	_ =	swait.ge [sflag:s23], $0x4000  }
0x15e: {  	[sflag:s23] =	ssyncset.done $0x0  }
0x15f: {  	s24 =	sadd.s32 $0x1400, s29;
	[sflag:s23] =	ssyncadd.s32 $0xFFFFC000  }
0x160: {  	[spmem:s2] =	stream.indirect.scatter.add.f32 [tilespmem:s18], [sflag:$0x3], $0x80, s24, s21, $0xb8;
	[tilespmem:$0x1E800] =	vst v63  }
0x161: {  	_ =	swait.ge [sflag:s19], $0x4000  }
0x162: {  	[sflag:s19] =	ssyncset.done $0x0  }
0x163: {  	s24 =	sadd.s32 $0x100, s29;
	[sflag:s19] =	ssyncadd.s32 $0xFFFFC000  }
0x164: {  	[tilespmem:s18], [sflag:$0x1] =	stream.indirect.gather [hbm4b:s4+s21], $0x80, s24, s21, $0xb8;
	[tilespmem:$0x1E800] =	vst v63  }
0x165: {  	_ =	swait.ge [sflag:s25], $0x4000  }
0x166: {  	[sflag:s25] =	ssyncset.done $0x0  }
.Ltmp6:
0x167: {  	s24 =	sadd.s32 $0x1480, s29;
	[sflag:s25] =	ssyncadd.s32 $0xFFFFC000;
	(pc) =	sbr.rel .LBB2_9-.Ltmp6, $4  }
0x168: {  	[spmem:s2] =	stream.indirect.scatter.add.f32 [tilespmem:s22], [sflag:$0x3], $0x80, s24, s21, $0xb8;
	[tilespmem:$0x1E800] =	vst v63  }
0x169: {  	_ =	swait.ge [sflag:s19], $0x4000  }
0x16a: {  	s30 =	simm.s32 $0x2700;
	[sflag:s19] =	ssyncset.done $0x0  }
0x16b: {  	s31 =	simm.s32 $0x1380;
	s29 =	simm.s32 $0x2780;
	[sflag:s19] =	ssyncadd.s32 $0xFFFFC000  }
.LBB2_10:
0x16c: {  	_ =	sfence.sel $0x180000  }
0x16d: {  	[bflag:$0x0] =	sbarrier.arrive $0xFFFF  }
0x16e: {  	_ =	strace $0x9000004D  }
0x16f: {  	[bflag:$0x2] =	sbarrier.arrive $0xFFFF  }
0x170: {  	p0 =	sne.s32 s0, $0x0;
	s0 =	rddreg [dreg:$0x2]  }
0x171: {  	s0 =	sadd.s32 @!p0 $0x100000, s0  }
0x172: {  	[sflag:s0] =	ssyncadd.tile.s32 @!p0 $0x1;
	_ =	shalt  }
.Lfunc_end2:
_tile_overlayer_lowered:
.L_overlay_start_2:
0x173: {  	(tag) =	ssettag $0x2  }
0x174: {  	s0 =	rddreg [dreg:$0x0];
	s2 =	stileid.u32  }
0x175: {  	s1 =	rddreg [dreg:$0x1];
	p0 =	sne.s32 s2, $0x0  }
0x176: {  	s3 =	rddreg [dreg:$0x2];
	[bflag:$0x3] =	sbarrier.arrive $0xFFFF;
	s2 =	simm.s32 @!p0 $0x1C03  }
0x177: {  	[timem:s3], [sflag:s2] =	dma.local @!p0 [hbm:s0], s1  }
0x178: {  	s0 =	simm.s32 @!p0 $0x3  }
0x179: {  	_ =	swait.ge @!p0 [sflag:s0], s1  }
0x17a: {  	s1 =	ssub.s32 @!p0 $0x0, s1;
	[sflag:s0] =	ssyncset.done @!p0 $0x0  }
0x17b: {  	[sflag:s0] =	ssyncadd.s32 @!p0 s1  }
0x17c: {  	[bflag:$0x3] =	sbarrier.arrive $0xFFFF  }
0x17d: {  	_ =	shalt  }

</sc_bundles>
